<compile_context>
chip_gen: v7x
topology: tpu7x:2x2x1
jax: 0.10.2.dev20260603
libtpu: 0.0.44.dev20260713+nightly
codegen_flags: <defaults>
</compile_context>

<pallas_src>
import functools

import jax
import jax.numpy as jnp
from jax import lax
from jax.experimental import pallas as pl
from jax.experimental.pallas import tpu as pltpu
from jax.experimental.pallas import tpu_sc as plsc

_LANES = 16
_HALF = 100


def _make_pool(B, S, D, nc, ns):
  NW = nc * ns
  BPW = B // NW
  assert S == 2 * _HALF and D % _LANES == 0 and B % NW == 0
  nchunks = D // _LANES
  scale = 1.0 / S
  mesh = plsc.VectorSubcoreMesh(core_axis_name="c", subcore_axis_name="s")

  def body(x_hbm, table_hbm, out_hbm, idx_v, rows_v, out_v, sem0, sem1):
    wid = lax.axis_index("s") * nc + lax.axis_index("c")
    base = wid * BPW
    pltpu.sync_copy(x_hbm.at[pl.ds(base * 2, BPW * 2)], idx_v)
    sems = (sem0, sem1)

    def start(i, buf, sem):
      pltpu.async_copy(table_hbm.at[idx_v.at[2 * i]],
                       rows_v.at[buf, pl.ds(0, _HALF)], sem)
      pltpu.async_copy(table_hbm.at[idx_v.at[2 * i + 1]],
                       rows_v.at[buf, pl.ds(_HALF, _HALF)], sem)

    def wait(i, buf, sem):
      pltpu.make_async_copy(table_hbm.at[idx_v.at[2 * i]],
                            rows_v.at[buf, pl.ds(0, _HALF)], sem).wait()
      pltpu.make_async_copy(table_hbm.at[idx_v.at[2 * i + 1]],
                            rows_v.at[buf, pl.ds(_HALF, _HALF)], sem).wait()

    start(0, 0, sem0)

    def outer(i2, carry):
      for b in (0, 1):
        i = i2 * 2 + b
        nxt = i + 1

        @pl.when(nxt < BPW)
        def _():
          start(nxt, 1 - b, sems[1 - b])

        wait(i, b, sems[b])

        def rbody(r4, acc):
          out = list(acc)
          for u in range(4):
            r = r4 * 4 + u
            vals = [rows_v[b, r, pl.ds(c * _LANES, _LANES)]
                    for c in range(nchunks)]
            out = [out[c] + vals[c] for c in range(nchunks)]
          return tuple(out)

        zero = jnp.zeros((_LANES,), jnp.float32)
        acc = lax.fori_loop(0, S // 4, rbody, (zero,) * nchunks)
        for c in range(nchunks):
          out_v[i, pl.ds(c * _LANES, _LANES)] = acc[c] * scale
      return carry

    lax.fori_loop(0, BPW // 2, outer, 0)
    pltpu.sync_copy(out_v, out_hbm.at[pl.ds(base, BPW)])

  return pl.kernel(
      body,
      out_type=jax.ShapeDtypeStruct((B, D), jnp.float32),
      mesh=mesh,
      scratch_types=[
          pltpu.VMEM((2 * BPW, _HALF), jnp.int32),
          pltpu.VMEM((2, S, D), jnp.float32),
          pltpu.VMEM((BPW, D), jnp.float32),
          pltpu.SemaphoreType.DMA,
          pltpu.SemaphoreType.DMA,
      ],
      compiler_params=pltpu.CompilerParams(use_tc_tiling_on_sc=False),
  )


def _make_transpose(V, D, nc, ns):
  NW = nc * ns
  CW = 384
  NP = V // CW
  per_w = NP // NW
  extra = NP % NW
  L = 16
  assert D == 64
  mesh = plsc.VectorSubcoreMesh(core_axis_name="c", subcore_axis_name="s")

  def body(t_hbm, c_hbm, vin, vout, semi0, semi1, semo0, semo1):
    wid = lax.axis_index("s") * nc + lax.axis_index("c")
    start = wid * per_w + jnp.minimum(wid, extra)
    cnt = per_w + jnp.where(wid < extra, 1, 0)
    semi = (semi0, semi1)
    semo = (semo0, semo1)
    lanes = lax.iota(jnp.int32, L)
    vpats = [((lanes + k) & (L - 1)) for k in range(L)]
    bconsts = [lanes * 0, (lanes * 0) + 1]

    def start_in(p, b):
      col = pl.multiple_of(p * CW, 128)
      pltpu.async_copy(t_hbm.at[:, pl.ds(col, CW)], vin.at[b], semi[b])

    def wait_in(p, b):
      col = pl.multiple_of(p * CW, 128)
      pltpu.make_async_copy(t_hbm.at[:, pl.ds(col, CW)], vin.at[b],
                            semi[b]).wait()

    def start_out(p, b):
      r0 = pl.multiple_of(p * (CW // 2), 8)
      pltpu.async_copy(vout.at[b], c_hbm.at[pl.ds(r0, CW // 2)], semo[b])

    def wait_out(b):
      pltpu.make_async_copy(vout.at[b], c_hbm.at[pl.ds(0, CW // 2)],
                            semo[b]).wait()

    def scatter_pair(b):
      bc = bconsts[b]

      def vblock(vb, carry):
        v0 = vb * L
        for d0 in (0, 16, 32, 48):
          dvec = lanes + d0
          for kc in (0, 8):
            vvs, vals = [], []
            for k in range(kc, kc + 8):
              vv = vpats[k] + v0
              vvs.append(vv)
              vals.append(plsc.load_gather(vin, [bc, dvec, vv]))
            for q in range(8):
              tv = vvs[q] >> 1
              cv = ((vvs[q] & 1) << 6) + dvec
              plsc.store_scatter(vout, [bc, tv, cv], vals[q])
        return carry

      lax.fori_loop(0, CW // L, vblock, 0)

    @pl.when(cnt > 0)
    def _():
      start_in(start, 0)

    def outer(i2, carry):
      for b in (0, 1):
        i = i2 * 2 + b

        @pl.when(i < cnt)
        def _():
          @pl.when(i + 1 < cnt)
          def _():
            start_in(start + i + 1, 1 - b)

          wait_in(start + i, b)

          @pl.when(i >= 2)
          def _():
            wait_out(b)

          scatter_pair(b)
          start_out(start + i, b)
      return carry

    lax.fori_loop(0, (per_w + 2) // 2, outer, 0)
    wait_out(0)
    @pl.when(cnt > 1)
    def _():
      wait_out(1)

  return pl.kernel(
      body,
      out_type=jax.ShapeDtypeStruct((V // 2, 2 * D), jnp.float32),
      mesh=mesh,
      scratch_types=[
          pltpu.VMEM((2, D, CW), jnp.float32),
          pltpu.VMEM((2, CW // 2, 128), jnp.float32),
          pltpu.SemaphoreType.DMA,
          pltpu.SemaphoreType.DMA,
          pltpu.SemaphoreType.DMA,
          pltpu.SemaphoreType.DMA,
      ],
      compiler_params=pltpu.CompilerParams(needs_layout_passes=False),
  )


def _mlp_body(p_ref, w1_ref, b1_ref, w2_ref, b2_ref, o_ref):
  h = jnp.dot(p_ref[...], w1_ref[...], preferred_element_type=jnp.float32)
  h = jnp.maximum(h + b1_ref[...], 0.0)
  logits = jnp.dot(h, w2_ref[...], preferred_element_type=jnp.float32)
  logits = logits + b2_ref[...]
  m = jnp.max(logits, axis=1, keepdims=True)
  e = jnp.exp(logits - m)
  o_ref[...] = e / jnp.sum(e, axis=1, keepdims=True)


def kernel(x, table, W1, b1, W2, b2):
  B, S = x.shape
  V, D = table.shape
  H = W1.shape[1]
  C = W2.shape[1]

  info = plsc.get_sparse_core_info()
  nc, ns = info.num_cores, info.num_subcores

  trans = _make_transpose(V, D, nc, ns)
  tab2 = trans(table.T)
  rem = V % 128
  tail = table[V - rem:].reshape(rem // 2, 2 * D)
  tab2 = lax.dynamic_update_slice(tab2, tail, ((V - rem) // 2, 0))
  Z = tab2.reshape(V, D)

  pool = _make_pool(B, S, D, nc, ns)
  pooled = pool(x.reshape(B * 2, S // 2), Z)

  CP = 128
  W2p = jnp.zeros((H, CP), jnp.float32).at[:, :C].set(W2)
  b2p = jnp.full((1, CP), -1e30, jnp.float32).at[0, :C].set(b2)
  BLK = 1024
  out = pl.pallas_call(
      _mlp_body,
      out_shape=jax.ShapeDtypeStruct((B, CP), jnp.float32),
      grid=(B // BLK,),
      in_specs=[
          pl.BlockSpec((BLK, D), lambda i: (i, 0)),
          pl.BlockSpec((D, H), lambda i: (0, 0)),
          pl.BlockSpec((1, H), lambda i: (0, 0)),
          pl.BlockSpec((H, CP), lambda i: (0, 0)),
          pl.BlockSpec((1, CP), lambda i: (0, 0)),
      ],
      out_specs=pl.BlockSpec((BLK, CP), lambda i: (i, 0)),
  )(pooled, W1, b1.reshape(1, H), W2p, b2p)
  return out[:, :C]

# --- scband reference (transcript-rebuilt; emitter-appended) ---
"""Pipeline reference for scband-py-torch-text-classifier-20804821581824 (READ-ONLY COPY).

The authoritative reference and input builder live on the scoring server;
editing this copy changes nothing except your own understanding.
"""

import jax, jax.numpy as jnp
import numpy as np

VOCAB = 1000000
EMBED_DIM = 64
NUM_CLASSES = 20
BATCH = 4096
SEQ = 200


def setup_inputs(seed: int = 0) -> dict:
    key = jax.random.key(seed)
    k_x, k_tab, k_w1, k_b1, k_w2, k_b2 = jax.random.split(key, 6)
    x = jax.random.randint(k_x, (BATCH, SEQ), 0, VOCAB, dtype=jnp.int64 if jax.config.jax_enable_x64 else jnp.int32).astype(jnp.int32)
    table = jax.random.normal(k_tab, (VOCAB, EMBED_DIM), dtype=jnp.float32)
    W1 = jax.random.normal(k_w1, (EMBED_DIM, 128), dtype=jnp.float32) * (1.0 / np.sqrt(EMBED_DIM))
    b1 = jax.random.normal(k_b1, (128,), dtype=jnp.float32) * 0.01
    W2 = jax.random.normal(k_w2, (128, NUM_CLASSES), dtype=jnp.float32) * (1.0 / np.sqrt(128))
    b2 = jax.random.normal(k_b2, (NUM_CLASSES,), dtype=jnp.float32) * 0.01
    return {"x": x, "table": table, "W1": W1, "b1": b1, "W2": W2, "b2": b2}


def reference(x, table, W1, b1, W2, b2):
    # nn.Embedding lookup: gather rows of table
    emb = jnp.take(table, x, axis=0)  # [B, L, D]
    # mean over sequence dim
    h = jnp.mean(emb, axis=1)  # [B, D]
    # fc1 + relu
    h = jax.nn.relu(h @ W1 + b1)
    # dropout is identity in eval mode
    logits = h @ W2 + b2
    return jax.nn.softmax(logits, axis=1)

if __name__ == "__main__":
    import jax
    _d = setup_inputs()
    print(jax.jit(kernel)(*tuple(_d.values())))

</pallas_src>

<mosaic_0001>
#map = affine_map<(d0, d1) -> (0, 0)>
module attributes {stable_mosaic.version = 14 : i64} {
  func.func @body(%arg0: i32, %arg1: i32, %arg2: memref<64x1000000xf32, #tpu.memory_space<hbm>>, %arg3: memref<500000x128xf32, #tpu.memory_space<hbm>>, %arg4: memref<2x64x384xf32, #tpu.memory_space<vmem>>, %arg5: memref<2x192x128xf32, #tpu.memory_space<vmem>>, %arg6: memref<!tpu.dma_semaphore, #tpu.memory_space<semaphore_mem>>, %arg7: memref<!tpu.dma_semaphore, #tpu.memory_space<semaphore_mem>>, %arg8: memref<!tpu.dma_semaphore, #tpu.memory_space<semaphore_mem>>, %arg9: memref<!tpu.dma_semaphore, #tpu.memory_space<semaphore_mem>>) attributes {dimension_semantics = [#tpu.dimension_semantics<core_parallel>, #tpu.dimension_semantics<subcore_parallel>], iteration_bounds = array<i64: 2, 16>, scalar_prefetch = 0 : i64, scratch_operands = 6 : i64, tpu.core_type = #tpu.core_type<sc_vector_subcore>, window_params = [{transform_indices = #map}, {transform_indices = #map}]} {
    %mul3A = arith.constant 2 : i32
    %mul3A_0 = arith.muli %arg1, %mul3A : i32
    %add3A = arith.addi %mul3A_0, %arg0 : i32
    %mul3A_1 = arith.constant 81 : i32
    %mul3A_2 = arith.muli %add3A, %mul3A_1 : i32
    %min3A = arith.constant 12 : i32
    %min3A_3 = arith.minsi %add3A, %min3A : i32
    %add3A_4 = arith.addi %mul3A_2, %min3A_3 : i32
    %lt3A = arith.constant 12 : i32
    %lt3A_5 = arith.cmpi slt, %add3A, %lt3A : i32
    %jit3A = arith.constant 1 : i32
    %jit3A_6 = arith.constant 0 : i32
    %select_n3A = arith.select %lt3A_5, %jit3A, %jit3A_6 : i32
    %add3A_7 = arith.constant 81 : i32
    %add3A_8 = arith.addi %add3A_7, %select_n3A : i32
    %iota3A = tpu.iota {dimensions = array<i32: 0>} : vector<16xi32>
    %add3A_9 = arith.constant 0 : i32
    %add3A_10 = vector.broadcast %add3A_9 : i32 to vector<16xi32>
    %add3A_11 = arith.addi %iota3A, %add3A_10 : vector<16xi32>
    %and3A = arith.constant 15 : i32
    %and3A_12 = vector.broadcast %and3A : i32 to vector<16xi32>
    %and3A_13 = arith.andi %add3A_11, %and3A_12 : vector<16xi32>
    %add3A_14 = arith.constant 1 : i32
    %add3A_15 = vector.broadcast %add3A_14 : i32 to vector<16xi32>
    %add3A_16 = arith.addi %iota3A, %add3A_15 : vector<16xi32>
    %and3A_17 = arith.constant 15 : i32
    %and3A_18 = vector.broadcast %and3A_17 : i32 to vector<16xi32>
    %and3A_19 = arith.andi %add3A_16, %and3A_18 : vector<16xi32>
    %add3A_20 = arith.constant 2 : i32
    %add3A_21 = vector.broadcast %add3A_20 : i32 to vector<16xi32>
    %add3A_22 = arith.addi %iota3A, %add3A_21 : vector<16xi32>
    %and3A_23 = arith.constant 15 : i32
    %and3A_24 = vector.broadcast %and3A_23 : i32 to vector<16xi32>
    %and3A_25 = arith.andi %add3A_22, %and3A_24 : vector<16xi32>
    %add3A_26 = arith.constant 3 : i32
    %add3A_27 = vector.broadcast %add3A_26 : i32 to vector<16xi32>
    %add3A_28 = arith.addi %iota3A, %add3A_27 : vector<16xi32>
    %and3A_29 = arith.constant 15 : i32
    %and3A_30 = vector.broadcast %and3A_29 : i32 to vector<16xi32>
    %and3A_31 = arith.andi %add3A_28, %and3A_30 : vector<16xi32>
    %add3A_32 = arith.constant 4 : i32
    %add3A_33 = vector.broadcast %add3A_32 : i32 to vector<16xi32>
    %add3A_34 = arith.addi %iota3A, %add3A_33 : vector<16xi32>
    %and3A_35 = arith.constant 15 : i32
    %and3A_36 = vector.broadcast %and3A_35 : i32 to vector<16xi32>
    %and3A_37 = arith.andi %add3A_34, %and3A_36 : vector<16xi32>
    %add3A_38 = arith.constant 5 : i32
    %add3A_39 = vector.broadcast %add3A_38 : i32 to vector<16xi32>
    %add3A_40 = arith.addi %iota3A, %add3A_39 : vector<16xi32>
    %and3A_41 = arith.constant 15 : i32
    %and3A_42 = vector.broadcast %and3A_41 : i32 to vector<16xi32>
    %and3A_43 = arith.andi %add3A_40, %and3A_42 : vector<16xi32>
    %add3A_44 = arith.constant 6 : i32
    %add3A_45 = vector.broadcast %add3A_44 : i32 to vector<16xi32>
    %add3A_46 = arith.addi %iota3A, %add3A_45 : vector<16xi32>
    %and3A_47 = arith.constant 15 : i32
    %and3A_48 = vector.broadcast %and3A_47 : i32 to vector<16xi32>
    %and3A_49 = arith.andi %add3A_46, %and3A_48 : vector<16xi32>
    %add3A_50 = arith.constant 7 : i32
    %add3A_51 = vector.broadcast %add3A_50 : i32 to vector<16xi32>
    %add3A_52 = arith.addi %iota3A, %add3A_51 : vector<16xi32>
    %and3A_53 = arith.constant 15 : i32
    %and3A_54 = vector.broadcast %and3A_53 : i32 to vector<16xi32>
    %and3A_55 = arith.andi %add3A_52, %and3A_54 : vector<16xi32>
    %add3A_56 = arith.constant 8 : i32
    %add3A_57 = vector.broadcast %add3A_56 : i32 to vector<16xi32>
    %add3A_58 = arith.addi %iota3A, %add3A_57 : vector<16xi32>
    %and3A_59 = arith.constant 15 : i32
    %and3A_60 = vector.broadcast %and3A_59 : i32 to vector<16xi32>
    %and3A_61 = arith.andi %add3A_58, %and3A_60 : vector<16xi32>
    %add3A_62 = arith.constant 9 : i32
    %add3A_63 = vector.broadcast %add3A_62 : i32 to vector<16xi32>
    %add3A_64 = arith.addi %iota3A, %add3A_63 : vector<16xi32>
    %and3A_65 = arith.constant 15 : i32
    %and3A_66 = vector.broadcast %and3A_65 : i32 to vector<16xi32>
    %and3A_67 = arith.andi %add3A_64, %and3A_66 : vector<16xi32>
    %add3A_68 = arith.constant 10 : i32
    %add3A_69 = vector.broadcast %add3A_68 : i32 to vector<16xi32>
    %add3A_70 = arith.addi %iota3A, %add3A_69 : vector<16xi32>
    %and3A_71 = arith.constant 15 : i32
    %and3A_72 = vector.broadcast %and3A_71 : i32 to vector<16xi32>
    %and3A_73 = arith.andi %add3A_70, %and3A_72 : vector<16xi32>
    %add3A_74 = arith.constant 11 : i32
    %add3A_75 = vector.broadcast %add3A_74 : i32 to vector<16xi32>
    %add3A_76 = arith.addi %iota3A, %add3A_75 : vector<16xi32>
    %and3A_77 = arith.constant 15 : i32
    %and3A_78 = vector.broadcast %and3A_77 : i32 to vector<16xi32>
    %and3A_79 = arith.andi %add3A_76, %and3A_78 : vector<16xi32>
    %add3A_80 = arith.constant 12 : i32
    %add3A_81 = vector.broadcast %add3A_80 : i32 to vector<16xi32>
    %add3A_82 = arith.addi %iota3A, %add3A_81 : vector<16xi32>
    %and3A_83 = arith.constant 15 : i32
    %and3A_84 = vector.broadcast %and3A_83 : i32 to vector<16xi32>
    %and3A_85 = arith.andi %add3A_82, %and3A_84 : vector<16xi32>
    %add3A_86 = arith.constant 13 : i32
    %add3A_87 = vector.broadcast %add3A_86 : i32 to vector<16xi32>
    %add3A_88 = arith.addi %iota3A, %add3A_87 : vector<16xi32>
    %and3A_89 = arith.constant 15 : i32
    %and3A_90 = vector.broadcast %and3A_89 : i32 to vector<16xi32>
    %and3A_91 = arith.andi %add3A_88, %and3A_90 : vector<16xi32>
    %add3A_92 = arith.constant 14 : i32
    %add3A_93 = vector.broadcast %add3A_92 : i32 to vector<16xi32>
    %add3A_94 = arith.addi %iota3A, %add3A_93 : vector<16xi32>
    %and3A_95 = arith.constant 15 : i32
    %and3A_96 = vector.broadcast %and3A_95 : i32 to vector<16xi32>
    %and3A_97 = arith.andi %add3A_94, %and3A_96 : vector<16xi32>
    %add3A_98 = arith.constant 15 : i32
    %add3A_99 = vector.broadcast %add3A_98 : i32 to vector<16xi32>
    %add3A_100 = arith.addi %iota3A, %add3A_99 : vector<16xi32>
    %and3A_101 = arith.constant 15 : i32
    %and3A_102 = vector.broadcast %and3A_101 : i32 to vector<16xi32>
    %and3A_103 = arith.andi %add3A_100, %and3A_102 : vector<16xi32>
    %mul3A_104 = arith.constant 0 : i32
    %mul3A_105 = vector.broadcast %mul3A_104 : i32 to vector<16xi32>
    %mul3A_106 = arith.muli %iota3A, %mul3A_105 : vector<16xi32>
    %mul3A_107 = arith.constant 0 : i32
    %mul3A_108 = vector.broadcast %mul3A_107 : i32 to vector<16xi32>
    %mul3A_109 = arith.muli %iota3A, %mul3A_108 : vector<16xi32>
    %add3A_110 = arith.constant 1 : i32
    %add3A_111 = vector.broadcast %add3A_110 : i32 to vector<16xi32>
    %add3A_112 = arith.addi %mul3A_109, %add3A_111 : vector<16xi32>
    %gt3A = arith.constant 0 : i32
    %gt3A_113 = arith.cmpi sgt, %add3A_8, %gt3A : i32
    %convert_element_type3A = arith.extui %gt3A_113 : i1 to i32
    %cond3A = arith.constant 0 : i32
    %cond3A_114 = arith.cmpi ne, %convert_element_type3A, %cond3A : i32
    scf.if %cond3A_114 {
      %mul3A_139 = arith.constant 384 : i32
      %mul3A_140 = arith.muli %add3A_4, %mul3A_139 : i32
      %multiple_of3A = tpu.assume_multiple %mul3A_140, 128 : i32
      %dma_start3A = arith.constant 0 : i32
      %dma_start3A_141 = arith.constant 0 : i32
      %dma_start3A_142 = arith.constant 0 : i32
      %dma_start3A_143 = tpu.memref_slice %arg4[%dma_start3A, %dma_start3A_141, %dma_start3A_142] : memref<2x64x384xf32, #tpu.memory_space<vmem>> -> memref<1x64x384xf32, #tpu.memory_space<vmem>>
      %dma_start3A_144 = tpu.memref_squeeze %dma_start3A_143 : memref<1x64x384xf32, #tpu.memory_space<vmem>> -> memref<64x384xf32, #tpu.memory_space<vmem>>
      %dma_start3A_145 = arith.constant 0 : i32
      %dma_start3A_146 = tpu.memref_slice %arg2[%dma_start3A_145, %multiple_of3A] : memref<64x1000000xf32, #tpu.memory_space<hbm>> -> memref<64x384xf32, #tpu.memory_space<hbm>>
      %dma_start3A_147 = arith.constant 0 : i32
      %dma_start3A_148 = arith.constant 0 : i32
      %dma_start3A_149 = tpu.memref_slice %arg4[%dma_start3A, %dma_start3A_147, %dma_start3A_148] : memref<2x64x384xf32, #tpu.memory_space<vmem>> -> memref<1x64x384xf32, #tpu.memory_space<vmem>>
      %dma_start3A_150 = tpu.memref_squeeze %dma_start3A_149 : memref<1x64x384xf32, #tpu.memory_space<vmem>> -> memref<64x384xf32, #tpu.memory_space<vmem>>
      %dma_start3A_151 = arith.constant 0 : i32
      %dma_start3A_152 = tpu.memref_slice %arg2[%dma_start3A_151, %multiple_of3A] : memref<64x1000000xf32, #tpu.memory_space<hbm>> -> memref<64x384xf32, #tpu.memory_space<hbm>>
      tpu.enqueue_dma source(%dma_start3A_152 : memref<64x384xf32, #tpu.memory_space<hbm>>) target(%dma_start3A_150 : memref<64x384xf32, #tpu.memory_space<vmem>>) target_semaphore(%arg6 : memref<!tpu.dma_semaphore, #tpu.memory_space<semaphore_mem>>)
    } else {
    }
    %scan3A = arith.constant 0 : i32
    %scan3A_115 = arith.constant 0 : i32
    %scan3A_116 = arith.constant 41 : i32
    %scan3A_117 = arith.addi %scan3A_115, %scan3A_116 : i32
    %scan3A_118 = arith.constant 1 : i32
    scf.for %scan3A_139 = %scan3A_115 to %scan3A_117 step %scan3A_118  : i32 {
      %mul3A_140 = arith.constant 2 : i32
      %mul3A_141 = arith.muli %scan3A_139, %mul3A_140 : i32
      %add3A_142 = arith.constant 0 : i32
      %add3A_143 = arith.addi %mul3A_141, %add3A_142 : i32
      %lt3A_144 = arith.cmpi slt, %add3A_143, %add3A_8 : i32
      %convert_element_type3A_145 = arith.extui %lt3A_144 : i1 to i32
      %cond3A_146 = arith.constant 0 : i32
      %cond3A_147 = arith.cmpi ne, %convert_element_type3A_145, %cond3A_146 : i32
      scf.if %cond3A_147 {
        %add3A_156 = arith.constant 1 : i32
        %add3A_157 = arith.addi %add3A_143, %add3A_156 : i32
        %lt3A_158 = arith.cmpi slt, %add3A_157, %add3A_8 : i32
        %convert_element_type3A_159 = arith.extui %lt3A_158 : i1 to i32
        %cond3A_160 = arith.constant 0 : i32
        %cond3A_161 = arith.cmpi ne, %convert_element_type3A_159, %cond3A_160 : i32
        scf.if %cond3A_161 {
          %add3A_204 = arith.addi %add3A_4, %add3A_143 : i32
          %add3A_205 = arith.constant 1 : i32
          %add3A_206 = arith.addi %add3A_204, %add3A_205 : i32
          %mul3A_207 = arith.constant 384 : i32
          %mul3A_208 = arith.muli %add3A_206, %mul3A_207 : i32
          %multiple_of3A_209 = tpu.assume_multiple %mul3A_208, 128 : i32
          %dma_start3A_210 = arith.constant 1 : i32
          %dma_start3A_211 = arith.constant 0 : i32
          %dma_start3A_212 = arith.constant 0 : i32
          %dma_start3A_213 = tpu.memref_slice %arg4[%dma_start3A_210, %dma_start3A_211, %dma_start3A_212] : memref<2x64x384xf32, #tpu.memory_space<vmem>> -> memref<1x64x384xf32, #tpu.memory_space<vmem>>
          %dma_start3A_214 = tpu.memref_squeeze %dma_start3A_213 : memref<1x64x384xf32, #tpu.memory_space<vmem>> -> memref<64x384xf32, #tpu.memory_space<vmem>>
          %dma_start3A_215 = arith.constant 0 : i32
          %dma_start3A_216 = tpu.memref_slice %arg2[%dma_start3A_215, %multiple_of3A_209] : memref<64x1000000xf32, #tpu.memory_space<hbm>> -> memref<64x384xf32, #tpu.memory_space<hbm>>
          %dma_start3A_217 = arith.constant 0 : i32
          %dma_start3A_218 = arith.constant 0 : i32
          %dma_start3A_219 = tpu.memref_slice %arg4[%dma_start3A_210, %dma_start3A_217, %dma_start3A_218] : memref<2x64x384xf32, #tpu.memory_space<vmem>> -> memref<1x64x384xf32, #tpu.memory_space<vmem>>
          %dma_start3A_220 = tpu.memref_squeeze %dma_start3A_219 : memref<1x64x384xf32, #tpu.memory_space<vmem>> -> memref<64x384xf32, #tpu.memory_space<vmem>>
          %dma_start3A_221 = arith.constant 0 : i32
          %dma_start3A_222 = tpu.memref_slice %arg2[%dma_start3A_221, %multiple_of3A_209] : memref<64x1000000xf32, #tpu.memory_space<hbm>> -> memref<64x384xf32, #tpu.memory_space<hbm>>
          tpu.enqueue_dma source(%dma_start3A_222 : memref<64x384xf32, #tpu.memory_space<hbm>>) target(%dma_start3A_220 : memref<64x384xf32, #tpu.memory_space<vmem>>) target_semaphore(%arg7 : memref<!tpu.dma_semaphore, #tpu.memory_space<semaphore_mem>>)
        } else {
        }
        %add3A_162 = arith.addi %add3A_4, %add3A_143 : i32
        %mul3A_163 = arith.constant 384 : i32
        %mul3A_164 = arith.muli %add3A_162, %mul3A_163 : i32
        %multiple_of3A = tpu.assume_multiple %mul3A_164, 128 : i32
        %dma_wait3A_165 = arith.constant 0 : i32
        %dma_wait3A_166 = arith.constant 0 : i32
        %dma_wait3A_167 = arith.constant 0 : i32
        %dma_wait3A_168 = tpu.memref_slice %arg4[%dma_wait3A_165, %dma_wait3A_166, %dma_wait3A_167] : memref<2x64x384xf32, #tpu.memory_space<vmem>> -> memref<1x64x384xf32, #tpu.memory_space<vmem>>
        %dma_wait3A_169 = tpu.memref_squeeze %dma_wait3A_168 : memref<1x64x384xf32, #tpu.memory_space<vmem>> -> memref<64x384xf32, #tpu.memory_space<vmem>>
        %dma_wait3A_170 = arith.constant 0 : i32
        %dma_wait3A_171 = tpu.memref_slice %arg2[%dma_wait3A_170, %multiple_of3A] : memref<64x1000000xf32, #tpu.memory_space<hbm>> -> memref<64x384xf32, #tpu.memory_space<hbm>>
        %dma_wait3A_172 = arith.constant 0 : i32
        %dma_wait3A_173 = arith.constant 0 : i32
        %dma_wait3A_174 = tpu.memref_slice %arg4[%dma_wait3A_165, %dma_wait3A_172, %dma_wait3A_173] : memref<2x64x384xf32, #tpu.memory_space<vmem>> -> memref<1x64x384xf32, #tpu.memory_space<vmem>>
        %dma_wait3A_175 = tpu.memref_squeeze %dma_wait3A_174 : memref<1x64x384xf32, #tpu.memory_space<vmem>> -> memref<64x384xf32, #tpu.memory_space<vmem>>
        %dma_wait3A_176 = arith.constant 0 : i32
        %dma_wait3A_177 = tpu.memref_slice %arg2[%dma_wait3A_176, %multiple_of3A] : memref<64x1000000xf32, #tpu.memory_space<hbm>> -> memref<64x384xf32, #tpu.memory_space<hbm>>
        tpu.wait_dma2 semaphore(%arg6 : memref<!tpu.dma_semaphore, #tpu.memory_space<semaphore_mem>>) src(%dma_wait3A_177 : memref<64x384xf32, #tpu.memory_space<hbm>>) dst(%dma_wait3A_175 : memref<64x384xf32, #tpu.memory_space<vmem>>)
        %ge3A = arith.constant 2 : i32
        %ge3A_178 = arith.cmpi sge, %add3A_143, %ge3A : i32
        %convert_element_type3A_179 = arith.extui %ge3A_178 : i1 to i32
        %cond3A_180 = arith.constant 0 : i32
        %cond3A_181 = arith.cmpi ne, %convert_element_type3A_179, %cond3A_180 : i32
        scf.if %cond3A_181 {
          %dma_wait3A_204 = arith.constant 0 : i32
          %dma_wait3A_205 = arith.constant 0 : i32
          %dma_wait3A_206 = arith.constant 0 : i32
          %dma_wait3A_207 = tpu.memref_slice %arg5[%dma_wait3A_204, %dma_wait3A_205, %dma_wait3A_206] : memref<2x192x128xf32, #tpu.memory_space<vmem>> -> memref<1x192x128xf32, #tpu.memory_space<vmem>>
          %dma_wait3A_208 = tpu.memref_squeeze %dma_wait3A_207 : memref<1x192x128xf32, #tpu.memory_space<vmem>> -> memref<192x128xf32, #tpu.memory_space<vmem>>
          %dma_wait3A_209 = arith.constant 0 : i32
          %dma_wait3A_210 = arith.constant 0 : i32
          %dma_wait3A_211 = tpu.memref_slice %arg3[%dma_wait3A_209, %dma_wait3A_210] : memref<500000x128xf32, #tpu.memory_space<hbm>> -> memref<192x128xf32, #tpu.memory_space<hbm>>
          %dma_wait3A_212 = arith.constant 0 : i32
          %dma_wait3A_213 = arith.constant 0 : i32
          %dma_wait3A_214 = tpu.memref_slice %arg3[%dma_wait3A_212, %dma_wait3A_213] : memref<500000x128xf32, #tpu.memory_space<hbm>> -> memref<192x128xf32, #tpu.memory_space<hbm>>
          %dma_wait3A_215 = arith.constant 0 : i32
          %dma_wait3A_216 = arith.constant 0 : i32
          %dma_wait3A_217 = tpu.memref_slice %arg5[%dma_wait3A_204, %dma_wait3A_215, %dma_wait3A_216] : memref<2x192x128xf32, #tpu.memory_space<vmem>> -> memref<1x192x128xf32, #tpu.memory_space<vmem>>
          %dma_wait3A_218 = tpu.memref_squeeze %dma_wait3A_217 : memref<1x192x128xf32, #tpu.memory_space<vmem>> -> memref<192x128xf32, #tpu.memory_space<vmem>>
          tpu.wait_dma2 semaphore(%arg8 : memref<!tpu.dma_semaphore, #tpu.memory_space<semaphore_mem>>) src(%dma_wait3A_218 : memref<192x128xf32, #tpu.memory_space<vmem>>) dst(%dma_wait3A_214 : memref<192x128xf32, #tpu.memory_space<hbm>>)
        } else {
        }
        %scan3A_182 = arith.constant 0 : i32
        %scan3A_183 = arith.constant 0 : i32
        %scan3A_184 = arith.constant 24 : i32
        %scan3A_185 = arith.addi %scan3A_183, %scan3A_184 : i32
        %scan3A_186 = arith.constant 1 : i32
        scf.for %scan3A_204 = %scan3A_183 to %scan3A_185 step %scan3A_186  : i32 {
          %mul3A_205 = arith.constant 16 : i32
          %mul3A_206 = arith.muli %scan3A_204, %mul3A_205 : i32
          %add3A_207 = arith.constant 0 : i32
          %add3A_208 = vector.broadcast %add3A_207 : i32 to vector<16xi32>
          %add3A_209 = arith.addi %iota3A, %add3A_208 : vector<16xi32>
          %add3A_210 = vector.broadcast %mul3A_206 : i32 to vector<16xi32>
          %add3A_211 = arith.addi %and3A_13, %add3A_210 : vector<16xi32>
          %gather3A = tpu.vector_load_idx %arg4[%mul3A_106, %add3A_209, %add3A_211] : memref<2x64x384xf32, #tpu.memory_space<vmem>>[vector<16xi32>, vector<16xi32>, vector<16xi32>], vector<16xf32>,
          %add3A_212 = vector.broadcast %mul3A_206 : i32 to vector<16xi32>
          %add3A_213 = arith.addi %and3A_19, %add3A_212 : vector<16xi32>
          %gather3A_214 = tpu.vector_load_idx %arg4[%mul3A_106, %add3A_209, %add3A_213] : memref<2x64x384xf32, #tpu.memory_space<vmem>>[vector<16xi32>, vector<16xi32>, vector<16xi32>], vector<16xf32>,
          %add3A_215 = vector.broadcast %mul3A_206 : i32 to vector<16xi32>
          %add3A_216 = arith.addi %and3A_25, %add3A_215 : vector<16xi32>
          %gather3A_217 = tpu.vector_load_idx %arg4[%mul3A_106, %add3A_209, %add3A_216] : memref<2x64x384xf32, #tpu.memory_space<vmem>>[vector<16xi32>, vector<16xi32>, vector<16xi32>], vector<16xf32>,
          %add3A_218 = vector.broadcast %mul3A_206 : i32 to vector<16xi32>
          %add3A_219 = arith.addi %and3A_31, %add3A_218 : vector<16xi32>
          %gather3A_220 = tpu.vector_load_idx %arg4[%mul3A_106, %add3A_209, %add3A_219] : memref<2x64x384xf32, #tpu.memory_space<vmem>>[vector<16xi32>, vector<16xi32>, vector<16xi32>], vector<16xf32>,
          %add3A_221 = vector.broadcast %mul3A_206 : i32 to vector<16xi32>
          %add3A_222 = arith.addi %and3A_37, %add3A_221 : vector<16xi32>
          %gather3A_223 = tpu.vector_load_idx %arg4[%mul3A_106, %add3A_209, %add3A_222] : memref<2x64x384xf32, #tpu.memory_space<vmem>>[vector<16xi32>, vector<16xi32>, vector<16xi32>], vector<16xf32>,
          %add3A_224 = vector.broadcast %mul3A_206 : i32 to vector<16xi32>
          %add3A_225 = arith.addi %and3A_43, %add3A_224 : vector<16xi32>
          %gather3A_226 = tpu.vector_load_idx %arg4[%mul3A_106, %add3A_209, %add3A_225] : memref<2x64x384xf32, #tpu.memory_space<vmem>>[vector<16xi32>, vector<16xi32>, vector<16xi32>], vector<16xf32>,
          %add3A_227 = vector.broadcast %mul3A_206 : i32 to vector<16xi32>
          %add3A_228 = arith.addi %and3A_49, %add3A_227 : vector<16xi32>
          %gather3A_229 = tpu.vector_load_idx %arg4[%mul3A_106, %add3A_209, %add3A_228] : memref<2x64x384xf32, #tpu.memory_space<vmem>>[vector<16xi32>, vector<16xi32>, vector<16xi32>], vector<16xf32>,
          %add3A_230 = vector.broadcast %mul3A_206 : i32 to vector<16xi32>
          %add3A_231 = arith.addi %and3A_55, %add3A_230 : vector<16xi32>
          %gather3A_232 = tpu.vector_load_idx %arg4[%mul3A_106, %add3A_209, %add3A_231] : memref<2x64x384xf32, #tpu.memory_space<vmem>>[vector<16xi32>, vector<16xi32>, vector<16xi32>], vector<16xf32>,
          %shift_right_arithmetic3A = arith.constant 1 : i32
          %shift_right_arithmetic3A_233 = vector.broadcast %shift_right_arithmetic3A : i32 to vector<16xi32>
          %shift_right_arithmetic3A_234 = arith.shrsi %add3A_211, %shift_right_arithmetic3A_233 : vector<16xi32>
          %and3A_235 = arith.constant 1 : i32
          %and3A_236 = vector.broadcast %and3A_235 : i32 to vector<16xi32>
          %and3A_237 = arith.andi %add3A_211, %and3A_236 : vector<16xi32>
          %shift_left3A = arith.constant 6 : i32
          %shift_left3A_238 = vector.broadcast %shift_left3A : i32 to vector<16xi32>
          %shift_left3A_239 = arith.shli %and3A_237, %shift_left3A_238 : vector<16xi32>
          %add3A_240 = arith.addi %shift_left3A_239, %add3A_209 : vector<16xi32>
          tpu.vector_store_idx %arg5[%mul3A_106, %shift_right_arithmetic3A_234, %add3A_240], %gather3A : memref<2x192x128xf32, #tpu.memory_space<vmem>>[vector<16xi32>, vector<16xi32>, vector<16xi32>], vector<16xf32>,
          %shift_right_arithmetic3A_241 = arith.constant 1 : i32
          %shift_right_arithmetic3A_242 = vector.broadcast %shift_right_arithmetic3A_241 : i32 to vector<16xi32>
          %shift_right_arithmetic3A_243 = arith.shrsi %add3A_213, %shift_right_arithmetic3A_242 : vector<16xi32>
          %and3A_244 = arith.constant 1 : i32
          %and3A_245 = vector.broadcast %and3A_244 : i32 to vector<16xi32>
          %and3A_246 = arith.andi %add3A_213, %and3A_245 : vector<16xi32>
          %shift_left3A_247 = arith.constant 6 : i32
          %shift_left3A_248 = vector.broadcast %shift_left3A_247 : i32 to vector<16xi32>
          %shift_left3A_249 = arith.shli %and3A_246, %shift_left3A_248 : vector<16xi32>
          %add3A_250 = arith.addi %shift_left3A_249, %add3A_209 : vector<16xi32>
          tpu.vector_store_idx %arg5[%mul3A_106, %shift_right_arithmetic3A_243, %add3A_250], %gather3A_214 : memref<2x192x128xf32, #tpu.memory_space<vmem>>[vector<16xi32>, vector<16xi32>, vector<16xi32>], vector<16xf32>,
          %shift_right_arithmetic3A_251 = arith.constant 1 : i32
          %shift_right_arithmetic3A_252 = vector.broadcast %shift_right_arithmetic3A_251 : i32 to vector<16xi32>
          %shift_right_arithmetic3A_253 = arith.shrsi %add3A_216, %shift_right_arithmetic3A_252 : vector<16xi32>
          %and3A_254 = arith.constant 1 : i32
          %and3A_255 = vector.broadcast %and3A_254 : i32 to vector<16xi32>
          %and3A_256 = arith.andi %add3A_216, %and3A_255 : vector<16xi32>
          %shift_left3A_257 = arith.constant 6 : i32
          %shift_left3A_258 = vector.broadcast %shift_left3A_257 : i32 to vector<16xi32>
          %shift_left3A_259 = arith.shli %and3A_256, %shift_left3A_258 : vector<16xi32>
          %add3A_260 = arith.addi %shift_left3A_259, %add3A_209 : vector<16xi32>
          tpu.vector_store_idx %arg5[%mul3A_106, %shift_right_arithmetic3A_253, %add3A_260], %gather3A_217 : memref<2x192x128xf32, #tpu.memory_space<vmem>>[vector<16xi32>, vector<16xi32>, vector<16xi32>], vector<16xf32>,
          %shift_right_arithmetic3A_261 = arith.constant 1 : i32
          %shift_right_arithmetic3A_262 = vector.broadcast %shift_right_arithmetic3A_261 : i32 to vector<16xi32>
          %shift_right_arithmetic3A_263 = arith.shrsi %add3A_219, %shift_right_arithmetic3A_262 : vector<16xi32>
          %and3A_264 = arith.constant 1 : i32
          %and3A_265 = vector.broadcast %and3A_264 : i32 to vector<16xi32>
          %and3A_266 = arith.andi %add3A_219, %and3A_265 : vector<16xi32>
          %shift_left3A_267 = arith.constant 6 : i32
          %shift_left3A_268 = vector.broadcast %shift_left3A_267 : i32 to vector<16xi32>
          %shift_left3A_269 = arith.shli %and3A_266, %shift_left3A_268 : vector<16xi32>
          %add3A_270 = arith.addi %shift_left3A_269, %add3A_209 : vector<16xi32>
          tpu.vector_store_idx %arg5[%mul3A_106, %shift_right_arithmetic3A_263, %add3A_270], %gather3A_220 : memref<2x192x128xf32, #tpu.memory_space<vmem>>[vector<16xi32>, vector<16xi32>, vector<16xi32>], vector<16xf32>,
          %shift_right_arithmetic3A_271 = arith.constant 1 : i32
          %shift_right_arithmetic3A_272 = vector.broadcast %shift_right_arithmetic3A_271 : i32 to vector<16xi32>
          %shift_right_arithmetic3A_273 = arith.shrsi %add3A_222, %shift_right_arithmetic3A_272 : vector<16xi32>
          %and3A_274 = arith.constant 1 : i32
          %and3A_275 = vector.broadcast %and3A_274 : i32 to vector<16xi32>
          %and3A_276 = arith.andi %add3A_222, %and3A_275 : vector<16xi32>
          %shift_left3A_277 = arith.constant 6 : i32
          %shift_left3A_278 = vector.broadcast %shift_left3A_277 : i32 to vector<16xi32>
          %shift_left3A_279 = arith.shli %and3A_276, %shift_left3A_278 : vector<16xi32>
          %add3A_280 = arith.addi %shift_left3A_279, %add3A_209 : vector<16xi32>
          tpu.vector_store_idx %arg5[%mul3A_106, %shift_right_arithmetic3A_273, %add3A_280], %gather3A_223 : memref<2x192x128xf32, #tpu.memory_space<vmem>>[vector<16xi32>, vector<16xi32>, vector<16xi32>], vector<16xf32>,
          %shift_right_arithmetic3A_281 = arith.constant 1 : i32
          %shift_right_arithmetic3A_282 = vector.broadcast %shift_right_arithmetic3A_281 : i32 to vector<16xi32>
          %shift_right_arithmetic3A_283 = arith.shrsi %add3A_225, %shift_right_arithmetic3A_282 : vector<16xi32>
          %and3A_284 = arith.constant 1 : i32
          %and3A_285 = vector.broadcast %and3A_284 : i32 to vector<16xi32>
          %and3A_286 = arith.andi %add3A_225, %and3A_285 : vector<16xi32>
          %shift_left3A_287 = arith.constant 6 : i32
          %shift_left3A_288 = vector.broadcast %shift_left3A_287 : i32 to vector<16xi32>
          %shift_left3A_289 = arith.shli %and3A_286, %shift_left3A_288 : vector<16xi32>
          %add3A_290 = arith.addi %shift_left3A_289, %add3A_209 : vector<16xi32>
          tpu.vector_store_idx %arg5[%mul3A_106, %shift_right_arithmetic3A_283, %add3A_290], %gather3A_226 : memref<2x192x128xf32, #tpu.memory_space<vmem>>[vector<16xi32>, vector<16xi32>, vector<16xi32>], vector<16xf32>,
          %shift_right_arithmetic3A_291 = arith.constant 1 : i32
          %shift_right_arithmetic3A_292 = vector.broadcast %shift_right_arithmetic3A_291 : i32 to vector<16xi32>
          %shift_right_arithmetic3A_293 = arith.shrsi %add3A_228, %shift_right_arithmetic3A_292 : vector<16xi32>
          %and3A_294 = arith.constant 1 : i32
          %and3A_295 = vector.broadcast %and3A_294 : i32 to vector<16xi32>
          %and3A_296 = arith.andi %add3A_228, %and3A_295 : vector<16xi32>
          %shift_left3A_297 = arith.constant 6 : i32
          %shift_left3A_298 = vector.broadcast %shift_left3A_297 : i32 to vector<16xi32>
          %shift_left3A_299 = arith.shli %and3A_296, %shift_left3A_298 : vector<16xi32>
          %add3A_300 = arith.addi %shift_left3A_299, %add3A_209 : vector<16xi32>
          tpu.vector_store_idx %arg5[%mul3A_106, %shift_right_arithmetic3A_293, %add3A_300], %gather3A_229 : memref<2x192x128xf32, #tpu.memory_space<vmem>>[vector<16xi32>, vector<16xi32>, vector<16xi32>], vector<16xf32>,
          %shift_right_arithmetic3A_301 = arith.constant 1 : i32
          %shift_right_arithmetic3A_302 = vector.broadcast %shift_right_arithmetic3A_301 : i32 to vector<16xi32>
          %shift_right_arithmetic3A_303 = arith.shrsi %add3A_231, %shift_right_arithmetic3A_302 : vector<16xi32>
          %and3A_304 = arith.constant 1 : i32
          %and3A_305 = vector.broadcast %and3A_304 : i32 to vector<16xi32>
          %and3A_306 = arith.andi %add3A_231, %and3A_305 : vector<16xi32>
          %shift_left3A_307 = arith.constant 6 : i32
          %shift_left3A_308 = vector.broadcast %shift_left3A_307 : i32 to vector<16xi32>
          %shift_left3A_309 = arith.shli %and3A_306, %shift_left3A_308 : vector<16xi32>
          %add3A_310 = arith.addi %shift_left3A_309, %add3A_209 : vector<16xi32>
          tpu.vector_store_idx %arg5[%mul3A_106, %shift_right_arithmetic3A_303, %add3A_310], %gather3A_232 : memref<2x192x128xf32, #tpu.memory_space<vmem>>[vector<16xi32>, vector<16xi32>, vector<16xi32>], vector<16xf32>,
          %add3A_311 = vector.broadcast %mul3A_206 : i32 to vector<16xi32>
          %add3A_312 = arith.addi %and3A_61, %add3A_311 : vector<16xi32>
          %gather3A_313 = tpu.vector_load_idx %arg4[%mul3A_106, %add3A_209, %add3A_312] : memref<2x64x384xf32, #tpu.memory_space<vmem>>[vector<16xi32>, vector<16xi32>, vector<16xi32>], vector<16xf32>,
          %add3A_314 = vector.broadcast %mul3A_206 : i32 to vector<16xi32>
          %add3A_315 = arith.addi %and3A_67, %add3A_314 : vector<16xi32>
          %gather3A_316 = tpu.vector_load_idx %arg4[%mul3A_106, %add3A_209, %add3A_315] : memref<2x64x384xf32, #tpu.memory_space<vmem>>[vector<16xi32>, vector<16xi32>, vector<16xi32>], vector<16xf32>,
          %add3A_317 = vector.broadcast %mul3A_206 : i32 to vector<16xi32>
          %add3A_318 = arith.addi %and3A_73, %add3A_317 : vector<16xi32>
          %gather3A_319 = tpu.vector_load_idx %arg4[%mul3A_106, %add3A_209, %add3A_318] : memref<2x64x384xf32, #tpu.memory_space<vmem>>[vector<16xi32>, vector<16xi32>, vector<16xi32>], vector<16xf32>,
          %add3A_320 = vector.broadcast %mul3A_206 : i32 to vector<16xi32>
          %add3A_321 = arith.addi %and3A_79, %add3A_320 : vector<16xi32>
          %gather3A_322 = tpu.vector_load_idx %arg4[%mul3A_106, %add3A_209, %add3A_321] : memref<2x64x384xf32, #tpu.memory_space<vmem>>[vector<16xi32>, vector<16xi32>, vector<16xi32>], vector<16xf32>,
          %add3A_323 = vector.broadcast %mul3A_206 : i32 to vector<16xi32>
          %add3A_324 = arith.addi %and3A_85, %add3A_323 : vector<16xi32>
          %gather3A_325 = tpu.vector_load_idx %arg4[%mul3A_106, %add3A_209, %add3A_324] : memref<2x64x384xf32, #tpu.memory_space<vmem>>[vector<16xi32>, vector<16xi32>, vector<16xi32>], vector<16xf32>,
          %add3A_326 = vector.broadcast %mul3A_206 : i32 to vector<16xi32>
          %add3A_327 = arith.addi %and3A_91, %add3A_326 : vector<16xi32>
          %gather3A_328 = tpu.vector_load_idx %arg4[%mul3A_106, %add3A_209, %add3A_327] : memref<2x64x384xf32, #tpu.memory_space<vmem>>[vector<16xi32>, vector<16xi32>, vector<16xi32>], vector<16xf32>,
          %add3A_329 = vector.broadcast %mul3A_206 : i32 to vector<16xi32>
          %add3A_330 = arith.addi %and3A_97, %add3A_329 : vector<16xi32>
          %gather3A_331 = tpu.vector_load_idx %arg4[%mul3A_106, %add3A_209, %add3A_330] : memref<2x64x384xf32, #tpu.memory_space<vmem>>[vector<16xi32>, vector<16xi32>, vector<16xi32>], vector<16xf32>,
          %add3A_332 = vector.broadcast %mul3A_206 : i32 to vector<16xi32>
          %add3A_333 = arith.addi %and3A_103, %add3A_332 : vector<16xi32>
          %gather3A_334 = tpu.vector_load_idx %arg4[%mul3A_106, %add3A_209, %add3A_333] : memref<2x64x384xf32, #tpu.memory_space<vmem>>[vector<16xi32>, vector<16xi32>, vector<16xi32>], vector<16xf32>,
          %shift_right_arithmetic3A_335 = arith.constant 1 : i32
          %shift_right_arithmetic3A_336 = vector.broadcast %shift_right_arithmetic3A_335 : i32 to vector<16xi32>
          %shift_right_arithmetic3A_337 = arith.shrsi %add3A_312, %shift_right_arithmetic3A_336 : vector<16xi32>
          %and3A_338 = arith.constant 1 : i32
          %and3A_339 = vector.broadcast %and3A_338 : i32 to vector<16xi32>
          %and3A_340 = arith.andi %add3A_312, %and3A_339 : vector<16xi32>
          %shift_left3A_341 = arith.constant 6 : i32
          %shift_left3A_342 = vector.broadcast %shift_left3A_341 : i32 to vector<16xi32>
          %shift_left3A_343 = arith.shli %and3A_340, %shift_left3A_342 : vector<16xi32>
          %add3A_344 = arith.addi %shift_left3A_343, %add3A_209 : vector<16xi32>
          tpu.vector_store_idx %arg5[%mul3A_106, %shift_right_arithmetic3A_337, %add3A_344], %gather3A_313 : memref<2x192x128xf32, #tpu.memory_space<vmem>>[vector<16xi32>, vector<16xi32>, vector<16xi32>], vector<16xf32>,
          %shift_right_arithmetic3A_345 = arith.constant 1 : i32
          %shift_right_arithmetic3A_346 = vector.broadcast %shift_right_arithmetic3A_345 : i32 to vector<16xi32>
          %shift_right_arithmetic3A_347 = arith.shrsi %add3A_315, %shift_right_arithmetic3A_346 : vector<16xi32>
          %and3A_348 = arith.constant 1 : i32
          %and3A_349 = vector.broadcast %and3A_348 : i32 to vector<16xi32>
          %and3A_350 = arith.andi %add3A_315, %and3A_349 : vector<16xi32>
          %shift_left3A_351 = arith.constant 6 : i32
          %shift_left3A_352 = vector.broadcast %shift_left3A_351 : i32 to vector<16xi32>
          %shift_left3A_353 = arith.shli %and3A_350, %shift_left3A_352 : vector<16xi32>
          %add3A_354 = arith.addi %shift_left3A_353, %add3A_209 : vector<16xi32>
          tpu.vector_store_idx %arg5[%mul3A_106, %shift_right_arithmetic3A_347, %add3A_354], %gather3A_316 : memref<2x192x128xf32, #tpu.memory_space<vmem>>[vector<16xi32>, vector<16xi32>, vector<16xi32>], vector<16xf32>,
          %shift_right_arithmetic3A_355 = arith.constant 1 : i32
          %shift_right_arithmetic3A_356 = vector.broadcast %shift_right_arithmetic3A_355 : i32 to vector<16xi32>
          %shift_right_arithmetic3A_357 = arith.shrsi %add3A_318, %shift_right_arithmetic3A_356 : vector<16xi32>
          %and3A_358 = arith.constant 1 : i32
          %and3A_359 = vector.broadcast %and3A_358 : i32 to vector<16xi32>
          %and3A_360 = arith.andi %add3A_318, %and3A_359 : vector<16xi32>
          %shift_left3A_361 = arith.constant 6 : i32
          %shift_left3A_362 = vector.broadcast %shift_left3A_361 : i32 to vector<16xi32>
          %shift_left3A_363 = arith.shli %and3A_360, %shift_left3A_362 : vector<16xi32>
          %add3A_364 = arith.addi %shift_left3A_363, %add3A_209 : vector<16xi32>
          tpu.vector_store_idx %arg5[%mul3A_106, %shift_right_arithmetic3A_357, %add3A_364], %gather3A_319 : memref<2x192x128xf32, #tpu.memory_space<vmem>>[vector<16xi32>, vector<16xi32>, vector<16xi32>], vector<16xf32>,
          %shift_right_arithmetic3A_365 = arith.constant 1 : i32
          %shift_right_arithmetic3A_366 = vector.broadcast %shift_right_arithmetic3A_365 : i32 to vector<16xi32>
          %shift_right_arithmetic3A_367 = arith.shrsi %add3A_321, %shift_right_arithmetic3A_366 : vector<16xi32>
          %and3A_368 = arith.constant 1 : i32
          %and3A_369 = vector.broadcast %and3A_368 : i32 to vector<16xi32>
          %and3A_370 = arith.andi %add3A_321, %and3A_369 : vector<16xi32>
          %shift_left3A_371 = arith.constant 6 : i32
          %shift_left3A_372 = vector.broadcast %shift_left3A_371 : i32 to vector<16xi32>
          %shift_left3A_373 = arith.shli %and3A_370, %shift_left3A_372 : vector<16xi32>
          %add3A_374 = arith.addi %shift_left3A_373, %add3A_209 : vector<16xi32>
          tpu.vector_store_idx %arg5[%mul3A_106, %shift_right_arithmetic3A_367, %add3A_374], %gather3A_322 : memref<2x192x128xf32, #tpu.memory_space<vmem>>[vector<16xi32>, vector<16xi32>, vector<16xi32>], vector<16xf32>,
          %shift_right_arithmetic3A_375 = arith.constant 1 : i32
          %shift_right_arithmetic3A_376 = vector.broadcast %shift_right_arithmetic3A_375 : i32 to vector<16xi32>
          %shift_right_arithmetic3A_377 = arith.shrsi %add3A_324, %shift_right_arithmetic3A_376 : vector<16xi32>
          %and3A_378 = arith.constant 1 : i32
          %and3A_379 = vector.broadcast %and3A_378 : i32 to vector<16xi32>
          %and3A_380 = arith.andi %add3A_324, %and3A_379 : vector<16xi32>
          %shift_left3A_381 = arith.constant 6 : i32
          %shift_left3A_382 = vector.broadcast %shift_left3A_381 : i32 to vector<16xi32>
          %shift_left3A_383 = arith.shli %and3A_380, %shift_left3A_382 : vector<16xi32>
          %add3A_384 = arith.addi %shift_left3A_383, %add3A_209 : vector<16xi32>
          tpu.vector_store_idx %arg5[%mul3A_106, %shift_right_arithmetic3A_377, %add3A_384], %gather3A_325 : memref<2x192x128xf32, #tpu.memory_space<vmem>>[vector<16xi32>, vector<16xi32>, vector<16xi32>], vector<16xf32>,
          %shift_right_arithmetic3A_385 = arith.constant 1 : i32
          %shift_right_arithmetic3A_386 = vector.broadcast %shift_right_arithmetic3A_385 : i32 to vector<16xi32>
          %shift_right_arithmetic3A_387 = arith.shrsi %add3A_327, %shift_right_arithmetic3A_386 : vector<16xi32>
          %and3A_388 = arith.constant 1 : i32
          %and3A_389 = vector.broadcast %and3A_388 : i32 to vector<16xi32>
          %and3A_390 = arith.andi %add3A_327, %and3A_389 : vector<16xi32>
          %shift_left3A_391 = arith.constant 6 : i32
          %shift_left3A_392 = vector.broadcast %shift_left3A_391 : i32 to vector<16xi32>
          %shift_left3A_393 = arith.shli %and3A_390, %shift_left3A_392 : vector<16xi32>
          %add3A_394 = arith.addi %shift_left3A_393, %add3A_209 : vector<16xi32>
          tpu.vector_store_idx %arg5[%mul3A_106, %shift_right_arithmetic3A_387, %add3A_394], %gather3A_328 : memref<2x192x128xf32, #tpu.memory_space<vmem>>[vector<16xi32>, vector<16xi32>, vector<16xi32>], vector<16xf32>,
          %shift_right_arithmetic3A_395 = arith.constant 1 : i32
          %shift_right_arithmetic3A_396 = vector.broadcast %shift_right_arithmetic3A_395 : i32 to vector<16xi32>
          %shift_right_arithmetic3A_397 = arith.shrsi %add3A_330, %shift_right_arithmetic3A_396 : vector<16xi32>
          %and3A_398 = arith.constant 1 : i32
          %and3A_399 = vector.broadcast %and3A_398 : i32 to vector<16xi32>
          %and3A_400 = arith.andi %add3A_330, %and3A_399 : vector<16xi32>
          %shift_left3A_401 = arith.constant 6 : i32
          %shift_left3A_402 = vector.broadcast %shift_left3A_401 : i32 to vector<16xi32>
          %shift_left3A_403 = arith.shli %and3A_400, %shift_left3A_402 : vector<16xi32>
          %add3A_404 = arith.addi %shift_left3A_403, %add3A_209 : vector<16xi32>
          tpu.vector_store_idx %arg5[%mul3A_106, %shift_right_arithmetic3A_397, %add3A_404], %gather3A_331 : memref<2x192x128xf32, #tpu.memory_space<vmem>>[vector<16xi32>, vector<16xi32>, vector<16xi32>], vector<16xf32>,
          %shift_right_arithmetic3A_405 = arith.constant 1 : i32
          %shift_right_arithmetic3A_406 = vector.broadcast %shift_right_arithmetic3A_405 : i32 to vector<16xi32>
          %shift_right_arithmetic3A_407 = arith.shrsi %add3A_333, %shift_right_arithmetic3A_406 : vector<16xi32>
          %and3A_408 = arith.constant 1 : i32
          %and3A_409 = vector.broadcast %and3A_408 : i32 to vector<16xi32>
          %and3A_410 = arith.andi %add3A_333, %and3A_409 : vector<16xi32>
          %shift_left3A_411 = arith.constant 6 : i32
          %shift_left3A_412 = vector.broadcast %shift_left3A_411 : i32 to vector<16xi32>
          %shift_left3A_413 = arith.shli %and3A_410, %shift_left3A_412 : vector<16xi32>
          %add3A_414 = arith.addi %shift_left3A_413, %add3A_209 : vector<16xi32>
          tpu.vector_store_idx %arg5[%mul3A_106, %shift_right_arithmetic3A_407, %add3A_414], %gather3A_334 : memref<2x192x128xf32, #tpu.memory_space<vmem>>[vector<16xi32>, vector<16xi32>, vector<16xi32>], vector<16xf32>,
          %add3A_415 = arith.constant 16 : i32
          %add3A_416 = vector.broadcast %add3A_415 : i32 to vector<16xi32>
          %add3A_417 = arith.addi %iota3A, %add3A_416 : vector<16xi32>
          %add3A_418 = vector.broadcast %mul3A_206 : i32 to vector<16xi32>
          %add3A_419 = arith.addi %and3A_13, %add3A_418 : vector<16xi32>
          %gather3A_420 = tpu.vector_load_idx %arg4[%mul3A_106, %add3A_417, %add3A_419] : memref<2x64x384xf32, #tpu.memory_space<vmem>>[vector<16xi32>, vector<16xi32>, vector<16xi32>], vector<16xf32>,
          %add3A_421 = vector.broadcast %mul3A_206 : i32 to vector<16xi32>
          %add3A_422 = arith.addi %and3A_19, %add3A_421 : vector<16xi32>
          %gather3A_423 = tpu.vector_load_idx %arg4[%mul3A_106, %add3A_417, %add3A_422] : memref<2x64x384xf32, #tpu.memory_space<vmem>>[vector<16xi32>, vector<16xi32>, vector<16xi32>], vector<16xf32>,
          %add3A_424 = vector.broadcast %mul3A_206 : i32 to vector<16xi32>
          %add3A_425 = arith.addi %and3A_25, %add3A_424 : vector<16xi32>
          %gather3A_426 = tpu.vector_load_idx %arg4[%mul3A_106, %add3A_417, %add3A_425] : memref<2x64x384xf32, #tpu.memory_space<vmem>>[vector<16xi32>, vector<16xi32>, vector<16xi32>], vector<16xf32>,
          %add3A_427 = vector.broadcast %mul3A_206 : i32 to vector<16xi32>
          %add3A_428 = arith.addi %and3A_31, %add3A_427 : vector<16xi32>
          %gather3A_429 = tpu.vector_load_idx %arg4[%mul3A_106, %add3A_417, %add3A_428] : memref<2x64x384xf32, #tpu.memory_space<vmem>>[vector<16xi32>, vector<16xi32>, vector<16xi32>], vector<16xf32>,
          %add3A_430 = vector.broadcast %mul3A_206 : i32 to vector<16xi32>
          %add3A_431 = arith.addi %and3A_37, %add3A_430 : vector<16xi32>
          %gather3A_432 = tpu.vector_load_idx %arg4[%mul3A_106, %add3A_417, %add3A_431] : memref<2x64x384xf32, #tpu.memory_space<vmem>>[vector<16xi32>, vector<16xi32>, vector<16xi32>], vector<16xf32>,
          %add3A_433 = vector.broadcast %mul3A_206 : i32 to vector<16xi32>
          %add3A_434 = arith.addi %and3A_43, %add3A_433 : vector<16xi32>
          %gather3A_435 = tpu.vector_load_idx %arg4[%mul3A_106, %add3A_417, %add3A_434] : memref<2x64x384xf32, #tpu.memory_space<vmem>>[vector<16xi32>, vector<16xi32>, vector<16xi32>], vector<16xf32>,
          %add3A_436 = vector.broadcast %mul3A_206 : i32 to vector<16xi32>
          %add3A_437 = arith.addi %and3A_49, %add3A_436 : vector<16xi32>
          %gather3A_438 = tpu.vector_load_idx %arg4[%mul3A_106, %add3A_417, %add3A_437] : memref<2x64x384xf32, #tpu.memory_space<vmem>>[vector<16xi32>, vector<16xi32>, vector<16xi32>], vector<16xf32>,
          %add3A_439 = vector.broadcast %mul3A_206 : i32 to vector<16xi32>
          %add3A_440 = arith.addi %and3A_55, %add3A_439 : vector<16xi32>
          %gather3A_441 = tpu.vector_load_idx %arg4[%mul3A_106, %add3A_417, %add3A_440] : memref<2x64x384xf32, #tpu.memory_space<vmem>>[vector<16xi32>, vector<16xi32>, vector<16xi32>], vector<16xf32>,
          %shift_right_arithmetic3A_442 = arith.constant 1 : i32
          %shift_right_arithmetic3A_443 = vector.broadcast %shift_right_arithmetic3A_442 : i32 to vector<16xi32>
          %shift_right_arithmetic3A_444 = arith.shrsi %add3A_419, %shift_right_arithmetic3A_443 : vector<16xi32>
          %and3A_445 = arith.constant 1 : i32
          %and3A_446 = vector.broadcast %and3A_445 : i32 to vector<16xi32>
          %and3A_447 = arith.andi %add3A_419, %and3A_446 : vector<16xi32>
          %shift_left3A_448 = arith.constant 6 : i32
          %shift_left3A_449 = vector.broadcast %shift_left3A_448 : i32 to vector<16xi32>
          %shift_left3A_450 = arith.shli %and3A_447, %shift_left3A_449 : vector<16xi32>
          %add3A_451 = arith.addi %shift_left3A_450, %add3A_417 : vector<16xi32>
          tpu.vector_store_idx %arg5[%mul3A_106, %shift_right_arithmetic3A_444, %add3A_451], %gather3A_420 : memref<2x192x128xf32, #tpu.memory_space<vmem>>[vector<16xi32>, vector<16xi32>, vector<16xi32>], vector<16xf32>,
          %shift_right_arithmetic3A_452 = arith.constant 1 : i32
          %shift_right_arithmetic3A_453 = vector.broadcast %shift_right_arithmetic3A_452 : i32 to vector<16xi32>
          %shift_right_arithmetic3A_454 = arith.shrsi %add3A_422, %shift_right_arithmetic3A_453 : vector<16xi32>
          %and3A_455 = arith.constant 1 : i32
          %and3A_456 = vector.broadcast %and3A_455 : i32 to vector<16xi32>
          %and3A_457 = arith.andi %add3A_422, %and3A_456 : vector<16xi32>
          %shift_left3A_458 = arith.constant 6 : i32
          %shift_left3A_459 = vector.broadcast %shift_left3A_458 : i32 to vector<16xi32>
          %shift_left3A_460 = arith.shli %and3A_457, %shift_left3A_459 : vector<16xi32>
          %add3A_461 = arith.addi %shift_left3A_460, %add3A_417 : vector<16xi32>
          tpu.vector_store_idx %arg5[%mul3A_106, %shift_right_arithmetic3A_454, %add3A_461], %gather3A_423 : memref<2x192x128xf32, #tpu.memory_space<vmem>>[vector<16xi32>, vector<16xi32>, vector<16xi32>], vector<16xf32>,
          %shift_right_arithmetic3A_462 = arith.constant 1 : i32
          %shift_right_arithmetic3A_463 = vector.broadcast %shift_right_arithmetic3A_462 : i32 to vector<16xi32>
          %shift_right_arithmetic3A_464 = arith.shrsi %add3A_425, %shift_right_arithmetic3A_463 : vector<16xi32>
          %and3A_465 = arith.constant 1 : i32
          %and3A_466 = vector.broadcast %and3A_465 : i32 to vector<16xi32>
          %and3A_467 = arith.andi %add3A_425, %and3A_466 : vector<16xi32>
          %shift_left3A_468 = arith.constant 6 : i32
          %shift_left3A_469 = vector.broadcast %shift_left3A_468 : i32 to vector<16xi32>
          %shift_left3A_470 = arith.shli %and3A_467, %shift_left3A_469 : vector<16xi32>
          %add3A_471 = arith.addi %shift_left3A_470, %add3A_417 : vector<16xi32>
          tpu.vector_store_idx %arg5[%mul3A_106, %shift_right_arithmetic3A_464, %add3A_471], %gather3A_426 : memref<2x192x128xf32, #tpu.memory_space<vmem>>[vector<16xi32>, vector<16xi32>, vector<16xi32>], vector<16xf32>,
          %shift_right_arithmetic3A_472 = arith.constant 1 : i32
          %shift_right_arithmetic3A_473 = vector.broadcast %shift_right_arithmetic3A_472 : i32 to vector<16xi32>
          %shift_right_arithmetic3A_474 = arith.shrsi %add3A_428, %shift_right_arithmetic3A_473 : vector<16xi32>
          %and3A_475 = arith.constant 1 : i32
          %and3A_476 = vector.broadcast %and3A_475 : i32 to vector<16xi32>
          %and3A_477 = arith.andi %add3A_428, %and3A_476 : vector<16xi32>
          %shift_left3A_478 = arith.constant 6 : i32
          %shift_left3A_479 = vector.broadcast %shift_left3A_478 : i32 to vector<16xi32>
          %shift_left3A_480 = arith.shli %and3A_477, %shift_left3A_479 : vector<16xi32>
          %add3A_481 = arith.addi %shift_left3A_480, %add3A_417 : vector<16xi32>
          tpu.vector_store_idx %arg5[%mul3A_106, %shift_right_arithmetic3A_474, %add3A_481], %gather3A_429 : memref<2x192x128xf32, #tpu.memory_space<vmem>>[vector<16xi32>, vector<16xi32>, vector<16xi32>], vector<16xf32>,
          %shift_right_arithmetic3A_482 = arith.constant 1 : i32
          %shift_right_arithmetic3A_483 = vector.broadcast %shift_right_arithmetic3A_482 : i32 to vector<16xi32>
          %shift_right_arithmetic3A_484 = arith.shrsi %add3A_431, %shift_right_arithmetic3A_483 : vector<16xi32>
          %and3A_485 = arith.constant 1 : i32
          %and3A_486 = vector.broadcast %and3A_485 : i32 to vector<16xi32>
          %and3A_487 = arith.andi %add3A_431, %and3A_486 : vector<16xi32>
          %shift_left3A_488 = arith.constant 6 : i32
          %shift_left3A_489 = vector.broadcast %shift_left3A_488 : i32 to vector<16xi32>
          %shift_left3A_490 = arith.shli %and3A_487, %shift_left3A_489 : vector<16xi32>
          %add3A_491 = arith.addi %shift_left3A_490, %add3A_417 : vector<16xi32>
          tpu.vector_store_idx %arg5[%mul3A_106, %shift_right_arithmetic3A_484, %add3A_491], %gather3A_432 : memref<2x192x128xf32, #tpu.memory_space<vmem>>[vector<16xi32>, vector<16xi32>, vector<16xi32>], vector<16xf32>,
          %shift_right_arithmetic3A_492 = arith.constant 1 : i32
          %shift_right_arithmetic3A_493 = vector.broadcast %shift_right_arithmetic3A_492 : i32 to vector<16xi32>
          %shift_right_arithmetic3A_494 = arith.shrsi %add3A_434, %shift_right_arithmetic3A_493 : vector<16xi32>
          %and3A_495 = arith.constant 1 : i32
          %and3A_496 = vector.broadcast %and3A_495 : i32 to vector<16xi32>
          %and3A_497 = arith.andi %add3A_434, %and3A_496 : vector<16xi32>
          %shift_left3A_498 = arith.constant 6 : i32
          %shift_left3A_499 = vector.broadcast %shift_left3A_498 : i32 to vector<16xi32>
          %shift_left3A_500 = arith.shli %and3A_497, %shift_left3A_499 : vector<16xi32>
          %add3A_501 = arith.addi %shift_left3A_500, %add3A_417 : vector<16xi32>
          tpu.vector_store_idx %arg5[%mul3A_106, %shift_right_arithmetic3A_494, %add3A_501], %gather3A_435 : memref<2x192x128xf32, #tpu.memory_space<vmem>>[vector<16xi32>, vector<16xi32>, vector<16xi32>], vector<16xf32>,
          %shift_right_arithmetic3A_502 = arith.constant 1 : i32
          %shift_right_arithmetic3A_503 = vector.broadcast %shift_right_arithmetic3A_502 : i32 to vector<16xi32>
          %shift_right_arithmetic3A_504 = arith.shrsi %add3A_437, %shift_right_arithmetic3A_503 : vector<16xi32>
          %and3A_505 = arith.constant 1 : i32
          %and3A_506 = vector.broadcast %and3A_505 : i32 to vector<16xi32>
          %and3A_507 = arith.andi %add3A_437, %and3A_506 : vector<16xi32>
          %shift_left3A_508 = arith.constant 6 : i32
          %shift_left3A_509 = vector.broadcast %shift_left3A_508 : i32 to vector<16xi32>
          %shift_left3A_510 = arith.shli %and3A_507, %shift_left3A_509 : vector<16xi32>
          %add3A_511 = arith.addi %shift_left3A_510, %add3A_417 : vector<16xi32>
          tpu.vector_store_idx %arg5[%mul3A_106, %shift_right_arithmetic3A_504, %add3A_511], %gather3A_438 : memref<2x192x128xf32, #tpu.memory_space<vmem>>[vector<16xi32>, vector<16xi32>, vector<16xi32>], vector<16xf32>,
          %shift_right_arithmetic3A_512 = arith.constant 1 : i32
          %shift_right_arithmetic3A_513 = vector.broadcast %shift_right_arithmetic3A_512 : i32 to vector<16xi32>
          %shift_right_arithmetic3A_514 = arith.shrsi %add3A_440, %shift_right_arithmetic3A_513 : vector<16xi32>
          %and3A_515 = arith.constant 1 : i32
          %and3A_516 = vector.broadcast %and3A_515 : i32 to vector<16xi32>
          %and3A_517 = arith.andi %add3A_440, %and3A_516 : vector<16xi32>
          %shift_left3A_518 = arith.constant 6 : i32
          %shift_left3A_519 = vector.broadcast %shift_left3A_518 : i32 to vector<16xi32>
          %shift_left3A_520 = arith.shli %and3A_517, %shift_left3A_519 : vector<16xi32>
          %add3A_521 = arith.addi %shift_left3A_520, %add3A_417 : vector<16xi32>
          tpu.vector_store_idx %arg5[%mul3A_106, %shift_right_arithmetic3A_514, %add3A_521], %gather3A_441 : memref<2x192x128xf32, #tpu.memory_space<vmem>>[vector<16xi32>, vector<16xi32>, vector<16xi32>], vector<16xf32>,
          %add3A_522 = vector.broadcast %mul3A_206 : i32 to vector<16xi32>
          %add3A_523 = arith.addi %and3A_61, %add3A_522 : vector<16xi32>
          %gather3A_524 = tpu.vector_load_idx %arg4[%mul3A_106, %add3A_417, %add3A_523] : memref<2x64x384xf32, #tpu.memory_space<vmem>>[vector<16xi32>, vector<16xi32>, vector<16xi32>], vector<16xf32>,
          %add3A_525 = vector.broadcast %mul3A_206 : i32 to vector<16xi32>
          %add3A_526 = arith.addi %and3A_67, %add3A_525 : vector<16xi32>
          %gather3A_527 = tpu.vector_load_idx %arg4[%mul3A_106, %add3A_417, %add3A_526] : memref<2x64x384xf32, #tpu.memory_space<vmem>>[vector<16xi32>, vector<16xi32>, vector<16xi32>], vector<16xf32>,
          %add3A_528 = vector.broadcast %mul3A_206 : i32 to vector<16xi32>
          %add3A_529 = arith.addi %and3A_73, %add3A_528 : vector<16xi32>
          %gather3A_530 = tpu.vector_load_idx %arg4[%mul3A_106, %add3A_417, %add3A_529] : memref<2x64x384xf32, #tpu.memory_space<vmem>>[vector<16xi32>, vector<16xi32>, vector<16xi32>], vector<16xf32>,
          %add3A_531 = vector.broadcast %mul3A_206 : i32 to vector<16xi32>
          %add3A_532 = arith.addi %and3A_79, %add3A_531 : vector<16xi32>
          %gather3A_533 = tpu.vector_load_idx %arg4[%mul3A_106, %add3A_417, %add3A_532] : memref<2x64x384xf32, #tpu.memory_space<vmem>>[vector<16xi32>, vector<16xi32>, vector<16xi32>], vector<16xf32>,
          %add3A_534 = vector.broadcast %mul3A_206 : i32 to vector<16xi32>
          %add3A_535 = arith.addi %and3A_85, %add3A_534 : vector<16xi32>
          %gather3A_536 = tpu.vector_load_idx %arg4[%mul3A_106, %add3A_417, %add3A_535] : memref<2x64x384xf32, #tpu.memory_space<vmem>>[vector<16xi32>, vector<16xi32>, vector<16xi32>], vector<16xf32>,
          %add3A_537 = vector.broadcast %mul3A_206 : i32 to vector<16xi32>
          %add3A_538 = arith.addi %and3A_91, %add3A_537 : vector<16xi32>
          %gather3A_539 = tpu.vector_load_idx %arg4[%mul3A_106, %add3A_417, %add3A_538] : memref<2x64x384xf32, #tpu.memory_space<vmem>>[vector<16xi32>, vector<16xi32>, vector<16xi32>], vector<16xf32>,
          %add3A_540 = vector.broadcast %mul3A_206 : i32 to vector<16xi32>
          %add3A_541 = arith.addi %and3A_97, %add3A_540 : vector<16xi32>
          %gather3A_542 = tpu.vector_load_idx %arg4[%mul3A_106, %add3A_417, %add3A_541] : memref<2x64x384xf32, #tpu.memory_space<vmem>>[vector<16xi32>, vector<16xi32>, vector<16xi32>], vector<16xf32>,
          %add3A_543 = vector.broadcast %mul3A_206 : i32 to vector<16xi32>
          %add3A_544 = arith.addi %and3A_103, %add3A_543 : vector<16xi32>
          %gather3A_545 = tpu.vector_load_idx %arg4[%mul3A_106, %add3A_417, %add3A_544] : memref<2x64x384xf32, #tpu.memory_space<vmem>>[vector<16xi32>, vector<16xi32>, vector<16xi32>], vector<16xf32>,
          %shift_right_arithmetic3A_546 = arith.constant 1 : i32
          %shift_right_arithmetic3A_547 = vector.broadcast %shift_right_arithmetic3A_546 : i32 to vector<16xi32>
          %shift_right_arithmetic3A_548 = arith.shrsi %add3A_523, %shift_right_arithmetic3A_547 : vector<16xi32>
          %and3A_549 = arith.constant 1 : i32
          %and3A_550 = vector.broadcast %and3A_549 : i32 to vector<16xi32>
          %and3A_551 = arith.andi %add3A_523, %and3A_550 : vector<16xi32>
          %shift_left3A_552 = arith.constant 6 : i32
          %shift_left3A_553 = vector.broadcast %shift_left3A_552 : i32 to vector<16xi32>
          %shift_left3A_554 = arith.shli %and3A_551, %shift_left3A_553 : vector<16xi32>
          %add3A_555 = arith.addi %shift_left3A_554, %add3A_417 : vector<16xi32>
          tpu.vector_store_idx %arg5[%mul3A_106, %shift_right_arithmetic3A_548, %add3A_555], %gather3A_524 : memref<2x192x128xf32, #tpu.memory_space<vmem>>[vector<16xi32>, vector<16xi32>, vector<16xi32>], vector<16xf32>,
          %shift_right_arithmetic3A_556 = arith.constant 1 : i32
          %shift_right_arithmetic3A_557 = vector.broadcast %shift_right_arithmetic3A_556 : i32 to vector<16xi32>
          %shift_right_arithmetic3A_558 = arith.shrsi %add3A_526, %shift_right_arithmetic3A_557 : vector<16xi32>
          %and3A_559 = arith.constant 1 : i32
          %and3A_560 = vector.broadcast %and3A_559 : i32 to vector<16xi32>
          %and3A_561 = arith.andi %add3A_526, %and3A_560 : vector<16xi32>
          %shift_left3A_562 = arith.constant 6 : i32
          %shift_left3A_563 = vector.broadcast %shift_left3A_562 : i32 to vector<16xi32>
          %shift_left3A_564 = arith.shli %and3A_561, %shift_left3A_563 : vector<16xi32>
          %add3A_565 = arith.addi %shift_left3A_564, %add3A_417 : vector<16xi32>
          tpu.vector_store_idx %arg5[%mul3A_106, %shift_right_arithmetic3A_558, %add3A_565], %gather3A_527 : memref<2x192x128xf32, #tpu.memory_space<vmem>>[vector<16xi32>, vector<16xi32>, vector<16xi32>], vector<16xf32>,
          %shift_right_arithmetic3A_566 = arith.constant 1 : i32
          %shift_right_arithmetic3A_567 = vector.broadcast %shift_right_arithmetic3A_566 : i32 to vector<16xi32>
          %shift_right_arithmetic3A_568 = arith.shrsi %add3A_529, %shift_right_arithmetic3A_567 : vector<16xi32>
          %and3A_569 = arith.constant 1 : i32
          %and3A_570 = vector.broadcast %and3A_569 : i32 to vector<16xi32>
          %and3A_571 = arith.andi %add3A_529, %and3A_570 : vector<16xi32>
          %shift_left3A_572 = arith.constant 6 : i32
          %shift_left3A_573 = vector.broadcast %shift_left3A_572 : i32 to vector<16xi32>
          %shift_left3A_574 = arith.shli %and3A_571, %shift_left3A_573 : vector<16xi32>
          %add3A_575 = arith.addi %shift_left3A_574, %add3A_417 : vector<16xi32>
          tpu.vector_store_idx %arg5[%mul3A_106, %shift_right_arithmetic3A_568, %add3A_575], %gather3A_530 : memref<2x192x128xf32, #tpu.memory_space<vmem>>[vector<16xi32>, vector<16xi32>, vector<16xi32>], vector<16xf32>,
          %shift_right_arithmetic3A_576 = arith.constant 1 : i32
          %shift_right_arithmetic3A_577 = vector.broadcast %shift_right_arithmetic3A_576 : i32 to vector<16xi32>
          %shift_right_arithmetic3A_578 = arith.shrsi %add3A_532, %shift_right_arithmetic3A_577 : vector<16xi32>
          %and3A_579 = arith.constant 1 : i32
          %and3A_580 = vector.broadcast %and3A_579 : i32 to vector<16xi32>
          %and3A_581 = arith.andi %add3A_532, %and3A_580 : vector<16xi32>
          %shift_left3A_582 = arith.constant 6 : i32
          %shift_left3A_583 = vector.broadcast %shift_left3A_582 : i32 to vector<16xi32>
          %shift_left3A_584 = arith.shli %and3A_581, %shift_left3A_583 : vector<16xi32>
          %add3A_585 = arith.addi %shift_left3A_584, %add3A_417 : vector<16xi32>
          tpu.vector_store_idx %arg5[%mul3A_106, %shift_right_arithmetic3A_578, %add3A_585], %gather3A_533 : memref<2x192x128xf32, #tpu.memory_space<vmem>>[vector<16xi32>, vector<16xi32>, vector<16xi32>], vector<16xf32>,
          %shift_right_arithmetic3A_586 = arith.constant 1 : i32
          %shift_right_arithmetic3A_587 = vector.broadcast %shift_right_arithmetic3A_586 : i32 to vector<16xi32>
          %shift_right_arithmetic3A_588 = arith.shrsi %add3A_535, %shift_right_arithmetic3A_587 : vector<16xi32>
          %and3A_589 = arith.constant 1 : i32
          %and3A_590 = vector.broadcast %and3A_589 : i32 to vector<16xi32>
          %and3A_591 = arith.andi %add3A_535, %and3A_590 : vector<16xi32>
          %shift_left3A_592 = arith.constant 6 : i32
          %shift_left3A_593 = vector.broadcast %shift_left3A_592 : i32 to vector<16xi32>
          %shift_left3A_594 = arith.shli %and3A_591, %shift_left3A_593 : vector<16xi32>
          %add3A_595 = arith.addi %shift_left3A_594, %add3A_417 : vector<16xi32>
          tpu.vector_store_idx %arg5[%mul3A_106, %shift_right_arithmetic3A_588, %add3A_595], %gather3A_536 : memref<2x192x128xf32, #tpu.memory_space<vmem>>[vector<16xi32>, vector<16xi32>, vector<16xi32>], vector<16xf32>,
          %shift_right_arithmetic3A_596 = arith.constant 1 : i32
          %shift_right_arithmetic3A_597 = vector.broadcast %shift_right_arithmetic3A_596 : i32 to vector<16xi32>
          %shift_right_arithmetic3A_598 = arith.shrsi %add3A_538, %shift_right_arithmetic3A_597 : vector<16xi32>
          %and3A_599 = arith.constant 1 : i32
          %and3A_600 = vector.broadcast %and3A_599 : i32 to vector<16xi32>
          %and3A_601 = arith.andi %add3A_538, %and3A_600 : vector<16xi32>
          %shift_left3A_602 = arith.constant 6 : i32
          %shift_left3A_603 = vector.broadcast %shift_left3A_602 : i32 to vector<16xi32>
          %shift_left3A_604 = arith.shli %and3A_601, %shift_left3A_603 : vector<16xi32>
          %add3A_605 = arith.addi %shift_left3A_604, %add3A_417 : vector<16xi32>
          tpu.vector_store_idx %arg5[%mul3A_106, %shift_right_arithmetic3A_598, %add3A_605], %gather3A_539 : memref<2x192x128xf32, #tpu.memory_space<vmem>>[vector<16xi32>, vector<16xi32>, vector<16xi32>], vector<16xf32>,
          %shift_right_arithmetic3A_606 = arith.constant 1 : i32
          %shift_right_arithmetic3A_607 = vector.broadcast %shift_right_arithmetic3A_606 : i32 to vector<16xi32>
          %shift_right_arithmetic3A_608 = arith.shrsi %add3A_541, %shift_right_arithmetic3A_607 : vector<16xi32>
          %and3A_609 = arith.constant 1 : i32
          %and3A_610 = vector.broadcast %and3A_609 : i32 to vector<16xi32>
          %and3A_611 = arith.andi %add3A_541, %and3A_610 : vector<16xi32>
          %shift_left3A_612 = arith.constant 6 : i32
          %shift_left3A_613 = vector.broadcast %shift_left3A_612 : i32 to vector<16xi32>
          %shift_left3A_614 = arith.shli %and3A_611, %shift_left3A_613 : vector<16xi32>
          %add3A_615 = arith.addi %shift_left3A_614, %add3A_417 : vector<16xi32>
          tpu.vector_store_idx %arg5[%mul3A_106, %shift_right_arithmetic3A_608, %add3A_615], %gather3A_542 : memref<2x192x128xf32, #tpu.memory_space<vmem>>[vector<16xi32>, vector<16xi32>, vector<16xi32>], vector<16xf32>,
          %shift_right_arithmetic3A_616 = arith.constant 1 : i32
          %shift_right_arithmetic3A_617 = vector.broadcast %shift_right_arithmetic3A_616 : i32 to vector<16xi32>
          %shift_right_arithmetic3A_618 = arith.shrsi %add3A_544, %shift_right_arithmetic3A_617 : vector<16xi32>
          %and3A_619 = arith.constant 1 : i32
          %and3A_620 = vector.broadcast %and3A_619 : i32 to vector<16xi32>
          %and3A_621 = arith.andi %add3A_544, %and3A_620 : vector<16xi32>
          %shift_left3A_622 = arith.constant 6 : i32
          %shift_left3A_623 = vector.broadcast %shift_left3A_622 : i32 to vector<16xi32>
          %shift_left3A_624 = arith.shli %and3A_621, %shift_left3A_623 : vector<16xi32>
          %add3A_625 = arith.addi %shift_left3A_624, %add3A_417 : vector<16xi32>
          tpu.vector_store_idx %arg5[%mul3A_106, %shift_right_arithmetic3A_618, %add3A_625], %gather3A_545 : memref<2x192x128xf32, #tpu.memory_space<vmem>>[vector<16xi32>, vector<16xi32>, vector<16xi32>], vector<16xf32>,
          %add3A_626 = arith.constant 32 : i32
          %add3A_627 = vector.broadcast %add3A_626 : i32 to vector<16xi32>
          %add3A_628 = arith.addi %iota3A, %add3A_627 : vector<16xi32>
          %add3A_629 = vector.broadcast %mul3A_206 : i32 to vector<16xi32>
          %add3A_630 = arith.addi %and3A_13, %add3A_629 : vector<16xi32>
          %gather3A_631 = tpu.vector_load_idx %arg4[%mul3A_106, %add3A_628, %add3A_630] : memref<2x64x384xf32, #tpu.memory_space<vmem>>[vector<16xi32>, vector<16xi32>, vector<16xi32>], vector<16xf32>,
          %add3A_632 = vector.broadcast %mul3A_206 : i32 to vector<16xi32>
          %add3A_633 = arith.addi %and3A_19, %add3A_632 : vector<16xi32>
          %gather3A_634 = tpu.vector_load_idx %arg4[%mul3A_106, %add3A_628, %add3A_633] : memref<2x64x384xf32, #tpu.memory_space<vmem>>[vector<16xi32>, vector<16xi32>, vector<16xi32>], vector<16xf32>,
          %add3A_635 = vector.broadcast %mul3A_206 : i32 to vector<16xi32>
          %add3A_636 = arith.addi %and3A_25, %add3A_635 : vector<16xi32>
          %gather3A_637 = tpu.vector_load_idx %arg4[%mul3A_106, %add3A_628, %add3A_636] : memref<2x64x384xf32, #tpu.memory_space<vmem>>[vector<16xi32>, vector<16xi32>, vector<16xi32>], vector<16xf32>,
          %add3A_638 = vector.broadcast %mul3A_206 : i32 to vector<16xi32>
          %add3A_639 = arith.addi %and3A_31, %add3A_638 : vector<16xi32>
          %gather3A_640 = tpu.vector_load_idx %arg4[%mul3A_106, %add3A_628, %add3A_639] : memref<2x64x384xf32, #tpu.memory_space<vmem>>[vector<16xi32>, vector<16xi32>, vector<16xi32>], vector<16xf32>,
          %add3A_641 = vector.broadcast %mul3A_206 : i32 to vector<16xi32>
          %add3A_642 = arith.addi %and3A_37, %add3A_641 : vector<16xi32>
          %gather3A_643 = tpu.vector_load_idx %arg4[%mul3A_106, %add3A_628, %add3A_642] : memref<2x64x384xf32, #tpu.memory_space<vmem>>[vector<16xi32>, vector<16xi32>, vector<16xi32>], vector<16xf32>,
          %add3A_644 = vector.broadcast %mul3A_206 : i32 to vector<16xi32>
          %add3A_645 = arith.addi %and3A_43, %add3A_644 : vector<16xi32>
          %gather3A_646 = tpu.vector_load_idx %arg4[%mul3A_106, %add3A_628, %add3A_645] : memref<2x64x384xf32, #tpu.memory_space<vmem>>[vector<16xi32>, vector<16xi32>, vector<16xi32>], vector<16xf32>,
          %add3A_647 = vector.broadcast %mul3A_206 : i32 to vector<16xi32>
          %add3A_648 = arith.addi %and3A_49, %add3A_647 : vector<16xi32>
          %gather3A_649 = tpu.vector_load_idx %arg4[%mul3A_106, %add3A_628, %add3A_648] : memref<2x64x384xf32, #tpu.memory_space<vmem>>[vector<16xi32>, vector<16xi32>, vector<16xi32>], vector<16xf32>,
          %add3A_650 = vector.broadcast %mul3A_206 : i32 to vector<16xi32>
          %add3A_651 = arith.addi %and3A_55, %add3A_650 : vector<16xi32>
          %gather3A_652 = tpu.vector_load_idx %arg4[%mul3A_106, %add3A_628, %add3A_651] : memref<2x64x384xf32, #tpu.memory_space<vmem>>[vector<16xi32>, vector<16xi32>, vector<16xi32>], vector<16xf32>,
          %shift_right_arithmetic3A_653 = arith.constant 1 : i32
          %shift_right_arithmetic3A_654 = vector.broadcast %shift_right_arithmetic3A_653 : i32 to vector<16xi32>
          %shift_right_arithmetic3A_655 = arith.shrsi %add3A_630, %shift_right_arithmetic3A_654 : vector<16xi32>
          %and3A_656 = arith.constant 1 : i32
          %and3A_657 = vector.broadcast %and3A_656 : i32 to vector<16xi32>
          %and3A_658 = arith.andi %add3A_630, %and3A_657 : vector<16xi32>
          %shift_left3A_659 = arith.constant 6 : i32
          %shift_left3A_660 = vector.broadcast %shift_left3A_659 : i32 to vector<16xi32>
          %shift_left3A_661 = arith.shli %and3A_658, %shift_left3A_660 : vector<16xi32>
          %add3A_662 = arith.addi %shift_left3A_661, %add3A_628 : vector<16xi32>
          tpu.vector_store_idx %arg5[%mul3A_106, %shift_right_arithmetic3A_655, %add3A_662], %gather3A_631 : memref<2x192x128xf32, #tpu.memory_space<vmem>>[vector<16xi32>, vector<16xi32>, vector<16xi32>], vector<16xf32>,
          %shift_right_arithmetic3A_663 = arith.constant 1 : i32
          %shift_right_arithmetic3A_664 = vector.broadcast %shift_right_arithmetic3A_663 : i32 to vector<16xi32>
          %shift_right_arithmetic3A_665 = arith.shrsi %add3A_633, %shift_right_arithmetic3A_664 : vector<16xi32>
          %and3A_666 = arith.constant 1 : i32
          %and3A_667 = vector.broadcast %and3A_666 : i32 to vector<16xi32>
          %and3A_668 = arith.andi %add3A_633, %and3A_667 : vector<16xi32>
          %shift_left3A_669 = arith.constant 6 : i32
          %shift_left3A_670 = vector.broadcast %shift_left3A_669 : i32 to vector<16xi32>
          %shift_left3A_671 = arith.shli %and3A_668, %shift_left3A_670 : vector<16xi32>
          %add3A_672 = arith.addi %shift_left3A_671, %add3A_628 : vector<16xi32>
          tpu.vector_store_idx %arg5[%mul3A_106, %shift_right_arithmetic3A_665, %add3A_672], %gather3A_634 : memref<2x192x128xf32, #tpu.memory_space<vmem>>[vector<16xi32>, vector<16xi32>, vector<16xi32>], vector<16xf32>,
          %shift_right_arithmetic3A_673 = arith.constant 1 : i32
          %shift_right_arithmetic3A_674 = vector.broadcast %shift_right_arithmetic3A_673 : i32 to vector<16xi32>
          %shift_right_arithmetic3A_675 = arith.shrsi %add3A_636, %shift_right_arithmetic3A_674 : vector<16xi32>
          %and3A_676 = arith.constant 1 : i32
          %and3A_677 = vector.broadcast %and3A_676 : i32 to vector<16xi32>
          %and3A_678 = arith.andi %add3A_636, %and3A_677 : vector<16xi32>
          %shift_left3A_679 = arith.constant 6 : i32
          %shift_left3A_680 = vector.broadcast %shift_left3A_679 : i32 to vector<16xi32>
          %shift_left3A_681 = arith.shli %and3A_678, %shift_left3A_680 : vector<16xi32>
          %add3A_682 = arith.addi %shift_left3A_681, %add3A_628 : vector<16xi32>
          tpu.vector_store_idx %arg5[%mul3A_106, %shift_right_arithmetic3A_675, %add3A_682], %gather3A_637 : memref<2x192x128xf32, #tpu.memory_space<vmem>>[vector<16xi32>, vector<16xi32>, vector<16xi32>], vector<16xf32>,
          %shift_right_arithmetic3A_683 = arith.constant 1 : i32
          %shift_right_arithmetic3A_684 = vector.broadcast %shift_right_arithmetic3A_683 : i32 to vector<16xi32>
          %shift_right_arithmetic3A_685 = arith.shrsi %add3A_639, %shift_right_arithmetic3A_684 : vector<16xi32>
          %and3A_686 = arith.constant 1 : i32
          %and3A_687 = vector.broadcast %and3A_686 : i32 to vector<16xi32>
          %and3A_688 = arith.andi %add3A_639, %and3A_687 : vector<16xi32>
          %shift_left3A_689 = arith.constant 6 : i32
          %shift_left3A_690 = vector.broadcast %shift_left3A_689 : i32 to vector<16xi32>
          %shift_left3A_691 = arith.shli %and3A_688, %shift_left3A_690 : vector<16xi32>
          %add3A_692 = arith.addi %shift_left3A_691, %add3A_628 : vector<16xi32>
          tpu.vector_store_idx %arg5[%mul3A_106, %shift_right_arithmetic3A_685, %add3A_692], %gather3A_640 : memref<2x192x128xf32, #tpu.memory_space<vmem>>[vector<16xi32>, vector<16xi32>, vector<16xi32>], vector<16xf32>,
          %shift_right_arithmetic3A_693 = arith.constant 1 : i32
          %shift_right_arithmetic3A_694 = vector.broadcast %shift_right_arithmetic3A_693 : i32 to vector<16xi32>
          %shift_right_arithmetic3A_695 = arith.shrsi %add3A_642, %shift_right_arithmetic3A_694 : vector<16xi32>
          %and3A_696 = arith.constant 1 : i32
          %and3A_697 = vector.broadcast %and3A_696 : i32 to vector<16xi32>
          %and3A_698 = arith.andi %add3A_642, %and3A_697 : vector<16xi32>
          %shift_left3A_699 = arith.constant 6 : i32
          %shift_left3A_700 = vector.broadcast %shift_left3A_699 : i32 to vector<16xi32>
          %shift_left3A_701 = arith.shli %and3A_698, %shift_left3A_700 : vector<16xi32>
          %add3A_702 = arith.addi %shift_left3A_701, %add3A_628 : vector<16xi32>
          tpu.vector_store_idx %arg5[%mul3A_106, %shift_right_arithmetic3A_695, %add3A_702], %gather3A_643 : memref<2x192x128xf32, #tpu.memory_space<vmem>>[vector<16xi32>, vector<16xi32>, vector<16xi32>], vector<16xf32>,
          %shift_right_arithmetic3A_703 = arith.constant 1 : i32
          %shift_right_arithmetic3A_704 = vector.broadcast %shift_right_arithmetic3A_703 : i32 to vector<16xi32>
          %shift_right_arithmetic3A_705 = arith.shrsi %add3A_645, %shift_right_arithmetic3A_704 : vector<16xi32>
          %and3A_706 = arith.constant 1 : i32
          %and3A_707 = vector.broadcast %and3A_706 : i32 to vector<16xi32>
          %and3A_708 = arith.andi %add3A_645, %and3A_707 : vector<16xi32>
          %shift_left3A_709 = arith.constant 6 : i32
          %shift_left3A_710 = vector.broadcast %shift_left3A_709 : i32 to vector<16xi32>
          %shift_left3A_711 = arith.shli %and3A_708, %shift_left3A_710 : vector<16xi32>
          %add3A_712 = arith.addi %shift_left3A_711, %add3A_628 : vector<16xi32>
          tpu.vector_store_idx %arg5[%mul3A_106, %shift_right_arithmetic3A_705, %add3A_712], %gather3A_646 : memref<2x192x128xf32, #tpu.memory_space<vmem>>[vector<16xi32>, vector<16xi32>, vector<16xi32>], vector<16xf32>,
          %shift_right_arithmetic3A_713 = arith.constant 1 : i32
          %shift_right_arithmetic3A_714 = vector.broadcast %shift_right_arithmetic3A_713 : i32 to vector<16xi32>
          %shift_right_arithmetic3A_715 = arith.shrsi %add3A_648, %shift_right_arithmetic3A_714 : vector<16xi32>
          %and3A_716 = arith.constant 1 : i32
          %and3A_717 = vector.broadcast %and3A_716 : i32 to vector<16xi32>
          %and3A_718 = arith.andi %add3A_648, %and3A_717 : vector<16xi32>
          %shift_left3A_719 = arith.constant 6 : i32
          %shift_left3A_720 = vector.broadcast %shift_left3A_719 : i32 to vector<16xi32>
          %shift_left3A_721 = arith.shli %and3A_718, %shift_left3A_720 : vector<16xi32>
          %add3A_722 = arith.addi %shift_left3A_721, %add3A_628 : vector<16xi32>
          tpu.vector_store_idx %arg5[%mul3A_106, %shift_right_arithmetic3A_715, %add3A_722], %gather3A_649 : memref<2x192x128xf32, #tpu.memory_space<vmem>>[vector<16xi32>, vector<16xi32>, vector<16xi32>], vector<16xf32>,
          %shift_right_arithmetic3A_723 = arith.constant 1 : i32
          %shift_right_arithmetic3A_724 = vector.broadcast %shift_right_arithmetic3A_723 : i32 to vector<16xi32>
          %shift_right_arithmetic3A_725 = arith.shrsi %add3A_651, %shift_right_arithmetic3A_724 : vector<16xi32>
          %and3A_726 = arith.constant 1 : i32
          %and3A_727 = vector.broadcast %and3A_726 : i32 to vector<16xi32>
          %and3A_728 = arith.andi %add3A_651, %and3A_727 : vector<16xi32>
          %shift_left3A_729 = arith.constant 6 : i32
          %shift_left3A_730 = vector.broadcast %shift_left3A_729 : i32 to vector<16xi32>
          %shift_left3A_731 = arith.shli %and3A_728, %shift_left3A_730 : vector<16xi32>
          %add3A_732 = arith.addi %shift_left3A_731, %add3A_628 : vector<16xi32>
          tpu.vector_store_idx %arg5[%mul3A_106, %shift_right_arithmetic3A_725, %add3A_732], %gather3A_652 : memref<2x192x128xf32, #tpu.memory_space<vmem>>[vector<16xi32>, vector<16xi32>, vector<16xi32>], vector<16xf32>,
          %add3A_733 = vector.broadcast %mul3A_206 : i32 to vector<16xi32>
          %add3A_734 = arith.addi %and3A_61, %add3A_733 : vector<16xi32>
          %gather3A_735 = tpu.vector_load_idx %arg4[%mul3A_106, %add3A_628, %add3A_734] : memref<2x64x384xf32, #tpu.memory_space<vmem>>[vector<16xi32>, vector<16xi32>, vector<16xi32>], vector<16xf32>,
          %add3A_736 = vector.broadcast %mul3A_206 : i32 to vector<16xi32>
          %add3A_737 = arith.addi %and3A_67, %add3A_736 : vector<16xi32>
          %gather3A_738 = tpu.vector_load_idx %arg4[%mul3A_106, %add3A_628, %add3A_737] : memref<2x64x384xf32, #tpu.memory_space<vmem>>[vector<16xi32>, vector<16xi32>, vector<16xi32>], vector<16xf32>,
          %add3A_739 = vector.broadcast %mul3A_206 : i32 to vector<16xi32>
          %add3A_740 = arith.addi %and3A_73, %add3A_739 : vector<16xi32>
          %gather3A_741 = tpu.vector_load_idx %arg4[%mul3A_106, %add3A_628, %add3A_740] : memref<2x64x384xf32, #tpu.memory_space<vmem>>[vector<16xi32>, vector<16xi32>, vector<16xi32>], vector<16xf32>,
          %add3A_742 = vector.broadcast %mul3A_206 : i32 to vector<16xi32>
          %add3A_743 = arith.addi %and3A_79, %add3A_742 : vector<16xi32>
          %gather3A_744 = tpu.vector_load_idx %arg4[%mul3A_106, %add3A_628, %add3A_743] : memref<2x64x384xf32, #tpu.memory_space<vmem>>[vector<16xi32>, vector<16xi32>, vector<16xi32>], vector<16xf32>,
          %add3A_745 = vector.broadcast %mul3A_206 : i32 to vector<16xi32>
          %add3A_746 = arith.addi %and3A_85, %add3A_745 : vector<16xi32>
          %gather3A_747 = tpu.vector_load_idx %arg4[%mul3A_106, %add3A_628, %add3A_746] : memref<2x64x384xf32, #tpu.memory_space<vmem>>[vector<16xi32>, vector<16xi32>, vector<16xi32>], vector<16xf32>,
          %add3A_748 = vector.broadcast %mul3A_206 : i32 to vector<16xi32>
          %add3A_749 = arith.addi %and3A_91, %add3A_748 : vector<16xi32>
          %gather3A_750 = tpu.vector_load_idx %arg4[%mul3A_106, %add3A_628, %add3A_749] : memref<2x64x384xf32, #tpu.memory_space<vmem>>[vector<16xi32>, vector<16xi32>, vector<16xi32>], vector<16xf32>,
          %add3A_751 = vector.broadcast %mul3A_206 : i32 to vector<16xi32>
          %add3A_752 = arith.addi %and3A_97, %add3A_751 : vector<16xi32>
          %gather3A_753 = tpu.vector_load_idx %arg4[%mul3A_106, %add3A_628, %add3A_752] : memref<2x64x384xf32, #tpu.memory_space<vmem>>[vector<16xi32>, vector<16xi32>, vector<16xi32>], vector<16xf32>,
          %add3A_754 = vector.broadcast %mul3A_206 : i32 to vector<16xi32>
          %add3A_755 = arith.addi %and3A_103, %add3A_754 : vector<16xi32>
          %gather3A_756 = tpu.vector_load_idx %arg4[%mul3A_106, %add3A_628, %add3A_755] : memref<2x64x384xf32, #tpu.memory_space<vmem>>[vector<16xi32>, vector<16xi32>, vector<16xi32>], vector<16xf32>,
          %shift_right_arithmetic3A_757 = arith.constant 1 : i32
          %shift_right_arithmetic3A_758 = vector.broadcast %shift_right_arithmetic3A_757 : i32 to vector<16xi32>
          %shift_right_arithmetic3A_759 = arith.shrsi %add3A_734, %shift_right_arithmetic3A_758 : vector<16xi32>
          %and3A_760 = arith.constant 1 : i32
          %and3A_761 = vector.broadcast %and3A_760 : i32 to vector<16xi32>
          %and3A_762 = arith.andi %add3A_734, %and3A_761 : vector<16xi32>
          %shift_left3A_763 = arith.constant 6 : i32
          %shift_left3A_764 = vector.broadcast %shift_left3A_763 : i32 to vector<16xi32>
          %shift_left3A_765 = arith.shli %and3A_762, %shift_left3A_764 : vector<16xi32>
          %add3A_766 = arith.addi %shift_left3A_765, %add3A_628 : vector<16xi32>
          tpu.vector_store_idx %arg5[%mul3A_106, %shift_right_arithmetic3A_759, %add3A_766], %gather3A_735 : memref<2x192x128xf32, #tpu.memory_space<vmem>>[vector<16xi32>, vector<16xi32>, vector<16xi32>], vector<16xf32>,
          %shift_right_arithmetic3A_767 = arith.constant 1 : i32
          %shift_right_arithmetic3A_768 = vector.broadcast %shift_right_arithmetic3A_767 : i32 to vector<16xi32>
          %shift_right_arithmetic3A_769 = arith.shrsi %add3A_737, %shift_right_arithmetic3A_768 : vector<16xi32>
          %and3A_770 = arith.constant 1 : i32
          %and3A_771 = vector.broadcast %and3A_770 : i32 to vector<16xi32>
          %and3A_772 = arith.andi %add3A_737, %and3A_771 : vector<16xi32>
          %shift_left3A_773 = arith.constant 6 : i32
          %shift_left3A_774 = vector.broadcast %shift_left3A_773 : i32 to vector<16xi32>
          %shift_left3A_775 = arith.shli %and3A_772, %shift_left3A_774 : vector<16xi32>
          %add3A_776 = arith.addi %shift_left3A_775, %add3A_628 : vector<16xi32>
          tpu.vector_store_idx %arg5[%mul3A_106, %shift_right_arithmetic3A_769, %add3A_776], %gather3A_738 : memref<2x192x128xf32, #tpu.memory_space<vmem>>[vector<16xi32>, vector<16xi32>, vector<16xi32>], vector<16xf32>,
          %shift_right_arithmetic3A_777 = arith.constant 1 : i32
          %shift_right_arithmetic3A_778 = vector.broadcast %shift_right_arithmetic3A_777 : i32 to vector<16xi32>
          %shift_right_arithmetic3A_779 = arith.shrsi %add3A_740, %shift_right_arithmetic3A_778 : vector<16xi32>
          %and3A_780 = arith.constant 1 : i32
          %and3A_781 = vector.broadcast %and3A_780 : i32 to vector<16xi32>
          %and3A_782 = arith.andi %add3A_740, %and3A_781 : vector<16xi32>
          %shift_left3A_783 = arith.constant 6 : i32
          %shift_left3A_784 = vector.broadcast %shift_left3A_783 : i32 to vector<16xi32>
          %shift_left3A_785 = arith.shli %and3A_782, %shift_left3A_784 : vector<16xi32>
          %add3A_786 = arith.addi %shift_left3A_785, %add3A_628 : vector<16xi32>
          tpu.vector_store_idx %arg5[%mul3A_106, %shift_right_arithmetic3A_779, %add3A_786], %gather3A_741 : memref<2x192x128xf32, #tpu.memory_space<vmem>>[vector<16xi32>, vector<16xi32>, vector<16xi32>], vector<16xf32>,
          %shift_right_arithmetic3A_787 = arith.constant 1 : i32
          %shift_right_arithmetic3A_788 = vector.broadcast %shift_right_arithmetic3A_787 : i32 to vector<16xi32>
          %shift_right_arithmetic3A_789 = arith.shrsi %add3A_743, %shift_right_arithmetic3A_788 : vector<16xi32>
          %and3A_790 = arith.constant 1 : i32
          %and3A_791 = vector.broadcast %and3A_790 : i32 to vector<16xi32>
          %and3A_792 = arith.andi %add3A_743, %and3A_791 : vector<16xi32>
          %shift_left3A_793 = arith.constant 6 : i32
          %shift_left3A_794 = vector.broadcast %shift_left3A_793 : i32 to vector<16xi32>
          %shift_left3A_795 = arith.shli %and3A_792, %shift_left3A_794 : vector<16xi32>
          %add3A_796 = arith.addi %shift_left3A_795, %add3A_628 : vector<16xi32>
          tpu.vector_store_idx %arg5[%mul3A_106, %shift_right_arithmetic3A_789, %add3A_796], %gather3A_744 : memref<2x192x128xf32, #tpu.memory_space<vmem>>[vector<16xi32>, vector<16xi32>, vector<16xi32>], vector<16xf32>,
          %shift_right_arithmetic3A_797 = arith.constant 1 : i32
          %shift_right_arithmetic3A_798 = vector.broadcast %shift_right_arithmetic3A_797 : i32 to vector<16xi32>
          %shift_right_arithmetic3A_799 = arith.shrsi %add3A_746, %shift_right_arithmetic3A_798 : vector<16xi32>
          %and3A_800 = arith.constant 1 : i32
          %and3A_801 = vector.broadcast %and3A_800 : i32 to vector<16xi32>
          %and3A_802 = arith.andi %add3A_746, %and3A_801 : vector<16xi32>
          %shift_left3A_803 = arith.constant 6 : i32
          %shift_left3A_804 = vector.broadcast %shift_left3A_803 : i32 to vector<16xi32>
          %shift_left3A_805 = arith.shli %and3A_802, %shift_left3A_804 : vector<16xi32>
          %add3A_806 = arith.addi %shift_left3A_805, %add3A_628 : vector<16xi32>
          tpu.vector_store_idx %arg5[%mul3A_106, %shift_right_arithmetic3A_799, %add3A_806], %gather3A_747 : memref<2x192x128xf32, #tpu.memory_space<vmem>>[vector<16xi32>, vector<16xi32>, vector<16xi32>], vector<16xf32>,
          %shift_right_arithmetic3A_807 = arith.constant 1 : i32
          %shift_right_arithmetic3A_808 = vector.broadcast %shift_right_arithmetic3A_807 : i32 to vector<16xi32>
          %shift_right_arithmetic3A_809 = arith.shrsi %add3A_749, %shift_right_arithmetic3A_808 : vector<16xi32>
          %and3A_810 = arith.constant 1 : i32
          %and3A_811 = vector.broadcast %and3A_810 : i32 to vector<16xi32>
          %and3A_812 = arith.andi %add3A_749, %and3A_811 : vector<16xi32>
          %shift_left3A_813 = arith.constant 6 : i32
          %shift_left3A_814 = vector.broadcast %shift_left3A_813 : i32 to vector<16xi32>
          %shift_left3A_815 = arith.shli %and3A_812, %shift_left3A_814 : vector<16xi32>
          %add3A_816 = arith.addi %shift_left3A_815, %add3A_628 : vector<16xi32>
          tpu.vector_store_idx %arg5[%mul3A_106, %shift_right_arithmetic3A_809, %add3A_816], %gather3A_750 : memref<2x192x128xf32, #tpu.memory_space<vmem>>[vector<16xi32>, vector<16xi32>, vector<16xi32>], vector<16xf32>,
          %shift_right_arithmetic3A_817 = arith.constant 1 : i32
          %shift_right_arithmetic3A_818 = vector.broadcast %shift_right_arithmetic3A_817 : i32 to vector<16xi32>
          %shift_right_arithmetic3A_819 = arith.shrsi %add3A_752, %shift_right_arithmetic3A_818 : vector<16xi32>
          %and3A_820 = arith.constant 1 : i32
          %and3A_821 = vector.broadcast %and3A_820 : i32 to vector<16xi32>
          %and3A_822 = arith.andi %add3A_752, %and3A_821 : vector<16xi32>
          %shift_left3A_823 = arith.constant 6 : i32
          %shift_left3A_824 = vector.broadcast %shift_left3A_823 : i32 to vector<16xi32>
          %shift_left3A_825 = arith.shli %and3A_822, %shift_left3A_824 : vector<16xi32>
          %add3A_826 = arith.addi %shift_left3A_825, %add3A_628 : vector<16xi32>
          tpu.vector_store_idx %arg5[%mul3A_106, %shift_right_arithmetic3A_819, %add3A_826], %gather3A_753 : memref<2x192x128xf32, #tpu.memory_space<vmem>>[vector<16xi32>, vector<16xi32>, vector<16xi32>], vector<16xf32>,
          %shift_right_arithmetic3A_827 = arith.constant 1 : i32
          %shift_right_arithmetic3A_828 = vector.broadcast %shift_right_arithmetic3A_827 : i32 to vector<16xi32>
          %shift_right_arithmetic3A_829 = arith.shrsi %add3A_755, %shift_right_arithmetic3A_828 : vector<16xi32>
          %and3A_830 = arith.constant 1 : i32
          %and3A_831 = vector.broadcast %and3A_830 : i32 to vector<16xi32>
          %and3A_832 = arith.andi %add3A_755, %and3A_831 : vector<16xi32>
          %shift_left3A_833 = arith.constant 6 : i32
          %shift_left3A_834 = vector.broadcast %shift_left3A_833 : i32 to vector<16xi32>
          %shift_left3A_835 = arith.shli %and3A_832, %shift_left3A_834 : vector<16xi32>
          %add3A_836 = arith.addi %shift_left3A_835, %add3A_628 : vector<16xi32>
          tpu.vector_store_idx %arg5[%mul3A_106, %shift_right_arithmetic3A_829, %add3A_836], %gather3A_756 : memref<2x192x128xf32, #tpu.memory_space<vmem>>[vector<16xi32>, vector<16xi32>, vector<16xi32>], vector<16xf32>,
          %add3A_837 = arith.constant 48 : i32
          %add3A_838 = vector.broadcast %add3A_837 : i32 to vector<16xi32>
          %add3A_839 = arith.addi %iota3A, %add3A_838 : vector<16xi32>
          %add3A_840 = vector.broadcast %mul3A_206 : i32 to vector<16xi32>
          %add3A_841 = arith.addi %and3A_13, %add3A_840 : vector<16xi32>
          %gather3A_842 = tpu.vector_load_idx %arg4[%mul3A_106, %add3A_839, %add3A_841] : memref<2x64x384xf32, #tpu.memory_space<vmem>>[vector<16xi32>, vector<16xi32>, vector<16xi32>], vector<16xf32>,
          %add3A_843 = vector.broadcast %mul3A_206 : i32 to vector<16xi32>
          %add3A_844 = arith.addi %and3A_19, %add3A_843 : vector<16xi32>
          %gather3A_845 = tpu.vector_load_idx %arg4[%mul3A_106, %add3A_839, %add3A_844] : memref<2x64x384xf32, #tpu.memory_space<vmem>>[vector<16xi32>, vector<16xi32>, vector<16xi32>], vector<16xf32>,
          %add3A_846 = vector.broadcast %mul3A_206 : i32 to vector<16xi32>
          %add3A_847 = arith.addi %and3A_25, %add3A_846 : vector<16xi32>
          %gather3A_848 = tpu.vector_load_idx %arg4[%mul3A_106, %add3A_839, %add3A_847] : memref<2x64x384xf32, #tpu.memory_space<vmem>>[vector<16xi32>, vector<16xi32>, vector<16xi32>], vector<16xf32>,
          %add3A_849 = vector.broadcast %mul3A_206 : i32 to vector<16xi32>
          %add3A_850 = arith.addi %and3A_31, %add3A_849 : vector<16xi32>
          %gather3A_851 = tpu.vector_load_idx %arg4[%mul3A_106, %add3A_839, %add3A_850] : memref<2x64x384xf32, #tpu.memory_space<vmem>>[vector<16xi32>, vector<16xi32>, vector<16xi32>], vector<16xf32>,
          %add3A_852 = vector.broadcast %mul3A_206 : i32 to vector<16xi32>
          %add3A_853 = arith.addi %and3A_37, %add3A_852 : vector<16xi32>
          %gather3A_854 = tpu.vector_load_idx %arg4[%mul3A_106, %add3A_839, %add3A_853] : memref<2x64x384xf32, #tpu.memory_space<vmem>>[vector<16xi32>, vector<16xi32>, vector<16xi32>], vector<16xf32>,
          %add3A_855 = vector.broadcast %mul3A_206 : i32 to vector<16xi32>
          %add3A_856 = arith.addi %and3A_43, %add3A_855 : vector<16xi32>
          %gather3A_857 = tpu.vector_load_idx %arg4[%mul3A_106, %add3A_839, %add3A_856] : memref<2x64x384xf32, #tpu.memory_space<vmem>>[vector<16xi32>, vector<16xi32>, vector<16xi32>], vector<16xf32>,
          %add3A_858 = vector.broadcast %mul3A_206 : i32 to vector<16xi32>
          %add3A_859 = arith.addi %and3A_49, %add3A_858 : vector<16xi32>
          %gather3A_860 = tpu.vector_load_idx %arg4[%mul3A_106, %add3A_839, %add3A_859] : memref<2x64x384xf32, #tpu.memory_space<vmem>>[vector<16xi32>, vector<16xi32>, vector<16xi32>], vector<16xf32>,
          %add3A_861 = vector.broadcast %mul3A_206 : i32 to vector<16xi32>
          %add3A_862 = arith.addi %and3A_55, %add3A_861 : vector<16xi32>
          %gather3A_863 = tpu.vector_load_idx %arg4[%mul3A_106, %add3A_839, %add3A_862] : memref<2x64x384xf32, #tpu.memory_space<vmem>>[vector<16xi32>, vector<16xi32>, vector<16xi32>], vector<16xf32>,
          %shift_right_arithmetic3A_864 = arith.constant 1 : i32
          %shift_right_arithmetic3A_865 = vector.broadcast %shift_right_arithmetic3A_864 : i32 to vector<16xi32>
          %shift_right_arithmetic3A_866 = arith.shrsi %add3A_841, %shift_right_arithmetic3A_865 : vector<16xi32>
          %and3A_867 = arith.constant 1 : i32
          %and3A_868 = vector.broadcast %and3A_867 : i32 to vector<16xi32>
          %and3A_869 = arith.andi %add3A_841, %and3A_868 : vector<16xi32>
          %shift_left3A_870 = arith.constant 6 : i32
          %shift_left3A_871 = vector.broadcast %shift_left3A_870 : i32 to vector<16xi32>
          %shift_left3A_872 = arith.shli %and3A_869, %shift_left3A_871 : vector<16xi32>
          %add3A_873 = arith.addi %shift_left3A_872, %add3A_839 : vector<16xi32>
          tpu.vector_store_idx %arg5[%mul3A_106, %shift_right_arithmetic3A_866, %add3A_873], %gather3A_842 : memref<2x192x128xf32, #tpu.memory_space<vmem>>[vector<16xi32>, vector<16xi32>, vector<16xi32>], vector<16xf32>,
          %shift_right_arithmetic3A_874 = arith.constant 1 : i32
          %shift_right_arithmetic3A_875 = vector.broadcast %shift_right_arithmetic3A_874 : i32 to vector<16xi32>
          %shift_right_arithmetic3A_876 = arith.shrsi %add3A_844, %shift_right_arithmetic3A_875 : vector<16xi32>
          %and3A_877 = arith.constant 1 : i32
          %and3A_878 = vector.broadcast %and3A_877 : i32 to vector<16xi32>
          %and3A_879 = arith.andi %add3A_844, %and3A_878 : vector<16xi32>
          %shift_left3A_880 = arith.constant 6 : i32
          %shift_left3A_881 = vector.broadcast %shift_left3A_880 : i32 to vector<16xi32>
          %shift_left3A_882 = arith.shli %and3A_879, %shift_left3A_881 : vector<16xi32>
          %add3A_883 = arith.addi %shift_left3A_882, %add3A_839 : vector<16xi32>
          tpu.vector_store_idx %arg5[%mul3A_106, %shift_right_arithmetic3A_876, %add3A_883], %gather3A_845 : memref<2x192x128xf32, #tpu.memory_space<vmem>>[vector<16xi32>, vector<16xi32>, vector<16xi32>], vector<16xf32>,
          %shift_right_arithmetic3A_884 = arith.constant 1 : i32
          %shift_right_arithmetic3A_885 = vector.broadcast %shift_right_arithmetic3A_884 : i32 to vector<16xi32>
          %shift_right_arithmetic3A_886 = arith.shrsi %add3A_847, %shift_right_arithmetic3A_885 : vector<16xi32>
          %and3A_887 = arith.constant 1 : i32
          %and3A_888 = vector.broadcast %and3A_887 : i32 to vector<16xi32>
          %and3A_889 = arith.andi %add3A_847, %and3A_888 : vector<16xi32>
          %shift_left3A_890 = arith.constant 6 : i32
          %shift_left3A_891 = vector.broadcast %shift_left3A_890 : i32 to vector<16xi32>
          %shift_left3A_892 = arith.shli %and3A_889, %shift_left3A_891 : vector<16xi32>
          %add3A_893 = arith.addi %shift_left3A_892, %add3A_839 : vector<16xi32>
          tpu.vector_store_idx %arg5[%mul3A_106, %shift_right_arithmetic3A_886, %add3A_893], %gather3A_848 : memref<2x192x128xf32, #tpu.memory_space<vmem>>[vector<16xi32>, vector<16xi32>, vector<16xi32>], vector<16xf32>,
          %shift_right_arithmetic3A_894 = arith.constant 1 : i32
          %shift_right_arithmetic3A_895 = vector.broadcast %shift_right_arithmetic3A_894 : i32 to vector<16xi32>
          %shift_right_arithmetic3A_896 = arith.shrsi %add3A_850, %shift_right_arithmetic3A_895 : vector<16xi32>
          %and3A_897 = arith.constant 1 : i32
          %and3A_898 = vector.broadcast %and3A_897 : i32 to vector<16xi32>
          %and3A_899 = arith.andi %add3A_850, %and3A_898 : vector<16xi32>
          %shift_left3A_900 = arith.constant 6 : i32
          %shift_left3A_901 = vector.broadcast %shift_left3A_900 : i32 to vector<16xi32>
          %shift_left3A_902 = arith.shli %and3A_899, %shift_left3A_901 : vector<16xi32>
          %add3A_903 = arith.addi %shift_left3A_902, %add3A_839 : vector<16xi32>
          tpu.vector_store_idx %arg5[%mul3A_106, %shift_right_arithmetic3A_896, %add3A_903], %gather3A_851 : memref<2x192x128xf32, #tpu.memory_space<vmem>>[vector<16xi32>, vector<16xi32>, vector<16xi32>], vector<16xf32>,
          %shift_right_arithmetic3A_904 = arith.constant 1 : i32
          %shift_right_arithmetic3A_905 = vector.broadcast %shift_right_arithmetic3A_904 : i32 to vector<16xi32>
          %shift_right_arithmetic3A_906 = arith.shrsi %add3A_853, %shift_right_arithmetic3A_905 : vector<16xi32>
          %and3A_907 = arith.constant 1 : i32
          %and3A_908 = vector.broadcast %and3A_907 : i32 to vector<16xi32>
          %and3A_909 = arith.andi %add3A_853, %and3A_908 : vector<16xi32>
          %shift_left3A_910 = arith.constant 6 : i32
          %shift_left3A_911 = vector.broadcast %shift_left3A_910 : i32 to vector<16xi32>
          %shift_left3A_912 = arith.shli %and3A_909, %shift_left3A_911 : vector<16xi32>
          %add3A_913 = arith.addi %shift_left3A_912, %add3A_839 : vector<16xi32>
          tpu.vector_store_idx %arg5[%mul3A_106, %shift_right_arithmetic3A_906, %add3A_913], %gather3A_854 : memref<2x192x128xf32, #tpu.memory_space<vmem>>[vector<16xi32>, vector<16xi32>, vector<16xi32>], vector<16xf32>,
          %shift_right_arithmetic3A_914 = arith.constant 1 : i32
          %shift_right_arithmetic3A_915 = vector.broadcast %shift_right_arithmetic3A_914 : i32 to vector<16xi32>
          %shift_right_arithmetic3A_916 = arith.shrsi %add3A_856, %shift_right_arithmetic3A_915 : vector<16xi32>
          %and3A_917 = arith.constant 1 : i32
          %and3A_918 = vector.broadcast %and3A_917 : i32 to vector<16xi32>
          %and3A_919 = arith.andi %add3A_856, %and3A_918 : vector<16xi32>
          %shift_left3A_920 = arith.constant 6 : i32
          %shift_left3A_921 = vector.broadcast %shift_left3A_920 : i32 to vector<16xi32>
          %shift_left3A_922 = arith.shli %and3A_919, %shift_left3A_921 : vector<16xi32>
          %add3A_923 = arith.addi %shift_left3A_922, %add3A_839 : vector<16xi32>
          tpu.vector_store_idx %arg5[%mul3A_106, %shift_right_arithmetic3A_916, %add3A_923], %gather3A_857 : memref<2x192x128xf32, #tpu.memory_space<vmem>>[vector<16xi32>, vector<16xi32>, vector<16xi32>], vector<16xf32>,
          %shift_right_arithmetic3A_924 = arith.constant 1 : i32
          %shift_right_arithmetic3A_925 = vector.broadcast %shift_right_arithmetic3A_924 : i32 to vector<16xi32>
          %shift_right_arithmetic3A_926 = arith.shrsi %add3A_859, %shift_right_arithmetic3A_925 : vector<16xi32>
          %and3A_927 = arith.constant 1 : i32
          %and3A_928 = vector.broadcast %and3A_927 : i32 to vector<16xi32>
          %and3A_929 = arith.andi %add3A_859, %and3A_928 : vector<16xi32>
          %shift_left3A_930 = arith.constant 6 : i32
          %shift_left3A_931 = vector.broadcast %shift_left3A_930 : i32 to vector<16xi32>
          %shift_left3A_932 = arith.shli %and3A_929, %shift_left3A_931 : vector<16xi32>
          %add3A_933 = arith.addi %shift_left3A_932, %add3A_839 : vector<16xi32>
          tpu.vector_store_idx %arg5[%mul3A_106, %shift_right_arithmetic3A_926, %add3A_933], %gather3A_860 : memref<2x192x128xf32, #tpu.memory_space<vmem>>[vector<16xi32>, vector<16xi32>, vector<16xi32>], vector<16xf32>,
          %shift_right_arithmetic3A_934 = arith.constant 1 : i32
          %shift_right_arithmetic3A_935 = vector.broadcast %shift_right_arithmetic3A_934 : i32 to vector<16xi32>
          %shift_right_arithmetic3A_936 = arith.shrsi %add3A_862, %shift_right_arithmetic3A_935 : vector<16xi32>
          %and3A_937 = arith.constant 1 : i32
          %and3A_938 = vector.broadcast %and3A_937 : i32 to vector<16xi32>
          %and3A_939 = arith.andi %add3A_862, %and3A_938 : vector<16xi32>
          %shift_left3A_940 = arith.constant 6 : i32
          %shift_left3A_941 = vector.broadcast %shift_left3A_940 : i32 to vector<16xi32>
          %shift_left3A_942 = arith.shli %and3A_939, %shift_left3A_941 : vector<16xi32>
          %add3A_943 = arith.addi %shift_left3A_942, %add3A_839 : vector<16xi32>
          tpu.vector_store_idx %arg5[%mul3A_106, %shift_right_arithmetic3A_936, %add3A_943], %gather3A_863 : memref<2x192x128xf32, #tpu.memory_space<vmem>>[vector<16xi32>, vector<16xi32>, vector<16xi32>], vector<16xf32>,
          %add3A_944 = vector.broadcast %mul3A_206 : i32 to vector<16xi32>
          %add3A_945 = arith.addi %and3A_61, %add3A_944 : vector<16xi32>
          %gather3A_946 = tpu.vector_load_idx %arg4[%mul3A_106, %add3A_839, %add3A_945] : memref<2x64x384xf32, #tpu.memory_space<vmem>>[vector<16xi32>, vector<16xi32>, vector<16xi32>], vector<16xf32>,
          %add3A_947 = vector.broadcast %mul3A_206 : i32 to vector<16xi32>
          %add3A_948 = arith.addi %and3A_67, %add3A_947 : vector<16xi32>
          %gather3A_949 = tpu.vector_load_idx %arg4[%mul3A_106, %add3A_839, %add3A_948] : memref<2x64x384xf32, #tpu.memory_space<vmem>>[vector<16xi32>, vector<16xi32>, vector<16xi32>], vector<16xf32>,
          %add3A_950 = vector.broadcast %mul3A_206 : i32 to vector<16xi32>
          %add3A_951 = arith.addi %and3A_73, %add3A_950 : vector<16xi32>
          %gather3A_952 = tpu.vector_load_idx %arg4[%mul3A_106, %add3A_839, %add3A_951] : memref<2x64x384xf32, #tpu.memory_space<vmem>>[vector<16xi32>, vector<16xi32>, vector<16xi32>], vector<16xf32>,
          %add3A_953 = vector.broadcast %mul3A_206 : i32 to vector<16xi32>
          %add3A_954 = arith.addi %and3A_79, %add3A_953 : vector<16xi32>
          %gather3A_955 = tpu.vector_load_idx %arg4[%mul3A_106, %add3A_839, %add3A_954] : memref<2x64x384xf32, #tpu.memory_space<vmem>>[vector<16xi32>, vector<16xi32>, vector<16xi32>], vector<16xf32>,
          %add3A_956 = vector.broadcast %mul3A_206 : i32 to vector<16xi32>
          %add3A_957 = arith.addi %and3A_85, %add3A_956 : vector<16xi32>
          %gather3A_958 = tpu.vector_load_idx %arg4[%mul3A_106, %add3A_839, %add3A_957] : memref<2x64x384xf32, #tpu.memory_space<vmem>>[vector<16xi32>, vector<16xi32>, vector<16xi32>], vector<16xf32>,
          %add3A_959 = vector.broadcast %mul3A_206 : i32 to vector<16xi32>
          %add3A_960 = arith.addi %and3A_91, %add3A_959 : vector<16xi32>
          %gather3A_961 = tpu.vector_load_idx %arg4[%mul3A_106, %add3A_839, %add3A_960] : memref<2x64x384xf32, #tpu.memory_space<vmem>>[vector<16xi32>, vector<16xi32>, vector<16xi32>], vector<16xf32>,
          %add3A_962 = vector.broadcast %mul3A_206 : i32 to vector<16xi32>
          %add3A_963 = arith.addi %and3A_97, %add3A_962 : vector<16xi32>
          %gather3A_964 = tpu.vector_load_idx %arg4[%mul3A_106, %add3A_839, %add3A_963] : memref<2x64x384xf32, #tpu.memory_space<vmem>>[vector<16xi32>, vector<16xi32>, vector<16xi32>], vector<16xf32>,
          %add3A_965 = vector.broadcast %mul3A_206 : i32 to vector<16xi32>
          %add3A_966 = arith.addi %and3A_103, %add3A_965 : vector<16xi32>
          %gather3A_967 = tpu.vector_load_idx %arg4[%mul3A_106, %add3A_839, %add3A_966] : memref<2x64x384xf32, #tpu.memory_space<vmem>>[vector<16xi32>, vector<16xi32>, vector<16xi32>], vector<16xf32>,
          %shift_right_arithmetic3A_968 = arith.constant 1 : i32
          %shift_right_arithmetic3A_969 = vector.broadcast %shift_right_arithmetic3A_968 : i32 to vector<16xi32>
          %shift_right_arithmetic3A_970 = arith.shrsi %add3A_945, %shift_right_arithmetic3A_969 : vector<16xi32>
          %and3A_971 = arith.constant 1 : i32
          %and3A_972 = vector.broadcast %and3A_971 : i32 to vector<16xi32>
          %and3A_973 = arith.andi %add3A_945, %and3A_972 : vector<16xi32>
          %shift_left3A_974 = arith.constant 6 : i32
          %shift_left3A_975 = vector.broadcast %shift_left3A_974 : i32 to vector<16xi32>
          %shift_left3A_976 = arith.shli %and3A_973, %shift_left3A_975 : vector<16xi32>
          %add3A_977 = arith.addi %shift_left3A_976, %add3A_839 : vector<16xi32>
          tpu.vector_store_idx %arg5[%mul3A_106, %shift_right_arithmetic3A_970, %add3A_977], %gather3A_946 : memref<2x192x128xf32, #tpu.memory_space<vmem>>[vector<16xi32>, vector<16xi32>, vector<16xi32>], vector<16xf32>,
          %shift_right_arithmetic3A_978 = arith.constant 1 : i32
          %shift_right_arithmetic3A_979 = vector.broadcast %shift_right_arithmetic3A_978 : i32 to vector<16xi32>
          %shift_right_arithmetic3A_980 = arith.shrsi %add3A_948, %shift_right_arithmetic3A_979 : vector<16xi32>
          %and3A_981 = arith.constant 1 : i32
          %and3A_982 = vector.broadcast %and3A_981 : i32 to vector<16xi32>
          %and3A_983 = arith.andi %add3A_948, %and3A_982 : vector<16xi32>
          %shift_left3A_984 = arith.constant 6 : i32
          %shift_left3A_985 = vector.broadcast %shift_left3A_984 : i32 to vector<16xi32>
          %shift_left3A_986 = arith.shli %and3A_983, %shift_left3A_985 : vector<16xi32>
          %add3A_987 = arith.addi %shift_left3A_986, %add3A_839 : vector<16xi32>
          tpu.vector_store_idx %arg5[%mul3A_106, %shift_right_arithmetic3A_980, %add3A_987], %gather3A_949 : memref<2x192x128xf32, #tpu.memory_space<vmem>>[vector<16xi32>, vector<16xi32>, vector<16xi32>], vector<16xf32>,
          %shift_right_arithmetic3A_988 = arith.constant 1 : i32
          %shift_right_arithmetic3A_989 = vector.broadcast %shift_right_arithmetic3A_988 : i32 to vector<16xi32>
          %shift_right_arithmetic3A_990 = arith.shrsi %add3A_951, %shift_right_arithmetic3A_989 : vector<16xi32>
          %and3A_991 = arith.constant 1 : i32
          %and3A_992 = vector.broadcast %and3A_991 : i32 to vector<16xi32>
          %and3A_993 = arith.andi %add3A_951, %and3A_992 : vector<16xi32>
          %shift_left3A_994 = arith.constant 6 : i32
          %shift_left3A_995 = vector.broadcast %shift_left3A_994 : i32 to vector<16xi32>
          %shift_left3A_996 = arith.shli %and3A_993, %shift_left3A_995 : vector<16xi32>
          %add3A_997 = arith.addi %shift_left3A_996, %add3A_839 : vector<16xi32>
          tpu.vector_store_idx %arg5[%mul3A_106, %shift_right_arithmetic3A_990, %add3A_997], %gather3A_952 : memref<2x192x128xf32, #tpu.memory_space<vmem>>[vector<16xi32>, vector<16xi32>, vector<16xi32>], vector<16xf32>,
          %shift_right_arithmetic3A_998 = arith.constant 1 : i32
          %shift_right_arithmetic3A_999 = vector.broadcast %shift_right_arithmetic3A_998 : i32 to vector<16xi32>
          %shift_right_arithmetic3A_1000 = arith.shrsi %add3A_954, %shift_right_arithmetic3A_999 : vector<16xi32>
          %and3A_1001 = arith.constant 1 : i32
          %and3A_1002 = vector.broadcast %and3A_1001 : i32 to vector<16xi32>
          %and3A_1003 = arith.andi %add3A_954, %and3A_1002 : vector<16xi32>
          %shift_left3A_1004 = arith.constant 6 : i32
          %shift_left3A_1005 = vector.broadcast %shift_left3A_1004 : i32 to vector<16xi32>
          %shift_left3A_1006 = arith.shli %and3A_1003, %shift_left3A_1005 : vector<16xi32>
          %add3A_1007 = arith.addi %shift_left3A_1006, %add3A_839 : vector<16xi32>
          tpu.vector_store_idx %arg5[%mul3A_106, %shift_right_arithmetic3A_1000, %add3A_1007], %gather3A_955 : memref<2x192x128xf32, #tpu.memory_space<vmem>>[vector<16xi32>, vector<16xi32>, vector<16xi32>], vector<16xf32>,
          %shift_right_arithmetic3A_1008 = arith.constant 1 : i32
          %shift_right_arithmetic3A_1009 = vector.broadcast %shift_right_arithmetic3A_1008 : i32 to vector<16xi32>
          %shift_right_arithmetic3A_1010 = arith.shrsi %add3A_957, %shift_right_arithmetic3A_1009 : vector<16xi32>
          %and3A_1011 = arith.constant 1 : i32
          %and3A_1012 = vector.broadcast %and3A_1011 : i32 to vector<16xi32>
          %and3A_1013 = arith.andi %add3A_957, %and3A_1012 : vector<16xi32>
          %shift_left3A_1014 = arith.constant 6 : i32
          %shift_left3A_1015 = vector.broadcast %shift_left3A_1014 : i32 to vector<16xi32>
          %shift_left3A_1016 = arith.shli %and3A_1013, %shift_left3A_1015 : vector<16xi32>
          %add3A_1017 = arith.addi %shift_left3A_1016, %add3A_839 : vector<16xi32>
          tpu.vector_store_idx %arg5[%mul3A_106, %shift_right_arithmetic3A_1010, %add3A_1017], %gather3A_958 : memref<2x192x128xf32, #tpu.memory_space<vmem>>[vector<16xi32>, vector<16xi32>, vector<16xi32>], vector<16xf32>,
          %shift_right_arithmetic3A_1018 = arith.constant 1 : i32
          %shift_right_arithmetic3A_1019 = vector.broadcast %shift_right_arithmetic3A_1018 : i32 to vector<16xi32>
          %shift_right_arithmetic3A_1020 = arith.shrsi %add3A_960, %shift_right_arithmetic3A_1019 : vector<16xi32>
          %and3A_1021 = arith.constant 1 : i32
          %and3A_1022 = vector.broadcast %and3A_1021 : i32 to vector<16xi32>
          %and3A_1023 = arith.andi %add3A_960, %and3A_1022 : vector<16xi32>
          %shift_left3A_1024 = arith.constant 6 : i32
          %shift_left3A_1025 = vector.broadcast %shift_left3A_1024 : i32 to vector<16xi32>
          %shift_left3A_1026 = arith.shli %and3A_1023, %shift_left3A_1025 : vector<16xi32>
          %add3A_1027 = arith.addi %shift_left3A_1026, %add3A_839 : vector<16xi32>
          tpu.vector_store_idx %arg5[%mul3A_106, %shift_right_arithmetic3A_1020, %add3A_1027], %gather3A_961 : memref<2x192x128xf32, #tpu.memory_space<vmem>>[vector<16xi32>, vector<16xi32>, vector<16xi32>], vector<16xf32>,
          %shift_right_arithmetic3A_1028 = arith.constant 1 : i32
          %shift_right_arithmetic3A_1029 = vector.broadcast %shift_right_arithmetic3A_1028 : i32 to vector<16xi32>
          %shift_right_arithmetic3A_1030 = arith.shrsi %add3A_963, %shift_right_arithmetic3A_1029 : vector<16xi32>
          %and3A_1031 = arith.constant 1 : i32
          %and3A_1032 = vector.broadcast %and3A_1031 : i32 to vector<16xi32>
          %and3A_1033 = arith.andi %add3A_963, %and3A_1032 : vector<16xi32>
          %shift_left3A_1034 = arith.constant 6 : i32
          %shift_left3A_1035 = vector.broadcast %shift_left3A_1034 : i32 to vector<16xi32>
          %shift_left3A_1036 = arith.shli %and3A_1033, %shift_left3A_1035 : vector<16xi32>
          %add3A_1037 = arith.addi %shift_left3A_1036, %add3A_839 : vector<16xi32>
          tpu.vector_store_idx %arg5[%mul3A_106, %shift_right_arithmetic3A_1030, %add3A_1037], %gather3A_964 : memref<2x192x128xf32, #tpu.memory_space<vmem>>[vector<16xi32>, vector<16xi32>, vector<16xi32>], vector<16xf32>,
          %shift_right_arithmetic3A_1038 = arith.constant 1 : i32
          %shift_right_arithmetic3A_1039 = vector.broadcast %shift_right_arithmetic3A_1038 : i32 to vector<16xi32>
          %shift_right_arithmetic3A_1040 = arith.shrsi %add3A_966, %shift_right_arithmetic3A_1039 : vector<16xi32>
          %and3A_1041 = arith.constant 1 : i32
          %and3A_1042 = vector.broadcast %and3A_1041 : i32 to vector<16xi32>
          %and3A_1043 = arith.andi %add3A_966, %and3A_1042 : vector<16xi32>
          %shift_left3A_1044 = arith.constant 6 : i32
          %shift_left3A_1045 = vector.broadcast %shift_left3A_1044 : i32 to vector<16xi32>
          %shift_left3A_1046 = arith.shli %and3A_1043, %shift_left3A_1045 : vector<16xi32>
          %add3A_1047 = arith.addi %shift_left3A_1046, %add3A_839 : vector<16xi32>
          tpu.vector_store_idx %arg5[%mul3A_106, %shift_right_arithmetic3A_1040, %add3A_1047], %gather3A_967 : memref<2x192x128xf32, #tpu.memory_space<vmem>>[vector<16xi32>, vector<16xi32>, vector<16xi32>], vector<16xf32>,
        }
        %scan3A_187 = arith.constant 24 : i32
        %add3A_188 = arith.addi %add3A_4, %add3A_143 : i32
        %mul3A_189 = arith.constant 192 : i32
        %mul3A_190 = arith.muli %add3A_188, %mul3A_189 : i32
        %multiple_of3A_191 = tpu.assume_multiple %mul3A_190, 8 : i32
        %dma_start3A = arith.constant 0 : i32
        %dma_start3A_192 = arith.constant 0 : i32
        %dma_start3A_193 = arith.constant 0 : i32
        %dma_start3A_194 = tpu.memref_slice %arg5[%dma_start3A, %dma_start3A_192, %dma_start3A_193] : memref<2x192x128xf32, #tpu.memory_space<vmem>> -> memref<1x192x128xf32, #tpu.memory_space<vmem>>
        %dma_start3A_195 = tpu.memref_squeeze %dma_start3A_194 : memref<1x192x128xf32, #tpu.memory_space<vmem>> -> memref<192x128xf32, #tpu.memory_space<vmem>>
        %dma_start3A_196 = arith.constant 0 : i32
        %dma_start3A_197 = tpu.memref_slice %arg3[%multiple_of3A_191, %dma_start3A_196] : memref<500000x128xf32, #tpu.memory_space<hbm>> -> memref<192x128xf32, #tpu.memory_space<hbm>>
        %dma_start3A_198 = arith.constant 0 : i32
        %dma_start3A_199 = tpu.memref_slice %arg3[%multiple_of3A_191, %dma_start3A_198] : memref<500000x128xf32, #tpu.memory_space<hbm>> -> memref<192x128xf32, #tpu.memory_space<hbm>>
        %dma_start3A_200 = arith.constant 0 : i32
        %dma_start3A_201 = arith.constant 0 : i32
        %dma_start3A_202 = tpu.memref_slice %arg5[%dma_start3A, %dma_start3A_200, %dma_start3A_201] : memref<2x192x128xf32, #tpu.memory_space<vmem>> -> memref<1x192x128xf32, #tpu.memory_space<vmem>>
        %dma_start3A_203 = tpu.memref_squeeze %dma_start3A_202 : memref<1x192x128xf32, #tpu.memory_space<vmem>> -> memref<192x128xf32, #tpu.memory_space<vmem>>
        tpu.enqueue_dma source(%dma_start3A_203 : memref<192x128xf32, #tpu.memory_space<vmem>>) target(%dma_start3A_199 : memref<192x128xf32, #tpu.memory_space<hbm>>) target_semaphore(%arg8 : memref<!tpu.dma_semaphore, #tpu.memory_space<semaphore_mem>>)
      } else {
      }
      %mul3A_148 = arith.constant 2 : i32
      %mul3A_149 = arith.muli %scan3A_139, %mul3A_148 : i32
      %add3A_150 = arith.constant 1 : i32
      %add3A_151 = arith.addi %mul3A_149, %add3A_150 : i32
      %lt3A_152 = arith.cmpi slt, %add3A_151, %add3A_8 : i32
      %convert_element_type3A_153 = arith.extui %lt3A_152 : i1 to i32
      %cond3A_154 = arith.constant 0 : i32
      %cond3A_155 = arith.cmpi ne, %convert_element_type3A_153, %cond3A_154 : i32
      scf.if %cond3A_155 {
        %add3A_156 = arith.constant 1 : i32
        %add3A_157 = arith.addi %add3A_151, %add3A_156 : i32
        %lt3A_158 = arith.cmpi slt, %add3A_157, %add3A_8 : i32
        %convert_element_type3A_159 = arith.extui %lt3A_158 : i1 to i32
        %cond3A_160 = arith.constant 0 : i32
        %cond3A_161 = arith.cmpi ne, %convert_element_type3A_159, %cond3A_160 : i32
        scf.if %cond3A_161 {
          %add3A_204 = arith.addi %add3A_4, %add3A_151 : i32
          %add3A_205 = arith.constant 1 : i32
          %add3A_206 = arith.addi %add3A_204, %add3A_205 : i32
          %mul3A_207 = arith.constant 384 : i32
          %mul3A_208 = arith.muli %add3A_206, %mul3A_207 : i32
          %multiple_of3A_209 = tpu.assume_multiple %mul3A_208, 128 : i32
          %dma_start3A_210 = arith.constant 0 : i32
          %dma_start3A_211 = arith.constant 0 : i32
          %dma_start3A_212 = arith.constant 0 : i32
          %dma_start3A_213 = tpu.memref_slice %arg4[%dma_start3A_210, %dma_start3A_211, %dma_start3A_212] : memref<2x64x384xf32, #tpu.memory_space<vmem>> -> memref<1x64x384xf32, #tpu.memory_space<vmem>>
          %dma_start3A_214 = tpu.memref_squeeze %dma_start3A_213 : memref<1x64x384xf32, #tpu.memory_space<vmem>> -> memref<64x384xf32, #tpu.memory_space<vmem>>
          %dma_start3A_215 = arith.constant 0 : i32
          %dma_start3A_216 = tpu.memref_slice %arg2[%dma_start3A_215, %multiple_of3A_209] : memref<64x1000000xf32, #tpu.memory_space<hbm>> -> memref<64x384xf32, #tpu.memory_space<hbm>>
          %dma_start3A_217 = arith.constant 0 : i32
          %dma_start3A_218 = arith.constant 0 : i32
          %dma_start3A_219 = tpu.memref_slice %arg4[%dma_start3A_210, %dma_start3A_217, %dma_start3A_218] : memref<2x64x384xf32, #tpu.memory_space<vmem>> -> memref<1x64x384xf32, #tpu.memory_space<vmem>>
          %dma_start3A_220 = tpu.memref_squeeze %dma_start3A_219 : memref<1x64x384xf32, #tpu.memory_space<vmem>> -> memref<64x384xf32, #tpu.memory_space<vmem>>
          %dma_start3A_221 = arith.constant 0 : i32
          %dma_start3A_222 = tpu.memref_slice %arg2[%dma_start3A_221, %multiple_of3A_209] : memref<64x1000000xf32, #tpu.memory_space<hbm>> -> memref<64x384xf32, #tpu.memory_space<hbm>>
          tpu.enqueue_dma source(%dma_start3A_222 : memref<64x384xf32, #tpu.memory_space<hbm>>) target(%dma_start3A_220 : memref<64x384xf32, #tpu.memory_space<vmem>>) target_semaphore(%arg6 : memref<!tpu.dma_semaphore, #tpu.memory_space<semaphore_mem>>)
        } else {
        }
        %add3A_162 = arith.addi %add3A_4, %add3A_151 : i32
        %mul3A_163 = arith.constant 384 : i32
        %mul3A_164 = arith.muli %add3A_162, %mul3A_163 : i32
        %multiple_of3A = tpu.assume_multiple %mul3A_164, 128 : i32
        %dma_wait3A_165 = arith.constant 1 : i32
        %dma_wait3A_166 = arith.constant 0 : i32
        %dma_wait3A_167 = arith.constant 0 : i32
        %dma_wait3A_168 = tpu.memref_slice %arg4[%dma_wait3A_165, %dma_wait3A_166, %dma_wait3A_167] : memref<2x64x384xf32, #tpu.memory_space<vmem>> -> memref<1x64x384xf32, #tpu.memory_space<vmem>>
        %dma_wait3A_169 = tpu.memref_squeeze %dma_wait3A_168 : memref<1x64x384xf32, #tpu.memory_space<vmem>> -> memref<64x384xf32, #tpu.memory_space<vmem>>
        %dma_wait3A_170 = arith.constant 0 : i32
        %dma_wait3A_171 = tpu.memref_slice %arg2[%dma_wait3A_170, %multiple_of3A] : memref<64x1000000xf32, #tpu.memory_space<hbm>> -> memref<64x384xf32, #tpu.memory_space<hbm>>
        %dma_wait3A_172 = arith.constant 0 : i32
        %dma_wait3A_173 = arith.constant 0 : i32
        %dma_wait3A_174 = tpu.memref_slice %arg4[%dma_wait3A_165, %dma_wait3A_172, %dma_wait3A_173] : memref<2x64x384xf32, #tpu.memory_space<vmem>> -> memref<1x64x384xf32, #tpu.memory_space<vmem>>
        %dma_wait3A_175 = tpu.memref_squeeze %dma_wait3A_174 : memref<1x64x384xf32, #tpu.memory_space<vmem>> -> memref<64x384xf32, #tpu.memory_space<vmem>>
        %dma_wait3A_176 = arith.constant 0 : i32
        %dma_wait3A_177 = tpu.memref_slice %arg2[%dma_wait3A_176, %multiple_of3A] : memref<64x1000000xf32, #tpu.memory_space<hbm>> -> memref<64x384xf32, #tpu.memory_space<hbm>>
        tpu.wait_dma2 semaphore(%arg7 : memref<!tpu.dma_semaphore, #tpu.memory_space<semaphore_mem>>) src(%dma_wait3A_177 : memref<64x384xf32, #tpu.memory_space<hbm>>) dst(%dma_wait3A_175 : memref<64x384xf32, #tpu.memory_space<vmem>>)
        %ge3A = arith.constant 2 : i32
        %ge3A_178 = arith.cmpi sge, %add3A_151, %ge3A : i32
        %convert_element_type3A_179 = arith.extui %ge3A_178 : i1 to i32
        %cond3A_180 = arith.constant 0 : i32
        %cond3A_181 = arith.cmpi ne, %convert_element_type3A_179, %cond3A_180 : i32
        scf.if %cond3A_181 {
          %dma_wait3A_204 = arith.constant 1 : i32
          %dma_wait3A_205 = arith.constant 0 : i32
          %dma_wait3A_206 = arith.constant 0 : i32
          %dma_wait3A_207 = tpu.memref_slice %arg5[%dma_wait3A_204, %dma_wait3A_205, %dma_wait3A_206] : memref<2x192x128xf32, #tpu.memory_space<vmem>> -> memref<1x192x128xf32, #tpu.memory_space<vmem>>
          %dma_wait3A_208 = tpu.memref_squeeze %dma_wait3A_207 : memref<1x192x128xf32, #tpu.memory_space<vmem>> -> memref<192x128xf32, #tpu.memory_space<vmem>>
          %dma_wait3A_209 = arith.constant 0 : i32
          %dma_wait3A_210 = arith.constant 0 : i32
          %dma_wait3A_211 = tpu.memref_slice %arg3[%dma_wait3A_209, %dma_wait3A_210] : memref<500000x128xf32, #tpu.memory_space<hbm>> -> memref<192x128xf32, #tpu.memory_space<hbm>>
          %dma_wait3A_212 = arith.constant 0 : i32
          %dma_wait3A_213 = arith.constant 0 : i32
          %dma_wait3A_214 = tpu.memref_slice %arg3[%dma_wait3A_212, %dma_wait3A_213] : memref<500000x128xf32, #tpu.memory_space<hbm>> -> memref<192x128xf32, #tpu.memory_space<hbm>>
          %dma_wait3A_215 = arith.constant 0 : i32
          %dma_wait3A_216 = arith.constant 0 : i32
          %dma_wait3A_217 = tpu.memref_slice %arg5[%dma_wait3A_204, %dma_wait3A_215, %dma_wait3A_216] : memref<2x192x128xf32, #tpu.memory_space<vmem>> -> memref<1x192x128xf32, #tpu.memory_space<vmem>>
          %dma_wait3A_218 = tpu.memref_squeeze %dma_wait3A_217 : memref<1x192x128xf32, #tpu.memory_space<vmem>> -> memref<192x128xf32, #tpu.memory_space<vmem>>
          tpu.wait_dma2 semaphore(%arg9 : memref<!tpu.dma_semaphore, #tpu.memory_space<semaphore_mem>>) src(%dma_wait3A_218 : memref<192x128xf32, #tpu.memory_space<vmem>>) dst(%dma_wait3A_214 : memref<192x128xf32, #tpu.memory_space<hbm>>)
        } else {
        }
        %scan3A_182 = arith.constant 0 : i32
        %scan3A_183 = arith.constant 0 : i32
        %scan3A_184 = arith.constant 24 : i32
        %scan3A_185 = arith.addi %scan3A_183, %scan3A_184 : i32
        %scan3A_186 = arith.constant 1 : i32
        scf.for %scan3A_204 = %scan3A_183 to %scan3A_185 step %scan3A_186  : i32 {
          %mul3A_205 = arith.constant 16 : i32
          %mul3A_206 = arith.muli %scan3A_204, %mul3A_205 : i32
          %add3A_207 = arith.constant 0 : i32
          %add3A_208 = vector.broadcast %add3A_207 : i32 to vector<16xi32>
          %add3A_209 = arith.addi %iota3A, %add3A_208 : vector<16xi32>
          %add3A_210 = vector.broadcast %mul3A_206 : i32 to vector<16xi32>
          %add3A_211 = arith.addi %and3A_13, %add3A_210 : vector<16xi32>
          %gather3A = tpu.vector_load_idx %arg4[%add3A_112, %add3A_209, %add3A_211] : memref<2x64x384xf32, #tpu.memory_space<vmem>>[vector<16xi32>, vector<16xi32>, vector<16xi32>], vector<16xf32>,
          %add3A_212 = vector.broadcast %mul3A_206 : i32 to vector<16xi32>
          %add3A_213 = arith.addi %and3A_19, %add3A_212 : vector<16xi32>
          %gather3A_214 = tpu.vector_load_idx %arg4[%add3A_112, %add3A_209, %add3A_213] : memref<2x64x384xf32, #tpu.memory_space<vmem>>[vector<16xi32>, vector<16xi32>, vector<16xi32>], vector<16xf32>,
          %add3A_215 = vector.broadcast %mul3A_206 : i32 to vector<16xi32>
          %add3A_216 = arith.addi %and3A_25, %add3A_215 : vector<16xi32>
          %gather3A_217 = tpu.vector_load_idx %arg4[%add3A_112, %add3A_209, %add3A_216] : memref<2x64x384xf32, #tpu.memory_space<vmem>>[vector<16xi32>, vector<16xi32>, vector<16xi32>], vector<16xf32>,
          %add3A_218 = vector.broadcast %mul3A_206 : i32 to vector<16xi32>
          %add3A_219 = arith.addi %and3A_31, %add3A_218 : vector<16xi32>
          %gather3A_220 = tpu.vector_load_idx %arg4[%add3A_112, %add3A_209, %add3A_219] : memref<2x64x384xf32, #tpu.memory_space<vmem>>[vector<16xi32>, vector<16xi32>, vector<16xi32>], vector<16xf32>,
          %add3A_221 = vector.broadcast %mul3A_206 : i32 to vector<16xi32>
          %add3A_222 = arith.addi %and3A_37, %add3A_221 : vector<16xi32>
          %gather3A_223 = tpu.vector_load_idx %arg4[%add3A_112, %add3A_209, %add3A_222] : memref<2x64x384xf32, #tpu.memory_space<vmem>>[vector<16xi32>, vector<16xi32>, vector<16xi32>], vector<16xf32>,
          %add3A_224 = vector.broadcast %mul3A_206 : i32 to vector<16xi32>
          %add3A_225 = arith.addi %and3A_43, %add3A_224 : vector<16xi32>
          %gather3A_226 = tpu.vector_load_idx %arg4[%add3A_112, %add3A_209, %add3A_225] : memref<2x64x384xf32, #tpu.memory_space<vmem>>[vector<16xi32>, vector<16xi32>, vector<16xi32>], vector<16xf32>,
          %add3A_227 = vector.broadcast %mul3A_206 : i32 to vector<16xi32>
          %add3A_228 = arith.addi %and3A_49, %add3A_227 : vector<16xi32>
          %gather3A_229 = tpu.vector_load_idx %arg4[%add3A_112, %add3A_209, %add3A_228] : memref<2x64x384xf32, #tpu.memory_space<vmem>>[vector<16xi32>, vector<16xi32>, vector<16xi32>], vector<16xf32>,
          %add3A_230 = vector.broadcast %mul3A_206 : i32 to vector<16xi32>
          %add3A_231 = arith.addi %and3A_55, %add3A_230 : vector<16xi32>
          %gather3A_232 = tpu.vector_load_idx %arg4[%add3A_112, %add3A_209, %add3A_231] : memref<2x64x384xf32, #tpu.memory_space<vmem>>[vector<16xi32>, vector<16xi32>, vector<16xi32>], vector<16xf32>,
          %shift_right_arithmetic3A = arith.constant 1 : i32
          %shift_right_arithmetic3A_233 = vector.broadcast %shift_right_arithmetic3A : i32 to vector<16xi32>
          %shift_right_arithmetic3A_234 = arith.shrsi %add3A_211, %shift_right_arithmetic3A_233 : vector<16xi32>
          %and3A_235 = arith.constant 1 : i32
          %and3A_236 = vector.broadcast %and3A_235 : i32 to vector<16xi32>
          %and3A_237 = arith.andi %add3A_211, %and3A_236 : vector<16xi32>
          %shift_left3A = arith.constant 6 : i32
          %shift_left3A_238 = vector.broadcast %shift_left3A : i32 to vector<16xi32>
          %shift_left3A_239 = arith.shli %and3A_237, %shift_left3A_238 : vector<16xi32>
          %add3A_240 = arith.addi %shift_left3A_239, %add3A_209 : vector<16xi32>
          tpu.vector_store_idx %arg5[%add3A_112, %shift_right_arithmetic3A_234, %add3A_240], %gather3A : memref<2x192x128xf32, #tpu.memory_space<vmem>>[vector<16xi32>, vector<16xi32>, vector<16xi32>], vector<16xf32>,
          %shift_right_arithmetic3A_241 = arith.constant 1 : i32
          %shift_right_arithmetic3A_242 = vector.broadcast %shift_right_arithmetic3A_241 : i32 to vector<16xi32>
          %shift_right_arithmetic3A_243 = arith.shrsi %add3A_213, %shift_right_arithmetic3A_242 : vector<16xi32>
          %and3A_244 = arith.constant 1 : i32
          %and3A_245 = vector.broadcast %and3A_244 : i32 to vector<16xi32>
          %and3A_246 = arith.andi %add3A_213, %and3A_245 : vector<16xi32>
          %shift_left3A_247 = arith.constant 6 : i32
          %shift_left3A_248 = vector.broadcast %shift_left3A_247 : i32 to vector<16xi32>
          %shift_left3A_249 = arith.shli %and3A_246, %shift_left3A_248 : vector<16xi32>
          %add3A_250 = arith.addi %shift_left3A_249, %add3A_209 : vector<16xi32>
          tpu.vector_store_idx %arg5[%add3A_112, %shift_right_arithmetic3A_243, %add3A_250], %gather3A_214 : memref<2x192x128xf32, #tpu.memory_space<vmem>>[vector<16xi32>, vector<16xi32>, vector<16xi32>], vector<16xf32>,
          %shift_right_arithmetic3A_251 = arith.constant 1 : i32
          %shift_right_arithmetic3A_252 = vector.broadcast %shift_right_arithmetic3A_251 : i32 to vector<16xi32>
          %shift_right_arithmetic3A_253 = arith.shrsi %add3A_216, %shift_right_arithmetic3A_252 : vector<16xi32>
          %and3A_254 = arith.constant 1 : i32
          %and3A_255 = vector.broadcast %and3A_254 : i32 to vector<16xi32>
          %and3A_256 = arith.andi %add3A_216, %and3A_255 : vector<16xi32>
          %shift_left3A_257 = arith.constant 6 : i32
          %shift_left3A_258 = vector.broadcast %shift_left3A_257 : i32 to vector<16xi32>
          %shift_left3A_259 = arith.shli %and3A_256, %shift_left3A_258 : vector<16xi32>
          %add3A_260 = arith.addi %shift_left3A_259, %add3A_209 : vector<16xi32>
          tpu.vector_store_idx %arg5[%add3A_112, %shift_right_arithmetic3A_253, %add3A_260], %gather3A_217 : memref<2x192x128xf32, #tpu.memory_space<vmem>>[vector<16xi32>, vector<16xi32>, vector<16xi32>], vector<16xf32>,
          %shift_right_arithmetic3A_261 = arith.constant 1 : i32
          %shift_right_arithmetic3A_262 = vector.broadcast %shift_right_arithmetic3A_261 : i32 to vector<16xi32>
          %shift_right_arithmetic3A_263 = arith.shrsi %add3A_219, %shift_right_arithmetic3A_262 : vector<16xi32>
          %and3A_264 = arith.constant 1 : i32
          %and3A_265 = vector.broadcast %and3A_264 : i32 to vector<16xi32>
          %and3A_266 = arith.andi %add3A_219, %and3A_265 : vector<16xi32>
          %shift_left3A_267 = arith.constant 6 : i32
          %shift_left3A_268 = vector.broadcast %shift_left3A_267 : i32 to vector<16xi32>
          %shift_left3A_269 = arith.shli %and3A_266, %shift_left3A_268 : vector<16xi32>
          %add3A_270 = arith.addi %shift_left3A_269, %add3A_209 : vector<16xi32>
          tpu.vector_store_idx %arg5[%add3A_112, %shift_right_arithmetic3A_263, %add3A_270], %gather3A_220 : memref<2x192x128xf32, #tpu.memory_space<vmem>>[vector<16xi32>, vector<16xi32>, vector<16xi32>], vector<16xf32>,
          %shift_right_arithmetic3A_271 = arith.constant 1 : i32
          %shift_right_arithmetic3A_272 = vector.broadcast %shift_right_arithmetic3A_271 : i32 to vector<16xi32>
          %shift_right_arithmetic3A_273 = arith.shrsi %add3A_222, %shift_right_arithmetic3A_272 : vector<16xi32>
          %and3A_274 = arith.constant 1 : i32
          %and3A_275 = vector.broadcast %and3A_274 : i32 to vector<16xi32>
          %and3A_276 = arith.andi %add3A_222, %and3A_275 : vector<16xi32>
          %shift_left3A_277 = arith.constant 6 : i32
          %shift_left3A_278 = vector.broadcast %shift_left3A_277 : i32 to vector<16xi32>
          %shift_left3A_279 = arith.shli %and3A_276, %shift_left3A_278 : vector<16xi32>
          %add3A_280 = arith.addi %shift_left3A_279, %add3A_209 : vector<16xi32>
          tpu.vector_store_idx %arg5[%add3A_112, %shift_right_arithmetic3A_273, %add3A_280], %gather3A_223 : memref<2x192x128xf32, #tpu.memory_space<vmem>>[vector<16xi32>, vector<16xi32>, vector<16xi32>], vector<16xf32>,
          %shift_right_arithmetic3A_281 = arith.constant 1 : i32
          %shift_right_arithmetic3A_282 = vector.broadcast %shift_right_arithmetic3A_281 : i32 to vector<16xi32>
          %shift_right_arithmetic3A_283 = arith.shrsi %add3A_225, %shift_right_arithmetic3A_282 : vector<16xi32>
          %and3A_284 = arith.constant 1 : i32
          %and3A_285 = vector.broadcast %and3A_284 : i32 to vector<16xi32>
          %and3A_286 = arith.andi %add3A_225, %and3A_285 : vector<16xi32>
          %shift_left3A_287 = arith.constant 6 : i32
          %shift_left3A_288 = vector.broadcast %shift_left3A_287 : i32 to vector<16xi32>
          %shift_left3A_289 = arith.shli %and3A_286, %shift_left3A_288 : vector<16xi32>
          %add3A_290 = arith.addi %shift_left3A_289, %add3A_209 : vector<16xi32>
          tpu.vector_store_idx %arg5[%add3A_112, %shift_right_arithmetic3A_283, %add3A_290], %gather3A_226 : memref<2x192x128xf32, #tpu.memory_space<vmem>>[vector<16xi32>, vector<16xi32>, vector<16xi32>], vector<16xf32>,
          %shift_right_arithmetic3A_291 = arith.constant 1 : i32
          %shift_right_arithmetic3A_292 = vector.broadcast %shift_right_arithmetic3A_291 : i32 to vector<16xi32>
          %shift_right_arithmetic3A_293 = arith.shrsi %add3A_228, %shift_right_arithmetic3A_292 : vector<16xi32>
          %and3A_294 = arith.constant 1 : i32
          %and3A_295 = vector.broadcast %and3A_294 : i32 to vector<16xi32>
          %and3A_296 = arith.andi %add3A_228, %and3A_295 : vector<16xi32>
          %shift_left3A_297 = arith.constant 6 : i32
          %shift_left3A_298 = vector.broadcast %shift_left3A_297 : i32 to vector<16xi32>
          %shift_left3A_299 = arith.shli %and3A_296, %shift_left3A_298 : vector<16xi32>
          %add3A_300 = arith.addi %shift_left3A_299, %add3A_209 : vector<16xi32>
          tpu.vector_store_idx %arg5[%add3A_112, %shift_right_arithmetic3A_293, %add3A_300], %gather3A_229 : memref<2x192x128xf32, #tpu.memory_space<vmem>>[vector<16xi32>, vector<16xi32>, vector<16xi32>], vector<16xf32>,
          %shift_right_arithmetic3A_301 = arith.constant 1 : i32
          %shift_right_arithmetic3A_302 = vector.broadcast %shift_right_arithmetic3A_301 : i32 to vector<16xi32>
          %shift_right_arithmetic3A_303 = arith.shrsi %add3A_231, %shift_right_arithmetic3A_302 : vector<16xi32>
          %and3A_304 = arith.constant 1 : i32
          %and3A_305 = vector.broadcast %and3A_304 : i32 to vector<16xi32>
          %and3A_306 = arith.andi %add3A_231, %and3A_305 : vector<16xi32>
          %shift_left3A_307 = arith.constant 6 : i32
          %shift_left3A_308 = vector.broadcast %shift_left3A_307 : i32 to vector<16xi32>
          %shift_left3A_309 = arith.shli %and3A_306, %shift_left3A_308 : vector<16xi32>
          %add3A_310 = arith.addi %shift_left3A_309, %add3A_209 : vector<16xi32>
          tpu.vector_store_idx %arg5[%add3A_112, %shift_right_arithmetic3A_303, %add3A_310], %gather3A_232 : memref<2x192x128xf32, #tpu.memory_space<vmem>>[vector<16xi32>, vector<16xi32>, vector<16xi32>], vector<16xf32>,
          %add3A_311 = vector.broadcast %mul3A_206 : i32 to vector<16xi32>
          %add3A_312 = arith.addi %and3A_61, %add3A_311 : vector<16xi32>
          %gather3A_313 = tpu.vector_load_idx %arg4[%add3A_112, %add3A_209, %add3A_312] : memref<2x64x384xf32, #tpu.memory_space<vmem>>[vector<16xi32>, vector<16xi32>, vector<16xi32>], vector<16xf32>,
          %add3A_314 = vector.broadcast %mul3A_206 : i32 to vector<16xi32>
          %add3A_315 = arith.addi %and3A_67, %add3A_314 : vector<16xi32>
          %gather3A_316 = tpu.vector_load_idx %arg4[%add3A_112, %add3A_209, %add3A_315] : memref<2x64x384xf32, #tpu.memory_space<vmem>>[vector<16xi32>, vector<16xi32>, vector<16xi32>], vector<16xf32>,
          %add3A_317 = vector.broadcast %mul3A_206 : i32 to vector<16xi32>
          %add3A_318 = arith.addi %and3A_73, %add3A_317 : vector<16xi32>
          %gather3A_319 = tpu.vector_load_idx %arg4[%add3A_112, %add3A_209, %add3A_318] : memref<2x64x384xf32, #tpu.memory_space<vmem>>[vector<16xi32>, vector<16xi32>, vector<16xi32>], vector<16xf32>,
          %add3A_320 = vector.broadcast %mul3A_206 : i32 to vector<16xi32>
          %add3A_321 = arith.addi %and3A_79, %add3A_320 : vector<16xi32>
          %gather3A_322 = tpu.vector_load_idx %arg4[%add3A_112, %add3A_209, %add3A_321] : memref<2x64x384xf32, #tpu.memory_space<vmem>>[vector<16xi32>, vector<16xi32>, vector<16xi32>], vector<16xf32>,
          %add3A_323 = vector.broadcast %mul3A_206 : i32 to vector<16xi32>
          %add3A_324 = arith.addi %and3A_85, %add3A_323 : vector<16xi32>
          %gather3A_325 = tpu.vector_load_idx %arg4[%add3A_112, %add3A_209, %add3A_324] : memref<2x64x384xf32, #tpu.memory_space<vmem>>[vector<16xi32>, vector<16xi32>, vector<16xi32>], vector<16xf32>,
          %add3A_326 = vector.broadcast %mul3A_206 : i32 to vector<16xi32>
          %add3A_327 = arith.addi %and3A_91, %add3A_326 : vector<16xi32>
          %gather3A_328 = tpu.vector_load_idx %arg4[%add3A_112, %add3A_209, %add3A_327] : memref<2x64x384xf32, #tpu.memory_space<vmem>>[vector<16xi32>, vector<16xi32>, vector<16xi32>], vector<16xf32>,
          %add3A_329 = vector.broadcast %mul3A_206 : i32 to vector<16xi32>
          %add3A_330 = arith.addi %and3A_97, %add3A_329 : vector<16xi32>
          %gather3A_331 = tpu.vector_load_idx %arg4[%add3A_112, %add3A_209, %add3A_330] : memref<2x64x384xf32, #tpu.memory_space<vmem>>[vector<16xi32>, vector<16xi32>, vector<16xi32>], vector<16xf32>,
          %add3A_332 = vector.broadcast %mul3A_206 : i32 to vector<16xi32>
          %add3A_333 = arith.addi %and3A_103, %add3A_332 : vector<16xi32>
          %gather3A_334 = tpu.vector_load_idx %arg4[%add3A_112, %add3A_209, %add3A_333] : memref<2x64x384xf32, #tpu.memory_space<vmem>>[vector<16xi32>, vector<16xi32>, vector<16xi32>], vector<16xf32>,
          %shift_right_arithmetic3A_335 = arith.constant 1 : i32
          %shift_right_arithmetic3A_336 = vector.broadcast %shift_right_arithmetic3A_335 : i32 to vector<16xi32>
          %shift_right_arithmetic3A_337 = arith.shrsi %add3A_312, %shift_right_arithmetic3A_336 : vector<16xi32>
          %and3A_338 = arith.constant 1 : i32
          %and3A_339 = vector.broadcast %and3A_338 : i32 to vector<16xi32>
          %and3A_340 = arith.andi %add3A_312, %and3A_339 : vector<16xi32>
          %shift_left3A_341 = arith.constant 6 : i32
          %shift_left3A_342 = vector.broadcast %shift_left3A_341 : i32 to vector<16xi32>
          %shift_left3A_343 = arith.shli %and3A_340, %shift_left3A_342 : vector<16xi32>
          %add3A_344 = arith.addi %shift_left3A_343, %add3A_209 : vector<16xi32>
          tpu.vector_store_idx %arg5[%add3A_112, %shift_right_arithmetic3A_337, %add3A_344], %gather3A_313 : memref<2x192x128xf32, #tpu.memory_space<vmem>>[vector<16xi32>, vector<16xi32>, vector<16xi32>], vector<16xf32>,
          %shift_right_arithmetic3A_345 = arith.constant 1 : i32
          %shift_right_arithmetic3A_346 = vector.broadcast %shift_right_arithmetic3A_345 : i32 to vector<16xi32>
          %shift_right_arithmetic3A_347 = arith.shrsi %add3A_315, %shift_right_arithmetic3A_346 : vector<16xi32>
          %and3A_348 = arith.constant 1 : i32
          %and3A_349 = vector.broadcast %and3A_348 : i32 to vector<16xi32>
          %and3A_350 = arith.andi %add3A_315, %and3A_349 : vector<16xi32>
          %shift_left3A_351 = arith.constant 6 : i32
          %shift_left3A_352 = vector.broadcast %shift_left3A_351 : i32 to vector<16xi32>
          %shift_left3A_353 = arith.shli %and3A_350, %shift_left3A_352 : vector<16xi32>
          %add3A_354 = arith.addi %shift_left3A_353, %add3A_209 : vector<16xi32>
          tpu.vector_store_idx %arg5[%add3A_112, %shift_right_arithmetic3A_347, %add3A_354], %gather3A_316 : memref<2x192x128xf32, #tpu.memory_space<vmem>>[vector<16xi32>, vector<16xi32>, vector<16xi32>], vector<16xf32>,
          %shift_right_arithmetic3A_355 = arith.constant 1 : i32
          %shift_right_arithmetic3A_356 = vector.broadcast %shift_right_arithmetic3A_355 : i32 to vector<16xi32>
          %shift_right_arithmetic3A_357 = arith.shrsi %add3A_318, %shift_right_arithmetic3A_356 : vector<16xi32>
          %and3A_358 = arith.constant 1 : i32
          %and3A_359 = vector.broadcast %and3A_358 : i32 to vector<16xi32>
          %and3A_360 = arith.andi %add3A_318, %and3A_359 : vector<16xi32>
          %shift_left3A_361 = arith.constant 6 : i32
          %shift_left3A_362 = vector.broadcast %shift_left3A_361 : i32 to vector<16xi32>
          %shift_left3A_363 = arith.shli %and3A_360, %shift_left3A_362 : vector<16xi32>
          %add3A_364 = arith.addi %shift_left3A_363, %add3A_209 : vector<16xi32>
          tpu.vector_store_idx %arg5[%add3A_112, %shift_right_arithmetic3A_357, %add3A_364], %gather3A_319 : memref<2x192x128xf32, #tpu.memory_space<vmem>>[vector<16xi32>, vector<16xi32>, vector<16xi32>], vector<16xf32>,
          %shift_right_arithmetic3A_365 = arith.constant 1 : i32
          %shift_right_arithmetic3A_366 = vector.broadcast %shift_right_arithmetic3A_365 : i32 to vector<16xi32>
          %shift_right_arithmetic3A_367 = arith.shrsi %add3A_321, %shift_right_arithmetic3A_366 : vector<16xi32>
          %and3A_368 = arith.constant 1 : i32
          %and3A_369 = vector.broadcast %and3A_368 : i32 to vector<16xi32>
          %and3A_370 = arith.andi %add3A_321, %and3A_369 : vector<16xi32>
          %shift_left3A_371 = arith.constant 6 : i32
          %shift_left3A_372 = vector.broadcast %shift_left3A_371 : i32 to vector<16xi32>
          %shift_left3A_373 = arith.shli %and3A_370, %shift_left3A_372 : vector<16xi32>
          %add3A_374 = arith.addi %shift_left3A_373, %add3A_209 : vector<16xi32>
          tpu.vector_store_idx %arg5[%add3A_112, %shift_right_arithmetic3A_367, %add3A_374], %gather3A_322 : memref<2x192x128xf32, #tpu.memory_space<vmem>>[vector<16xi32>, vector<16xi32>, vector<16xi32>], vector<16xf32>,
          %shift_right_arithmetic3A_375 = arith.constant 1 : i32
          %shift_right_arithmetic3A_376 = vector.broadcast %shift_right_arithmetic3A_375 : i32 to vector<16xi32>
          %shift_right_arithmetic3A_377 = arith.shrsi %add3A_324, %shift_right_arithmetic3A_376 : vector<16xi32>
          %and3A_378 = arith.constant 1 : i32
          %and3A_379 = vector.broadcast %and3A_378 : i32 to vector<16xi32>
          %and3A_380 = arith.andi %add3A_324, %and3A_379 : vector<16xi32>
          %shift_left3A_381 = arith.constant 6 : i32
          %shift_left3A_382 = vector.broadcast %shift_left3A_381 : i32 to vector<16xi32>
          %shift_left3A_383 = arith.shli %and3A_380, %shift_left3A_382 : vector<16xi32>
          %add3A_384 = arith.addi %shift_left3A_383, %add3A_209 : vector<16xi32>
          tpu.vector_store_idx %arg5[%add3A_112, %shift_right_arithmetic3A_377, %add3A_384], %gather3A_325 : memref<2x192x128xf32, #tpu.memory_space<vmem>>[vector<16xi32>, vector<16xi32>, vector<16xi32>], vector<16xf32>,
          %shift_right_arithmetic3A_385 = arith.constant 1 : i32
          %shift_right_arithmetic3A_386 = vector.broadcast %shift_right_arithmetic3A_385 : i32 to vector<16xi32>
          %shift_right_arithmetic3A_387 = arith.shrsi %add3A_327, %shift_right_arithmetic3A_386 : vector<16xi32>
          %and3A_388 = arith.constant 1 : i32
          %and3A_389 = vector.broadcast %and3A_388 : i32 to vector<16xi32>
          %and3A_390 = arith.andi %add3A_327, %and3A_389 : vector<16xi32>
          %shift_left3A_391 = arith.constant 6 : i32
          %shift_left3A_392 = vector.broadcast %shift_left3A_391 : i32 to vector<16xi32>
          %shift_left3A_393 = arith.shli %and3A_390, %shift_left3A_392 : vector<16xi32>
          %add3A_394 = arith.addi %shift_left3A_393, %add3A_209 : vector<16xi32>
          tpu.vector_store_idx %arg5[%add3A_112, %shift_right_arithmetic3A_387, %add3A_394], %gather3A_328 : memref<2x192x128xf32, #tpu.memory_space<vmem>>[vector<16xi32>, vector<16xi32>, vector<16xi32>], vector<16xf32>,
          %shift_right_arithmetic3A_395 = arith.constant 1 : i32
          %shift_right_arithmetic3A_396 = vector.broadcast %shift_right_arithmetic3A_395 : i32 to vector<16xi32>
          %shift_right_arithmetic3A_397 = arith.shrsi %add3A_330, %shift_right_arithmetic3A_396 : vector<16xi32>
          %and3A_398 = arith.constant 1 : i32
          %and3A_399 = vector.broadcast %and3A_398 : i32 to vector<16xi32>
          %and3A_400 = arith.andi %add3A_330, %and3A_399 : vector<16xi32>
          %shift_left3A_401 = arith.constant 6 : i32
          %shift_left3A_402 = vector.broadcast %shift_left3A_401 : i32 to vector<16xi32>
          %shift_left3A_403 = arith.shli %and3A_400, %shift_left3A_402 : vector<16xi32>
          %add3A_404 = arith.addi %shift_left3A_403, %add3A_209 : vector<16xi32>
          tpu.vector_store_idx %arg5[%add3A_112, %shift_right_arithmetic3A_397, %add3A_404], %gather3A_331 : memref<2x192x128xf32, #tpu.memory_space<vmem>>[vector<16xi32>, vector<16xi32>, vector<16xi32>], vector<16xf32>,
          %shift_right_arithmetic3A_405 = arith.constant 1 : i32
          %shift_right_arithmetic3A_406 = vector.broadcast %shift_right_arithmetic3A_405 : i32 to vector<16xi32>
          %shift_right_arithmetic3A_407 = arith.shrsi %add3A_333, %shift_right_arithmetic3A_406 : vector<16xi32>
          %and3A_408 = arith.constant 1 : i32
          %and3A_409 = vector.broadcast %and3A_408 : i32 to vector<16xi32>
          %and3A_410 = arith.andi %add3A_333, %and3A_409 : vector<16xi32>
          %shift_left3A_411 = arith.constant 6 : i32
          %shift_left3A_412 = vector.broadcast %shift_left3A_411 : i32 to vector<16xi32>
          %shift_left3A_413 = arith.shli %and3A_410, %shift_left3A_412 : vector<16xi32>
          %add3A_414 = arith.addi %shift_left3A_413, %add3A_209 : vector<16xi32>
          tpu.vector_store_idx %arg5[%add3A_112, %shift_right_arithmetic3A_407, %add3A_414], %gather3A_334 : memref<2x192x128xf32, #tpu.memory_space<vmem>>[vector<16xi32>, vector<16xi32>, vector<16xi32>], vector<16xf32>,
          %add3A_415 = arith.constant 16 : i32
          %add3A_416 = vector.broadcast %add3A_415 : i32 to vector<16xi32>
          %add3A_417 = arith.addi %iota3A, %add3A_416 : vector<16xi32>
          %add3A_418 = vector.broadcast %mul3A_206 : i32 to vector<16xi32>
          %add3A_419 = arith.addi %and3A_13, %add3A_418 : vector<16xi32>
          %gather3A_420 = tpu.vector_load_idx %arg4[%add3A_112, %add3A_417, %add3A_419] : memref<2x64x384xf32, #tpu.memory_space<vmem>>[vector<16xi32>, vector<16xi32>, vector<16xi32>], vector<16xf32>,
          %add3A_421 = vector.broadcast %mul3A_206 : i32 to vector<16xi32>
          %add3A_422 = arith.addi %and3A_19, %add3A_421 : vector<16xi32>
          %gather3A_423 = tpu.vector_load_idx %arg4[%add3A_112, %add3A_417, %add3A_422] : memref<2x64x384xf32, #tpu.memory_space<vmem>>[vector<16xi32>, vector<16xi32>, vector<16xi32>], vector<16xf32>,
          %add3A_424 = vector.broadcast %mul3A_206 : i32 to vector<16xi32>
          %add3A_425 = arith.addi %and3A_25, %add3A_424 : vector<16xi32>
          %gather3A_426 = tpu.vector_load_idx %arg4[%add3A_112, %add3A_417, %add3A_425] : memref<2x64x384xf32, #tpu.memory_space<vmem>>[vector<16xi32>, vector<16xi32>, vector<16xi32>], vector<16xf32>,
          %add3A_427 = vector.broadcast %mul3A_206 : i32 to vector<16xi32>
          %add3A_428 = arith.addi %and3A_31, %add3A_427 : vector<16xi32>
          %gather3A_429 = tpu.vector_load_idx %arg4[%add3A_112, %add3A_417, %add3A_428] : memref<2x64x384xf32, #tpu.memory_space<vmem>>[vector<16xi32>, vector<16xi32>, vector<16xi32>], vector<16xf32>,
          %add3A_430 = vector.broadcast %mul3A_206 : i32 to vector<16xi32>
          %add3A_431 = arith.addi %and3A_37, %add3A_430 : vector<16xi32>
          %gather3A_432 = tpu.vector_load_idx %arg4[%add3A_112, %add3A_417, %add3A_431] : memref<2x64x384xf32, #tpu.memory_space<vmem>>[vector<16xi32>, vector<16xi32>, vector<16xi32>], vector<16xf32>,
          %add3A_433 = vector.broadcast %mul3A_206 : i32 to vector<16xi32>
          %add3A_434 = arith.addi %and3A_43, %add3A_433 : vector<16xi32>
          %gather3A_435 = tpu.vector_load_idx %arg4[%add3A_112, %add3A_417, %add3A_434] : memref<2x64x384xf32, #tpu.memory_space<vmem>>[vector<16xi32>, vector<16xi32>, vector<16xi32>], vector<16xf32>,
          %add3A_436 = vector.broadcast %mul3A_206 : i32 to vector<16xi32>
          %add3A_437 = arith.addi %and3A_49, %add3A_436 : vector<16xi32>
          %gather3A_438 = tpu.vector_load_idx %arg4[%add3A_112, %add3A_417, %add3A_437] : memref<2x64x384xf32, #tpu.memory_space<vmem>>[vector<16xi32>, vector<16xi32>, vector<16xi32>], vector<16xf32>,
          %add3A_439 = vector.broadcast %mul3A_206 : i32 to vector<16xi32>
          %add3A_440 = arith.addi %and3A_55, %add3A_439 : vector<16xi32>
          %gather3A_441 = tpu.vector_load_idx %arg4[%add3A_112, %add3A_417, %add3A_440] : memref<2x64x384xf32, #tpu.memory_space<vmem>>[vector<16xi32>, vector<16xi32>, vector<16xi32>], vector<16xf32>,
          %shift_right_arithmetic3A_442 = arith.constant 1 : i32
          %shift_right_arithmetic3A_443 = vector.broadcast %shift_right_arithmetic3A_442 : i32 to vector<16xi32>
          %shift_right_arithmetic3A_444 = arith.shrsi %add3A_419, %shift_right_arithmetic3A_443 : vector<16xi32>
          %and3A_445 = arith.constant 1 : i32
          %and3A_446 = vector.broadcast %and3A_445 : i32 to vector<16xi32>
          %and3A_447 = arith.andi %add3A_419, %and3A_446 : vector<16xi32>
          %shift_left3A_448 = arith.constant 6 : i32
          %shift_left3A_449 = vector.broadcast %shift_left3A_448 : i32 to vector<16xi32>
          %shift_left3A_450 = arith.shli %and3A_447, %shift_left3A_449 : vector<16xi32>
          %add3A_451 = arith.addi %shift_left3A_450, %add3A_417 : vector<16xi32>
          tpu.vector_store_idx %arg5[%add3A_112, %shift_right_arithmetic3A_444, %add3A_451], %gather3A_420 : memref<2x192x128xf32, #tpu.memory_space<vmem>>[vector<16xi32>, vector<16xi32>, vector<16xi32>], vector<16xf32>,
          %shift_right_arithmetic3A_452 = arith.constant 1 : i32
          %shift_right_arithmetic3A_453 = vector.broadcast %shift_right_arithmetic3A_452 : i32 to vector<16xi32>
          %shift_right_arithmetic3A_454 = arith.shrsi %add3A_422, %shift_right_arithmetic3A_453 : vector<16xi32>
          %and3A_455 = arith.constant 1 : i32
          %and3A_456 = vector.broadcast %and3A_455 : i32 to vector<16xi32>
          %and3A_457 = arith.andi %add3A_422, %and3A_456 : vector<16xi32>
          %shift_left3A_458 = arith.constant 6 : i32
          %shift_left3A_459 = vector.broadcast %shift_left3A_458 : i32 to vector<16xi32>
          %shift_left3A_460 = arith.shli %and3A_457, %shift_left3A_459 : vector<16xi32>
          %add3A_461 = arith.addi %shift_left3A_460, %add3A_417 : vector<16xi32>
          tpu.vector_store_idx %arg5[%add3A_112, %shift_right_arithmetic3A_454, %add3A_461], %gather3A_423 : memref<2x192x128xf32, #tpu.memory_space<vmem>>[vector<16xi32>, vector<16xi32>, vector<16xi32>], vector<16xf32>,
          %shift_right_arithmetic3A_462 = arith.constant 1 : i32
          %shift_right_arithmetic3A_463 = vector.broadcast %shift_right_arithmetic3A_462 : i32 to vector<16xi32>
          %shift_right_arithmetic3A_464 = arith.shrsi %add3A_425, %shift_right_arithmetic3A_463 : vector<16xi32>
          %and3A_465 = arith.constant 1 : i32
          %and3A_466 = vector.broadcast %and3A_465 : i32 to vector<16xi32>
          %and3A_467 = arith.andi %add3A_425, %and3A_466 : vector<16xi32>
          %shift_left3A_468 = arith.constant 6 : i32
          %shift_left3A_469 = vector.broadcast %shift_left3A_468 : i32 to vector<16xi32>
          %shift_left3A_470 = arith.shli %and3A_467, %shift_left3A_469 : vector<16xi32>
          %add3A_471 = arith.addi %shift_left3A_470, %add3A_417 : vector<16xi32>
          tpu.vector_store_idx %arg5[%add3A_112, %shift_right_arithmetic3A_464, %add3A_471], %gather3A_426 : memref<2x192x128xf32, #tpu.memory_space<vmem>>[vector<16xi32>, vector<16xi32>, vector<16xi32>], vector<16xf32>,
          %shift_right_arithmetic3A_472 = arith.constant 1 : i32
          %shift_right_arithmetic3A_473 = vector.broadcast %shift_right_arithmetic3A_472 : i32 to vector<16xi32>
          %shift_right_arithmetic3A_474 = arith.shrsi %add3A_428, %shift_right_arithmetic3A_473 : vector<16xi32>
          %and3A_475 = arith.constant 1 : i32
          %and3A_476 = vector.broadcast %and3A_475 : i32 to vector<16xi32>
          %and3A_477 = arith.andi %add3A_428, %and3A_476 : vector<16xi32>
          %shift_left3A_478 = arith.constant 6 : i32
          %shift_left3A_479 = vector.broadcast %shift_left3A_478 : i32 to vector<16xi32>
          %shift_left3A_480 = arith.shli %and3A_477, %shift_left3A_479 : vector<16xi32>
          %add3A_481 = arith.addi %shift_left3A_480, %add3A_417 : vector<16xi32>
          tpu.vector_store_idx %arg5[%add3A_112, %shift_right_arithmetic3A_474, %add3A_481], %gather3A_429 : memref<2x192x128xf32, #tpu.memory_space<vmem>>[vector<16xi32>, vector<16xi32>, vector<16xi32>], vector<16xf32>,
          %shift_right_arithmetic3A_482 = arith.constant 1 : i32
          %shift_right_arithmetic3A_483 = vector.broadcast %shift_right_arithmetic3A_482 : i32 to vector<16xi32>
          %shift_right_arithmetic3A_484 = arith.shrsi %add3A_431, %shift_right_arithmetic3A_483 : vector<16xi32>
          %and3A_485 = arith.constant 1 : i32
          %and3A_486 = vector.broadcast %and3A_485 : i32 to vector<16xi32>
          %and3A_487 = arith.andi %add3A_431, %and3A_486 : vector<16xi32>
          %shift_left3A_488 = arith.constant 6 : i32
          %shift_left3A_489 = vector.broadcast %shift_left3A_488 : i32 to vector<16xi32>
          %shift_left3A_490 = arith.shli %and3A_487, %shift_left3A_489 : vector<16xi32>
          %add3A_491 = arith.addi %shift_left3A_490, %add3A_417 : vector<16xi32>
          tpu.vector_store_idx %arg5[%add3A_112, %shift_right_arithmetic3A_484, %add3A_491], %gather3A_432 : memref<2x192x128xf32, #tpu.memory_space<vmem>>[vector<16xi32>, vector<16xi32>, vector<16xi32>], vector<16xf32>,
          %shift_right_arithmetic3A_492 = arith.constant 1 : i32
          %shift_right_arithmetic3A_493 = vector.broadcast %shift_right_arithmetic3A_492 : i32 to vector<16xi32>
          %shift_right_arithmetic3A_494 = arith.shrsi %add3A_434, %shift_right_arithmetic3A_493 : vector<16xi32>
          %and3A_495 = arith.constant 1 : i32
          %and3A_496 = vector.broadcast %and3A_495 : i32 to vector<16xi32>
          %and3A_497 = arith.andi %add3A_434, %and3A_496 : vector<16xi32>
          %shift_left3A_498 = arith.constant 6 : i32
          %shift_left3A_499 = vector.broadcast %shift_left3A_498 : i32 to vector<16xi32>
          %shift_left3A_500 = arith.shli %and3A_497, %shift_left3A_499 : vector<16xi32>
          %add3A_501 = arith.addi %shift_left3A_500, %add3A_417 : vector<16xi32>
          tpu.vector_store_idx %arg5[%add3A_112, %shift_right_arithmetic3A_494, %add3A_501], %gather3A_435 : memref<2x192x128xf32, #tpu.memory_space<vmem>>[vector<16xi32>, vector<16xi32>, vector<16xi32>], vector<16xf32>,
          %shift_right_arithmetic3A_502 = arith.constant 1 : i32
          %shift_right_arithmetic3A_503 = vector.broadcast %shift_right_arithmetic3A_502 : i32 to vector<16xi32>
          %shift_right_arithmetic3A_504 = arith.shrsi %add3A_437, %shift_right_arithmetic3A_503 : vector<16xi32>
          %and3A_505 = arith.constant 1 : i32
          %and3A_506 = vector.broadcast %and3A_505 : i32 to vector<16xi32>
          %and3A_507 = arith.andi %add3A_437, %and3A_506 : vector<16xi32>
          %shift_left3A_508 = arith.constant 6 : i32
          %shift_left3A_509 = vector.broadcast %shift_left3A_508 : i32 to vector<16xi32>
          %shift_left3A_510 = arith.shli %and3A_507, %shift_left3A_509 : vector<16xi32>
          %add3A_511 = arith.addi %shift_left3A_510, %add3A_417 : vector<16xi32>
          tpu.vector_store_idx %arg5[%add3A_112, %shift_right_arithmetic3A_504, %add3A_511], %gather3A_438 : memref<2x192x128xf32, #tpu.memory_space<vmem>>[vector<16xi32>, vector<16xi32>, vector<16xi32>], vector<16xf32>,
          %shift_right_arithmetic3A_512 = arith.constant 1 : i32
          %shift_right_arithmetic3A_513 = vector.broadcast %shift_right_arithmetic3A_512 : i32 to vector<16xi32>
          %shift_right_arithmetic3A_514 = arith.shrsi %add3A_440, %shift_right_arithmetic3A_513 : vector<16xi32>
          %and3A_515 = arith.constant 1 : i32
          %and3A_516 = vector.broadcast %and3A_515 : i32 to vector<16xi32>
          %and3A_517 = arith.andi %add3A_440, %and3A_516 : vector<16xi32>
          %shift_left3A_518 = arith.constant 6 : i32
          %shift_left3A_519 = vector.broadcast %shift_left3A_518 : i32 to vector<16xi32>
          %shift_left3A_520 = arith.shli %and3A_517, %shift_left3A_519 : vector<16xi32>
          %add3A_521 = arith.addi %shift_left3A_520, %add3A_417 : vector<16xi32>
          tpu.vector_store_idx %arg5[%add3A_112, %shift_right_arithmetic3A_514, %add3A_521], %gather3A_441 : memref<2x192x128xf32, #tpu.memory_space<vmem>>[vector<16xi32>, vector<16xi32>, vector<16xi32>], vector<16xf32>,
          %add3A_522 = vector.broadcast %mul3A_206 : i32 to vector<16xi32>
          %add3A_523 = arith.addi %and3A_61, %add3A_522 : vector<16xi32>
          %gather3A_524 = tpu.vector_load_idx %arg4[%add3A_112, %add3A_417, %add3A_523] : memref<2x64x384xf32, #tpu.memory_space<vmem>>[vector<16xi32>, vector<16xi32>, vector<16xi32>], vector<16xf32>,
          %add3A_525 = vector.broadcast %mul3A_206 : i32 to vector<16xi32>
          %add3A_526 = arith.addi %and3A_67, %add3A_525 : vector<16xi32>
          %gather3A_527 = tpu.vector_load_idx %arg4[%add3A_112, %add3A_417, %add3A_526] : memref<2x64x384xf32, #tpu.memory_space<vmem>>[vector<16xi32>, vector<16xi32>, vector<16xi32>], vector<16xf32>,
          %add3A_528 = vector.broadcast %mul3A_206 : i32 to vector<16xi32>
          %add3A_529 = arith.addi %and3A_73, %add3A_528 : vector<16xi32>
          %gather3A_530 = tpu.vector_load_idx %arg4[%add3A_112, %add3A_417, %add3A_529] : memref<2x64x384xf32, #tpu.memory_space<vmem>>[vector<16xi32>, vector<16xi32>, vector<16xi32>], vector<16xf32>,
          %add3A_531 = vector.broadcast %mul3A_206 : i32 to vector<16xi32>
          %add3A_532 = arith.addi %and3A_79, %add3A_531 : vector<16xi32>
          %gather3A_533 = tpu.vector_load_idx %arg4[%add3A_112, %add3A_417, %add3A_532] : memref<2x64x384xf32, #tpu.memory_space<vmem>>[vector<16xi32>, vector<16xi32>, vector<16xi32>], vector<16xf32>,
          %add3A_534 = vector.broadcast %mul3A_206 : i32 to vector<16xi32>
          %add3A_535 = arith.addi %and3A_85, %add3A_534 : vector<16xi32>
          %gather3A_536 = tpu.vector_load_idx %arg4[%add3A_112, %add3A_417, %add3A_535] : memref<2x64x384xf32, #tpu.memory_space<vmem>>[vector<16xi32>, vector<16xi32>, vector<16xi32>], vector<16xf32>,
          %add3A_537 = vector.broadcast %mul3A_206 : i32 to vector<16xi32>
          %add3A_538 = arith.addi %and3A_91, %add3A_537 : vector<16xi32>
          %gather3A_539 = tpu.vector_load_idx %arg4[%add3A_112, %add3A_417, %add3A_538] : memref<2x64x384xf32, #tpu.memory_space<vmem>>[vector<16xi32>, vector<16xi32>, vector<16xi32>], vector<16xf32>,
          %add3A_540 = vector.broadcast %mul3A_206 : i32 to vector<16xi32>
          %add3A_541 = arith.addi %and3A_97, %add3A_540 : vector<16xi32>
          %gather3A_542 = tpu.vector_load_idx %arg4[%add3A_112, %add3A_417, %add3A_541] : memref<2x64x384xf32, #tpu.memory_space<vmem>>[vector<16xi32>, vector<16xi32>, vector<16xi32>], vector<16xf32>,
          %add3A_543 = vector.broadcast %mul3A_206 : i32 to vector<16xi32>
          %add3A_544 = arith.addi %and3A_103, %add3A_543 : vector<16xi32>
          %gather3A_545 = tpu.vector_load_idx %arg4[%add3A_112, %add3A_417, %add3A_544] : memref<2x64x384xf32, #tpu.memory_space<vmem>>[vector<16xi32>, vector<16xi32>, vector<16xi32>], vector<16xf32>,
          %shift_right_arithmetic3A_546 = arith.constant 1 : i32
          %shift_right_arithmetic3A_547 = vector.broadcast %shift_right_arithmetic3A_546 : i32 to vector<16xi32>
          %shift_right_arithmetic3A_548 = arith.shrsi %add3A_523, %shift_right_arithmetic3A_547 : vector<16xi32>
          %and3A_549 = arith.constant 1 : i32
          %and3A_550 = vector.broadcast %and3A_549 : i32 to vector<16xi32>
          %and3A_551 = arith.andi %add3A_523, %and3A_550 : vector<16xi32>
          %shift_left3A_552 = arith.constant 6 : i32
          %shift_left3A_553 = vector.broadcast %shift_left3A_552 : i32 to vector<16xi32>
          %shift_left3A_554 = arith.shli %and3A_551, %shift_left3A_553 : vector<16xi32>
          %add3A_555 = arith.addi %shift_left3A_554, %add3A_417 : vector<16xi32>
          tpu.vector_store_idx %arg5[%add3A_112, %shift_right_arithmetic3A_548, %add3A_555], %gather3A_524 : memref<2x192x128xf32, #tpu.memory_space<vmem>>[vector<16xi32>, vector<16xi32>, vector<16xi32>], vector<16xf32>,
          %shift_right_arithmetic3A_556 = arith.constant 1 : i32
          %shift_right_arithmetic3A_557 = vector.broadcast %shift_right_arithmetic3A_556 : i32 to vector<16xi32>
          %shift_right_arithmetic3A_558 = arith.shrsi %add3A_526, %shift_right_arithmetic3A_557 : vector<16xi32>
          %and3A_559 = arith.constant 1 : i32
          %and3A_560 = vector.broadcast %and3A_559 : i32 to vector<16xi32>
          %and3A_561 = arith.andi %add3A_526, %and3A_560 : vector<16xi32>
          %shift_left3A_562 = arith.constant 6 : i32
          %shift_left3A_563 = vector.broadcast %shift_left3A_562 : i32 to vector<16xi32>
          %shift_left3A_564 = arith.shli %and3A_561, %shift_left3A_563 : vector<16xi32>
          %add3A_565 = arith.addi %shift_left3A_564, %add3A_417 : vector<16xi32>
          tpu.vector_store_idx %arg5[%add3A_112, %shift_right_arithmetic3A_558, %add3A_565], %gather3A_527 : memref<2x192x128xf32, #tpu.memory_space<vmem>>[vector<16xi32>, vector<16xi32>, vector<16xi32>], vector<16xf32>,
          %shift_right_arithmetic3A_566 = arith.constant 1 : i32
          %shift_right_arithmetic3A_567 = vector.broadcast %shift_right_arithmetic3A_566 : i32 to vector<16xi32>
          %shift_right_arithmetic3A_568 = arith.shrsi %add3A_529, %shift_right_arithmetic3A_567 : vector<16xi32>
          %and3A_569 = arith.constant 1 : i32
          %and3A_570 = vector.broadcast %and3A_569 : i32 to vector<16xi32>
          %and3A_571 = arith.andi %add3A_529, %and3A_570 : vector<16xi32>
          %shift_left3A_572 = arith.constant 6 : i32
          %shift_left3A_573 = vector.broadcast %shift_left3A_572 : i32 to vector<16xi32>
          %shift_left3A_574 = arith.shli %and3A_571, %shift_left3A_573 : vector<16xi32>
          %add3A_575 = arith.addi %shift_left3A_574, %add3A_417 : vector<16xi32>
          tpu.vector_store_idx %arg5[%add3A_112, %shift_right_arithmetic3A_568, %add3A_575], %gather3A_530 : memref<2x192x128xf32, #tpu.memory_space<vmem>>[vector<16xi32>, vector<16xi32>, vector<16xi32>], vector<16xf32>,
          %shift_right_arithmetic3A_576 = arith.constant 1 : i32
          %shift_right_arithmetic3A_577 = vector.broadcast %shift_right_arithmetic3A_576 : i32 to vector<16xi32>
          %shift_right_arithmetic3A_578 = arith.shrsi %add3A_532, %shift_right_arithmetic3A_577 : vector<16xi32>
          %and3A_579 = arith.constant 1 : i32
          %and3A_580 = vector.broadcast %and3A_579 : i32 to vector<16xi32>
          %and3A_581 = arith.andi %add3A_532, %and3A_580 : vector<16xi32>
          %shift_left3A_582 = arith.constant 6 : i32
          %shift_left3A_583 = vector.broadcast %shift_left3A_582 : i32 to vector<16xi32>
          %shift_left3A_584 = arith.shli %and3A_581, %shift_left3A_583 : vector<16xi32>
          %add3A_585 = arith.addi %shift_left3A_584, %add3A_417 : vector<16xi32>
          tpu.vector_store_idx %arg5[%add3A_112, %shift_right_arithmetic3A_578, %add3A_585], %gather3A_533 : memref<2x192x128xf32, #tpu.memory_space<vmem>>[vector<16xi32>, vector<16xi32>, vector<16xi32>], vector<16xf32>,
          %shift_right_arithmetic3A_586 = arith.constant 1 : i32
          %shift_right_arithmetic3A_587 = vector.broadcast %shift_right_arithmetic3A_586 : i32 to vector<16xi32>
          %shift_right_arithmetic3A_588 = arith.shrsi %add3A_535, %shift_right_arithmetic3A_587 : vector<16xi32>
          %and3A_589 = arith.constant 1 : i32
          %and3A_590 = vector.broadcast %and3A_589 : i32 to vector<16xi32>
          %and3A_591 = arith.andi %add3A_535, %and3A_590 : vector<16xi32>
          %shift_left3A_592 = arith.constant 6 : i32
          %shift_left3A_593 = vector.broadcast %shift_left3A_592 : i32 to vector<16xi32>
          %shift_left3A_594 = arith.shli %and3A_591, %shift_left3A_593 : vector<16xi32>
          %add3A_595 = arith.addi %shift_left3A_594, %add3A_417 : vector<16xi32>
          tpu.vector_store_idx %arg5[%add3A_112, %shift_right_arithmetic3A_588, %add3A_595], %gather3A_536 : memref<2x192x128xf32, #tpu.memory_space<vmem>>[vector<16xi32>, vector<16xi32>, vector<16xi32>], vector<16xf32>,
          %shift_right_arithmetic3A_596 = arith.constant 1 : i32
          %shift_right_arithmetic3A_597 = vector.broadcast %shift_right_arithmetic3A_596 : i32 to vector<16xi32>
          %shift_right_arithmetic3A_598 = arith.shrsi %add3A_538, %shift_right_arithmetic3A_597 : vector<16xi32>
          %and3A_599 = arith.constant 1 : i32
          %and3A_600 = vector.broadcast %and3A_599 : i32 to vector<16xi32>
          %and3A_601 = arith.andi %add3A_538, %and3A_600 : vector<16xi32>
          %shift_left3A_602 = arith.constant 6 : i32
          %shift_left3A_603 = vector.broadcast %shift_left3A_602 : i32 to vector<16xi32>
          %shift_left3A_604 = arith.shli %and3A_601, %shift_left3A_603 : vector<16xi32>
          %add3A_605 = arith.addi %shift_left3A_604, %add3A_417 : vector<16xi32>
          tpu.vector_store_idx %arg5[%add3A_112, %shift_right_arithmetic3A_598, %add3A_605], %gather3A_539 : memref<2x192x128xf32, #tpu.memory_space<vmem>>[vector<16xi32>, vector<16xi32>, vector<16xi32>], vector<16xf32>,
          %shift_right_arithmetic3A_606 = arith.constant 1 : i32
          %shift_right_arithmetic3A_607 = vector.broadcast %shift_right_arithmetic3A_606 : i32 to vector<16xi32>
          %shift_right_arithmetic3A_608 = arith.shrsi %add3A_541, %shift_right_arithmetic3A_607 : vector<16xi32>
          %and3A_609 = arith.constant 1 : i32
          %and3A_610 = vector.broadcast %and3A_609 : i32 to vector<16xi32>
          %and3A_611 = arith.andi %add3A_541, %and3A_610 : vector<16xi32>
          %shift_left3A_612 = arith.constant 6 : i32
          %shift_left3A_613 = vector.broadcast %shift_left3A_612 : i32 to vector<16xi32>
          %shift_left3A_614 = arith.shli %and3A_611, %shift_left3A_613 : vector<16xi32>
          %add3A_615 = arith.addi %shift_left3A_614, %add3A_417 : vector<16xi32>
          tpu.vector_store_idx %arg5[%add3A_112, %shift_right_arithmetic3A_608, %add3A_615], %gather3A_542 : memref<2x192x128xf32, #tpu.memory_space<vmem>>[vector<16xi32>, vector<16xi32>, vector<16xi32>], vector<16xf32>,
          %shift_right_arithmetic3A_616 = arith.constant 1 : i32
          %shift_right_arithmetic3A_617 = vector.broadcast %shift_right_arithmetic3A_616 : i32 to vector<16xi32>
          %shift_right_arithmetic3A_618 = arith.shrsi %add3A_544, %shift_right_arithmetic3A_617 : vector<16xi32>
          %and3A_619 = arith.constant 1 : i32
          %and3A_620 = vector.broadcast %and3A_619 : i32 to vector<16xi32>
          %and3A_621 = arith.andi %add3A_544, %and3A_620 : vector<16xi32>
          %shift_left3A_622 = arith.constant 6 : i32
          %shift_left3A_623 = vector.broadcast %shift_left3A_622 : i32 to vector<16xi32>
          %shift_left3A_624 = arith.shli %and3A_621, %shift_left3A_623 : vector<16xi32>
          %add3A_625 = arith.addi %shift_left3A_624, %add3A_417 : vector<16xi32>
          tpu.vector_store_idx %arg5[%add3A_112, %shift_right_arithmetic3A_618, %add3A_625], %gather3A_545 : memref<2x192x128xf32, #tpu.memory_space<vmem>>[vector<16xi32>, vector<16xi32>, vector<16xi32>], vector<16xf32>,
          %add3A_626 = arith.constant 32 : i32
          %add3A_627 = vector.broadcast %add3A_626 : i32 to vector<16xi32>
          %add3A_628 = arith.addi %iota3A, %add3A_627 : vector<16xi32>
          %add3A_629 = vector.broadcast %mul3A_206 : i32 to vector<16xi32>
          %add3A_630 = arith.addi %and3A_13, %add3A_629 : vector<16xi32>
          %gather3A_631 = tpu.vector_load_idx %arg4[%add3A_112, %add3A_628, %add3A_630] : memref<2x64x384xf32, #tpu.memory_space<vmem>>[vector<16xi32>, vector<16xi32>, vector<16xi32>], vector<16xf32>,
          %add3A_632 = vector.broadcast %mul3A_206 : i32 to vector<16xi32>
          %add3A_633 = arith.addi %and3A_19, %add3A_632 : vector<16xi32>
          %gather3A_634 = tpu.vector_load_idx %arg4[%add3A_112, %add3A_628, %add3A_633] : memref<2x64x384xf32, #tpu.memory_space<vmem>>[vector<16xi32>, vector<16xi32>, vector<16xi32>], vector<16xf32>,
          %add3A_635 = vector.broadcast %mul3A_206 : i32 to vector<16xi32>
          %add3A_636 = arith.addi %and3A_25, %add3A_635 : vector<16xi32>
          %gather3A_637 = tpu.vector_load_idx %arg4[%add3A_112, %add3A_628, %add3A_636] : memref<2x64x384xf32, #tpu.memory_space<vmem>>[vector<16xi32>, vector<16xi32>, vector<16xi32>], vector<16xf32>,
          %add3A_638 = vector.broadcast %mul3A_206 : i32 to vector<16xi32>
          %add3A_639 = arith.addi %and3A_31, %add3A_638 : vector<16xi32>
          %gather3A_640 = tpu.vector_load_idx %arg4[%add3A_112, %add3A_628, %add3A_639] : memref<2x64x384xf32, #tpu.memory_space<vmem>>[vector<16xi32>, vector<16xi32>, vector<16xi32>], vector<16xf32>,
          %add3A_641 = vector.broadcast %mul3A_206 : i32 to vector<16xi32>
          %add3A_642 = arith.addi %and3A_37, %add3A_641 : vector<16xi32>
          %gather3A_643 = tpu.vector_load_idx %arg4[%add3A_112, %add3A_628, %add3A_642] : memref<2x64x384xf32, #tpu.memory_space<vmem>>[vector<16xi32>, vector<16xi32>, vector<16xi32>], vector<16xf32>,
          %add3A_644 = vector.broadcast %mul3A_206 : i32 to vector<16xi32>
          %add3A_645 = arith.addi %and3A_43, %add3A_644 : vector<16xi32>
          %gather3A_646 = tpu.vector_load_idx %arg4[%add3A_112, %add3A_628, %add3A_645] : memref<2x64x384xf32, #tpu.memory_space<vmem>>[vector<16xi32>, vector<16xi32>, vector<16xi32>], vector<16xf32>,
          %add3A_647 = vector.broadcast %mul3A_206 : i32 to vector<16xi32>
          %add3A_648 = arith.addi %and3A_49, %add3A_647 : vector<16xi32>
          %gather3A_649 = tpu.vector_load_idx %arg4[%add3A_112, %add3A_628, %add3A_648] : memref<2x64x384xf32, #tpu.memory_space<vmem>>[vector<16xi32>, vector<16xi32>, vector<16xi32>], vector<16xf32>,
          %add3A_650 = vector.broadcast %mul3A_206 : i32 to vector<16xi32>
          %add3A_651 = arith.addi %and3A_55, %add3A_650 : vector<16xi32>
          %gather3A_652 = tpu.vector_load_idx %arg4[%add3A_112, %add3A_628, %add3A_651] : memref<2x64x384xf32, #tpu.memory_space<vmem>>[vector<16xi32>, vector<16xi32>, vector<16xi32>], vector<16xf32>,
          %shift_right_arithmetic3A_653 = arith.constant 1 : i32
          %shift_right_arithmetic3A_654 = vector.broadcast %shift_right_arithmetic3A_653 : i32 to vector<16xi32>
          %shift_right_arithmetic3A_655 = arith.shrsi %add3A_630, %shift_right_arithmetic3A_654 : vector<16xi32>
          %and3A_656 = arith.constant 1 : i32
          %and3A_657 = vector.broadcast %and3A_656 : i32 to vector<16xi32>
          %and3A_658 = arith.andi %add3A_630, %and3A_657 : vector<16xi32>
          %shift_left3A_659 = arith.constant 6 : i32
          %shift_left3A_660 = vector.broadcast %shift_left3A_659 : i32 to vector<16xi32>
          %shift_left3A_661 = arith.shli %and3A_658, %shift_left3A_660 : vector<16xi32>
          %add3A_662 = arith.addi %shift_left3A_661, %add3A_628 : vector<16xi32>
          tpu.vector_store_idx %arg5[%add3A_112, %shift_right_arithmetic3A_655, %add3A_662], %gather3A_631 : memref<2x192x128xf32, #tpu.memory_space<vmem>>[vector<16xi32>, vector<16xi32>, vector<16xi32>], vector<16xf32>,
          %shift_right_arithmetic3A_663 = arith.constant 1 : i32
          %shift_right_arithmetic3A_664 = vector.broadcast %shift_right_arithmetic3A_663 : i32 to vector<16xi32>
          %shift_right_arithmetic3A_665 = arith.shrsi %add3A_633, %shift_right_arithmetic3A_664 : vector<16xi32>
          %and3A_666 = arith.constant 1 : i32
          %and3A_667 = vector.broadcast %and3A_666 : i32 to vector<16xi32>
          %and3A_668 = arith.andi %add3A_633, %and3A_667 : vector<16xi32>
          %shift_left3A_669 = arith.constant 6 : i32
          %shift_left3A_670 = vector.broadcast %shift_left3A_669 : i32 to vector<16xi32>
          %shift_left3A_671 = arith.shli %and3A_668, %shift_left3A_670 : vector<16xi32>
          %add3A_672 = arith.addi %shift_left3A_671, %add3A_628 : vector<16xi32>
          tpu.vector_store_idx %arg5[%add3A_112, %shift_right_arithmetic3A_665, %add3A_672], %gather3A_634 : memref<2x192x128xf32, #tpu.memory_space<vmem>>[vector<16xi32>, vector<16xi32>, vector<16xi32>], vector<16xf32>,
          %shift_right_arithmetic3A_673 = arith.constant 1 : i32
          %shift_right_arithmetic3A_674 = vector.broadcast %shift_right_arithmetic3A_673 : i32 to vector<16xi32>
          %shift_right_arithmetic3A_675 = arith.shrsi %add3A_636, %shift_right_arithmetic3A_674 : vector<16xi32>
          %and3A_676 = arith.constant 1 : i32
          %and3A_677 = vector.broadcast %and3A_676 : i32 to vector<16xi32>
          %and3A_678 = arith.andi %add3A_636, %and3A_677 : vector<16xi32>
          %shift_left3A_679 = arith.constant 6 : i32
          %shift_left3A_680 = vector.broadcast %shift_left3A_679 : i32 to vector<16xi32>
          %shift_left3A_681 = arith.shli %and3A_678, %shift_left3A_680 : vector<16xi32>
          %add3A_682 = arith.addi %shift_left3A_681, %add3A_628 : vector<16xi32>
          tpu.vector_store_idx %arg5[%add3A_112, %shift_right_arithmetic3A_675, %add3A_682], %gather3A_637 : memref<2x192x128xf32, #tpu.memory_space<vmem>>[vector<16xi32>, vector<16xi32>, vector<16xi32>], vector<16xf32>,
          %shift_right_arithmetic3A_683 = arith.constant 1 : i32
          %shift_right_arithmetic3A_684 = vector.broadcast %shift_right_arithmetic3A_683 : i32 to vector<16xi32>
          %shift_right_arithmetic3A_685 = arith.shrsi %add3A_639, %shift_right_arithmetic3A_684 : vector<16xi32>
          %and3A_686 = arith.constant 1 : i32
          %and3A_687 = vector.broadcast %and3A_686 : i32 to vector<16xi32>
          %and3A_688 = arith.andi %add3A_639, %and3A_687 : vector<16xi32>
          %shift_left3A_689 = arith.constant 6 : i32
          %shift_left3A_690 = vector.broadcast %shift_left3A_689 : i32 to vector<16xi32>
          %shift_left3A_691 = arith.shli %and3A_688, %shift_left3A_690 : vector<16xi32>
          %add3A_692 = arith.addi %shift_left3A_691, %add3A_628 : vector<16xi32>
          tpu.vector_store_idx %arg5[%add3A_112, %shift_right_arithmetic3A_685, %add3A_692], %gather3A_640 : memref<2x192x128xf32, #tpu.memory_space<vmem>>[vector<16xi32>, vector<16xi32>, vector<16xi32>], vector<16xf32>,
          %shift_right_arithmetic3A_693 = arith.constant 1 : i32
          %shift_right_arithmetic3A_694 = vector.broadcast %shift_right_arithmetic3A_693 : i32 to vector<16xi32>
          %shift_right_arithmetic3A_695 = arith.shrsi %add3A_642, %shift_right_arithmetic3A_694 : vector<16xi32>
          %and3A_696 = arith.constant 1 : i32
          %and3A_697 = vector.broadcast %and3A_696 : i32 to vector<16xi32>
          %and3A_698 = arith.andi %add3A_642, %and3A_697 : vector<16xi32>
          %shift_left3A_699 = arith.constant 6 : i32
          %shift_left3A_700 = vector.broadcast %shift_left3A_699 : i32 to vector<16xi32>
          %shift_left3A_701 = arith.shli %and3A_698, %shift_left3A_700 : vector<16xi32>
          %add3A_702 = arith.addi %shift_left3A_701, %add3A_628 : vector<16xi32>
          tpu.vector_store_idx %arg5[%add3A_112, %shift_right_arithmetic3A_695, %add3A_702], %gather3A_643 : memref<2x192x128xf32, #tpu.memory_space<vmem>>[vector<16xi32>, vector<16xi32>, vector<16xi32>], vector<16xf32>,
          %shift_right_arithmetic3A_703 = arith.constant 1 : i32
          %shift_right_arithmetic3A_704 = vector.broadcast %shift_right_arithmetic3A_703 : i32 to vector<16xi32>
          %shift_right_arithmetic3A_705 = arith.shrsi %add3A_645, %shift_right_arithmetic3A_704 : vector<16xi32>
          %and3A_706 = arith.constant 1 : i32
          %and3A_707 = vector.broadcast %and3A_706 : i32 to vector<16xi32>
          %and3A_708 = arith.andi %add3A_645, %and3A_707 : vector<16xi32>
          %shift_left3A_709 = arith.constant 6 : i32
          %shift_left3A_710 = vector.broadcast %shift_left3A_709 : i32 to vector<16xi32>
          %shift_left3A_711 = arith.shli %and3A_708, %shift_left3A_710 : vector<16xi32>
          %add3A_712 = arith.addi %shift_left3A_711, %add3A_628 : vector<16xi32>
          tpu.vector_store_idx %arg5[%add3A_112, %shift_right_arithmetic3A_705, %add3A_712], %gather3A_646 : memref<2x192x128xf32, #tpu.memory_space<vmem>>[vector<16xi32>, vector<16xi32>, vector<16xi32>], vector<16xf32>,
          %shift_right_arithmetic3A_713 = arith.constant 1 : i32
          %shift_right_arithmetic3A_714 = vector.broadcast %shift_right_arithmetic3A_713 : i32 to vector<16xi32>
          %shift_right_arithmetic3A_715 = arith.shrsi %add3A_648, %shift_right_arithmetic3A_714 : vector<16xi32>
          %and3A_716 = arith.constant 1 : i32
          %and3A_717 = vector.broadcast %and3A_716 : i32 to vector<16xi32>
          %and3A_718 = arith.andi %add3A_648, %and3A_717 : vector<16xi32>
          %shift_left3A_719 = arith.constant 6 : i32
          %shift_left3A_720 = vector.broadcast %shift_left3A_719 : i32 to vector<16xi32>
          %shift_left3A_721 = arith.shli %and3A_718, %shift_left3A_720 : vector<16xi32>
          %add3A_722 = arith.addi %shift_left3A_721, %add3A_628 : vector<16xi32>
          tpu.vector_store_idx %arg5[%add3A_112, %shift_right_arithmetic3A_715, %add3A_722], %gather3A_649 : memref<2x192x128xf32, #tpu.memory_space<vmem>>[vector<16xi32>, vector<16xi32>, vector<16xi32>], vector<16xf32>,
          %shift_right_arithmetic3A_723 = arith.constant 1 : i32
          %shift_right_arithmetic3A_724 = vector.broadcast %shift_right_arithmetic3A_723 : i32 to vector<16xi32>
          %shift_right_arithmetic3A_725 = arith.shrsi %add3A_651, %shift_right_arithmetic3A_724 : vector<16xi32>
          %and3A_726 = arith.constant 1 : i32
          %and3A_727 = vector.broadcast %and3A_726 : i32 to vector<16xi32>
          %and3A_728 = arith.andi %add3A_651, %and3A_727 : vector<16xi32>
          %shift_left3A_729 = arith.constant 6 : i32
          %shift_left3A_730 = vector.broadcast %shift_left3A_729 : i32 to vector<16xi32>
          %shift_left3A_731 = arith.shli %and3A_728, %shift_left3A_730 : vector<16xi32>
          %add3A_732 = arith.addi %shift_left3A_731, %add3A_628 : vector<16xi32>
          tpu.vector_store_idx %arg5[%add3A_112, %shift_right_arithmetic3A_725, %add3A_732], %gather3A_652 : memref<2x192x128xf32, #tpu.memory_space<vmem>>[vector<16xi32>, vector<16xi32>, vector<16xi32>], vector<16xf32>,
          %add3A_733 = vector.broadcast %mul3A_206 : i32 to vector<16xi32>
          %add3A_734 = arith.addi %and3A_61, %add3A_733 : vector<16xi32>
          %gather3A_735 = tpu.vector_load_idx %arg4[%add3A_112, %add3A_628, %add3A_734] : memref<2x64x384xf32, #tpu.memory_space<vmem>>[vector<16xi32>, vector<16xi32>, vector<16xi32>], vector<16xf32>,
          %add3A_736 = vector.broadcast %mul3A_206 : i32 to vector<16xi32>
          %add3A_737 = arith.addi %and3A_67, %add3A_736 : vector<16xi32>
          %gather3A_738 = tpu.vector_load_idx %arg4[%add3A_112, %add3A_628, %add3A_737] : memref<2x64x384xf32, #tpu.memory_space<vmem>>[vector<16xi32>, vector<16xi32>, vector<16xi32>], vector<16xf32>,
          %add3A_739 = vector.broadcast %mul3A_206 : i32 to vector<16xi32>
          %add3A_740 = arith.addi %and3A_73, %add3A_739 : vector<16xi32>
          %gather3A_741 = tpu.vector_load_idx %arg4[%add3A_112, %add3A_628, %add3A_740] : memref<2x64x384xf32, #tpu.memory_space<vmem>>[vector<16xi32>, vector<16xi32>, vector<16xi32>], vector<16xf32>,
          %add3A_742 = vector.broadcast %mul3A_206 : i32 to vector<16xi32>
          %add3A_743 = arith.addi %and3A_79, %add3A_742 : vector<16xi32>
          %gather3A_744 = tpu.vector_load_idx %arg4[%add3A_112, %add3A_628, %add3A_743] : memref<2x64x384xf32, #tpu.memory_space<vmem>>[vector<16xi32>, vector<16xi32>, vector<16xi32>], vector<16xf32>,
          %add3A_745 = vector.broadcast %mul3A_206 : i32 to vector<16xi32>
          %add3A_746 = arith.addi %and3A_85, %add3A_745 : vector<16xi32>
          %gather3A_747 = tpu.vector_load_idx %arg4[%add3A_112, %add3A_628, %add3A_746] : memref<2x64x384xf32, #tpu.memory_space<vmem>>[vector<16xi32>, vector<16xi32>, vector<16xi32>], vector<16xf32>,
          %add3A_748 = vector.broadcast %mul3A_206 : i32 to vector<16xi32>
          %add3A_749 = arith.addi %and3A_91, %add3A_748 : vector<16xi32>
          %gather3A_750 = tpu.vector_load_idx %arg4[%add3A_112, %add3A_628, %add3A_749] : memref<2x64x384xf32, #tpu.memory_space<vmem>>[vector<16xi32>, vector<16xi32>, vector<16xi32>], vector<16xf32>,
          %add3A_751 = vector.broadcast %mul3A_206 : i32 to vector<16xi32>
          %add3A_752 = arith.addi %and3A_97, %add3A_751 : vector<16xi32>
          %gather3A_753 = tpu.vector_load_idx %arg4[%add3A_112, %add3A_628, %add3A_752] : memref<2x64x384xf32, #tpu.memory_space<vmem>>[vector<16xi32>, vector<16xi32>, vector<16xi32>], vector<16xf32>,
          %add3A_754 = vector.broadcast %mul3A_206 : i32 to vector<16xi32>
          %add3A_755 = arith.addi %and3A_103, %add3A_754 : vector<16xi32>
          %gather3A_756 = tpu.vector_load_idx %arg4[%add3A_112, %add3A_628, %add3A_755] : memref<2x64x384xf32, #tpu.memory_space<vmem>>[vector<16xi32>, vector<16xi32>, vector<16xi32>], vector<16xf32>,
          %shift_right_arithmetic3A_757 = arith.constant 1 : i32
          %shift_right_arithmetic3A_758 = vector.broadcast %shift_right_arithmetic3A_757 : i32 to vector<16xi32>
          %shift_right_arithmetic3A_759 = arith.shrsi %add3A_734, %shift_right_arithmetic3A_758 : vector<16xi32>
          %and3A_760 = arith.constant 1 : i32
          %and3A_761 = vector.broadcast %and3A_760 : i32 to vector<16xi32>
          %and3A_762 = arith.andi %add3A_734, %and3A_761 : vector<16xi32>
          %shift_left3A_763 = arith.constant 6 : i32
          %shift_left3A_764 = vector.broadcast %shift_left3A_763 : i32 to vector<16xi32>
          %shift_left3A_765 = arith.shli %and3A_762, %shift_left3A_764 : vector<16xi32>
          %add3A_766 = arith.addi %shift_left3A_765, %add3A_628 : vector<16xi32>
          tpu.vector_store_idx %arg5[%add3A_112, %shift_right_arithmetic3A_759, %add3A_766], %gather3A_735 : memref<2x192x128xf32, #tpu.memory_space<vmem>>[vector<16xi32>, vector<16xi32>, vector<16xi32>], vector<16xf32>,
          %shift_right_arithmetic3A_767 = arith.constant 1 : i32
          %shift_right_arithmetic3A_768 = vector.broadcast %shift_right_arithmetic3A_767 : i32 to vector<16xi32>
          %shift_right_arithmetic3A_769 = arith.shrsi %add3A_737, %shift_right_arithmetic3A_768 : vector<16xi32>
          %and3A_770 = arith.constant 1 : i32
          %and3A_771 = vector.broadcast %and3A_770 : i32 to vector<16xi32>
          %and3A_772 = arith.andi %add3A_737, %and3A_771 : vector<16xi32>
          %shift_left3A_773 = arith.constant 6 : i32
          %shift_left3A_774 = vector.broadcast %shift_left3A_773 : i32 to vector<16xi32>
          %shift_left3A_775 = arith.shli %and3A_772, %shift_left3A_774 : vector<16xi32>
          %add3A_776 = arith.addi %shift_left3A_775, %add3A_628 : vector<16xi32>
          tpu.vector_store_idx %arg5[%add3A_112, %shift_right_arithmetic3A_769, %add3A_776], %gather3A_738 : memref<2x192x128xf32, #tpu.memory_space<vmem>>[vector<16xi32>, vector<16xi32>, vector<16xi32>], vector<16xf32>,
          %shift_right_arithmetic3A_777 = arith.constant 1 : i32
          %shift_right_arithmetic3A_778 = vector.broadcast %shift_right_arithmetic3A_777 : i32 to vector<16xi32>
          %shift_right_arithmetic3A_779 = arith.shrsi %add3A_740, %shift_right_arithmetic3A_778 : vector<16xi32>
          %and3A_780 = arith.constant 1 : i32
          %and3A_781 = vector.broadcast %and3A_780 : i32 to vector<16xi32>
          %and3A_782 = arith.andi %add3A_740, %and3A_781 : vector<16xi32>
          %shift_left3A_783 = arith.constant 6 : i32
          %shift_left3A_784 = vector.broadcast %shift_left3A_783 : i32 to vector<16xi32>
          %shift_left3A_785 = arith.shli %and3A_782, %shift_left3A_784 : vector<16xi32>
          %add3A_786 = arith.addi %shift_left3A_785, %add3A_628 : vector<16xi32>
          tpu.vector_store_idx %arg5[%add3A_112, %shift_right_arithmetic3A_779, %add3A_786], %gather3A_741 : memref<2x192x128xf32, #tpu.memory_space<vmem>>[vector<16xi32>, vector<16xi32>, vector<16xi32>], vector<16xf32>,
          %shift_right_arithmetic3A_787 = arith.constant 1 : i32
          %shift_right_arithmetic3A_788 = vector.broadcast %shift_right_arithmetic3A_787 : i32 to vector<16xi32>
          %shift_right_arithmetic3A_789 = arith.shrsi %add3A_743, %shift_right_arithmetic3A_788 : vector<16xi32>
          %and3A_790 = arith.constant 1 : i32
          %and3A_791 = vector.broadcast %and3A_790 : i32 to vector<16xi32>
          %and3A_792 = arith.andi %add3A_743, %and3A_791 : vector<16xi32>
          %shift_left3A_793 = arith.constant 6 : i32
          %shift_left3A_794 = vector.broadcast %shift_left3A_793 : i32 to vector<16xi32>
          %shift_left3A_795 = arith.shli %and3A_792, %shift_left3A_794 : vector<16xi32>
          %add3A_796 = arith.addi %shift_left3A_795, %add3A_628 : vector<16xi32>
          tpu.vector_store_idx %arg5[%add3A_112, %shift_right_arithmetic3A_789, %add3A_796], %gather3A_744 : memref<2x192x128xf32, #tpu.memory_space<vmem>>[vector<16xi32>, vector<16xi32>, vector<16xi32>], vector<16xf32>,
          %shift_right_arithmetic3A_797 = arith.constant 1 : i32
          %shift_right_arithmetic3A_798 = vector.broadcast %shift_right_arithmetic3A_797 : i32 to vector<16xi32>
          %shift_right_arithmetic3A_799 = arith.shrsi %add3A_746, %shift_right_arithmetic3A_798 : vector<16xi32>
          %and3A_800 = arith.constant 1 : i32
          %and3A_801 = vector.broadcast %and3A_800 : i32 to vector<16xi32>
          %and3A_802 = arith.andi %add3A_746, %and3A_801 : vector<16xi32>
          %shift_left3A_803 = arith.constant 6 : i32
          %shift_left3A_804 = vector.broadcast %shift_left3A_803 : i32 to vector<16xi32>
          %shift_left3A_805 = arith.shli %and3A_802, %shift_left3A_804 : vector<16xi32>
          %add3A_806 = arith.addi %shift_left3A_805, %add3A_628 : vector<16xi32>
          tpu.vector_store_idx %arg5[%add3A_112, %shift_right_arithmetic3A_799, %add3A_806], %gather3A_747 : memref<2x192x128xf32, #tpu.memory_space<vmem>>[vector<16xi32>, vector<16xi32>, vector<16xi32>], vector<16xf32>,
          %shift_right_arithmetic3A_807 = arith.constant 1 : i32
          %shift_right_arithmetic3A_808 = vector.broadcast %shift_right_arithmetic3A_807 : i32 to vector<16xi32>
          %shift_right_arithmetic3A_809 = arith.shrsi %add3A_749, %shift_right_arithmetic3A_808 : vector<16xi32>
          %and3A_810 = arith.constant 1 : i32
          %and3A_811 = vector.broadcast %and3A_810 : i32 to vector<16xi32>
          %and3A_812 = arith.andi %add3A_749, %and3A_811 : vector<16xi32>
          %shift_left3A_813 = arith.constant 6 : i32
          %shift_left3A_814 = vector.broadcast %shift_left3A_813 : i32 to vector<16xi32>
          %shift_left3A_815 = arith.shli %and3A_812, %shift_left3A_814 : vector<16xi32>
          %add3A_816 = arith.addi %shift_left3A_815, %add3A_628 : vector<16xi32>
          tpu.vector_store_idx %arg5[%add3A_112, %shift_right_arithmetic3A_809, %add3A_816], %gather3A_750 : memref<2x192x128xf32, #tpu.memory_space<vmem>>[vector<16xi32>, vector<16xi32>, vector<16xi32>], vector<16xf32>,
          %shift_right_arithmetic3A_817 = arith.constant 1 : i32
          %shift_right_arithmetic3A_818 = vector.broadcast %shift_right_arithmetic3A_817 : i32 to vector<16xi32>
          %shift_right_arithmetic3A_819 = arith.shrsi %add3A_752, %shift_right_arithmetic3A_818 : vector<16xi32>
          %and3A_820 = arith.constant 1 : i32
          %and3A_821 = vector.broadcast %and3A_820 : i32 to vector<16xi32>
          %and3A_822 = arith.andi %add3A_752, %and3A_821 : vector<16xi32>
          %shift_left3A_823 = arith.constant 6 : i32
          %shift_left3A_824 = vector.broadcast %shift_left3A_823 : i32 to vector<16xi32>
          %shift_left3A_825 = arith.shli %and3A_822, %shift_left3A_824 : vector<16xi32>
          %add3A_826 = arith.addi %shift_left3A_825, %add3A_628 : vector<16xi32>
          tpu.vector_store_idx %arg5[%add3A_112, %shift_right_arithmetic3A_819, %add3A_826], %gather3A_753 : memref<2x192x128xf32, #tpu.memory_space<vmem>>[vector<16xi32>, vector<16xi32>, vector<16xi32>], vector<16xf32>,
          %shift_right_arithmetic3A_827 = arith.constant 1 : i32
          %shift_right_arithmetic3A_828 = vector.broadcast %shift_right_arithmetic3A_827 : i32 to vector<16xi32>
          %shift_right_arithmetic3A_829 = arith.shrsi %add3A_755, %shift_right_arithmetic3A_828 : vector<16xi32>
          %and3A_830 = arith.constant 1 : i32
          %and3A_831 = vector.broadcast %and3A_830 : i32 to vector<16xi32>
          %and3A_832 = arith.andi %add3A_755, %and3A_831 : vector<16xi32>
          %shift_left3A_833 = arith.constant 6 : i32
          %shift_left3A_834 = vector.broadcast %shift_left3A_833 : i32 to vector<16xi32>
          %shift_left3A_835 = arith.shli %and3A_832, %shift_left3A_834 : vector<16xi32>
          %add3A_836 = arith.addi %shift_left3A_835, %add3A_628 : vector<16xi32>
          tpu.vector_store_idx %arg5[%add3A_112, %shift_right_arithmetic3A_829, %add3A_836], %gather3A_756 : memref<2x192x128xf32, #tpu.memory_space<vmem>>[vector<16xi32>, vector<16xi32>, vector<16xi32>], vector<16xf32>,
          %add3A_837 = arith.constant 48 : i32
          %add3A_838 = vector.broadcast %add3A_837 : i32 to vector<16xi32>
          %add3A_839 = arith.addi %iota3A, %add3A_838 : vector<16xi32>
          %add3A_840 = vector.broadcast %mul3A_206 : i32 to vector<16xi32>
          %add3A_841 = arith.addi %and3A_13, %add3A_840 : vector<16xi32>
          %gather3A_842 = tpu.vector_load_idx %arg4[%add3A_112, %add3A_839, %add3A_841] : memref<2x64x384xf32, #tpu.memory_space<vmem>>[vector<16xi32>, vector<16xi32>, vector<16xi32>], vector<16xf32>,
          %add3A_843 = vector.broadcast %mul3A_206 : i32 to vector<16xi32>
          %add3A_844 = arith.addi %and3A_19, %add3A_843 : vector<16xi32>
          %gather3A_845 = tpu.vector_load_idx %arg4[%add3A_112, %add3A_839, %add3A_844] : memref<2x64x384xf32, #tpu.memory_space<vmem>>[vector<16xi32>, vector<16xi32>, vector<16xi32>], vector<16xf32>,
          %add3A_846 = vector.broadcast %mul3A_206 : i32 to vector<16xi32>
          %add3A_847 = arith.addi %and3A_25, %add3A_846 : vector<16xi32>
          %gather3A_848 = tpu.vector_load_idx %arg4[%add3A_112, %add3A_839, %add3A_847] : memref<2x64x384xf32, #tpu.memory_space<vmem>>[vector<16xi32>, vector<16xi32>, vector<16xi32>], vector<16xf32>,
          %add3A_849 = vector.broadcast %mul3A_206 : i32 to vector<16xi32>
          %add3A_850 = arith.addi %and3A_31, %add3A_849 : vector<16xi32>
          %gather3A_851 = tpu.vector_load_idx %arg4[%add3A_112, %add3A_839, %add3A_850] : memref<2x64x384xf32, #tpu.memory_space<vmem>>[vector<16xi32>, vector<16xi32>, vector<16xi32>], vector<16xf32>,
          %add3A_852 = vector.broadcast %mul3A_206 : i32 to vector<16xi32>
          %add3A_853 = arith.addi %and3A_37, %add3A_852 : vector<16xi32>
          %gather3A_854 = tpu.vector_load_idx %arg4[%add3A_112, %add3A_839, %add3A_853] : memref<2x64x384xf32, #tpu.memory_space<vmem>>[vector<16xi32>, vector<16xi32>, vector<16xi32>], vector<16xf32>,
          %add3A_855 = vector.broadcast %mul3A_206 : i32 to vector<16xi32>
          %add3A_856 = arith.addi %and3A_43, %add3A_855 : vector<16xi32>
          %gather3A_857 = tpu.vector_load_idx %arg4[%add3A_112, %add3A_839, %add3A_856] : memref<2x64x384xf32, #tpu.memory_space<vmem>>[vector<16xi32>, vector<16xi32>, vector<16xi32>], vector<16xf32>,
          %add3A_858 = vector.broadcast %mul3A_206 : i32 to vector<16xi32>
          %add3A_859 = arith.addi %and3A_49, %add3A_858 : vector<16xi32>
          %gather3A_860 = tpu.vector_load_idx %arg4[%add3A_112, %add3A_839, %add3A_859] : memref<2x64x384xf32, #tpu.memory_space<vmem>>[vector<16xi32>, vector<16xi32>, vector<16xi32>], vector<16xf32>,
          %add3A_861 = vector.broadcast %mul3A_206 : i32 to vector<16xi32>
          %add3A_862 = arith.addi %and3A_55, %add3A_861 : vector<16xi32>
          %gather3A_863 = tpu.vector_load_idx %arg4[%add3A_112, %add3A_839, %add3A_862] : memref<2x64x384xf32, #tpu.memory_space<vmem>>[vector<16xi32>, vector<16xi32>, vector<16xi32>], vector<16xf32>,
          %shift_right_arithmetic3A_864 = arith.constant 1 : i32
          %shift_right_arithmetic3A_865 = vector.broadcast %shift_right_arithmetic3A_864 : i32 to vector<16xi32>
          %shift_right_arithmetic3A_866 = arith.shrsi %add3A_841, %shift_right_arithmetic3A_865 : vector<16xi32>
          %and3A_867 = arith.constant 1 : i32
          %and3A_868 = vector.broadcast %and3A_867 : i32 to vector<16xi32>
          %and3A_869 = arith.andi %add3A_841, %and3A_868 : vector<16xi32>
          %shift_left3A_870 = arith.constant 6 : i32
          %shift_left3A_871 = vector.broadcast %shift_left3A_870 : i32 to vector<16xi32>
          %shift_left3A_872 = arith.shli %and3A_869, %shift_left3A_871 : vector<16xi32>
          %add3A_873 = arith.addi %shift_left3A_872, %add3A_839 : vector<16xi32>
          tpu.vector_store_idx %arg5[%add3A_112, %shift_right_arithmetic3A_866, %add3A_873], %gather3A_842 : memref<2x192x128xf32, #tpu.memory_space<vmem>>[vector<16xi32>, vector<16xi32>, vector<16xi32>], vector<16xf32>,
          %shift_right_arithmetic3A_874 = arith.constant 1 : i32
          %shift_right_arithmetic3A_875 = vector.broadcast %shift_right_arithmetic3A_874 : i32 to vector<16xi32>
          %shift_right_arithmetic3A_876 = arith.shrsi %add3A_844, %shift_right_arithmetic3A_875 : vector<16xi32>
          %and3A_877 = arith.constant 1 : i32
          %and3A_878 = vector.broadcast %and3A_877 : i32 to vector<16xi32>
          %and3A_879 = arith.andi %add3A_844, %and3A_878 : vector<16xi32>
          %shift_left3A_880 = arith.constant 6 : i32
          %shift_left3A_881 = vector.broadcast %shift_left3A_880 : i32 to vector<16xi32>
          %shift_left3A_882 = arith.shli %and3A_879, %shift_left3A_881 : vector<16xi32>
          %add3A_883 = arith.addi %shift_left3A_882, %add3A_839 : vector<16xi32>
          tpu.vector_store_idx %arg5[%add3A_112, %shift_right_arithmetic3A_876, %add3A_883], %gather3A_845 : memref<2x192x128xf32, #tpu.memory_space<vmem>>[vector<16xi32>, vector<16xi32>, vector<16xi32>], vector<16xf32>,
          %shift_right_arithmetic3A_884 = arith.constant 1 : i32
          %shift_right_arithmetic3A_885 = vector.broadcast %shift_right_arithmetic3A_884 : i32 to vector<16xi32>
          %shift_right_arithmetic3A_886 = arith.shrsi %add3A_847, %shift_right_arithmetic3A_885 : vector<16xi32>
          %and3A_887 = arith.constant 1 : i32
          %and3A_888 = vector.broadcast %and3A_887 : i32 to vector<16xi32>
          %and3A_889 = arith.andi %add3A_847, %and3A_888 : vector<16xi32>
          %shift_left3A_890 = arith.constant 6 : i32
          %shift_left3A_891 = vector.broadcast %shift_left3A_890 : i32 to vector<16xi32>
          %shift_left3A_892 = arith.shli %and3A_889, %shift_left3A_891 : vector<16xi32>
          %add3A_893 = arith.addi %shift_left3A_892, %add3A_839 : vector<16xi32>
          tpu.vector_store_idx %arg5[%add3A_112, %shift_right_arithmetic3A_886, %add3A_893], %gather3A_848 : memref<2x192x128xf32, #tpu.memory_space<vmem>>[vector<16xi32>, vector<16xi32>, vector<16xi32>], vector<16xf32>,
          %shift_right_arithmetic3A_894 = arith.constant 1 : i32
          %shift_right_arithmetic3A_895 = vector.broadcast %shift_right_arithmetic3A_894 : i32 to vector<16xi32>
          %shift_right_arithmetic3A_896 = arith.shrsi %add3A_850, %shift_right_arithmetic3A_895 : vector<16xi32>
          %and3A_897 = arith.constant 1 : i32
          %and3A_898 = vector.broadcast %and3A_897 : i32 to vector<16xi32>
          %and3A_899 = arith.andi %add3A_850, %and3A_898 : vector<16xi32>
          %shift_left3A_900 = arith.constant 6 : i32
          %shift_left3A_901 = vector.broadcast %shift_left3A_900 : i32 to vector<16xi32>
          %shift_left3A_902 = arith.shli %and3A_899, %shift_left3A_901 : vector<16xi32>
          %add3A_903 = arith.addi %shift_left3A_902, %add3A_839 : vector<16xi32>
          tpu.vector_store_idx %arg5[%add3A_112, %shift_right_arithmetic3A_896, %add3A_903], %gather3A_851 : memref<2x192x128xf32, #tpu.memory_space<vmem>>[vector<16xi32>, vector<16xi32>, vector<16xi32>], vector<16xf32>,
          %shift_right_arithmetic3A_904 = arith.constant 1 : i32
          %shift_right_arithmetic3A_905 = vector.broadcast %shift_right_arithmetic3A_904 : i32 to vector<16xi32>
          %shift_right_arithmetic3A_906 = arith.shrsi %add3A_853, %shift_right_arithmetic3A_905 : vector<16xi32>
          %and3A_907 = arith.constant 1 : i32
          %and3A_908 = vector.broadcast %and3A_907 : i32 to vector<16xi32>
          %and3A_909 = arith.andi %add3A_853, %and3A_908 : vector<16xi32>
          %shift_left3A_910 = arith.constant 6 : i32
          %shift_left3A_911 = vector.broadcast %shift_left3A_910 : i32 to vector<16xi32>
          %shift_left3A_912 = arith.shli %and3A_909, %shift_left3A_911 : vector<16xi32>
          %add3A_913 = arith.addi %shift_left3A_912, %add3A_839 : vector<16xi32>
          tpu.vector_store_idx %arg5[%add3A_112, %shift_right_arithmetic3A_906, %add3A_913], %gather3A_854 : memref<2x192x128xf32, #tpu.memory_space<vmem>>[vector<16xi32>, vector<16xi32>, vector<16xi32>], vector<16xf32>,
          %shift_right_arithmetic3A_914 = arith.constant 1 : i32
          %shift_right_arithmetic3A_915 = vector.broadcast %shift_right_arithmetic3A_914 : i32 to vector<16xi32>
          %shift_right_arithmetic3A_916 = arith.shrsi %add3A_856, %shift_right_arithmetic3A_915 : vector<16xi32>
          %and3A_917 = arith.constant 1 : i32
          %and3A_918 = vector.broadcast %and3A_917 : i32 to vector<16xi32>
          %and3A_919 = arith.andi %add3A_856, %and3A_918 : vector<16xi32>
          %shift_left3A_920 = arith.constant 6 : i32
          %shift_left3A_921 = vector.broadcast %shift_left3A_920 : i32 to vector<16xi32>
          %shift_left3A_922 = arith.shli %and3A_919, %shift_left3A_921 : vector<16xi32>
          %add3A_923 = arith.addi %shift_left3A_922, %add3A_839 : vector<16xi32>
          tpu.vector_store_idx %arg5[%add3A_112, %shift_right_arithmetic3A_916, %add3A_923], %gather3A_857 : memref<2x192x128xf32, #tpu.memory_space<vmem>>[vector<16xi32>, vector<16xi32>, vector<16xi32>], vector<16xf32>,
          %shift_right_arithmetic3A_924 = arith.constant 1 : i32
          %shift_right_arithmetic3A_925 = vector.broadcast %shift_right_arithmetic3A_924 : i32 to vector<16xi32>
          %shift_right_arithmetic3A_926 = arith.shrsi %add3A_859, %shift_right_arithmetic3A_925 : vector<16xi32>
          %and3A_927 = arith.constant 1 : i32
          %and3A_928 = vector.broadcast %and3A_927 : i32 to vector<16xi32>
          %and3A_929 = arith.andi %add3A_859, %and3A_928 : vector<16xi32>
          %shift_left3A_930 = arith.constant 6 : i32
          %shift_left3A_931 = vector.broadcast %shift_left3A_930 : i32 to vector<16xi32>
          %shift_left3A_932 = arith.shli %and3A_929, %shift_left3A_931 : vector<16xi32>
          %add3A_933 = arith.addi %shift_left3A_932, %add3A_839 : vector<16xi32>
          tpu.vector_store_idx %arg5[%add3A_112, %shift_right_arithmetic3A_926, %add3A_933], %gather3A_860 : memref<2x192x128xf32, #tpu.memory_space<vmem>>[vector<16xi32>, vector<16xi32>, vector<16xi32>], vector<16xf32>,
          %shift_right_arithmetic3A_934 = arith.constant 1 : i32
          %shift_right_arithmetic3A_935 = vector.broadcast %shift_right_arithmetic3A_934 : i32 to vector<16xi32>
          %shift_right_arithmetic3A_936 = arith.shrsi %add3A_862, %shift_right_arithmetic3A_935 : vector<16xi32>
          %and3A_937 = arith.constant 1 : i32
          %and3A_938 = vector.broadcast %and3A_937 : i32 to vector<16xi32>
          %and3A_939 = arith.andi %add3A_862, %and3A_938 : vector<16xi32>
          %shift_left3A_940 = arith.constant 6 : i32
          %shift_left3A_941 = vector.broadcast %shift_left3A_940 : i32 to vector<16xi32>
          %shift_left3A_942 = arith.shli %and3A_939, %shift_left3A_941 : vector<16xi32>
          %add3A_943 = arith.addi %shift_left3A_942, %add3A_839 : vector<16xi32>
          tpu.vector_store_idx %arg5[%add3A_112, %shift_right_arithmetic3A_936, %add3A_943], %gather3A_863 : memref<2x192x128xf32, #tpu.memory_space<vmem>>[vector<16xi32>, vector<16xi32>, vector<16xi32>], vector<16xf32>,
          %add3A_944 = vector.broadcast %mul3A_206 : i32 to vector<16xi32>
          %add3A_945 = arith.addi %and3A_61, %add3A_944 : vector<16xi32>
          %gather3A_946 = tpu.vector_load_idx %arg4[%add3A_112, %add3A_839, %add3A_945] : memref<2x64x384xf32, #tpu.memory_space<vmem>>[vector<16xi32>, vector<16xi32>, vector<16xi32>], vector<16xf32>,
          %add3A_947 = vector.broadcast %mul3A_206 : i32 to vector<16xi32>
          %add3A_948 = arith.addi %and3A_67, %add3A_947 : vector<16xi32>
          %gather3A_949 = tpu.vector_load_idx %arg4[%add3A_112, %add3A_839, %add3A_948] : memref<2x64x384xf32, #tpu.memory_space<vmem>>[vector<16xi32>, vector<16xi32>, vector<16xi32>], vector<16xf32>,
          %add3A_950 = vector.broadcast %mul3A_206 : i32 to vector<16xi32>
          %add3A_951 = arith.addi %and3A_73, %add3A_950 : vector<16xi32>
          %gather3A_952 = tpu.vector_load_idx %arg4[%add3A_112, %add3A_839, %add3A_951] : memref<2x64x384xf32, #tpu.memory_space<vmem>>[vector<16xi32>, vector<16xi32>, vector<16xi32>], vector<16xf32>,
          %add3A_953 = vector.broadcast %mul3A_206 : i32 to vector<16xi32>
          %add3A_954 = arith.addi %and3A_79, %add3A_953 : vector<16xi32>
          %gather3A_955 = tpu.vector_load_idx %arg4[%add3A_112, %add3A_839, %add3A_954] : memref<2x64x384xf32, #tpu.memory_space<vmem>>[vector<16xi32>, vector<16xi32>, vector<16xi32>], vector<16xf32>,
          %add3A_956 = vector.broadcast %mul3A_206 : i32 to vector<16xi32>
          %add3A_957 = arith.addi %and3A_85, %add3A_956 : vector<16xi32>
          %gather3A_958 = tpu.vector_load_idx %arg4[%add3A_112, %add3A_839, %add3A_957] : memref<2x64x384xf32, #tpu.memory_space<vmem>>[vector<16xi32>, vector<16xi32>, vector<16xi32>], vector<16xf32>,
          %add3A_959 = vector.broadcast %mul3A_206 : i32 to vector<16xi32>
          %add3A_960 = arith.addi %and3A_91, %add3A_959 : vector<16xi32>
          %gather3A_961 = tpu.vector_load_idx %arg4[%add3A_112, %add3A_839, %add3A_960] : memref<2x64x384xf32, #tpu.memory_space<vmem>>[vector<16xi32>, vector<16xi32>, vector<16xi32>], vector<16xf32>,
          %add3A_962 = vector.broadcast %mul3A_206 : i32 to vector<16xi32>
          %add3A_963 = arith.addi %and3A_97, %add3A_962 : vector<16xi32>
          %gather3A_964 = tpu.vector_load_idx %arg4[%add3A_112, %add3A_839, %add3A_963] : memref<2x64x384xf32, #tpu.memory_space<vmem>>[vector<16xi32>, vector<16xi32>, vector<16xi32>], vector<16xf32>,
          %add3A_965 = vector.broadcast %mul3A_206 : i32 to vector<16xi32>
          %add3A_966 = arith.addi %and3A_103, %add3A_965 : vector<16xi32>
          %gather3A_967 = tpu.vector_load_idx %arg4[%add3A_112, %add3A_839, %add3A_966] : memref<2x64x384xf32, #tpu.memory_space<vmem>>[vector<16xi32>, vector<16xi32>, vector<16xi32>], vector<16xf32>,
          %shift_right_arithmetic3A_968 = arith.constant 1 : i32
          %shift_right_arithmetic3A_969 = vector.broadcast %shift_right_arithmetic3A_968 : i32 to vector<16xi32>
          %shift_right_arithmetic3A_970 = arith.shrsi %add3A_945, %shift_right_arithmetic3A_969 : vector<16xi32>
          %and3A_971 = arith.constant 1 : i32
          %and3A_972 = vector.broadcast %and3A_971 : i32 to vector<16xi32>
          %and3A_973 = arith.andi %add3A_945, %and3A_972 : vector<16xi32>
          %shift_left3A_974 = arith.constant 6 : i32
          %shift_left3A_975 = vector.broadcast %shift_left3A_974 : i32 to vector<16xi32>
          %shift_left3A_976 = arith.shli %and3A_973, %shift_left3A_975 : vector<16xi32>
          %add3A_977 = arith.addi %shift_left3A_976, %add3A_839 : vector<16xi32>
          tpu.vector_store_idx %arg5[%add3A_112, %shift_right_arithmetic3A_970, %add3A_977], %gather3A_946 : memref<2x192x128xf32, #tpu.memory_space<vmem>>[vector<16xi32>, vector<16xi32>, vector<16xi32>], vector<16xf32>,
          %shift_right_arithmetic3A_978 = arith.constant 1 : i32
          %shift_right_arithmetic3A_979 = vector.broadcast %shift_right_arithmetic3A_978 : i32 to vector<16xi32>
          %shift_right_arithmetic3A_980 = arith.shrsi %add3A_948, %shift_right_arithmetic3A_979 : vector<16xi32>
          %and3A_981 = arith.constant 1 : i32
          %and3A_982 = vector.broadcast %and3A_981 : i32 to vector<16xi32>
          %and3A_983 = arith.andi %add3A_948, %and3A_982 : vector<16xi32>
          %shift_left3A_984 = arith.constant 6 : i32
          %shift_left3A_985 = vector.broadcast %shift_left3A_984 : i32 to vector<16xi32>
          %shift_left3A_986 = arith.shli %and3A_983, %shift_left3A_985 : vector<16xi32>
          %add3A_987 = arith.addi %shift_left3A_986, %add3A_839 : vector<16xi32>
          tpu.vector_store_idx %arg5[%add3A_112, %shift_right_arithmetic3A_980, %add3A_987], %gather3A_949 : memref<2x192x128xf32, #tpu.memory_space<vmem>>[vector<16xi32>, vector<16xi32>, vector<16xi32>], vector<16xf32>,
          %shift_right_arithmetic3A_988 = arith.constant 1 : i32
          %shift_right_arithmetic3A_989 = vector.broadcast %shift_right_arithmetic3A_988 : i32 to vector<16xi32>
          %shift_right_arithmetic3A_990 = arith.shrsi %add3A_951, %shift_right_arithmetic3A_989 : vector<16xi32>
          %and3A_991 = arith.constant 1 : i32
          %and3A_992 = vector.broadcast %and3A_991 : i32 to vector<16xi32>
          %and3A_993 = arith.andi %add3A_951, %and3A_992 : vector<16xi32>
          %shift_left3A_994 = arith.constant 6 : i32
          %shift_left3A_995 = vector.broadcast %shift_left3A_994 : i32 to vector<16xi32>
          %shift_left3A_996 = arith.shli %and3A_993, %shift_left3A_995 : vector<16xi32>
          %add3A_997 = arith.addi %shift_left3A_996, %add3A_839 : vector<16xi32>
          tpu.vector_store_idx %arg5[%add3A_112, %shift_right_arithmetic3A_990, %add3A_997], %gather3A_952 : memref<2x192x128xf32, #tpu.memory_space<vmem>>[vector<16xi32>, vector<16xi32>, vector<16xi32>], vector<16xf32>,
          %shift_right_arithmetic3A_998 = arith.constant 1 : i32
          %shift_right_arithmetic3A_999 = vector.broadcast %shift_right_arithmetic3A_998 : i32 to vector<16xi32>
          %shift_right_arithmetic3A_1000 = arith.shrsi %add3A_954, %shift_right_arithmetic3A_999 : vector<16xi32>
          %and3A_1001 = arith.constant 1 : i32
          %and3A_1002 = vector.broadcast %and3A_1001 : i32 to vector<16xi32>
          %and3A_1003 = arith.andi %add3A_954, %and3A_1002 : vector<16xi32>
          %shift_left3A_1004 = arith.constant 6 : i32
          %shift_left3A_1005 = vector.broadcast %shift_left3A_1004 : i32 to vector<16xi32>
          %shift_left3A_1006 = arith.shli %and3A_1003, %shift_left3A_1005 : vector<16xi32>
          %add3A_1007 = arith.addi %shift_left3A_1006, %add3A_839 : vector<16xi32>
          tpu.vector_store_idx %arg5[%add3A_112, %shift_right_arithmetic3A_1000, %add3A_1007], %gather3A_955 : memref<2x192x128xf32, #tpu.memory_space<vmem>>[vector<16xi32>, vector<16xi32>, vector<16xi32>], vector<16xf32>,
          %shift_right_arithmetic3A_1008 = arith.constant 1 : i32
          %shift_right_arithmetic3A_1009 = vector.broadcast %shift_right_arithmetic3A_1008 : i32 to vector<16xi32>
          %shift_right_arithmetic3A_1010 = arith.shrsi %add3A_957, %shift_right_arithmetic3A_1009 : vector<16xi32>
          %and3A_1011 = arith.constant 1 : i32
          %and3A_1012 = vector.broadcast %and3A_1011 : i32 to vector<16xi32>
          %and3A_1013 = arith.andi %add3A_957, %and3A_1012 : vector<16xi32>
          %shift_left3A_1014 = arith.constant 6 : i32
          %shift_left3A_1015 = vector.broadcast %shift_left3A_1014 : i32 to vector<16xi32>
          %shift_left3A_1016 = arith.shli %and3A_1013, %shift_left3A_1015 : vector<16xi32>
          %add3A_1017 = arith.addi %shift_left3A_1016, %add3A_839 : vector<16xi32>
          tpu.vector_store_idx %arg5[%add3A_112, %shift_right_arithmetic3A_1010, %add3A_1017], %gather3A_958 : memref<2x192x128xf32, #tpu.memory_space<vmem>>[vector<16xi32>, vector<16xi32>, vector<16xi32>], vector<16xf32>,
          %shift_right_arithmetic3A_1018 = arith.constant 1 : i32
          %shift_right_arithmetic3A_1019 = vector.broadcast %shift_right_arithmetic3A_1018 : i32 to vector<16xi32>
          %shift_right_arithmetic3A_1020 = arith.shrsi %add3A_960, %shift_right_arithmetic3A_1019 : vector<16xi32>
          %and3A_1021 = arith.constant 1 : i32
          %and3A_1022 = vector.broadcast %and3A_1021 : i32 to vector<16xi32>
          %and3A_1023 = arith.andi %add3A_960, %and3A_1022 : vector<16xi32>
          %shift_left3A_1024 = arith.constant 6 : i32
          %shift_left3A_1025 = vector.broadcast %shift_left3A_1024 : i32 to vector<16xi32>
          %shift_left3A_1026 = arith.shli %and3A_1023, %shift_left3A_1025 : vector<16xi32>
          %add3A_1027 = arith.addi %shift_left3A_1026, %add3A_839 : vector<16xi32>
          tpu.vector_store_idx %arg5[%add3A_112, %shift_right_arithmetic3A_1020, %add3A_1027], %gather3A_961 : memref<2x192x128xf32, #tpu.memory_space<vmem>>[vector<16xi32>, vector<16xi32>, vector<16xi32>], vector<16xf32>,
          %shift_right_arithmetic3A_1028 = arith.constant 1 : i32
          %shift_right_arithmetic3A_1029 = vector.broadcast %shift_right_arithmetic3A_1028 : i32 to vector<16xi32>
          %shift_right_arithmetic3A_1030 = arith.shrsi %add3A_963, %shift_right_arithmetic3A_1029 : vector<16xi32>
          %and3A_1031 = arith.constant 1 : i32
          %and3A_1032 = vector.broadcast %and3A_1031 : i32 to vector<16xi32>
          %and3A_1033 = arith.andi %add3A_963, %and3A_1032 : vector<16xi32>
          %shift_left3A_1034 = arith.constant 6 : i32
          %shift_left3A_1035 = vector.broadcast %shift_left3A_1034 : i32 to vector<16xi32>
          %shift_left3A_1036 = arith.shli %and3A_1033, %shift_left3A_1035 : vector<16xi32>
          %add3A_1037 = arith.addi %shift_left3A_1036, %add3A_839 : vector<16xi32>
          tpu.vector_store_idx %arg5[%add3A_112, %shift_right_arithmetic3A_1030, %add3A_1037], %gather3A_964 : memref<2x192x128xf32, #tpu.memory_space<vmem>>[vector<16xi32>, vector<16xi32>, vector<16xi32>], vector<16xf32>,
          %shift_right_arithmetic3A_1038 = arith.constant 1 : i32
          %shift_right_arithmetic3A_1039 = vector.broadcast %shift_right_arithmetic3A_1038 : i32 to vector<16xi32>
          %shift_right_arithmetic3A_1040 = arith.shrsi %add3A_966, %shift_right_arithmetic3A_1039 : vector<16xi32>
          %and3A_1041 = arith.constant 1 : i32
          %and3A_1042 = vector.broadcast %and3A_1041 : i32 to vector<16xi32>
          %and3A_1043 = arith.andi %add3A_966, %and3A_1042 : vector<16xi32>
          %shift_left3A_1044 = arith.constant 6 : i32
          %shift_left3A_1045 = vector.broadcast %shift_left3A_1044 : i32 to vector<16xi32>
          %shift_left3A_1046 = arith.shli %and3A_1043, %shift_left3A_1045 : vector<16xi32>
          %add3A_1047 = arith.addi %shift_left3A_1046, %add3A_839 : vector<16xi32>
          tpu.vector_store_idx %arg5[%add3A_112, %shift_right_arithmetic3A_1040, %add3A_1047], %gather3A_967 : memref<2x192x128xf32, #tpu.memory_space<vmem>>[vector<16xi32>, vector<16xi32>, vector<16xi32>], vector<16xf32>,
        }
        %scan3A_187 = arith.constant 24 : i32
        %add3A_188 = arith.addi %add3A_4, %add3A_151 : i32
        %mul3A_189 = arith.constant 192 : i32
        %mul3A_190 = arith.muli %add3A_188, %mul3A_189 : i32
        %multiple_of3A_191 = tpu.assume_multiple %mul3A_190, 8 : i32
        %dma_start3A = arith.constant 1 : i32
        %dma_start3A_192 = arith.constant 0 : i32
        %dma_start3A_193 = arith.constant 0 : i32
        %dma_start3A_194 = tpu.memref_slice %arg5[%dma_start3A, %dma_start3A_192, %dma_start3A_193] : memref<2x192x128xf32, #tpu.memory_space<vmem>> -> memref<1x192x128xf32, #tpu.memory_space<vmem>>
        %dma_start3A_195 = tpu.memref_squeeze %dma_start3A_194 : memref<1x192x128xf32, #tpu.memory_space<vmem>> -> memref<192x128xf32, #tpu.memory_space<vmem>>
        %dma_start3A_196 = arith.constant 0 : i32
        %dma_start3A_197 = tpu.memref_slice %arg3[%multiple_of3A_191, %dma_start3A_196] : memref<500000x128xf32, #tpu.memory_space<hbm>> -> memref<192x128xf32, #tpu.memory_space<hbm>>
        %dma_start3A_198 = arith.constant 0 : i32
        %dma_start3A_199 = tpu.memref_slice %arg3[%multiple_of3A_191, %dma_start3A_198] : memref<500000x128xf32, #tpu.memory_space<hbm>> -> memref<192x128xf32, #tpu.memory_space<hbm>>
        %dma_start3A_200 = arith.constant 0 : i32
        %dma_start3A_201 = arith.constant 0 : i32
        %dma_start3A_202 = tpu.memref_slice %arg5[%dma_start3A, %dma_start3A_200, %dma_start3A_201] : memref<2x192x128xf32, #tpu.memory_space<vmem>> -> memref<1x192x128xf32, #tpu.memory_space<vmem>>
        %dma_start3A_203 = tpu.memref_squeeze %dma_start3A_202 : memref<1x192x128xf32, #tpu.memory_space<vmem>> -> memref<192x128xf32, #tpu.memory_space<vmem>>
        tpu.enqueue_dma source(%dma_start3A_203 : memref<192x128xf32, #tpu.memory_space<vmem>>) target(%dma_start3A_199 : memref<192x128xf32, #tpu.memory_space<hbm>>) target_semaphore(%arg9 : memref<!tpu.dma_semaphore, #tpu.memory_space<semaphore_mem>>)
      } else {
      }
    }
    %scan3A_119 = arith.constant 41 : i32
    %dma_wait3A = arith.constant 0 : i32
    %dma_wait3A_120 = arith.constant 0 : i32
    %dma_wait3A_121 = arith.constant 0 : i32
    %dma_wait3A_122 = tpu.memref_slice %arg5[%dma_wait3A, %dma_wait3A_120, %dma_wait3A_121] : memref<2x192x128xf32, #tpu.memory_space<vmem>> -> memref<1x192x128xf32, #tpu.memory_space<vmem>>
    %dma_wait3A_123 = tpu.memref_squeeze %dma_wait3A_122 : memref<1x192x128xf32, #tpu.memory_space<vmem>> -> memref<192x128xf32, #tpu.memory_space<vmem>>
    %dma_wait3A_124 = arith.constant 0 : i32
    %dma_wait3A_125 = arith.constant 0 : i32
    %dma_wait3A_126 = tpu.memref_slice %arg3[%dma_wait3A_124, %dma_wait3A_125] : memref<500000x128xf32, #tpu.memory_space<hbm>> -> memref<192x128xf32, #tpu.memory_space<hbm>>
    %dma_wait3A_127 = arith.constant 0 : i32
    %dma_wait3A_128 = arith.constant 0 : i32
    %dma_wait3A_129 = tpu.memref_slice %arg3[%dma_wait3A_127, %dma_wait3A_128] : memref<500000x128xf32, #tpu.memory_space<hbm>> -> memref<192x128xf32, #tpu.memory_space<hbm>>
    %dma_wait3A_130 = arith.constant 0 : i32
    %dma_wait3A_131 = arith.constant 0 : i32
    %dma_wait3A_132 = tpu.memref_slice %arg5[%dma_wait3A, %dma_wait3A_130, %dma_wait3A_131] : memref<2x192x128xf32, #tpu.memory_space<vmem>> -> memref<1x192x128xf32, #tpu.memory_space<vmem>>
    %dma_wait3A_133 = tpu.memref_squeeze %dma_wait3A_132 : memref<1x192x128xf32, #tpu.memory_space<vmem>> -> memref<192x128xf32, #tpu.memory_space<vmem>>
    tpu.wait_dma2 semaphore(%arg8 : memref<!tpu.dma_semaphore, #tpu.memory_space<semaphore_mem>>) src(%dma_wait3A_133 : memref<192x128xf32, #tpu.memory_space<vmem>>) dst(%dma_wait3A_129 : memref<192x128xf32, #tpu.memory_space<hbm>>)
    %gt3A_134 = arith.constant 1 : i32
    %gt3A_135 = arith.cmpi sgt, %add3A_8, %gt3A_134 : i32
    %convert_element_type3A_136 = arith.extui %gt3A_135 : i1 to i32
    %cond3A_137 = arith.constant 0 : i32
    %cond3A_138 = arith.cmpi ne, %convert_element_type3A_136, %cond3A_137 : i32
    scf.if %cond3A_138 {
      %dma_wait3A_139 = arith.constant 1 : i32
      %dma_wait3A_140 = arith.constant 0 : i32
      %dma_wait3A_141 = arith.constant 0 : i32
      %dma_wait3A_142 = tpu.memref_slice %arg5[%dma_wait3A_139, %dma_wait3A_140, %dma_wait3A_141] : memref<2x192x128xf32, #tpu.memory_space<vmem>> -> memref<1x192x128xf32, #tpu.memory_space<vmem>>
      %dma_wait3A_143 = tpu.memref_squeeze %dma_wait3A_142 : memref<1x192x128xf32, #tpu.memory_space<vmem>> -> memref<192x128xf32, #tpu.memory_space<vmem>>
      %dma_wait3A_144 = arith.constant 0 : i32
      %dma_wait3A_145 = arith.constant 0 : i32
      %dma_wait3A_146 = tpu.memref_slice %arg3[%dma_wait3A_144, %dma_wait3A_145] : memref<500000x128xf32, #tpu.memory_space<hbm>> -> memref<192x128xf32, #tpu.memory_space<hbm>>
      %dma_wait3A_147 = arith.constant 0 : i32
      %dma_wait3A_148 = arith.constant 0 : i32
      %dma_wait3A_149 = tpu.memref_slice %arg3[%dma_wait3A_147, %dma_wait3A_148] : memref<500000x128xf32, #tpu.memory_space<hbm>> -> memref<192x128xf32, #tpu.memory_space<hbm>>
      %dma_wait3A_150 = arith.constant 0 : i32
      %dma_wait3A_151 = arith.constant 0 : i32
      %dma_wait3A_152 = tpu.memref_slice %arg5[%dma_wait3A_139, %dma_wait3A_150, %dma_wait3A_151] : memref<2x192x128xf32, #tpu.memory_space<vmem>> -> memref<1x192x128xf32, #tpu.memory_space<vmem>>
      %dma_wait3A_153 = tpu.memref_squeeze %dma_wait3A_152 : memref<1x192x128xf32, #tpu.memory_space<vmem>> -> memref<192x128xf32, #tpu.memory_space<vmem>>
      tpu.wait_dma2 semaphore(%arg9 : memref<!tpu.dma_semaphore, #tpu.memory_space<semaphore_mem>>) src(%dma_wait3A_153 : memref<192x128xf32, #tpu.memory_space<vmem>>) dst(%dma_wait3A_149 : memref<192x128xf32, #tpu.memory_space<hbm>>)
    } else {
    }
    return
  }
}

#map = affine_map<(d0, d1) -> (0, 0)>
module attributes {stable_mosaic.version = 14 : i64} {
  func.func @body(%arg0: i32, %arg1: i32, %arg2: memref<8192x100xi32, #tpu.memory_space<hbm>>, %arg3: memref<1000000x64xf32, #tpu.memory_space<hbm>>, %arg4: memref<4096x64xf32, #tpu.memory_space<hbm>>, %arg5: memref<256x100xi32, #tpu.memory_space<vmem>>, %arg6: memref<2x200x64xf32, #tpu.memory_space<vmem>>, %arg7: memref<128x64xf32, #tpu.memory_space<vmem>>, %arg8: memref<!tpu.dma_semaphore, #tpu.memory_space<semaphore_mem>>, %arg9: memref<!tpu.dma_semaphore, #tpu.memory_space<semaphore_mem>>) attributes {dimension_semantics = [#tpu.dimension_semantics<core_parallel>, #tpu.dimension_semantics<subcore_parallel>], iteration_bounds = array<i64: 2, 16>, scalar_prefetch = 0 : i64, scratch_operands = 5 : i64, tpu.core_type = #tpu.core_type<sc_vector_subcore>, window_params = [{transform_indices = #map}, {transform_indices = #map}, {transform_indices = #map}]} {
    %mul3A = arith.constant 2 : i32
    %mul3A_0 = arith.muli %arg1, %mul3A : i32
    %add3A = arith.addi %mul3A_0, %arg0 : i32
    %mul3A_1 = arith.constant 128 : i32
    %mul3A_2 = arith.muli %add3A, %mul3A_1 : i32
    %mul3A_3 = arith.constant 2 : i32
    %mul3A_4 = arith.muli %mul3A_2, %mul3A_3 : i32
    "tpu.region"() ({
      %run_scoped3A = tpu.sem_alloc : memref<!tpu.dma_semaphore, #tpu.memory_space<semaphore_mem>>
      %dma_start3A_33 = arith.constant 0 : i32
      %dma_start3A_34 = tpu.memref_slice %arg2[%mul3A_4, %dma_start3A_33] : memref<8192x100xi32, #tpu.memory_space<hbm>> -> memref<256x100xi32, #tpu.memory_space<hbm>>
      %dma_start3A_35 = arith.constant 0 : i32
      %dma_start3A_36 = tpu.memref_slice %arg2[%mul3A_4, %dma_start3A_35] : memref<8192x100xi32, #tpu.memory_space<hbm>> -> memref<256x100xi32, #tpu.memory_space<hbm>>
      tpu.enqueue_dma source(%dma_start3A_36 : memref<256x100xi32, #tpu.memory_space<hbm>>) target(%arg5 : memref<256x100xi32, #tpu.memory_space<vmem>>) target_semaphore(%run_scoped3A : memref<!tpu.dma_semaphore, #tpu.memory_space<semaphore_mem>>)
      %dma_wait3A = arith.constant 0 : i32
      %dma_wait3A_37 = tpu.memref_slice %arg2[%mul3A_4, %dma_wait3A] : memref<8192x100xi32, #tpu.memory_space<hbm>> -> memref<256x100xi32, #tpu.memory_space<hbm>>
      %dma_wait3A_38 = arith.constant 0 : i32
      %dma_wait3A_39 = tpu.memref_slice %arg2[%mul3A_4, %dma_wait3A_38] : memref<8192x100xi32, #tpu.memory_space<hbm>> -> memref<256x100xi32, #tpu.memory_space<hbm>>
      tpu.wait_dma2 semaphore(%run_scoped3A : memref<!tpu.dma_semaphore, #tpu.memory_space<semaphore_mem>>) src(%dma_wait3A_39 : memref<256x100xi32, #tpu.memory_space<hbm>>) dst(%arg5 : memref<256x100xi32, #tpu.memory_space<vmem>>)
      tpu.yield
    }) : () -> ()
    %dma_start3A = arith.constant 0 : i32
    %dma_start3A_5 = arith.constant 0 : i32
    %dma_start3A_6 = arith.constant 0 : i32
    %dma_start3A_7 = arith.constant 0 : i32
    %dma_start3A_8 = tpu.memref_slice %arg6[%dma_start3A_5, %dma_start3A_6, %dma_start3A_7] : memref<2x200x64xf32, #tpu.memory_space<vmem>> -> memref<1x100x64xf32, #tpu.memory_space<vmem>>
    %dma_start3A_9 = tpu.memref_squeeze %dma_start3A_8 : memref<1x100x64xf32, #tpu.memory_space<vmem>> -> memref<100x64xf32, #tpu.memory_space<vmem>>
    %dma_start3A_10 = arith.constant 0 : i32
    %dma_start3A_11 = tpu.memref_slice %arg5[%dma_start3A, %dma_start3A_10] : memref<256x100xi32, #tpu.memory_space<vmem>> -> memref<1x100xi32, #tpu.memory_space<vmem>>
    %dma_start3A_12 = tpu.memref_squeeze %dma_start3A_11 : memref<1x100xi32, #tpu.memory_space<vmem>> -> memref<100xi32, #tpu.memory_space<vmem>>
    %dma_start3A_13 = arith.constant 0 : i32
    %dma_start3A_14 = arith.constant 0 : i32
    %dma_start3A_15 = tpu.memref_slice %arg3[%dma_start3A_13, %dma_start3A_14] : memref<1000000x64xf32, #tpu.memory_space<hbm>> -> memref<1000000x64xf32, #tpu.memory_space<hbm>>
    tpu.enqueue_indirect_dma source(%dma_start3A_15 : memref<1000000x64xf32, #tpu.memory_space<hbm>>) target(%dma_start3A_9 : memref<100x64xf32, #tpu.memory_space<vmem>>) offsets(%dma_start3A_12 : memref<100xi32, #tpu.memory_space<vmem>>) semaphore(%arg8 : memref<!tpu.dma_semaphore, #tpu.memory_space<semaphore_mem>>)
    %dma_start3A_16 = arith.constant 1 : i32
    %dma_start3A_17 = arith.constant 0 : i32
    %dma_start3A_18 = arith.constant 100 : i32
    %dma_start3A_19 = arith.constant 0 : i32
    %dma_start3A_20 = tpu.memref_slice %arg6[%dma_start3A_17, %dma_start3A_18, %dma_start3A_19] : memref<2x200x64xf32, #tpu.memory_space<vmem>> -> memref<1x100x64xf32, #tpu.memory_space<vmem>>
    %dma_start3A_21 = tpu.memref_squeeze %dma_start3A_20 : memref<1x100x64xf32, #tpu.memory_space<vmem>> -> memref<100x64xf32, #tpu.memory_space<vmem>>
    %dma_start3A_22 = arith.constant 0 : i32
    %dma_start3A_23 = tpu.memref_slice %arg5[%dma_start3A_16, %dma_start3A_22] : memref<256x100xi32, #tpu.memory_space<vmem>> -> memref<1x100xi32, #tpu.memory_space<vmem>>
    %dma_start3A_24 = tpu.memref_squeeze %dma_start3A_23 : memref<1x100xi32, #tpu.memory_space<vmem>> -> memref<100xi32, #tpu.memory_space<vmem>>
    %dma_start3A_25 = arith.constant 0 : i32
    %dma_start3A_26 = arith.constant 0 : i32
    %dma_start3A_27 = tpu.memref_slice %arg3[%dma_start3A_25, %dma_start3A_26] : memref<1000000x64xf32, #tpu.memory_space<hbm>> -> memref<1000000x64xf32, #tpu.memory_space<hbm>>
    tpu.enqueue_indirect_dma source(%dma_start3A_27 : memref<1000000x64xf32, #tpu.memory_space<hbm>>) target(%dma_start3A_21 : memref<100x64xf32, #tpu.memory_space<vmem>>) offsets(%dma_start3A_24 : memref<100xi32, #tpu.memory_space<vmem>>) semaphore(%arg8 : memref<!tpu.dma_semaphore, #tpu.memory_space<semaphore_mem>>)
    %scan3A = arith.constant 0 : i32
    %scan3A_28 = arith.constant 0 : i32
    %scan3A_29 = arith.constant 64 : i32
    %scan3A_30 = arith.addi %scan3A_28, %scan3A_29 : i32
    %scan3A_31 = arith.constant 1 : i32
    scf.for %scan3A_33 = %scan3A_28 to %scan3A_30 step %scan3A_31  : i32 {
      %mul3A_34 = arith.constant 2 : i32
      %mul3A_35 = arith.muli %scan3A_33, %mul3A_34 : i32
      %add3A_36 = arith.constant 0 : i32
      %add3A_37 = arith.addi %mul3A_35, %add3A_36 : i32
      %add3A_38 = arith.constant 1 : i32
      %add3A_39 = arith.addi %add3A_37, %add3A_38 : i32
      %lt3A = arith.constant 128 : i32
      %lt3A_40 = arith.cmpi slt, %add3A_39, %lt3A : i32
      %convert_element_type3A = arith.extui %lt3A_40 : i1 to i32
      %cond3A = arith.constant 0 : i32
      %cond3A_41 = arith.cmpi ne, %convert_element_type3A, %cond3A : i32
      scf.if %cond3A_41 {
        %mul3A_186 = arith.constant 2 : i32
        %mul3A_187 = arith.muli %mul3A_186, %add3A_39 : i32
        %dma_start3A_188 = arith.constant 1 : i32
        %dma_start3A_189 = arith.constant 0 : i32
        %dma_start3A_190 = arith.constant 0 : i32
        %dma_start3A_191 = tpu.memref_slice %arg6[%dma_start3A_188, %dma_start3A_189, %dma_start3A_190] : memref<2x200x64xf32, #tpu.memory_space<vmem>> -> memref<1x100x64xf32, #tpu.memory_space<vmem>>
        %dma_start3A_192 = tpu.memref_squeeze %dma_start3A_191 : memref<1x100x64xf32, #tpu.memory_space<vmem>> -> memref<100x64xf32, #tpu.memory_space<vmem>>
        %dma_start3A_193 = arith.constant 0 : i32
        %dma_start3A_194 = tpu.memref_slice %arg5[%mul3A_187, %dma_start3A_193] : memref<256x100xi32, #tpu.memory_space<vmem>> -> memref<1x100xi32, #tpu.memory_space<vmem>>
        %dma_start3A_195 = tpu.memref_squeeze %dma_start3A_194 : memref<1x100xi32, #tpu.memory_space<vmem>> -> memref<100xi32, #tpu.memory_space<vmem>>
        %dma_start3A_196 = arith.constant 0 : i32
        %dma_start3A_197 = arith.constant 0 : i32
        %dma_start3A_198 = tpu.memref_slice %arg3[%dma_start3A_196, %dma_start3A_197] : memref<1000000x64xf32, #tpu.memory_space<hbm>> -> memref<1000000x64xf32, #tpu.memory_space<hbm>>
        tpu.enqueue_indirect_dma source(%dma_start3A_198 : memref<1000000x64xf32, #tpu.memory_space<hbm>>) target(%dma_start3A_192 : memref<100x64xf32, #tpu.memory_space<vmem>>) offsets(%dma_start3A_195 : memref<100xi32, #tpu.memory_space<vmem>>) semaphore(%arg9 : memref<!tpu.dma_semaphore, #tpu.memory_space<semaphore_mem>>)
        %mul3A_199 = arith.constant 2 : i32
        %mul3A_200 = arith.muli %mul3A_199, %add3A_39 : i32
        %add3A_201 = arith.constant 1 : i32
        %add3A_202 = arith.addi %mul3A_200, %add3A_201 : i32
        %dma_start3A_203 = arith.constant 1 : i32
        %dma_start3A_204 = arith.constant 100 : i32
        %dma_start3A_205 = arith.constant 0 : i32
        %dma_start3A_206 = tpu.memref_slice %arg6[%dma_start3A_203, %dma_start3A_204, %dma_start3A_205] : memref<2x200x64xf32, #tpu.memory_space<vmem>> -> memref<1x100x64xf32, #tpu.memory_space<vmem>>
        %dma_start3A_207 = tpu.memref_squeeze %dma_start3A_206 : memref<1x100x64xf32, #tpu.memory_space<vmem>> -> memref<100x64xf32, #tpu.memory_space<vmem>>
        %dma_start3A_208 = arith.constant 0 : i32
        %dma_start3A_209 = tpu.memref_slice %arg5[%add3A_202, %dma_start3A_208] : memref<256x100xi32, #tpu.memory_space<vmem>> -> memref<1x100xi32, #tpu.memory_space<vmem>>
        %dma_start3A_210 = tpu.memref_squeeze %dma_start3A_209 : memref<1x100xi32, #tpu.memory_space<vmem>> -> memref<100xi32, #tpu.memory_space<vmem>>
        %dma_start3A_211 = arith.constant 0 : i32
        %dma_start3A_212 = arith.constant 0 : i32
        %dma_start3A_213 = tpu.memref_slice %arg3[%dma_start3A_211, %dma_start3A_212] : memref<1000000x64xf32, #tpu.memory_space<hbm>> -> memref<1000000x64xf32, #tpu.memory_space<hbm>>
        tpu.enqueue_indirect_dma source(%dma_start3A_213 : memref<1000000x64xf32, #tpu.memory_space<hbm>>) target(%dma_start3A_207 : memref<100x64xf32, #tpu.memory_space<vmem>>) offsets(%dma_start3A_210 : memref<100xi32, #tpu.memory_space<vmem>>) semaphore(%arg9 : memref<!tpu.dma_semaphore, #tpu.memory_space<semaphore_mem>>)
      } else {
      }
      %mul3A_42 = arith.constant 2 : i32
      %mul3A_43 = arith.muli %mul3A_42, %add3A_37 : i32
      %dma_wait3A = arith.constant 0 : i32
      %dma_wait3A_44 = arith.constant 0 : i32
      %dma_wait3A_45 = arith.constant 0 : i32
      %dma_wait3A_46 = tpu.memref_slice %arg6[%dma_wait3A, %dma_wait3A_44, %dma_wait3A_45] : memref<2x200x64xf32, #tpu.memory_space<vmem>> -> memref<1x100x64xf32, #tpu.memory_space<vmem>>
      %dma_wait3A_47 = tpu.memref_squeeze %dma_wait3A_46 : memref<1x100x64xf32, #tpu.memory_space<vmem>> -> memref<100x64xf32, #tpu.memory_space<vmem>>
      %dma_wait3A_48 = arith.constant 0 : i32
      %dma_wait3A_49 = tpu.memref_slice %arg5[%mul3A_43, %dma_wait3A_48] : memref<256x100xi32, #tpu.memory_space<vmem>> -> memref<1x100xi32, #tpu.memory_space<vmem>>
      %dma_wait3A_50 = tpu.memref_squeeze %dma_wait3A_49 : memref<1x100xi32, #tpu.memory_space<vmem>> -> memref<100xi32, #tpu.memory_space<vmem>>
      %dma_wait3A_51 = arith.constant 0 : i32
      %dma_wait3A_52 = arith.constant 0 : i32
      %dma_wait3A_53 = tpu.memref_slice %arg3[%dma_wait3A_51, %dma_wait3A_52] : memref<1000000x64xf32, #tpu.memory_space<hbm>> -> memref<1000000x64xf32, #tpu.memory_space<hbm>>
      tpu.wait_indirect_dma semaphore(%arg8 : memref<!tpu.dma_semaphore, #tpu.memory_space<semaphore_mem>>) src(%dma_wait3A_53 : memref<1000000x64xf32, #tpu.memory_space<hbm>>) dst(%dma_wait3A_47 : memref<100x64xf32, #tpu.memory_space<vmem>>)
      %mul3A_54 = arith.constant 2 : i32
      %mul3A_55 = arith.muli %mul3A_54, %add3A_37 : i32
      %add3A_56 = arith.constant 1 : i32
      %add3A_57 = arith.addi %mul3A_55, %add3A_56 : i32
      %dma_wait3A_58 = arith.constant 0 : i32
      %dma_wait3A_59 = arith.constant 100 : i32
      %dma_wait3A_60 = arith.constant 0 : i32
      %dma_wait3A_61 = tpu.memref_slice %arg6[%dma_wait3A_58, %dma_wait3A_59, %dma_wait3A_60] : memref<2x200x64xf32, #tpu.memory_space<vmem>> -> memref<1x100x64xf32, #tpu.memory_space<vmem>>
      %dma_wait3A_62 = tpu.memref_squeeze %dma_wait3A_61 : memref<1x100x64xf32, #tpu.memory_space<vmem>> -> memref<100x64xf32, #tpu.memory_space<vmem>>
      %dma_wait3A_63 = arith.constant 0 : i32
      %dma_wait3A_64 = tpu.memref_slice %arg5[%add3A_57, %dma_wait3A_63] : memref<256x100xi32, #tpu.memory_space<vmem>> -> memref<1x100xi32, #tpu.memory_space<vmem>>
      %dma_wait3A_65 = tpu.memref_squeeze %dma_wait3A_64 : memref<1x100xi32, #tpu.memory_space<vmem>> -> memref<100xi32, #tpu.memory_space<vmem>>
      %dma_wait3A_66 = arith.constant 0 : i32
      %dma_wait3A_67 = arith.constant 0 : i32
      %dma_wait3A_68 = tpu.memref_slice %arg3[%dma_wait3A_66, %dma_wait3A_67] : memref<1000000x64xf32, #tpu.memory_space<hbm>> -> memref<1000000x64xf32, #tpu.memory_space<hbm>>
      tpu.wait_indirect_dma semaphore(%arg8 : memref<!tpu.dma_semaphore, #tpu.memory_space<semaphore_mem>>) src(%dma_wait3A_68 : memref<1000000x64xf32, #tpu.memory_space<hbm>>) dst(%dma_wait3A_62 : memref<100x64xf32, #tpu.memory_space<vmem>>)
      %broadcast_in_dim3A = arith.constant 0.000000e+00 : f32
      %broadcast_in_dim3A_69 = vector.broadcast %broadcast_in_dim3A : f32 to vector<16xf32>
      %scan3A_70 = arith.constant 0 : i32
      %scan3A_71 = arith.constant 50 : i32
      %scan3A_72 = arith.addi %scan3A_70, %scan3A_71 : i32
      %scan3A_73 = arith.constant 1 : i32
      %scan3A_74:4 = scf.for %scan3A_186 = %scan3A_70 to %scan3A_72 step %scan3A_73 iter_args(%scan3A_187 = %broadcast_in_dim3A_69, %scan3A_188 = %broadcast_in_dim3A_69, %scan3A_189 = %broadcast_in_dim3A_69, %scan3A_190 = %broadcast_in_dim3A_69) -> (vector<16xf32>, vector<16xf32>, vector<16xf32>, vector<16xf32>)  : i32 {
        %mul3A_191 = arith.constant 4 : i32
        %mul3A_192 = arith.muli %scan3A_186, %mul3A_191 : i32
        %add3A_193 = arith.constant 0 : i32
        %add3A_194 = arith.addi %mul3A_192, %add3A_193 : i32
        %get3A = arith.constant 0 : i32
        %get3A_195 = arith.index_cast %get3A : i32 to index
        %get3A_196 = arith.index_cast %add3A_194 : i32 to index
        %get3A_197 = arith.constant 0 : index
        %get3A_198 = tpu.vector_load %arg6[%get3A_195, %get3A_196, %get3A_197] {strides = array<i32>} : memref<2x200x64xf32, #tpu.memory_space<vmem>>, vector<1x1x16xf32>,
        %get3A_199 = vector.shape_cast %get3A_198 : vector<1x1x16xf32> to vector<16xf32>
        %get3A_200 = arith.constant 0 : i32
        %get3A_201 = arith.index_cast %get3A_200 : i32 to index
        %get3A_202 = arith.index_cast %add3A_194 : i32 to index
        %get3A_203 = arith.constant 16 : index
        %get3A_204 = tpu.vector_load %arg6[%get3A_201, %get3A_202, %get3A_203] {strides = array<i32>} : memref<2x200x64xf32, #tpu.memory_space<vmem>>, vector<1x1x16xf32>,
        %get3A_205 = vector.shape_cast %get3A_204 : vector<1x1x16xf32> to vector<16xf32>
        %get3A_206 = arith.constant 0 : i32
        %get3A_207 = arith.index_cast %get3A_206 : i32 to index
        %get3A_208 = arith.index_cast %add3A_194 : i32 to index
        %get3A_209 = arith.constant 32 : index
        %get3A_210 = tpu.vector_load %arg6[%get3A_207, %get3A_208, %get3A_209] {strides = array<i32>} : memref<2x200x64xf32, #tpu.memory_space<vmem>>, vector<1x1x16xf32>,
        %get3A_211 = vector.shape_cast %get3A_210 : vector<1x1x16xf32> to vector<16xf32>
        %get3A_212 = arith.constant 0 : i32
        %get3A_213 = arith.index_cast %get3A_212 : i32 to index
        %get3A_214 = arith.index_cast %add3A_194 : i32 to index
        %get3A_215 = arith.constant 48 : index
        %get3A_216 = tpu.vector_load %arg6[%get3A_213, %get3A_214, %get3A_215] {strides = array<i32>} : memref<2x200x64xf32, #tpu.memory_space<vmem>>, vector<1x1x16xf32>,
        %get3A_217 = vector.shape_cast %get3A_216 : vector<1x1x16xf32> to vector<16xf32>
        %add3A_218 = arith.addf %scan3A_187, %get3A_199 : vector<16xf32>
        %add3A_219 = arith.addf %scan3A_188, %get3A_205 : vector<16xf32>
        %add3A_220 = arith.addf %scan3A_189, %get3A_211 : vector<16xf32>
        %add3A_221 = arith.addf %scan3A_190, %get3A_217 : vector<16xf32>
        %mul3A_222 = arith.constant 4 : i32
        %mul3A_223 = arith.muli %scan3A_186, %mul3A_222 : i32
        %add3A_224 = arith.constant 1 : i32
        %add3A_225 = arith.addi %mul3A_223, %add3A_224 : i32
        %get3A_226 = arith.constant 0 : i32
        %get3A_227 = arith.index_cast %get3A_226 : i32 to index
        %get3A_228 = arith.index_cast %add3A_225 : i32 to index
        %get3A_229 = arith.constant 0 : index
        %get3A_230 = tpu.vector_load %arg6[%get3A_227, %get3A_228, %get3A_229] {strides = array<i32>} : memref<2x200x64xf32, #tpu.memory_space<vmem>>, vector<1x1x16xf32>,
        %get3A_231 = vector.shape_cast %get3A_230 : vector<1x1x16xf32> to vector<16xf32>
        %get3A_232 = arith.constant 0 : i32
        %get3A_233 = arith.index_cast %get3A_232 : i32 to index
        %get3A_234 = arith.index_cast %add3A_225 : i32 to index
        %get3A_235 = arith.constant 16 : index
        %get3A_236 = tpu.vector_load %arg6[%get3A_233, %get3A_234, %get3A_235] {strides = array<i32>} : memref<2x200x64xf32, #tpu.memory_space<vmem>>, vector<1x1x16xf32>,
        %get3A_237 = vector.shape_cast %get3A_236 : vector<1x1x16xf32> to vector<16xf32>
        %get3A_238 = arith.constant 0 : i32
        %get3A_239 = arith.index_cast %get3A_238 : i32 to index
        %get3A_240 = arith.index_cast %add3A_225 : i32 to index
        %get3A_241 = arith.constant 32 : index
        %get3A_242 = tpu.vector_load %arg6[%get3A_239, %get3A_240, %get3A_241] {strides = array<i32>} : memref<2x200x64xf32, #tpu.memory_space<vmem>>, vector<1x1x16xf32>,
        %get3A_243 = vector.shape_cast %get3A_242 : vector<1x1x16xf32> to vector<16xf32>
        %get3A_244 = arith.constant 0 : i32
        %get3A_245 = arith.index_cast %get3A_244 : i32 to index
        %get3A_246 = arith.index_cast %add3A_225 : i32 to index
        %get3A_247 = arith.constant 48 : index
        %get3A_248 = tpu.vector_load %arg6[%get3A_245, %get3A_246, %get3A_247] {strides = array<i32>} : memref<2x200x64xf32, #tpu.memory_space<vmem>>, vector<1x1x16xf32>,
        %get3A_249 = vector.shape_cast %get3A_248 : vector<1x1x16xf32> to vector<16xf32>
        %add3A_250 = arith.addf %add3A_218, %get3A_231 : vector<16xf32>
        %add3A_251 = arith.addf %add3A_219, %get3A_237 : vector<16xf32>
        %add3A_252 = arith.addf %add3A_220, %get3A_243 : vector<16xf32>
        %add3A_253 = arith.addf %add3A_221, %get3A_249 : vector<16xf32>
        %mul3A_254 = arith.constant 4 : i32
        %mul3A_255 = arith.muli %scan3A_186, %mul3A_254 : i32
        %add3A_256 = arith.constant 2 : i32
        %add3A_257 = arith.addi %mul3A_255, %add3A_256 : i32
        %get3A_258 = arith.constant 0 : i32
        %get3A_259 = arith.index_cast %get3A_258 : i32 to index
        %get3A_260 = arith.index_cast %add3A_257 : i32 to index
        %get3A_261 = arith.constant 0 : index
        %get3A_262 = tpu.vector_load %arg6[%get3A_259, %get3A_260, %get3A_261] {strides = array<i32>} : memref<2x200x64xf32, #tpu.memory_space<vmem>>, vector<1x1x16xf32>,
        %get3A_263 = vector.shape_cast %get3A_262 : vector<1x1x16xf32> to vector<16xf32>
        %get3A_264 = arith.constant 0 : i32
        %get3A_265 = arith.index_cast %get3A_264 : i32 to index
        %get3A_266 = arith.index_cast %add3A_257 : i32 to index
        %get3A_267 = arith.constant 16 : index
        %get3A_268 = tpu.vector_load %arg6[%get3A_265, %get3A_266, %get3A_267] {strides = array<i32>} : memref<2x200x64xf32, #tpu.memory_space<vmem>>, vector<1x1x16xf32>,
        %get3A_269 = vector.shape_cast %get3A_268 : vector<1x1x16xf32> to vector<16xf32>
        %get3A_270 = arith.constant 0 : i32
        %get3A_271 = arith.index_cast %get3A_270 : i32 to index
        %get3A_272 = arith.index_cast %add3A_257 : i32 to index
        %get3A_273 = arith.constant 32 : index
        %get3A_274 = tpu.vector_load %arg6[%get3A_271, %get3A_272, %get3A_273] {strides = array<i32>} : memref<2x200x64xf32, #tpu.memory_space<vmem>>, vector<1x1x16xf32>,
        %get3A_275 = vector.shape_cast %get3A_274 : vector<1x1x16xf32> to vector<16xf32>
        %get3A_276 = arith.constant 0 : i32
        %get3A_277 = arith.index_cast %get3A_276 : i32 to index
        %get3A_278 = arith.index_cast %add3A_257 : i32 to index
        %get3A_279 = arith.constant 48 : index
        %get3A_280 = tpu.vector_load %arg6[%get3A_277, %get3A_278, %get3A_279] {strides = array<i32>} : memref<2x200x64xf32, #tpu.memory_space<vmem>>, vector<1x1x16xf32>,
        %get3A_281 = vector.shape_cast %get3A_280 : vector<1x1x16xf32> to vector<16xf32>
        %add3A_282 = arith.addf %add3A_250, %get3A_263 : vector<16xf32>
        %add3A_283 = arith.addf %add3A_251, %get3A_269 : vector<16xf32>
        %add3A_284 = arith.addf %add3A_252, %get3A_275 : vector<16xf32>
        %add3A_285 = arith.addf %add3A_253, %get3A_281 : vector<16xf32>
        %mul3A_286 = arith.constant 4 : i32
        %mul3A_287 = arith.muli %scan3A_186, %mul3A_286 : i32
        %add3A_288 = arith.constant 3 : i32
        %add3A_289 = arith.addi %mul3A_287, %add3A_288 : i32
        %get3A_290 = arith.constant 0 : i32
        %get3A_291 = arith.index_cast %get3A_290 : i32 to index
        %get3A_292 = arith.index_cast %add3A_289 : i32 to index
        %get3A_293 = arith.constant 0 : index
        %get3A_294 = tpu.vector_load %arg6[%get3A_291, %get3A_292, %get3A_293] {strides = array<i32>} : memref<2x200x64xf32, #tpu.memory_space<vmem>>, vector<1x1x16xf32>,
        %get3A_295 = vector.shape_cast %get3A_294 : vector<1x1x16xf32> to vector<16xf32>
        %get3A_296 = arith.constant 0 : i32
        %get3A_297 = arith.index_cast %get3A_296 : i32 to index
        %get3A_298 = arith.index_cast %add3A_289 : i32 to index
        %get3A_299 = arith.constant 16 : index
        %get3A_300 = tpu.vector_load %arg6[%get3A_297, %get3A_298, %get3A_299] {strides = array<i32>} : memref<2x200x64xf32, #tpu.memory_space<vmem>>, vector<1x1x16xf32>,
        %get3A_301 = vector.shape_cast %get3A_300 : vector<1x1x16xf32> to vector<16xf32>
        %get3A_302 = arith.constant 0 : i32
        %get3A_303 = arith.index_cast %get3A_302 : i32 to index
        %get3A_304 = arith.index_cast %add3A_289 : i32 to index
        %get3A_305 = arith.constant 32 : index
        %get3A_306 = tpu.vector_load %arg6[%get3A_303, %get3A_304, %get3A_305] {strides = array<i32>} : memref<2x200x64xf32, #tpu.memory_space<vmem>>, vector<1x1x16xf32>,
        %get3A_307 = vector.shape_cast %get3A_306 : vector<1x1x16xf32> to vector<16xf32>
        %get3A_308 = arith.constant 0 : i32
        %get3A_309 = arith.index_cast %get3A_308 : i32 to index
        %get3A_310 = arith.index_cast %add3A_289 : i32 to index
        %get3A_311 = arith.constant 48 : index
        %get3A_312 = tpu.vector_load %arg6[%get3A_309, %get3A_310, %get3A_311] {strides = array<i32>} : memref<2x200x64xf32, #tpu.memory_space<vmem>>, vector<1x1x16xf32>,
        %get3A_313 = vector.shape_cast %get3A_312 : vector<1x1x16xf32> to vector<16xf32>
        %add3A_314 = arith.addf %add3A_282, %get3A_295 : vector<16xf32>
        %add3A_315 = arith.addf %add3A_283, %get3A_301 : vector<16xf32>
        %add3A_316 = arith.addf %add3A_284, %get3A_307 : vector<16xf32>
        %add3A_317 = arith.addf %add3A_285, %get3A_313 : vector<16xf32>
        scf.yield %add3A_314, %add3A_315, %add3A_316, %add3A_317 : vector<16xf32>, vector<16xf32>, vector<16xf32>, vector<16xf32>
      }
      %scan3A_75 = arith.constant 50 : i32
      %mul3A_76 = arith.constant 5.000000e-03 : f32
      %mul3A_77 = vector.broadcast %mul3A_76 : f32 to vector<16xf32>
      %mul3A_78 = arith.mulf %scan3A_74#0, %mul3A_77 : vector<16xf32>
      %swap3A = arith.index_cast %add3A_37 : i32 to index
      %swap3A_79 = arith.constant 0 : index
      %swap3A_80 = tpu.vector_load %arg7[%swap3A, %swap3A_79] {strides = array<i32>} : memref<128x64xf32, #tpu.memory_space<vmem>>, vector<1x16xf32>,
      %swap3A_81 = vector.shape_cast %swap3A_80 : vector<1x16xf32> to vector<16xf32>
      %swap3A_82 = vector.shape_cast %mul3A_78 : vector<16xf32> to vector<1x16xf32>
      tpu.vector_store %arg7[%swap3A, %swap3A_79], %swap3A_82 {strides = array<i32>} : memref<128x64xf32, #tpu.memory_space<vmem>>, vector<1x16xf32>,
      %mul3A_83 = arith.constant 5.000000e-03 : f32
      %mul3A_84 = vector.broadcast %mul3A_83 : f32 to vector<16xf32>
      %mul3A_85 = arith.mulf %scan3A_74#1, %mul3A_84 : vector<16xf32>
      %swap3A_86 = arith.index_cast %add3A_37 : i32 to index
      %swap3A_87 = arith.constant 16 : index
      %swap3A_88 = tpu.vector_load %arg7[%swap3A_86, %swap3A_87] {strides = array<i32>} : memref<128x64xf32, #tpu.memory_space<vmem>>, vector<1x16xf32>,
      %swap3A_89 = vector.shape_cast %swap3A_88 : vector<1x16xf32> to vector<16xf32>
      %swap3A_90 = vector.shape_cast %mul3A_85 : vector<16xf32> to vector<1x16xf32>
      tpu.vector_store %arg7[%swap3A_86, %swap3A_87], %swap3A_90 {strides = array<i32>} : memref<128x64xf32, #tpu.memory_space<vmem>>, vector<1x16xf32>,
      %mul3A_91 = arith.constant 5.000000e-03 : f32
      %mul3A_92 = vector.broadcast %mul3A_91 : f32 to vector<16xf32>
      %mul3A_93 = arith.mulf %scan3A_74#2, %mul3A_92 : vector<16xf32>
      %swap3A_94 = arith.index_cast %add3A_37 : i32 to index
      %swap3A_95 = arith.constant 32 : index
      %swap3A_96 = tpu.vector_load %arg7[%swap3A_94, %swap3A_95] {strides = array<i32>} : memref<128x64xf32, #tpu.memory_space<vmem>>, vector<1x16xf32>,
      %swap3A_97 = vector.shape_cast %swap3A_96 : vector<1x16xf32> to vector<16xf32>
      %swap3A_98 = vector.shape_cast %mul3A_93 : vector<16xf32> to vector<1x16xf32>
      tpu.vector_store %arg7[%swap3A_94, %swap3A_95], %swap3A_98 {strides = array<i32>} : memref<128x64xf32, #tpu.memory_space<vmem>>, vector<1x16xf32>,
      %mul3A_99 = arith.constant 5.000000e-03 : f32
      %mul3A_100 = vector.broadcast %mul3A_99 : f32 to vector<16xf32>
      %mul3A_101 = arith.mulf %scan3A_74#3, %mul3A_100 : vector<16xf32>
      %swap3A_102 = arith.index_cast %add3A_37 : i32 to index
      %swap3A_103 = arith.constant 48 : index
      %swap3A_104 = tpu.vector_load %arg7[%swap3A_102, %swap3A_103] {strides = array<i32>} : memref<128x64xf32, #tpu.memory_space<vmem>>, vector<1x16xf32>,
      %swap3A_105 = vector.shape_cast %swap3A_104 : vector<1x16xf32> to vector<16xf32>
      %swap3A_106 = vector.shape_cast %mul3A_101 : vector<16xf32> to vector<1x16xf32>
      tpu.vector_store %arg7[%swap3A_102, %swap3A_103], %swap3A_106 {strides = array<i32>} : memref<128x64xf32, #tpu.memory_space<vmem>>, vector<1x16xf32>,
      %mul3A_107 = arith.constant 2 : i32
      %mul3A_108 = arith.muli %scan3A_33, %mul3A_107 : i32
      %add3A_109 = arith.constant 1 : i32
      %add3A_110 = arith.addi %mul3A_108, %add3A_109 : i32
      %add3A_111 = arith.constant 1 : i32
      %add3A_112 = arith.addi %add3A_110, %add3A_111 : i32
      %lt3A_113 = arith.constant 128 : i32
      %lt3A_114 = arith.cmpi slt, %add3A_112, %lt3A_113 : i32
      %convert_element_type3A_115 = arith.extui %lt3A_114 : i1 to i32
      %cond3A_116 = arith.constant 0 : i32
      %cond3A_117 = arith.cmpi ne, %convert_element_type3A_115, %cond3A_116 : i32
      scf.if %cond3A_117 {
        %mul3A_186 = arith.constant 2 : i32
        %mul3A_187 = arith.muli %mul3A_186, %add3A_112 : i32
        %dma_start3A_188 = arith.constant 0 : i32
        %dma_start3A_189 = arith.constant 0 : i32
        %dma_start3A_190 = arith.constant 0 : i32
        %dma_start3A_191 = tpu.memref_slice %arg6[%dma_start3A_188, %dma_start3A_189, %dma_start3A_190] : memref<2x200x64xf32, #tpu.memory_space<vmem>> -> memref<1x100x64xf32, #tpu.memory_space<vmem>>
        %dma_start3A_192 = tpu.memref_squeeze %dma_start3A_191 : memref<1x100x64xf32, #tpu.memory_space<vmem>> -> memref<100x64xf32, #tpu.memory_space<vmem>>
        %dma_start3A_193 = arith.constant 0 : i32
        %dma_start3A_194 = tpu.memref_slice %arg5[%mul3A_187, %dma_start3A_193] : memref<256x100xi32, #tpu.memory_space<vmem>> -> memref<1x100xi32, #tpu.memory_space<vmem>>
        %dma_start3A_195 = tpu.memref_squeeze %dma_start3A_194 : memref<1x100xi32, #tpu.memory_space<vmem>> -> memref<100xi32, #tpu.memory_space<vmem>>
        %dma_start3A_196 = arith.constant 0 : i32
        %dma_start3A_197 = arith.constant 0 : i32
        %dma_start3A_198 = tpu.memref_slice %arg3[%dma_start3A_196, %dma_start3A_197] : memref<1000000x64xf32, #tpu.memory_space<hbm>> -> memref<1000000x64xf32, #tpu.memory_space<hbm>>
        tpu.enqueue_indirect_dma source(%dma_start3A_198 : memref<1000000x64xf32, #tpu.memory_space<hbm>>) target(%dma_start3A_192 : memref<100x64xf32, #tpu.memory_space<vmem>>) offsets(%dma_start3A_195 : memref<100xi32, #tpu.memory_space<vmem>>) semaphore(%arg8 : memref<!tpu.dma_semaphore, #tpu.memory_space<semaphore_mem>>)
        %mul3A_199 = arith.constant 2 : i32
        %mul3A_200 = arith.muli %mul3A_199, %add3A_112 : i32
        %add3A_201 = arith.constant 1 : i32
        %add3A_202 = arith.addi %mul3A_200, %add3A_201 : i32
        %dma_start3A_203 = arith.constant 0 : i32
        %dma_start3A_204 = arith.constant 100 : i32
        %dma_start3A_205 = arith.constant 0 : i32
        %dma_start3A_206 = tpu.memref_slice %arg6[%dma_start3A_203, %dma_start3A_204, %dma_start3A_205] : memref<2x200x64xf32, #tpu.memory_space<vmem>> -> memref<1x100x64xf32, #tpu.memory_space<vmem>>
        %dma_start3A_207 = tpu.memref_squeeze %dma_start3A_206 : memref<1x100x64xf32, #tpu.memory_space<vmem>> -> memref<100x64xf32, #tpu.memory_space<vmem>>
        %dma_start3A_208 = arith.constant 0 : i32
        %dma_start3A_209 = tpu.memref_slice %arg5[%add3A_202, %dma_start3A_208] : memref<256x100xi32, #tpu.memory_space<vmem>> -> memref<1x100xi32, #tpu.memory_space<vmem>>
        %dma_start3A_210 = tpu.memref_squeeze %dma_start3A_209 : memref<1x100xi32, #tpu.memory_space<vmem>> -> memref<100xi32, #tpu.memory_space<vmem>>
        %dma_start3A_211 = arith.constant 0 : i32
        %dma_start3A_212 = arith.constant 0 : i32
        %dma_start3A_213 = tpu.memref_slice %arg3[%dma_start3A_211, %dma_start3A_212] : memref<1000000x64xf32, #tpu.memory_space<hbm>> -> memref<1000000x64xf32, #tpu.memory_space<hbm>>
        tpu.enqueue_indirect_dma source(%dma_start3A_213 : memref<1000000x64xf32, #tpu.memory_space<hbm>>) target(%dma_start3A_207 : memref<100x64xf32, #tpu.memory_space<vmem>>) offsets(%dma_start3A_210 : memref<100xi32, #tpu.memory_space<vmem>>) semaphore(%arg8 : memref<!tpu.dma_semaphore, #tpu.memory_space<semaphore_mem>>)
      } else {
      }
      %mul3A_118 = arith.constant 2 : i32
      %mul3A_119 = arith.muli %mul3A_118, %add3A_110 : i32
      %dma_wait3A_120 = arith.constant 1 : i32
      %dma_wait3A_121 = arith.constant 0 : i32
      %dma_wait3A_122 = arith.constant 0 : i32
      %dma_wait3A_123 = tpu.memref_slice %arg6[%dma_wait3A_120, %dma_wait3A_121, %dma_wait3A_122] : memref<2x200x64xf32, #tpu.memory_space<vmem>> -> memref<1x100x64xf32, #tpu.memory_space<vmem>>
      %dma_wait3A_124 = tpu.memref_squeeze %dma_wait3A_123 : memref<1x100x64xf32, #tpu.memory_space<vmem>> -> memref<100x64xf32, #tpu.memory_space<vmem>>
      %dma_wait3A_125 = arith.constant 0 : i32
      %dma_wait3A_126 = tpu.memref_slice %arg5[%mul3A_119, %dma_wait3A_125] : memref<256x100xi32, #tpu.memory_space<vmem>> -> memref<1x100xi32, #tpu.memory_space<vmem>>
      %dma_wait3A_127 = tpu.memref_squeeze %dma_wait3A_126 : memref<1x100xi32, #tpu.memory_space<vmem>> -> memref<100xi32, #tpu.memory_space<vmem>>
      %dma_wait3A_128 = arith.constant 0 : i32
      %dma_wait3A_129 = arith.constant 0 : i32
      %dma_wait3A_130 = tpu.memref_slice %arg3[%dma_wait3A_128, %dma_wait3A_129] : memref<1000000x64xf32, #tpu.memory_space<hbm>> -> memref<1000000x64xf32, #tpu.memory_space<hbm>>
      tpu.wait_indirect_dma semaphore(%arg9 : memref<!tpu.dma_semaphore, #tpu.memory_space<semaphore_mem>>) src(%dma_wait3A_130 : memref<1000000x64xf32, #tpu.memory_space<hbm>>) dst(%dma_wait3A_124 : memref<100x64xf32, #tpu.memory_space<vmem>>)
      %mul3A_131 = arith.constant 2 : i32
      %mul3A_132 = arith.muli %mul3A_131, %add3A_110 : i32
      %add3A_133 = arith.constant 1 : i32
      %add3A_134 = arith.addi %mul3A_132, %add3A_133 : i32
      %dma_wait3A_135 = arith.constant 1 : i32
      %dma_wait3A_136 = arith.constant 100 : i32
      %dma_wait3A_137 = arith.constant 0 : i32
      %dma_wait3A_138 = tpu.memref_slice %arg6[%dma_wait3A_135, %dma_wait3A_136, %dma_wait3A_137] : memref<2x200x64xf32, #tpu.memory_space<vmem>> -> memref<1x100x64xf32, #tpu.memory_space<vmem>>
      %dma_wait3A_139 = tpu.memref_squeeze %dma_wait3A_138 : memref<1x100x64xf32, #tpu.memory_space<vmem>> -> memref<100x64xf32, #tpu.memory_space<vmem>>
      %dma_wait3A_140 = arith.constant 0 : i32
      %dma_wait3A_141 = tpu.memref_slice %arg5[%add3A_134, %dma_wait3A_140] : memref<256x100xi32, #tpu.memory_space<vmem>> -> memref<1x100xi32, #tpu.memory_space<vmem>>
      %dma_wait3A_142 = tpu.memref_squeeze %dma_wait3A_141 : memref<1x100xi32, #tpu.memory_space<vmem>> -> memref<100xi32, #tpu.memory_space<vmem>>
      %dma_wait3A_143 = arith.constant 0 : i32
      %dma_wait3A_144 = arith.constant 0 : i32
      %dma_wait3A_145 = tpu.memref_slice %arg3[%dma_wait3A_143, %dma_wait3A_144] : memref<1000000x64xf32, #tpu.memory_space<hbm>> -> memref<1000000x64xf32, #tpu.memory_space<hbm>>
      tpu.wait_indirect_dma semaphore(%arg9 : memref<!tpu.dma_semaphore, #tpu.memory_space<semaphore_mem>>) src(%dma_wait3A_145 : memref<1000000x64xf32, #tpu.memory_space<hbm>>) dst(%dma_wait3A_139 : memref<100x64xf32, #tpu.memory_space<vmem>>)
      %broadcast_in_dim3A_146 = arith.constant 0.000000e+00 : f32
      %broadcast_in_dim3A_147 = vector.broadcast %broadcast_in_dim3A_146 : f32 to vector<16xf32>
      %scan3A_148 = arith.constant 0 : i32
      %scan3A_149 = arith.constant 50 : i32
      %scan3A_150 = arith.addi %scan3A_148, %scan3A_149 : i32
      %scan3A_151 = arith.constant 1 : i32
      %scan3A_152:4 = scf.for %scan3A_186 = %scan3A_148 to %scan3A_150 step %scan3A_151 iter_args(%scan3A_187 = %broadcast_in_dim3A_147, %scan3A_188 = %broadcast_in_dim3A_147, %scan3A_189 = %broadcast_in_dim3A_147, %scan3A_190 = %broadcast_in_dim3A_147) -> (vector<16xf32>, vector<16xf32>, vector<16xf32>, vector<16xf32>)  : i32 {
        %mul3A_191 = arith.constant 4 : i32
        %mul3A_192 = arith.muli %scan3A_186, %mul3A_191 : i32
        %add3A_193 = arith.constant 0 : i32
        %add3A_194 = arith.addi %mul3A_192, %add3A_193 : i32
        %get3A = arith.constant 1 : i32
        %get3A_195 = arith.index_cast %get3A : i32 to index
        %get3A_196 = arith.index_cast %add3A_194 : i32 to index
        %get3A_197 = arith.constant 0 : index
        %get3A_198 = tpu.vector_load %arg6[%get3A_195, %get3A_196, %get3A_197] {strides = array<i32>} : memref<2x200x64xf32, #tpu.memory_space<vmem>>, vector<1x1x16xf32>,
        %get3A_199 = vector.shape_cast %get3A_198 : vector<1x1x16xf32> to vector<16xf32>
        %get3A_200 = arith.constant 1 : i32
        %get3A_201 = arith.index_cast %get3A_200 : i32 to index
        %get3A_202 = arith.index_cast %add3A_194 : i32 to index
        %get3A_203 = arith.constant 16 : index
        %get3A_204 = tpu.vector_load %arg6[%get3A_201, %get3A_202, %get3A_203] {strides = array<i32>} : memref<2x200x64xf32, #tpu.memory_space<vmem>>, vector<1x1x16xf32>,
        %get3A_205 = vector.shape_cast %get3A_204 : vector<1x1x16xf32> to vector<16xf32>
        %get3A_206 = arith.constant 1 : i32
        %get3A_207 = arith.index_cast %get3A_206 : i32 to index
        %get3A_208 = arith.index_cast %add3A_194 : i32 to index
        %get3A_209 = arith.constant 32 : index
        %get3A_210 = tpu.vector_load %arg6[%get3A_207, %get3A_208, %get3A_209] {strides = array<i32>} : memref<2x200x64xf32, #tpu.memory_space<vmem>>, vector<1x1x16xf32>,
        %get3A_211 = vector.shape_cast %get3A_210 : vector<1x1x16xf32> to vector<16xf32>
        %get3A_212 = arith.constant 1 : i32
        %get3A_213 = arith.index_cast %get3A_212 : i32 to index
        %get3A_214 = arith.index_cast %add3A_194 : i32 to index
        %get3A_215 = arith.constant 48 : index
        %get3A_216 = tpu.vector_load %arg6[%get3A_213, %get3A_214, %get3A_215] {strides = array<i32>} : memref<2x200x64xf32, #tpu.memory_space<vmem>>, vector<1x1x16xf32>,
        %get3A_217 = vector.shape_cast %get3A_216 : vector<1x1x16xf32> to vector<16xf32>
        %add3A_218 = arith.addf %scan3A_187, %get3A_199 : vector<16xf32>
        %add3A_219 = arith.addf %scan3A_188, %get3A_205 : vector<16xf32>
        %add3A_220 = arith.addf %scan3A_189, %get3A_211 : vector<16xf32>
        %add3A_221 = arith.addf %scan3A_190, %get3A_217 : vector<16xf32>
        %mul3A_222 = arith.constant 4 : i32
        %mul3A_223 = arith.muli %scan3A_186, %mul3A_222 : i32
        %add3A_224 = arith.constant 1 : i32
        %add3A_225 = arith.addi %mul3A_223, %add3A_224 : i32
        %get3A_226 = arith.constant 1 : i32
        %get3A_227 = arith.index_cast %get3A_226 : i32 to index
        %get3A_228 = arith.index_cast %add3A_225 : i32 to index
        %get3A_229 = arith.constant 0 : index
        %get3A_230 = tpu.vector_load %arg6[%get3A_227, %get3A_228, %get3A_229] {strides = array<i32>} : memref<2x200x64xf32, #tpu.memory_space<vmem>>, vector<1x1x16xf32>,
        %get3A_231 = vector.shape_cast %get3A_230 : vector<1x1x16xf32> to vector<16xf32>
        %get3A_232 = arith.constant 1 : i32
        %get3A_233 = arith.index_cast %get3A_232 : i32 to index
        %get3A_234 = arith.index_cast %add3A_225 : i32 to index
        %get3A_235 = arith.constant 16 : index
        %get3A_236 = tpu.vector_load %arg6[%get3A_233, %get3A_234, %get3A_235] {strides = array<i32>} : memref<2x200x64xf32, #tpu.memory_space<vmem>>, vector<1x1x16xf32>,
        %get3A_237 = vector.shape_cast %get3A_236 : vector<1x1x16xf32> to vector<16xf32>
        %get3A_238 = arith.constant 1 : i32
        %get3A_239 = arith.index_cast %get3A_238 : i32 to index
        %get3A_240 = arith.index_cast %add3A_225 : i32 to index
        %get3A_241 = arith.constant 32 : index
        %get3A_242 = tpu.vector_load %arg6[%get3A_239, %get3A_240, %get3A_241] {strides = array<i32>} : memref<2x200x64xf32, #tpu.memory_space<vmem>>, vector<1x1x16xf32>,
        %get3A_243 = vector.shape_cast %get3A_242 : vector<1x1x16xf32> to vector<16xf32>
        %get3A_244 = arith.constant 1 : i32
        %get3A_245 = arith.index_cast %get3A_244 : i32 to index
        %get3A_246 = arith.index_cast %add3A_225 : i32 to index
        %get3A_247 = arith.constant 48 : index
        %get3A_248 = tpu.vector_load %arg6[%get3A_245, %get3A_246, %get3A_247] {strides = array<i32>} : memref<2x200x64xf32, #tpu.memory_space<vmem>>, vector<1x1x16xf32>,
        %get3A_249 = vector.shape_cast %get3A_248 : vector<1x1x16xf32> to vector<16xf32>
        %add3A_250 = arith.addf %add3A_218, %get3A_231 : vector<16xf32>
        %add3A_251 = arith.addf %add3A_219, %get3A_237 : vector<16xf32>
        %add3A_252 = arith.addf %add3A_220, %get3A_243 : vector<16xf32>
        %add3A_253 = arith.addf %add3A_221, %get3A_249 : vector<16xf32>
        %mul3A_254 = arith.constant 4 : i32
        %mul3A_255 = arith.muli %scan3A_186, %mul3A_254 : i32
        %add3A_256 = arith.constant 2 : i32
        %add3A_257 = arith.addi %mul3A_255, %add3A_256 : i32
        %get3A_258 = arith.constant 1 : i32
        %get3A_259 = arith.index_cast %get3A_258 : i32 to index
        %get3A_260 = arith.index_cast %add3A_257 : i32 to index
        %get3A_261 = arith.constant 0 : index
        %get3A_262 = tpu.vector_load %arg6[%get3A_259, %get3A_260, %get3A_261] {strides = array<i32>} : memref<2x200x64xf32, #tpu.memory_space<vmem>>, vector<1x1x16xf32>,
        %get3A_263 = vector.shape_cast %get3A_262 : vector<1x1x16xf32> to vector<16xf32>
        %get3A_264 = arith.constant 1 : i32
        %get3A_265 = arith.index_cast %get3A_264 : i32 to index
        %get3A_266 = arith.index_cast %add3A_257 : i32 to index
        %get3A_267 = arith.constant 16 : index
        %get3A_268 = tpu.vector_load %arg6[%get3A_265, %get3A_266, %get3A_267] {strides = array<i32>} : memref<2x200x64xf32, #tpu.memory_space<vmem>>, vector<1x1x16xf32>,
        %get3A_269 = vector.shape_cast %get3A_268 : vector<1x1x16xf32> to vector<16xf32>
        %get3A_270 = arith.constant 1 : i32
        %get3A_271 = arith.index_cast %get3A_270 : i32 to index
        %get3A_272 = arith.index_cast %add3A_257 : i32 to index
        %get3A_273 = arith.constant 32 : index
        %get3A_274 = tpu.vector_load %arg6[%get3A_271, %get3A_272, %get3A_273] {strides = array<i32>} : memref<2x200x64xf32, #tpu.memory_space<vmem>>, vector<1x1x16xf32>,
        %get3A_275 = vector.shape_cast %get3A_274 : vector<1x1x16xf32> to vector<16xf32>
        %get3A_276 = arith.constant 1 : i32
        %get3A_277 = arith.index_cast %get3A_276 : i32 to index
        %get3A_278 = arith.index_cast %add3A_257 : i32 to index
        %get3A_279 = arith.constant 48 : index
        %get3A_280 = tpu.vector_load %arg6[%get3A_277, %get3A_278, %get3A_279] {strides = array<i32>} : memref<2x200x64xf32, #tpu.memory_space<vmem>>, vector<1x1x16xf32>,
        %get3A_281 = vector.shape_cast %get3A_280 : vector<1x1x16xf32> to vector<16xf32>
        %add3A_282 = arith.addf %add3A_250, %get3A_263 : vector<16xf32>
        %add3A_283 = arith.addf %add3A_251, %get3A_269 : vector<16xf32>
        %add3A_284 = arith.addf %add3A_252, %get3A_275 : vector<16xf32>
        %add3A_285 = arith.addf %add3A_253, %get3A_281 : vector<16xf32>
        %mul3A_286 = arith.constant 4 : i32
        %mul3A_287 = arith.muli %scan3A_186, %mul3A_286 : i32
        %add3A_288 = arith.constant 3 : i32
        %add3A_289 = arith.addi %mul3A_287, %add3A_288 : i32
        %get3A_290 = arith.constant 1 : i32
        %get3A_291 = arith.index_cast %get3A_290 : i32 to index
        %get3A_292 = arith.index_cast %add3A_289 : i32 to index
        %get3A_293 = arith.constant 0 : index
        %get3A_294 = tpu.vector_load %arg6[%get3A_291, %get3A_292, %get3A_293] {strides = array<i32>} : memref<2x200x64xf32, #tpu.memory_space<vmem>>, vector<1x1x16xf32>,
        %get3A_295 = vector.shape_cast %get3A_294 : vector<1x1x16xf32> to vector<16xf32>
        %get3A_296 = arith.constant 1 : i32
        %get3A_297 = arith.index_cast %get3A_296 : i32 to index
        %get3A_298 = arith.index_cast %add3A_289 : i32 to index
        %get3A_299 = arith.constant 16 : index
        %get3A_300 = tpu.vector_load %arg6[%get3A_297, %get3A_298, %get3A_299] {strides = array<i32>} : memref<2x200x64xf32, #tpu.memory_space<vmem>>, vector<1x1x16xf32>,
        %get3A_301 = vector.shape_cast %get3A_300 : vector<1x1x16xf32> to vector<16xf32>
        %get3A_302 = arith.constant 1 : i32
        %get3A_303 = arith.index_cast %get3A_302 : i32 to index
        %get3A_304 = arith.index_cast %add3A_289 : i32 to index
        %get3A_305 = arith.constant 32 : index
        %get3A_306 = tpu.vector_load %arg6[%get3A_303, %get3A_304, %get3A_305] {strides = array<i32>} : memref<2x200x64xf32, #tpu.memory_space<vmem>>, vector<1x1x16xf32>,
        %get3A_307 = vector.shape_cast %get3A_306 : vector<1x1x16xf32> to vector<16xf32>
        %get3A_308 = arith.constant 1 : i32
        %get3A_309 = arith.index_cast %get3A_308 : i32 to index
        %get3A_310 = arith.index_cast %add3A_289 : i32 to index
        %get3A_311 = arith.constant 48 : index
        %get3A_312 = tpu.vector_load %arg6[%get3A_309, %get3A_310, %get3A_311] {strides = array<i32>} : memref<2x200x64xf32, #tpu.memory_space<vmem>>, vector<1x1x16xf32>,
        %get3A_313 = vector.shape_cast %get3A_312 : vector<1x1x16xf32> to vector<16xf32>
        %add3A_314 = arith.addf %add3A_282, %get3A_295 : vector<16xf32>
        %add3A_315 = arith.addf %add3A_283, %get3A_301 : vector<16xf32>
        %add3A_316 = arith.addf %add3A_284, %get3A_307 : vector<16xf32>
        %add3A_317 = arith.addf %add3A_285, %get3A_313 : vector<16xf32>
        scf.yield %add3A_314, %add3A_315, %add3A_316, %add3A_317 : vector<16xf32>, vector<16xf32>, vector<16xf32>, vector<16xf32>
      }
      %scan3A_153 = arith.constant 50 : i32
      %mul3A_154 = arith.constant 5.000000e-03 : f32
      %mul3A_155 = vector.broadcast %mul3A_154 : f32 to vector<16xf32>
      %mul3A_156 = arith.mulf %scan3A_152#0, %mul3A_155 : vector<16xf32>
      %swap3A_157 = arith.index_cast %add3A_110 : i32 to index
      %swap3A_158 = arith.constant 0 : index
      %swap3A_159 = tpu.vector_load %arg7[%swap3A_157, %swap3A_158] {strides = array<i32>} : memref<128x64xf32, #tpu.memory_space<vmem>>, vector<1x16xf32>,
      %swap3A_160 = vector.shape_cast %swap3A_159 : vector<1x16xf32> to vector<16xf32>
      %swap3A_161 = vector.shape_cast %mul3A_156 : vector<16xf32> to vector<1x16xf32>
      tpu.vector_store %arg7[%swap3A_157, %swap3A_158], %swap3A_161 {strides = array<i32>} : memref<128x64xf32, #tpu.memory_space<vmem>>, vector<1x16xf32>,
      %mul3A_162 = arith.constant 5.000000e-03 : f32
      %mul3A_163 = vector.broadcast %mul3A_162 : f32 to vector<16xf32>
      %mul3A_164 = arith.mulf %scan3A_152#1, %mul3A_163 : vector<16xf32>
      %swap3A_165 = arith.index_cast %add3A_110 : i32 to index
      %swap3A_166 = arith.constant 16 : index
      %swap3A_167 = tpu.vector_load %arg7[%swap3A_165, %swap3A_166] {strides = array<i32>} : memref<128x64xf32, #tpu.memory_space<vmem>>, vector<1x16xf32>,
      %swap3A_168 = vector.shape_cast %swap3A_167 : vector<1x16xf32> to vector<16xf32>
      %swap3A_169 = vector.shape_cast %mul3A_164 : vector<16xf32> to vector<1x16xf32>
      tpu.vector_store %arg7[%swap3A_165, %swap3A_166], %swap3A_169 {strides = array<i32>} : memref<128x64xf32, #tpu.memory_space<vmem>>, vector<1x16xf32>,
      %mul3A_170 = arith.constant 5.000000e-03 : f32
      %mul3A_171 = vector.broadcast %mul3A_170 : f32 to vector<16xf32>
      %mul3A_172 = arith.mulf %scan3A_152#2, %mul3A_171 : vector<16xf32>
      %swap3A_173 = arith.index_cast %add3A_110 : i32 to index
      %swap3A_174 = arith.constant 32 : index
      %swap3A_175 = tpu.vector_load %arg7[%swap3A_173, %swap3A_174] {strides = array<i32>} : memref<128x64xf32, #tpu.memory_space<vmem>>, vector<1x16xf32>,
      %swap3A_176 = vector.shape_cast %swap3A_175 : vector<1x16xf32> to vector<16xf32>
      %swap3A_177 = vector.shape_cast %mul3A_172 : vector<16xf32> to vector<1x16xf32>
      tpu.vector_store %arg7[%swap3A_173, %swap3A_174], %swap3A_177 {strides = array<i32>} : memref<128x64xf32, #tpu.memory_space<vmem>>, vector<1x16xf32>,
      %mul3A_178 = arith.constant 5.000000e-03 : f32
      %mul3A_179 = vector.broadcast %mul3A_178 : f32 to vector<16xf32>
      %mul3A_180 = arith.mulf %scan3A_152#3, %mul3A_179 : vector<16xf32>
      %swap3A_181 = arith.index_cast %add3A_110 : i32 to index
      %swap3A_182 = arith.constant 48 : index
      %swap3A_183 = tpu.vector_load %arg7[%swap3A_181, %swap3A_182] {strides = array<i32>} : memref<128x64xf32, #tpu.memory_space<vmem>>, vector<1x16xf32>,
      %swap3A_184 = vector.shape_cast %swap3A_183 : vector<1x16xf32> to vector<16xf32>
      %swap3A_185 = vector.shape_cast %mul3A_180 : vector<16xf32> to vector<1x16xf32>
      tpu.vector_store %arg7[%swap3A_181, %swap3A_182], %swap3A_185 {strides = array<i32>} : memref<128x64xf32, #tpu.memory_space<vmem>>, vector<1x16xf32>,
    }
    %scan3A_32 = arith.constant 64 : i32
    "tpu.region"() ({
      %run_scoped3A = tpu.sem_alloc : memref<!tpu.dma_semaphore, #tpu.memory_space<semaphore_mem>>
      %dma_start3A_33 = arith.constant 0 : i32
      %dma_start3A_34 = tpu.memref_slice %arg4[%mul3A_2, %dma_start3A_33] : memref<4096x64xf32, #tpu.memory_space<hbm>> -> memref<128x64xf32, #tpu.memory_space<hbm>>
      %dma_start3A_35 = arith.constant 0 : i32
      %dma_start3A_36 = tpu.memref_slice %arg4[%mul3A_2, %dma_start3A_35] : memref<4096x64xf32, #tpu.memory_space<hbm>> -> memref<128x64xf32, #tpu.memory_space<hbm>>
      tpu.enqueue_dma source(%arg7 : memref<128x64xf32, #tpu.memory_space<vmem>>) target(%dma_start3A_36 : memref<128x64xf32, #tpu.memory_space<hbm>>) target_semaphore(%run_scoped3A : memref<!tpu.dma_semaphore, #tpu.memory_space<semaphore_mem>>)
      %dma_wait3A = arith.constant 0 : i32
      %dma_wait3A_37 = tpu.memref_slice %arg4[%mul3A_2, %dma_wait3A] : memref<4096x64xf32, #tpu.memory_space<hbm>> -> memref<128x64xf32, #tpu.memory_space<hbm>>
      %dma_wait3A_38 = arith.constant 0 : i32
      %dma_wait3A_39 = tpu.memref_slice %arg4[%mul3A_2, %dma_wait3A_38] : memref<4096x64xf32, #tpu.memory_space<hbm>> -> memref<128x64xf32, #tpu.memory_space<hbm>>
      tpu.wait_dma2 semaphore(%run_scoped3A : memref<!tpu.dma_semaphore, #tpu.memory_space<semaphore_mem>>) src(%arg7 : memref<128x64xf32, #tpu.memory_space<vmem>>) dst(%dma_wait3A_39 : memref<128x64xf32, #tpu.memory_space<hbm>>)
      tpu.yield
    }) : () -> ()
    return
  }
}

module attributes {stable_mosaic.version = 14 : i64} {
  func.func @_mlp_body(%arg0: i32, %arg1: memref<1024x64xf32, #tpu.memory_space<vmem>>, %arg2: memref<64x128xf32, #tpu.memory_space<vmem>>, %arg3: memref<1x128xf32, #tpu.memory_space<vmem>>, %arg4: memref<128x128xf32, #tpu.memory_space<vmem>>, %arg5: memref<1x128xf32, #tpu.memory_space<vmem>>, %arg6: memref<1024x128xf32, #tpu.memory_space<vmem>>) attributes {dimension_semantics = [#tpu.dimension_semantics<arbitrary>], iteration_bounds = array<i64: 4>, scalar_prefetch = 0 : i64, scratch_operands = 0 : i64, tpu.core_type = #tpu.core_type<tc>, window_params = [{transform_indices = @transform_0, window_bounds = array<i64: 1024, 64>}, {pipeline_mode = #tpu.pipeline_mode<synchronous>, transform_indices = @transform_1, window_bounds = array<i64: 64, 128>}, {pipeline_mode = #tpu.pipeline_mode<synchronous>, transform_indices = @transform_2, window_bounds = array<i64: 1, 128>}, {pipeline_mode = #tpu.pipeline_mode<synchronous>, transform_indices = @transform_3, window_bounds = array<i64: 128, 128>}, {pipeline_mode = #tpu.pipeline_mode<synchronous>, transform_indices = @transform_4, window_bounds = array<i64: 1, 128>}, {transform_indices = @transform_5, window_bounds = array<i64: 1024, 128>}]} {
    %get3A = arith.constant 0 : index
    %get3A_0 = arith.constant 0 : index
    %get3A_1 = vector.load %arg1[%get3A, %get3A_0] : memref<1024x64xf32, #tpu.memory_space<vmem>>, vector<1024x64xf32>
    %get3A_2 = arith.constant 0 : index
    %get3A_3 = arith.constant 0 : index
    %get3A_4 = vector.load %arg2[%get3A_2, %get3A_3] : memref<64x128xf32, #tpu.memory_space<vmem>>, vector<64x128xf32>
    %dot_general3A = arith.constant dense<0.000000e+00> : vector<1024x128xf32>
    %dot_general3A_5 = tpu.matmul %get3A_1, %get3A_4, %dot_general3A {dimension_numbers = #tpu.dot_dimension_numbers<[1], [0], [0], [1], [0, 0, 1, 1], [], []>, transpose_lhs_hint = false} : vector<1024x64xf32>, vector<64x128xf32>, vector<1024x128xf32> -> vector<1024x128xf32>
    %get3A_6 = arith.constant 0 : index
    %get3A_7 = arith.constant 0 : index
    %get3A_8 = vector.load %arg3[%get3A_6, %get3A_7] : memref<1x128xf32, #tpu.memory_space<vmem>>, vector<1x128xf32>
    %add3A = vector.broadcast %get3A_8 : vector<1x128xf32> to vector<1024x128xf32>
    %add3A_9 = arith.addf %dot_general3A_5, %add3A : vector<1024x128xf32>
    %max3A = arith.constant 0.000000e+00 : f32
    %max3A_10 = vector.broadcast %max3A : f32 to vector<1024x128xf32>
    %max3A_11 = arith.maximumf %add3A_9, %max3A_10 : vector<1024x128xf32>
    %get3A_12 = arith.constant 0 : index
    %get3A_13 = arith.constant 0 : index
    %get3A_14 = vector.load %arg4[%get3A_12, %get3A_13] : memref<128x128xf32, #tpu.memory_space<vmem>>, vector<128x128xf32>
    %dot_general3A_15 = arith.constant dense<0.000000e+00> : vector<1024x128xf32>
    %dot_general3A_16 = tpu.matmul %max3A_11, %get3A_14, %dot_general3A_15 {dimension_numbers = #tpu.dot_dimension_numbers<[1], [0], [0], [1], [0, 0, 1, 1], [], []>, transpose_lhs_hint = false} : vector<1024x128xf32>, vector<128x128xf32>, vector<1024x128xf32> -> vector<1024x128xf32>
    %get3A_17 = arith.constant 0 : index
    %get3A_18 = arith.constant 0 : index
    %get3A_19 = vector.load %arg5[%get3A_17, %get3A_18] : memref<1x128xf32, #tpu.memory_space<vmem>>, vector<1x128xf32>
    %add3A_20 = vector.broadcast %get3A_19 : vector<1x128xf32> to vector<1024x128xf32>
    %add3A_21 = arith.addf %dot_general3A_16, %add3A_20 : vector<1024x128xf32>
    %reduce_max3A = arith.constant dense<0xFF800000> : vector<1024xf32>
    %reduce_max3A_22 = vector.multi_reduction <maximumf>, %add3A_21, %reduce_max3A [1] : vector<1024x128xf32> to vector<1024xf32>
    %broadcast_in_dim3A = vector.shape_cast %reduce_max3A_22 : vector<1024xf32> to vector<1024x1xf32>
    %sub3A = vector.broadcast %broadcast_in_dim3A : vector<1024x1xf32> to vector<1024x128xf32>
    %sub3A_23 = arith.subf %add3A_21, %sub3A : vector<1024x128xf32>
    %exp3A = math.exp %sub3A_23 : vector<1024x128xf32>
    %reduce_sum3A = arith.constant dense<0.000000e+00> : vector<1024xf32>
    %reduce_sum3A_24 = vector.multi_reduction <add>, %exp3A, %reduce_sum3A [1] : vector<1024x128xf32> to vector<1024xf32>
    %broadcast_in_dim3A_25 = vector.shape_cast %reduce_sum3A_24 : vector<1024xf32> to vector<1024x1xf32>
    %div3A = vector.broadcast %broadcast_in_dim3A_25 : vector<1024x1xf32> to vector<1024x128xf32>
    %div3A_26 = arith.divf %exp3A, %div3A : vector<1024x128xf32>
    %swap3A = arith.constant 0 : index
    %swap3A_27 = arith.constant 0 : index
    %swap3A_28 = vector.load %arg6[%swap3A, %swap3A_27] : memref<1024x128xf32, #tpu.memory_space<vmem>>, vector<1024x128xf32>
    tpu.vector_store %arg6[%swap3A, %swap3A_27], %div3A_26 {strides = array<i32>} : memref<1024x128xf32, #tpu.memory_space<vmem>>, vector<1024x128xf32>,
    return
  }
  func.func @transform_0(%arg0: i32) -> (i32, i32) {
    %c0_i32 = arith.constant 0 : i32
    %c0_i32_0 = arith.constant 0 : i32
    return %arg0, %c0_i32 : i32, i32
  }
  func.func @transform_1(%arg0: i32) -> (i32, i32) {
    %c0_i32 = arith.constant 0 : i32
    %c0_i32_0 = arith.constant 0 : i32
    %c0_i32_1 = arith.constant 0 : i32
    return %c0_i32, %c0_i32_0 : i32, i32
  }
  func.func @transform_2(%arg0: i32) -> (i32, i32) {
    %c0_i32 = arith.constant 0 : i32
    %c0_i32_0 = arith.constant 0 : i32
    %c0_i32_1 = arith.constant 0 : i32
    return %c0_i32, %c0_i32_0 : i32, i32
  }
  func.func @transform_3(%arg0: i32) -> (i32, i32) {
    %c0_i32 = arith.constant 0 : i32
    %c0_i32_0 = arith.constant 0 : i32
    %c0_i32_1 = arith.constant 0 : i32
    return %c0_i32, %c0_i32_0 : i32, i32
  }
  func.func @transform_4(%arg0: i32) -> (i32, i32) {
    %c0_i32 = arith.constant 0 : i32
    %c0_i32_0 = arith.constant 0 : i32
    %c0_i32_1 = arith.constant 0 : i32
    return %c0_i32, %c0_i32_0 : i32, i32
  }
  func.func @transform_5(%arg0: i32) -> (i32, i32) {
    %c0_i32 = arith.constant 0 : i32
    %c0_i32_0 = arith.constant 0 : i32
    return %arg0, %c0_i32 : i32, i32
  }
}

</mosaic_0001>

<sc_bundles>
// kernel: kernel.5.cloned.1.call-start
scs
__scs_entry_jumppad:
0x0: {  	(pc) =	sbr.rel $0x88, $3  }
0x1: {  	(tag) =	ssettag $0x0;
	lr =	simm.s32 $0x1  }
0x2: {  	[smem:$0x3F9B] =	sst lr;
	_ =	strace $0xD0000000  }
0x3: {  	_ = 	snop  }
0x4: {  	_ = 	snop  }
0x5: {  	_ = 	snop  }
0x6: {  	_ = 	snop  }
0x7: {  	_ = 	snop  }
__scs_overlays_trampoline_lowered:
0x8: {  	[smem:$0x3FAA] =	sst s0  }
0x9: {  	[smem:$0x3FAB] =	sst s1  }
0xa: {  	[smem:$0x3FAC] =	sst s2  }
0xb: {  	[smem:$0x3FAD] =	sst s3  }
0xc: {  	[smem:$0x3FAE] =	sst s4  }
0xd: {  	[smem:$0x3FAF] =	sst s5  }
0xe: {  	[smem:$0x3FB0] =	sst s6  }
0xf: {  	[smem:$0x3FB1] =	sst s7  }
0x10: {  	[smem:$0x3FB2] =	sst s8  }
0x11: {  	[smem:$0x3FB3] =	sst s9;
	s0 =	simm.s32 @!p0 $0x0  }
0x12: {  	s1 =	sld [smem:$0x3F99];
	s0 =	simm.s32 @p0 $0x1  }
0x13: {  	[smem:$0x3FB4] =	sst s0;
	s0 =	simm.s32 @!p1 $0x0  }
0x14: {  	s2 =	sld [smem:$0x3F98];
	s0 =	simm.s32 @p1 $0x1  }
0x15: {  	[smem:$0x3FB5] =	sst s0;
	s0 =	simm.s32 @!p2 $0x0  }
0x16: {  	s3 =	sld [smem:$0x3FDB];
	s0 =	simm.s32 @p2 $0x1  }
0x17: {  	s4 =	simm.s32 $0x1BF5;
	[smem:$0x3FB7] =	sst s0  }
0x18: {  	s0 =	sld [smem:$0x3F9A];
	_ =	swait.ge [sflag:s4], $0x0  }
0x19: {  	s7 =	sld [smem:$0x3F9B]  }
0x1a: {  	s8 =	sadd.s32 $0xFFFFE003, lr  }
0x1b: {  	s9 =	sadd.s32 $0xFFFFFEF7, lr;
	s5 =	simm.s32 $0xFFFFFFFF;
	p2 =	slt.u32 s8, $0xFFFFF086  }
0x1c: {  	p1 =	slt.u32 s9, $0xF7A;
	s5 =	simm.s32 @!p2 $0x0  }
0x1d: {  	s5 =	simm.s32 @p1 $0x1;
	p0 =	seq.s32 s7, s2  }
0x1e: {  	s7 =	smul.u32 @!p0 $0xF7A, s2;
	p2 =	seq.s32 @!p0 s5, $0x0  }
0x1f: {  	s9 =	smul.u32 $0xF7A, s1;
	s8 =	simm.s32 @!p0 $0x1BF5;
	p2 =	por !p2, p0  }
0x20: {  	[sflag:s8] =	ssyncset.s32 @!p0 $0xFFFFF086;
	s6 =	sadd.s32 @!p0 s3, s7;
	s7 =	simm.s32 @!p0 $0x108  }
0x21: {  	s3 =	sadd.s32 s3, s9;
	s6 =	sadd.s32 @!p0 $0x88, s6;
	s7 =	simm.s32 @p2 $0x1082  }
0x22: {  	[simem:s7], [sflag:s8] =	dma.local @!p0 [hbm:s6], $0xF7A  }
0x23: {  	s9 =	sor.u32 $0xD0000000, s2;
	s6 =	simm.s32 $0x108;
	_ =	swait.ge @!p0 [sflag:s8], $0x0  }
0x24: {  	s3 =	sadd.s32 $0x88, s3;
	s6 =	simm.s32 @!p1 $0x1082;
	[sflag:s4] =	ssyncset.s32 $0xFFFFF086  }
0x25: {  	[simem:s6], [sflag:s4] =	dma.local [hbm:s3], $0xF7A  }
0x26: {  	[smem:$0x3F9B] =	sst s1;
	(tag) =	ssettag s2;
	_ =	strace s9  }
0x27: {  	s1 =	sld [smem:$0x3FAB]  }
0x28: {  	s2 =	sld [smem:$0x3FAC]  }
0x29: {  	s4 =	sld [smem:$0x3FAE]  }
0x2a: {  	p0 =	seq.s32 s5, $0x0;
	s5 =	sld [smem:$0x3FAF]  }
0x2b: {  	s6 =	sld [smem:$0x3FB0]  }
0x2c: {  	s7 =	sld [smem:$0x3FB1]  }
0x2d: {  	s3 =	simm.s32 $0x108;
	s8 =	sld [smem:$0x3FB2]  }
0x2e: {  	s3 =	simm.s32 @!p0 $0x1082;
	s9 =	sld [smem:$0x3FB3]  }
0x2f: {  	lr =	sadd.s32 s0, s3;
	s0 =	sld [smem:$0x3FAA]  }
0x30: {  	s3 =	sld [smem:$0x3FAD]  }
0x31: {  	[smem:$0x3FB6] =	sst s10  }
0x32: {  	s10 =	sld [smem:$0x3FB4];
	_ =	sdelay $0x3  }
0x33: {  	p0 =	seq.s32 s10, $0x1;
	s10 =	sld [smem:$0x3FB6];
	_ =	sdelay $0x3  }
0x34: {  	[smem:$0x3FB6] =	sst s10  }
0x35: {  	s10 =	sld [smem:$0x3FB5];
	_ =	sdelay $0x3  }
0x36: {  	p1 =	seq.s32 s10, $0x1;
	s10 =	sld [smem:$0x3FB6];
	_ =	sdelay $0x3  }
0x37: {  	[smem:$0x3FB6] =	sst s10  }
0x38: {  	s10 =	sld [smem:$0x3FB7]  }
0x39: {  	_ = 	snop;
	(pc) =	sbr.ind lr, $3  }
0x3a: {  	_ = 	snop  }
0x3b: {  	_ = 	snop  }
0x3c: {  	p2 =	seq.s32 s10, $0x1;
	s10 =	sld [smem:$0x3FB6]  }
0x3d: {  	_ =	shalt  }
0x3e: {  	_ =	shalt  }
0x3f: {  	_ =	shalt  }
0x40: {  	_ =	shalt  }
0x41: {  	_ =	shalt  }
0x42: {  	_ =	shalt  }
0x43: {  	_ =	shalt  }
0x44: {  	_ =	shalt  }
0x45: {  	_ =	shalt  }
0x46: {  	_ =	shalt  }
0x47: {  	_ =	shalt  }
0x48: {  	_ =	shalt  }
0x49: {  	_ =	shalt  }
0x4a: {  	_ =	shalt  }
0x4b: {  	_ =	shalt  }
0x4c: {  	_ =	shalt  }
0x4d: {  	_ =	shalt  }
0x4e: {  	_ =	shalt  }
0x4f: {  	_ =	shalt  }
0x50: {  	_ =	shalt  }
0x51: {  	_ =	shalt  }
0x52: {  	_ =	shalt  }
0x53: {  	_ =	shalt  }
0x54: {  	_ =	shalt  }
0x55: {  	_ =	shalt  }
0x56: {  	_ =	shalt  }
0x57: {  	_ =	shalt  }
0x58: {  	_ =	shalt  }
0x59: {  	_ =	shalt  }
0x5a: {  	_ =	shalt  }
0x5b: {  	_ =	shalt  }
0x5c: {  	_ =	shalt  }
0x5d: {  	_ =	shalt  }
0x5e: {  	_ =	shalt  }
0x5f: {  	_ =	shalt  }
0x60: {  	_ =	shalt  }
0x61: {  	_ =	shalt  }
0x62: {  	_ =	shalt  }
0x63: {  	_ =	shalt  }
0x64: {  	_ =	shalt  }
0x65: {  	_ =	shalt  }
0x66: {  	_ =	shalt  }
0x67: {  	_ =	shalt  }
0x68: {  	_ =	shalt  }
0x69: {  	_ =	shalt  }
0x6a: {  	_ =	shalt  }
0x6b: {  	_ =	shalt  }
0x6c: {  	_ =	shalt  }
0x6d: {  	_ =	shalt  }
0x6e: {  	_ =	shalt  }
0x6f: {  	_ =	shalt  }
0x70: {  	_ =	shalt  }
0x71: {  	_ =	shalt  }
0x72: {  	_ =	shalt  }
0x73: {  	_ =	shalt  }
0x74: {  	_ =	shalt  }
0x75: {  	_ =	shalt  }
0x76: {  	_ =	shalt  }
0x77: {  	_ =	shalt  }
0x78: {  	_ =	shalt  }
0x79: {  	_ =	shalt  }
0x7a: {  	_ =	shalt  }
0x7b: {  	_ =	shalt  }
0x7c: {  	_ =	shalt  }
0x7d: {  	_ =	shalt  }
0x7e: {  	_ =	shalt  }
0x7f: {  	_ =	shalt  }
0x80: {  	_ =	shalt  }
0x81: {  	_ =	shalt  }
0x82: {  	_ =	shalt  }
0x83: {  	_ =	shalt  }
0x84: {  	_ =	shalt  }
0x85: {  	_ =	shalt  }
0x86: {  	_ =	shalt  }
0x87: {  	_ =	shalt  }
.Lfunc_end0:
.L_simem_size_0:
called_computation_lowered:
.L_overlay_start_0:
0x88: {  	s2 =	sld [smem:$0x3FD9]  }
0x89: {  	s3 =	sld [smem:$0x3FFE];
	_ =	sdelay $0x1  }
0x8a: {  	s1 =	srdreg.scid  }
0x8b: {  	s0 =	sand.u32 $0x1, s1  }
0x8c: {  	s17 =	sshll.u32 s0, $0xA;
	s2 =	sadd.s32 s3, s2  }
0x8d: {  	s2 =	sadd.s32 s2, s17  }
0x8e: {  	[smem:$0x3FC2] =	sst s2  }
0x8f: {  	_ = 	snop  }
0x90: {  	s2 =	sld [smem:$0x3FC8];
	(tm) =	ssettm $0x1  }
0x91: {  	s18 =	sld [smem:$0x3FFB];
	_ =	sdelay $0x3  }
0x92: {  	_ =	strace s18  }
0x93: {  	s3 =	sld [smem:$0x3FFC];
	_ =	sdelay $0x3  }
0x94: {  	_ =	strace s3  }
0x95: {  	s3 =	sld [smem:$0x3FFD];
	_ =	sdelay $0x3  }
0x96: {  	_ =	strace s3  }
0x97: {  	_ =	strace $0x8FFFFFFF  }
0x98: {  	s19 =	sld [smem:$0x3FDB];
	_ =	sdelay $0x1  }
0x99: {  	s4 =	simm.s32 $_scs_section_size  }
0x9a: {  	s5 =	simm.s32 $_size__tile_overlayer_lowered;
	s6 =	simm.s32 $_tile_overlayer_lowered  }
0x9b: {  	s22 =	simm.s32 $0x1BFF;
	s21 =	sshll.u32 s6, $0x1;
	s3 =	sadd.s32 s4, s19  }
0x9c: {  	s7 =	simm.s32 $0x0;
	s20 =	sshll.u32 s5, $0x1;
	s5 =	sadd.s32 s21, s3  }
0x9d: {  	[timem:s7], [sflag:s22] =	dma.local [hbm:s5], s20  }
0x9e: {  	_ =	swait.ge [sflag:s22], s20  }
0x9f: {  	s4 =	ssub.s32 $0x0, s20;
	[sflag:s22] =	ssyncset.done $0x0  }
0xa0: {  	[sflag:s22] =	ssyncadd.s32 s4;
	_ =	sdelay $0x1  }
0xa1: {  	s23 =	simm.s32 $0x1B8B  }
0xa2: {  	_ =	swait.ge [sflag:s23], $0x1  }
0xa3: {  	[sflag:s23] =	ssyncset.done $0x0  }
0xa4: {  	s25 =	simm.s32 $0x1B8E;
	s24 =	sld [smem:$0x3FFE];
	[sflag:s23] =	ssyncadd.s32 $0xFFFFFFFF  }
0xa5: {  	s26 =	simm.s32 $execute0_lowered;
	[smem:$0x3FD2] =	sst s25  }
0xa6: {  	s5 =	sshll.u32 s26, $0x1;
	_ =	strace $0x80000046;
	[dreg:$0x1] =	wrdreg $0xFFFFFFFF  }
0xa7: {  	s28 =	simm.s32 $_size_execute0_lowered;
	s3 =	sadd.s32 s3, s5;
	[dreg:$0x0] =	wrdreg $0x0  }
0xa8: {  	s5 =	sshll.u32 s28, $0x1;
	[dreg:$0x2] =	wrdreg s3  }
0xa9: {  	[dreg:$0x3] =	wrdreg s5  }
0xaa: {  	[dreg:$0x4] =	wrdreg $0xC0  }
0xab: {  	_ =	task [dreg:s7], $0x5FFFF  }
0xac: {  	[dreg:$0x1] =	wrdreg $0xFFFFFFFF  }
0xad: {  	[dreg:$0x0] =	wrdreg $0x60  }
0xae: {  	[dreg:$0x2] =	wrdreg s2  }
0xaf: {  	[dreg:$0x3] =	wrdreg s24  }
0xb0: {  	[dreg:$0x4] =	wrdreg $0x9  }
0xb1: {  	_ =	task.clear_ibuf [dreg:s7], $0x5FFFF;
	_ =	strace $0x90000046  }
0xb2: {  	s29 =	simm.s32 $0x9;
	_ =	strace $0x80000048  }
0xb3: {  	_ =	swait.ge [sflag:s29], $0x1  }
0xb4: {  	[sflag:s29] =	ssyncadd.s32 $0xFFFFFFFF  }
0xb5: {  	_ =	strace $0x90000048  }
0xb6: {  	_ =	sfence  }
0xb7: {  	s30 =	sld [smem:$0x0];
	_ =	sdelay $0x2  }
0xb8: {  	s31 =	sshll.u32 s1, $0xD;
	s1 =	sshrl.u32 s1, $0x2  }
0xb9: {  	s3 =	sand.u32 $0x4000, s31;
	s1 =	sadd.s32 s1, s30  }
0xba: {  	s0 =	sor.u32 s3, s0;
	s1 =	sshll.u32 s1, $0x11  }
0xbb: {  	s0 =	sor.u32 s1, s0  }
0xbc: {  	s0 =	sadd.s32 $0x8F2B, s0  }
0xbd: {  	[sflag:s0] =	ssyncadd.remote.s32 $0x1  }
0xbe: {  	_ =	sfence.sel $0xFFFF  }
0xbf: {  	[dreg:$0x0] =	wrdreg $0xFFFFFFFF;
	(pc) =	sbr.abs _section_cstart, $3  }
0xc0: {  	[dreg:$0x1] =	wrdreg $0xFFFFFFFF  }
0xc1: {  	_ =	task.clear_ibuf [dreg:s7], $0x2FFFF;
	_ =	strace $0x9FFFFFFF  }
0xc2: {  	(tm) =	ssettm $0x7FFFFFFF  }
0xc3: {  	_ =	shalt  }
tec
execute0_lowered:
.L_overlay_start_1:
0x0: {  	(tag) =	ssettag $0x1  }
0x1: {  	v0 =	vimm.s32 $0xF80;
	vm14 =	vcmask $0x300;
	vm13 =	vcmask $0x704  }
0x2: {  	vm12 =	vcmask $0xB08;
	vm11 =	vcmask $0xF0C;
	vm10 =	vcmask $0x1310  }
0x3: {  	vm9 =	vcmask $0x1714;
	vm8 =	vcmask $0x1B18;
	vm7 =	vcmask $0x1F1C  }
0x4: {  	vm6 =	vcmask $0x2320;
	vm5 =	vcmask $0x2724;
	vm4 =	vcmask $0x2B28  }
0x5: {  	vm3 =	vcmask $0x2F2C;
	vm1 =	vcmask $0x3330;
	v1 =	vimm.s32 $0xFEDCBA9  }
0x6: {  	vm0 =	vcmask $0x3734;
	v2 =	vimm.s32 $0x87654321;
	vm2 =	vcmask $0x3B38  }
0x7: {  	v3 =	vimm.s32 $0x10FEDCBA;
	v4 =	vimm.s32 $0x210FEDCB;
	v5 =	vimm.s32 $0xA9876543  }
0x8: {  	v7 =	vimm.s32 $0x543210FE;
	v10 =	vimm.s32 $0x43024100;
	v26 =	vimm.s32 $0xF4E0D4C  }
0x9: {  	vm15 =	vcmask $0x1F10;
	v29 =	vimm.s32 $0x33723170;
	v30 =	vimm.s32 $0x37763574  }
0xa: {  	v0 =	vsel vm14, $0x0, v0;
	v1 =	vunpack.c.l.s4.s8 v1;
	v2 =	vunpack.c.l.s4.s8 v2  }
0xb: {  	v4 =	vunpack.c.l.s4.s8 v4;
	v5 =	vunpack.c.l.s4.s8 v5;
	v0 =	vsel vm13, $0x80, v0  }
0xc: {  	v0 =	vsel vm12, $0x100, v0;
	v1 =	vunpack.c.0.s8.s32 v1;
	v11 =	vunpack.c.0.s8.s32 v2  }
0xd: {  	v2 =	vunpack.c.l.s4.s8 v3;
	v3 =	vimm.s32 $0x98765432;
	v15 =	vunpack.c.0.s8.s32 v5  }
0xe: {  	v5 =	vimm.s32 $0x43210FED;
	v0 =	vsel vm11, $0x180, v0;
	v3 =	vunpack.c.l.s4.s8 v3  }
0xf: {  	v5 =	vunpack.c.l.s4.s8 v5;
	v0 =	vsel vm10, $0x200, v0;
	v6 =	vcombine.low v11, v1  }
0x10: {  	v12 =	vunpack.c.0.s8.s32 v2;
	v2 =	vimm.s32 $0x3210FEDC;
	v0 =	vsel vm9, $0x280, v0  }
0x11: {  	v13 =	vunpack.c.0.s8.s32 v3;
	v3 =	vunpack.c.l.s4.s8 v2;
	v0 =	vsel vm8, $0x300, v0  }
0x12: {  	v28 =	vand.u32 $0xF, v6;
	v6 =	vimm.s32 $0xCBA98765;
	v0 =	vsel vm7, $0x380, v0  }
0x13: {  	v16 =	vunpack.c.0.s8.s32 v3;
	v3 =	vimm.s32 $0xBA987654;
	v0 =	vsel vm6, $0xC00, v0  }
0x14: {  	v6 =	vunpack.c.l.s4.s8 v6;
	v3 =	vunpack.c.l.s4.s8 v3;
	v0 =	vsel vm5, $0xC80, v0  }
0x15: {  	v10 =	vunpack.c.0.s8.s32 v10;
	v18 =	vunpack.c.0.s8.s32 v5;
	v0 =	vsel vm4, $0xD00, v0  }
0x16: {  	v19 =	vunpack.c.0.s8.s32 v6;
	v17 =	vunpack.c.0.s8.s32 v3;
	v0 =	vsel vm3, $0xD80, v0  }
0x17: {  	v3 =	vunpack.c.l.s4.s8 v7;
	v7 =	vimm.s32 $0xDCBA9876;
	v0 =	vsel vm1, $0xE00, v0  }
0x18: {  	v6 =	vimm.s32 $0xEDCBA987;
	v5 =	vunpack.c.l.s4.s8 v7;
	v0 =	vsel vm0, $0xE80, v0  }
0x19: {  	v7 =	vcombine.low v19, v18;
	v2 =	vsel vm2, $0xF00, v0;
	v0 =	vcombine.low v13, v12  }
0x1a: {  	v20 =	vunpack.c.0.s8.s32 v3;
	v3 =	vimm.s32 $0x6543210F;
	v21 =	vunpack.c.0.s8.s32 v5  }
0x1b: {  	v5 =	vunpack.c.l.s4.s8 v3;
	v3 =	vand.u32 $0xF, v0;
	v0 =	vcombine.low v17, v16  }
0x1c: {  	v26 =	vunpack.c.0.s8.s32 v26;
	v6 =	vunpack.c.l.s4.s8 v6;
	v8 =	vcombine.low v21, v20  }
0x1d: {  	v22 =	vunpack.c.0.s8.s32 v5;
	v5 =	vand.u32 $0xF, v0;
	v0 =	vand.u32 $0xF, v7  }
0x1e: {  	v29 =	vunpack.c.0.s8.s32 v29;
	[tilespmem:$0x1FDB0] =	vst v0;
	v0 =	vand.u32 $0xF, v8;
	v8 =	vimm.s32 $0x4B0A4908  }
0x1f: {  	v23 =	vunpack.c.0.s8.s32 v6;
	v9 =	vunpack.c.0.s8.s32 v8;
	v8 =	vimm.s32 $0x4F0E4D0C  }
0x20: {  	v30 =	vunpack.c.0.s8.s32 v30;
	v24 =	vunpack.c.0.s8.s32 v8;
	v8 =	vimm.s32 $0x47064504  }
0x21: {  	[tilespmem:$0x1FDC0] =	vst v0;
	v0 =	vcombine.low v23, v22;
	v25 =	vunpack.c.0.s8.s32 v8;
	v8 =	vimm.s32 $0xB4A0948  }
0x22: {  	v14 =	vunpack.c.0.s8.s32 v4;
	v1 =	vcombine.low v1, v11;
	v27 =	vunpack.c.0.s8.s32 v8  }
0x23: {  	v8 =	vand.u32 $0xF, v0;
	v0 =	vsel vm15, v24, v9;
	v24 =	vimm.s32 $0x7460544  }
0x24: {  	v9 =	vsel vm15, v25, v10;
	v10 =	vimm.s32 $0x3420140;
	v25 =	vimm.s32 $0x2780  }
0x25: {  	v24 =	vunpack.c.0.s8.s32 v24;
	v9 =	vcombine.low v9, v0;
	v0 =	vsel vm15, v26, v27  }
0x26: {  	v10 =	vunpack.c.0.s8.s32 v10;
	v26 =	vimm.s32 $0xFEDCBA98;
	v25 =	vsel vm14, $0x1800, v25  }
0x27: {  	v27 =	vimm.s32 $0x76543210;
	v26 =	vunpack.c.l.s4.s8 v26;
	v25 =	vsel vm13, $0x1880, v25  }
0x28: {  	v10 =	vsel vm15, v24, v10;
	v24 =	vunpack.c.l.s4.s8 v27;
	v25 =	vsel vm12, $0x1900, v25  }
0x29: {  	v10 =	vcombine.low v10, v0;
	v0 =	vunpack.c.0.s8.s32 v26;
	v25 =	vsel vm11, $0x1980, v25  }
0x2a: {  	v13 =	vcombine.low v12, v13;
	v24 =	vunpack.c.0.s8.s32 v24;
	v11 =	vsel vm10, $0x1A00, v25  }
0x2b: {  	v4 =	vcombine.low v15, v14;
	v0 =	vand.u32 $0xF, v0;
	v25 =	vsel vm9, $0x1A80, v11  }
0x2c: {  	v11 =	vcombine.low v0, v24;
	v0 =	vand.u32 $0xF, v1;
	v1 =	vand.u32 $0xF, v13  }
0x2d: {  	v4 =	vand.u32 $0xF, v4;
	v24 =	vimm.s32 $0x17561554;
	[tilespmem:$0x1FDE0] =	vst v1;
	v1 =	vcombine.low v14, v15  }
0x2e: {  	[tilespmem:$0x1FDD0] =	vst v0;
	v0 =	vsel vm8, $0x1B00, v25;
	v15 =	vcombine.low v16, v17;
	v16 =	vcombine.low v18, v19  }
0x2f: {  	v18 =	vcombine.low v22, v23;
	v19 =	vimm.s32 $0x5B1A5918;
	v1 =	vand.u32 $0xF, v1  }
0x30: {  	v22 =	vimm.s32 $0x57165514;
	v23 =	vimm.s32 $0x13521150;
	[tilespmem:$0x1FDF0] =	vst v1;
	v1 =	vcombine.low v20, v21  }
0x31: {  	v24 =	vunpack.c.0.s8.s32 v24;
	v25 =	vimm.s32 $0x67266524;
	v0 =	vsel vm7, $0x1B80, v0  }
0x32: {  	v19 =	vunpack.c.0.s8.s32 v19;
	v22 =	vunpack.c.0.s8.s32 v22;
	v1 =	vand.u32 $0xF, v1  }
0x33: {  	v23 =	vunpack.c.0.s8.s32 v23;
	v25 =	vunpack.c.0.s8.s32 v25;
	[tilespmem:$0x1FE20] =	vst v1;
	v1 =	vimm.s32 $0x3F80  }
0x34: {  	v14 =	vmovc v2;
	v0 =	vsel vm6, $0x2400, v0;
	v2 =	vand.u32 $0xF, v15;
	v1 =	vsel vm14, $0x3000, v1  }
0x35: {  	v0 =	vsel vm5, $0x2480, v0;
	[tilespmem:$0x1FE00] =	vst v2;
	v2 =	vand.u32 $0xF, v16;
	v1 =	vsel vm13, $0x3080, v1  }
0x36: {  	v20 =	vimm.s32 $0x5F1E5D1C;
	v21 =	vimm.s32 $0x53125110;
	v1 =	vsel vm12, $0x3100, v1  }
0x37: {  	v0 =	vsel vm4, $0x2500, v0;
	v20 =	vunpack.c.0.s8.s32 v20;
	v1 =	vsel vm11, $0x3180, v1  }
0x38: {  	v21 =	vunpack.c.0.s8.s32 v21;
	v0 =	vsel vm3, $0x2580, v0;
	v1 =	vsel vm10, $0x3200, v1  }
0x39: {  	v16 =	vand.u32 $0xF, v18;
	v0 =	vsel vm1, $0x2600, v0;
	v1 =	vsel vm9, $0x3280, v1  }
0x3a: {  	v19 =	vsel vm15, v20, v19;
	v20 =	vsel vm15, v22, v21;
	v1 =	vsel vm8, $0x3300, v1  }
0x3b: {  	v21 =	vimm.s32 $0x1B5A1958;
	v22 =	vimm.s32 $0x1F5E1D5C;
	v1 =	vsel vm7, $0x3380, v1  }
0x3c: {  	v0 =	vsel vm0, $0x2680, v0;
	v21 =	vunpack.c.0.s8.s32 v21;
	v1 =	vsel vm6, $0x3C00, v1  }
0x3d: {  	v22 =	vunpack.c.0.s8.s32 v22;
	v13 =	vcombine.low v20, v19;
	v1 =	vsel vm5, $0x3C80, v1  }
0x3e: {  	v19 =	vsel vm15, v24, v23;
	v23 =	vimm.s32 $0x5780;
	v1 =	vsel vm4, $0x3D00, v1  }
0x3f: {  	[tilespmem:$0x1FE10] =	vst v2;
	v2 =	vsel vm2, $0x2700, v0;
	v0 =	vsel vm3, $0x3D80, v1;
	v1 =	vsel vm15, v22, v21  }
0x40: {  	v21 =	vimm.s32 $0x6B2A6928;
	v22 =	vimm.s32 $0x6F2E6D2C;
	v0 =	vsel vm1, $0x3E00, v0  }
0x41: {  	v24 =	vunpack.c.0.s8.s32 v21;
	v22 =	vunpack.c.0.s8.s32 v22;
	v21 =	vsel vm14, $0x4800, v23  }
0x42: {  	v23 =	vimm.s32 $0x63226120;
	v7 =	vcombine.low v19, v1;
	v21 =	vsel vm13, $0x4880, v21  }
0x43: {  	v23 =	vunpack.c.0.s8.s32 v23;
	v0 =	vsel vm0, $0x3E80, v0;
	v26 =	vsel vm12, $0x4900, v21  }
0x44: {  	v15 =	vmovc v5;
	v19 =	vsel vm15, v22, v24;
	v24 =	vimm.s32 $0x2F6E2D6C;
	v5 =	vsel vm2, $0x3F00, v0  }
0x45: {  	v1 =	vsel vm11, $0x4980, v26;
	v22 =	vsel vm15, v25, v23;
	v23 =	vimm.s32 $0x2B6A2968  }
0x46: {  	v26 =	vimm.s32 $0x27662564;
	v1 =	vsel vm10, $0x4A00, v1;
	v25 =	vunpack.c.0.s8.s32 v23  }
0x47: {  	v20 =	vmovc v3;
	v23 =	vimm.s32 $0x23622160;
	v26 =	vunpack.c.0.s8.s32 v26;
	v3 =	vcombine.low v22, v19  }
0x48: {  	v22 =	vimm.s32 $0x7B3A7938;
	v1 =	vsel vm9, $0x4A80, v1;
	v27 =	vunpack.c.0.s8.s32 v23  }
0x49: {  	v24 =	vunpack.c.0.s8.s32 v24;
	v22 =	vunpack.c.0.s8.s32 v22;
	v1 =	vsel vm8, $0x4B00, v1  }
0x4a: {  	v1 =	vsel vm7, $0x4B80, v1;
	v19 =	vsel vm15, v26, v27;
	v26 =	vimm.s32 $0x77367534  }
0x4b: {  	v27 =	vimm.s32 $0x3B7A3978;
	v1 =	vsel vm6, $0x5400, v1;
	v26 =	vunpack.c.0.s8.s32 v26  }
0x4c: {  	v0 =	vsel vm5, $0x5480, v1;
	v1 =	vsel vm15, v24, v25;
	v24 =	vimm.s32 $0x7F3E7D3C  }
0x4d: {  	v27 =	vunpack.c.0.s8.s32 v27;
	v25 =	vunpack.c.0.s8.s32 v24;
	v24 =	vimm.s32 $0x73327130  }
0x4e: {  	v23 =	vmovc v28;
	v0 =	vsel vm4, $0x5500, v0;
	v28 =	vunpack.c.0.s8.s32 v24;
	v24 =	vimm.s32 $0x3F7E3D7C  }
0x4f: {  	v18 =	vmovc v10;
	v10 =	vcombine.low v19, v1;
	v0 =	vsel vm3, $0x5580, v0;
	v31 =	vunpack.c.0.s8.s32 v24  }
0x50: {  	v0 =	vsel vm1, $0x5600, v0;
	v1 =	vsel vm15, v25, v22;
	v25 =	vsel vm15, v30, v29  }
0x51: {  	v0 =	vsel vm0, $0x5680, v0;
	v19 =	vsel vm15, v26, v28;
	v22 =	vsel vm15, v31, v27  }
0x52: {  	v29 =	vmovc v8;
	v8 =	vsel vm2, $0x5700, v0;
	v0 =	vcombine.low v19, v1;
	v1 =	vimm.s32 $0x604F  }
0x53: {  	v19 =	vimm.s32 $0x600F;
	v6 =	vcombine.low v25, v22;
	v1 =	vsel vm14, $0x6000, v1  }
0x54: {  	v19 =	vsel vm14, $0x6040, v19;
	[tilespmem:$0x1FE30] =	vst v0;
	v0 =	vimm.s32 $0x6F80;
	v1 =	vsel vm13, $0x6041, v1  }
0x55: {  	v19 =	vsel vm13, $0x6001, v19;
	v0 =	vsel vm14, $0x6000, v0;
	v1 =	vsel vm12, $0x6002, v1  }
0x56: {  	v19 =	vsel vm12, $0x6042, v19;
	v0 =	vsel vm13, $0x6080, v0;
	v1 =	vsel vm11, $0x6043, v1  }
0x57: {  	v19 =	vsel vm11, $0x6003, v19;
	v0 =	vsel vm12, $0x6100, v0;
	v1 =	vsel vm10, $0x6004, v1  }
0x58: {  	v19 =	vsel vm10, $0x6044, v19;
	v0 =	vsel vm11, $0x6180, v0;
	v1 =	vsel vm9, $0x6045, v1  }
0x59: {  	v19 =	vsel vm9, $0x6005, v19;
	v0 =	vsel vm10, $0x6200, v0;
	v1 =	vsel vm8, $0x6006, v1  }
0x5a: {  	v19 =	vsel vm8, $0x6046, v19;
	v0 =	vsel vm9, $0x6280, v0;
	v1 =	vsel vm7, $0x6047, v1  }
0x5b: {  	v19 =	vsel vm7, $0x6007, v19;
	v0 =	vsel vm8, $0x6300, v0;
	v1 =	vsel vm6, $0x6008, v1  }
0x5c: {  	v19 =	vsel vm6, $0x6048, v19;
	v0 =	vsel vm7, $0x6380, v0;
	v1 =	vsel vm5, $0x6049, v1  }
0x5d: {  	v19 =	vsel vm5, $0x6009, v19;
	v0 =	vsel vm6, $0x6C00, v0;
	v1 =	vsel vm4, $0x600A, v1  }
0x5e: {  	v19 =	vsel vm4, $0x604A, v19;
	v0 =	vsel vm5, $0x6C80, v0;
	v1 =	vsel vm3, $0x604B, v1  }
0x5f: {  	v19 =	vsel vm3, $0x600B, v19;
	v0 =	vsel vm4, $0x6D00, v0;
	v1 =	vsel vm1, $0x600C, v1  }
0x60: {  	v19 =	vsel vm1, $0x604C, v19;
	v0 =	vsel vm3, $0x6D80, v0;
	v1 =	vsel vm0, $0x604D, v1  }
0x61: {  	v19 =	vsel vm0, $0x600D, v19;
	v0 =	vsel vm1, $0x6E00, v0;
	v35 =	vsel vm2, $0x600E, v1  }
0x62: {  	v39 =	vsel vm2, $0x604E, v19;
	v1 =	vimm.s32 $0x605F;
	v19 =	vimm.s32 $0x601F  }
0x63: {  	v0 =	vsel vm0, $0x6E80, v0;
	v1 =	vsel vm14, $0x6010, v1;
	v19 =	vsel vm14, $0x6050, v19  }
0x64: {  	v17 =	vmovc v9;
	v9 =	vsel vm2, $0x6F00, v0;
	v0 =	vimm.s32 $0x8780;
	v1 =	vsel vm13, $0x6051, v1  }
0x65: {  	v19 =	vsel vm13, $0x6011, v19;
	v0 =	vsel vm14, $0x7800, v0;
	v1 =	vsel vm12, $0x6012, v1  }
0x66: {  	v19 =	vsel vm12, $0x6052, v19;
	v0 =	vsel vm13, $0x7880, v0;
	v1 =	vsel vm11, $0x6053, v1  }
0x67: {  	v19 =	vsel vm11, $0x6013, v19;
	v0 =	vsel vm12, $0x7900, v0;
	v1 =	vsel vm10, $0x6014, v1  }
0x68: {  	v19 =	vsel vm10, $0x6054, v19;
	v0 =	vsel vm11, $0x7980, v0;
	v1 =	vsel vm9, $0x6055, v1  }
0x69: {  	v19 =	vsel vm9, $0x6015, v19;
	v0 =	vsel vm10, $0x7A00, v0;
	v1 =	vsel vm8, $0x6016, v1  }
0x6a: {  	v19 =	vsel vm8, $0x6056, v19;
	v0 =	vsel vm9, $0x7A80, v0;
	v1 =	vsel vm7, $0x6057, v1  }
0x6b: {  	v19 =	vsel vm7, $0x6017, v19;
	v0 =	vsel vm8, $0x7B00, v0;
	v1 =	vsel vm6, $0x6018, v1  }
0x6c: {  	v19 =	vsel vm6, $0x6058, v19;
	v0 =	vsel vm7, $0x7B80, v0;
	v1 =	vsel vm5, $0x6059, v1  }
0x6d: {  	v19 =	vsel vm5, $0x6019, v19;
	v0 =	vsel vm6, $0x8400, v0;
	v1 =	vsel vm4, $0x601A, v1  }
0x6e: {  	v19 =	vsel vm4, $0x605A, v19;
	v0 =	vsel vm5, $0x8480, v0;
	v1 =	vsel vm3, $0x605B, v1  }
0x6f: {  	v19 =	vsel vm3, $0x601B, v19;
	v0 =	vsel vm4, $0x8500, v0;
	v1 =	vsel vm1, $0x601C, v1  }
0x70: {  	v19 =	vsel vm1, $0x605C, v19;
	v0 =	vsel vm3, $0x8580, v0;
	v1 =	vsel vm0, $0x605D, v1  }
0x71: {  	v19 =	vsel vm0, $0x601D, v19;
	v0 =	vsel vm1, $0x8600, v0;
	v33 =	vsel vm2, $0x601E, v1  }
0x72: {  	v32 =	vsel vm2, $0x605E, v19;
	v1 =	vimm.s32 $0x606F;
	v19 =	vimm.s32 $0x602F  }
0x73: {  	v0 =	vsel vm0, $0x8680, v0;
	v1 =	vsel vm14, $0x6020, v1;
	v19 =	vsel vm14, $0x6060, v19  }
0x74: {  	v30 =	vmovc v11;
	v11 =	vsel vm2, $0x8700, v0;
	v0 =	vimm.s32 $0x9F80;
	v1 =	vsel vm13, $0x6061, v1  }
0x75: {  	v19 =	vsel vm13, $0x6021, v19;
	v0 =	vsel vm14, $0x9000, v0;
	v1 =	vsel vm12, $0x6022, v1  }
0x76: {  	s1 =	rddreg [dreg:$0x0];
	v19 =	vsel vm12, $0x6062, v19;
	v0 =	vsel vm13, $0x9080, v0;
	v1 =	vsel vm11, $0x6063, v1  }
0x77: {  	s5 =	rddreg [dreg:$0x1];
	s3 =	simm.s32 $0x0;
	v19 =	vsel vm11, $0x6023, v19;
	v0 =	vsel vm12, $0x9100, v0;
	v1 =	vsel vm10, $0x6024, v1  }
0x78: {  	s2 =	srdreg.scid;
	[smem:$0x7FF] =	sst s3;
	v19 =	vsel vm10, $0x6064, v19;
	v0 =	vsel vm11, $0x9180, v0;
	v1 =	vsel vm9, $0x6065, v1  }
0x79: {  	s6 =	sand.u32 $0x1, s2;
	s2 =	rddreg [dreg:$0x2];
	_ =	strace $0x80000047;
	[tilespmem:$0x1FE60] =	vst v14;
	v19 =	vsel vm9, $0x6025, v19;
	v0 =	vsel vm10, $0x9200, v0;
	v1 =	vsel vm8, $0x6026, v1  }
0x7a: {  	[tilespmem:$0x1FE70] =	vst v23;
	v19 =	vsel vm8, $0x6066, v19;
	v0 =	vsel vm9, $0x9280, v0;
	v1 =	vsel vm7, $0x6067, v1  }
0x7b: {  	v24 =	vmovc v4;
	[tilespmem:$0x1FE80] =	vst v20;
	v19 =	vsel vm7, $0x6027, v19;
	v0 =	vsel vm8, $0x9300, v0;
	v1 =	vsel vm6, $0x6028, v1  }
0x7c: {  	[tilespmem:$0x1FE90] =	vst v24;
	v19 =	vsel vm6, $0x6068, v19;
	v0 =	vsel vm7, $0x9380, v0;
	v1 =	vsel vm5, $0x6069, v1  }
0x7d: {  	[tilespmem:$0x1FEA0] =	vst v17;
	v19 =	vsel vm5, $0x6029, v19;
	v0 =	vsel vm6, $0x9C00, v0;
	v1 =	vsel vm4, $0x602A, v1  }
0x7e: {  	[tilespmem:$0x1FEB0] =	vst v18;
	v19 =	vsel vm4, $0x606A, v19;
	v0 =	vsel vm5, $0x9C80, v0;
	v1 =	vsel vm3, $0x606B, v1  }
0x7f: {  	[tilespmem:$0x1FEC0] =	vst v6;
	v19 =	vsel vm3, $0x602B, v19;
	v0 =	vsel vm4, $0x9D00, v0;
	v1 =	vsel vm1, $0x602C, v1  }
0x80: {  	[tilespmem:$0x1FED0] =	vst v2;
	v19 =	vsel vm1, $0x606C, v19;
	v0 =	vsel vm3, $0x9D80, v0;
	v1 =	vsel vm0, $0x606D, v1  }
0x81: {  	[tilespmem:$0x1FEE0] =	vst v13;
	v19 =	vsel vm0, $0x602D, v19;
	v0 =	vsel vm1, $0x9E00, v0;
	v26 =	vsel vm2, $0x602E, v1  }
0x82: {  	[tilespmem:$0x1FF10] =	vst v3;
	v27 =	vsel vm2, $0x606E, v19;
	v1 =	vimm.s32 $0x607F;
	v19 =	vimm.s32 $0x603F  }
0x83: {  	[tilespmem:$0x1FFA0] =	vst v7;
	v0 =	vsel vm0, $0x9E80, v0;
	v1 =	vsel vm14, $0x6030, v1;
	v19 =	vsel vm14, $0x6070, v19  }
0x84: {  	[tilespmem:$0x1FFB0] =	vst v5;
	v4 =	vsel vm2, $0x9F00, v0;
	v0 =	vimm.s32 $0xB780;
	v1 =	vsel vm13, $0x6071, v1  }
0x85: {  	[tilespmem:$0x1FFC0] =	vst v10;
	v19 =	vsel vm13, $0x6031, v19;
	v0 =	vsel vm14, $0xA800, v0;
	v1 =	vsel vm12, $0x6032, v1  }
0x86: {  	[tilespmem:$0x1FFD0] =	vst v8;
	v19 =	vsel vm12, $0x6072, v19;
	v0 =	vsel vm13, $0xA880, v0;
	v1 =	vsel vm11, $0x6073, v1  }
0x87: {  	[tilespmem:$0x1FFE0] =	vst v15;
	v19 =	vsel vm11, $0x6033, v19;
	v0 =	vsel vm12, $0xA900, v0;
	v1 =	vsel vm10, $0x6034, v1  }
0x88: {  	[tilespmem:$0x1FFF0] =	vst v16;
	v19 =	vsel vm10, $0x6074, v19;
	v0 =	vsel vm11, $0xA980, v0;
	v1 =	vsel vm9, $0x6075, v1  }
0x89: {  	[tilespmem:$0x1FF00] =	vst v35;
	v19 =	vsel vm9, $0x6035, v19;
	v0 =	vsel vm10, $0xAA00, v0;
	v1 =	vsel vm8, $0x6036, v1  }
0x8a: {  	[tilespmem:$0x1FF20] =	vst v39;
	v19 =	vsel vm8, $0x6076, v19;
	v0 =	vsel vm9, $0xAA80, v0;
	v1 =	vsel vm7, $0x6077, v1  }
0x8b: {  	s11 =	simm.s32 $0xC00;
	[tilespmem:$0x1FEF0] =	vst v9;
	v19 =	vsel vm7, $0x6037, v19;
	v0 =	vsel vm8, $0xAB00, v0;
	v1 =	vsel vm6, $0x6038, v1  }
0x8c: {  	s0 =	stileid.u32;
	s12 =	simm.s32 $0x7A1400;
	s13 =	simm.s32 $0x1;
	[tilespmem:$0x1FF40] =	vst v33;
	v19 =	vsel vm6, $0x6078, v19;
	v0 =	vsel vm7, $0xAB80, v0;
	v1 =	vsel vm5, $0x6079, v1  }
0x8d: {  	s14 =	simm.s32 $0xC000;
	s15 =	simm.s32 $0x2;
	s30 =	sshll.u32 s0, $0x1;
	[tilespmem:$0x1FF50] =	vst v32;
	v19 =	vsel vm5, $0x6039, v19;
	v0 =	vsel vm6, $0xB400, v0;
	v1 =	vsel vm4, $0x603A, v1  }
0x8e: {  	s16 =	simm.s32 $0x12000;
	s17 =	simm.s32 $0x3;
	s4 =	sor.u32 s6, s30;
	[tilespmem:$0x1FF30] =	vst v11;
	v19 =	vsel vm4, $0x607A, v19;
	v0 =	vsel vm5, $0xB480, v0;
	v1 =	vsel vm3, $0x607B, v1  }
0x8f: {  	s18 =	simm.s32 $0x4;
	s19 =	simm.s32 $0x0;
	s7 =	smul.u32 $0x51, s4;
	[tilespmem:$0x1FF70] =	vst v26;
	v19 =	vsel vm3, $0x603B, v19;
	v0 =	vsel vm4, $0xB500, v0;
	v1 =	vsel vm1, $0x603C, v1  }
.Ltmp0:
0x90: {  	p0 =	slt.u32 s0, $0x6;
	s4 =	smin.u32 s4, $0xC;
	[tilespmem:$0x1FF80] =	vst v27;
	v19 =	vsel vm1, $0x607C, v19;
	v0 =	vsel vm3, $0xB580, v0;
	v1 =	vsel vm0, $0x607D, v1;
	(pc) =	sbr.rel .LBB2_1-.Ltmp0, $4  }
0x91: {  	s31 =	ssub.s32 $0x2, s6;
	s6 =	simm.s32 $0x52;
	s4 =	sadd.s32 s4, s7;
	[tilespmem:$0x1FF60] =	vst v4;
	v19 =	vsel vm0, $0x603D, v19;
	v0 =	vsel vm1, $0xB600, v0;
	v1 =	vsel vm2, $0x603E, v1  }
0x92: {  	s9 =	sshrl.u32 s31, $0x1;
	s6 =	simm.s32 @!p0 $0x51;
	s8 =	smul.u32 $0x180, s4;
	v0 =	vsel vm0, $0xB680, v0;
	[tilespmem:$0x1FE40] =	vst v1;
	v1 =	vsel vm2, $0x607E, v19  }
0x93: {  	s5 =	sadd.s32 $0xE00, s5;
	s10 =	ssub.s32 s31, s9;
	s9 =	sadd.s32 $0xFFFFFFFE, s6;
	v36 =	vsel vm2, $0xB700, v0;
	[tilespmem:$0x1FE50] =	vst v1  }
0x94: {  	s10 =	smax.u32 s10, $0x1;
	s7 =	sadd.s32 s1, s8;
	s8 =	sadd.s32 $0xFFFFFFFF, s6;
	v21 =	vlaneseq.u32;
	[tilespmem:$0x1FF90] =	vst v36  }
.LBB2_11:
0x95: {  	s19 =	sadd.s32 $0x1, s19  }
0x96: {  	_ =	swait.ge [sflag:s17], $0x6000;
	p0 =	sne.s32 s19, s10  }
.Ltmp1:
0x97: {  	[sflag:s17] =	ssyncset.done $0x0;
	(pc) =	sbr.rel @!p0 .LBB2_12-.Ltmp1, $4  }
0x98: {  	[sflag:s17] =	ssyncadd.s32 $0xFFFFA000  }
0x99: {  	_ =	swait.ge [sflag:s18], $0x6000  }
0x9a: {  	[sflag:s18] =	ssyncset.done $0x0  }
0x9b: {  	[sflag:s18] =	ssyncadd.s32 $0xFFFFA000  }
.LBB2_1:
.Ltmp2:
0x9c: {  	(pc) =	sbr.rel .LBB2_2-.Ltmp2, $3  }
0x9d: {  	_ =	sdelay $0x1  }
0x9e: {  	[tilespmem:s3], [sflag:$0x1] =	stream.strided.gather [hbm4b:s7+s11], $0x6000, s12, s11, $0x38;
	[tilespmem:$0x18000] =	vst v63  }
0x9f: {  	s20 =	simm.s32 $0x0  }
.LBB2_10:
0xa0: {  	s20 =	sadd.s32 $0x1, s20  }
0xa1: {  	p0 =	sne.s32 s20, $0x29  }
.Ltmp3:
0xa2: {  	_ = 	snop;
	(pc) =	sbr.rel @!p0 .LBB2_11-.Ltmp3, $1  }
0xa3: {  	_ =	sdelay $0x3  }
.LBB2_2:
0xa4: {  	s21 =	sshll.u32 s20, $0x1  }
0xa5: {  	p0 =	sge.u32 s21, s6  }
.Ltmp4:
0xa6: {  	_ = 	snop;
	(pc) =	sbr.rel @p0 .LBB2_6-.Ltmp4, $1  }
0xa7: {  	_ =	sdelay $0x3  }
0xa8: {  	p0 =	sge.u32 s21, s8;
	s22 =	sadd.s32 s4, s21  }
0xa9: {  	s23 =	smul.u32 @!p0 $0xC00, s22;
	_ =	sdelay $0x1  }
0xaa: {  	s23 =	sshrl.u32 @!p0 s23, $0x3  }
0xab: {  	s25 =	simm.s32 @!p0 $0xC00;
	s24 =	sadd.s32 @!p0 s1, s23  }
0xac: {  	s26 =	simm.s32 @!p0 $0x7A1400;
	s28 =	simm.s32 @!p0 $0x6000;
	s24 =	sadd.s32 @!p0 $0x180, s24  }
0xad: {  	[tilespmem:s28], [sflag:$0x2] =	stream.strided.gather @!p0 [hbm4b:s24+s25], $0x6000, s26, s25, $0x38;
	[tilespmem:$0x18000] =	vst v63  }
0xae: {  	_ =	swait.ge [sflag:s13], $0x6000  }
0xaf: {  	s31 =	simm.s32 $0x0;
	p0 =	seq.s32 s20, $0x0;
	[sflag:s13] =	ssyncset.done $0x0  }
0xb0: {  	v0 =	vmov s31;
	s24 =	simm.s32 @!p0 $0x3;
	[sflag:s13] =	ssyncadd.s32 $0xFFFFA000  }
0xb1: {  	v0 =	vshll.u32 v0, $0x3;
	_ =	swait.ge @!p0 [sflag:s24], $0x6000  }
0xb2: {  	v9 =	vand.u32 $0xC00, v0;
	v0 =	vld [tilespmem:$0x1FDC0];
	_ =	sdelay $0x4  }
0xb3: {  	v47 =	vor.u32 s31, v0;
	v0 =	vld [tilespmem:$0x1FDB0];
	_ =	sdelay $0x4  }
0xb4: {  	v55 =	vor.u32 s31, v0;
	v0 =	vld [tilespmem:$0x1FDE0];
	_ =	sdelay $0x1  }
0xb5: {  	v37 =	vor.u32 s31, v24  }
0xb6: {  	v4 =	vand.u32 $0x7F, v37;
	v41 =	vadd.s32 v14, v9  }
0xb7: {  	v34 =	vor.u32 s31, v23;
	v44 =	vor.u32 v4, v41  }
0xb8: {  	v40 =	vor.u32 s31, v21;
	v11 =	vand.u32 $0x7F, v34;
	v22 =	vor.u32 s31, v0;
	v0 =	vld [tilespmem:$0x1FDD0]  }
0xb9: {  	v43 =	vor.u32 s31, v20;
	v12 =	vand.u32 $0x7F, v40;
	v42 =	vor.u32 v11, v41  }
0xba: {  	v45 =	vor.u32 s31, v15;
	v26 =	vand.u32 $0x7F, v43;
	v46 =	vor.u32 v12, v41;
	[sflag:s24] =	ssyncset.done @!p0 $0x0  }
0xbb: {  	v27 =	vand.u32 $0x7F, v45;
	v49 =	vor.u32 v26, v41;
	[sflag:s24] =	ssyncadd.s32 @!p0 $0xFFFFA000  }
0xbc: {  	v56 =	vor.u32 s31, v29;
	v52 =	vor.u32 v27, v41;
	v63 =	vld.idx.msk [tilespmem:v44+s3+$0x0], $0xffff  }
0xbd: {  	v32 =	vand.u32 $0x7F, v56;
	v44 =	vor.u32 s31, v0;
	v0 =	vld [tilespmem:$0x1FDF0]  }
0xbe: {  	v40 =	vshll.u32 v40, $0x6;
	v57 =	vor.u32 v32, v41;
	v42 =	vld.idx.msk [tilespmem:v42+s3+$0x0], $0xffff;
	v1 =	vand.u32 $0x7F, v47  }
0xbf: {  	v34 =	vshll.u32 v34, $0x6;
	v46 =	vld.idx.msk [tilespmem:v46+s3+$0x0], $0xffff;
	v54 =	vor.u32 v1, v41;
	v53 =	vand.u32 $0x7F, v55  }
0xc0: {  	v50 =	vshll.u32 v43, $0x6;
	v36 =	vand.u32 $0x7F80, v40;
	v43 =	vld.idx.msk [tilespmem:v49+s3+$0x0], $0xffff;
	v58 =	vor.u32 v53, v41  }
0xc1: {  	v51 =	vshll.u32 v37, $0x6;
	v39 =	vand.u32 $0x7F80, v34;
	v59 =	vor.u32 v17, v36;
	v40 =	vld.idx.msk [tilespmem:v52+s3+$0x0], $0xffff  }
0xc2: {  	v38 =	vand.u32 $0x7F80, v50;
	v60 =	vor.u32 v18, v39;
	v19 =	vor.u32 s31, v0;
	v0 =	vld [tilespmem:$0x1FE00]  }
0xc3: {  	v5 =	vand.u32 $0x7F80, v51;
	v61 =	vor.u32 v17, v38;
	v52 =	vshll.u32 v45, $0x6;
	v62 =	vld.idx.msk [tilespmem:v57+s3+$0x0], $0xffff  }
0xc4: {  	v57 =	vor.u32 v18, v5;
	v55 =	vshll.u32 v55, $0x6;
	v45 =	vld.idx.msk [tilespmem:v54+s3+$0x0], $0xffff;
	v54 =	vand.u32 $0x7F80, v52  }
0xc5: {  	v35 =	vshll.u32 v47, $0x6;
	[tilespmem:$0x1FDA0] =	vst v1;
	v55 =	vand.u32 $0x7F80, v55;
	v47 =	vld.idx.msk [tilespmem:v58+s3+$0x0], $0xffff;
	v58 =	vor.u32 v17, v54  }
0xc6: {  	v33 =	vand.u32 $0x7F80, v35;
	v49 =	vor.u32 v18, v55;
	[tilespmem:v59+s14+$0x0] =	vst.idx.msk $0xffff, v46  }
0xc7: {  	v50 =	vor.u32 v17, v33;
	[tilespmem:v60+s14+$0x0] =	vst.idx.msk $0xffff, v42;
	v1 =	vor.u32 s31, v0;
	v0 =	vld [tilespmem:$0x1FE20]  }
0xc8: {  	[tilespmem:v61+s14+$0x0] =	vst.idx.msk $0xffff, v43  }
0xc9: {  	v48 =	vshll.u32 v56, $0x6;
	[tilespmem:v57+s14+$0x0] =	vst.idx.msk $0xffff, v63  }
0xca: {  	v8 =	vmov v2;
	v2 =	vand.u32 $0x7F80, v48;
	[tilespmem:v58+s14+$0x0] =	vst.idx.msk $0xffff, v40  }
0xcb: {  	v51 =	vor.u32 v18, v2;
	v56 =	vand.u32 $0x7F, v22;
	v46 =	vor.u32 s31, v30;
	[tilespmem:v49+s14+$0x0] =	vst.idx.msk $0xffff, v47  }
0xcc: {  	v52 =	vor.u32 v56, v41;
	v60 =	vand.u32 $0x7F, v46;
	[tilespmem:v50+s14+$0x0] =	vst.idx.msk $0xffff, v45;
	v45 =	vor.u32 s31, v0;
	v0 =	vld [tilespmem:$0x1FE10]  }
0xcd: {  	v35 =	vor.u32 v60, v41;
	v57 =	vand.u32 $0x7F, v44  }
0xce: {  	v34 =	vor.u32 v57, v41;
	v58 =	vand.u32 $0x7F, v19  }
0xcf: {  	v25 =	vor.u32 s31, v16;
	v37 =	vor.u32 v58, v41;
	v59 =	vand.u32 $0x7F, v1  }
0xd0: {  	v46 =	vshll.u32 v46, $0x6;
	v61 =	vand.u32 $0x7F, v25;
	[tilespmem:v51+s14+$0x0] =	vst.idx.msk $0xffff, v62;
	v43 =	vor.u32 v59, v41  }
0xd1: {  	v28 =	vor.u32 v61, v41;
	v51 =	vld.idx.msk [tilespmem:v52+s3+$0x0], $0xffff;
	v62 =	vand.u32 $0x7F, v45;
	v0 =	vor.u32 s31, v0  }
0xd2: {  	v40 =	vand.u32 $0x7F80, v46;
	v46 =	vld.idx.msk [tilespmem:v35+s3+$0x0], $0xffff;
	v31 =	vor.u32 v62, v41;
	v63 =	vand.u32 $0x7F, v0  }
0xd3: {  	v44 =	vshll.u32 v44, $0x6;
	v50 =	vld.idx.msk [tilespmem:v34+s3+$0x0], $0xffff;
	v34 =	vor.u32 v63, v41  }
0xd4: {  	v22 =	vshll.u32 v22, $0x6;
	v52 =	vor.u32 v17, v40;
	v49 =	vld.idx.msk [tilespmem:v37+s3+$0x0], $0xffff;
	v41 =	vand.u32 $0x7F80, v44  }
0xd5: {  	v42 =	vand.u32 $0x7F80, v22;
	v19 =	vshll.u32 v19, $0x6;
	v48 =	vld.idx.msk [tilespmem:v43+s3+$0x0], $0xffff;
	v22 =	vor.u32 v18, v41  }
0xd6: {  	v1 =	vshll.u32 v1, $0x6;
	v43 =	vand.u32 $0x7F80, v19;
	v19 =	vld.idx.msk [tilespmem:v28+s3+$0x0], $0xffff;
	v28 =	vor.u32 v17, v42  }
0xd7: {  	v0 =	vshll.u32 v0, $0x6;
	v44 =	vand.u32 $0x7F80, v1;
	v1 =	vld.idx.msk [tilespmem:v31+s3+$0x0], $0xffff;
	v31 =	vor.u32 v18, v43  }
0xd8: {  	v45 =	vshll.u32 v45, $0x6;
	v47 =	vand.u32 $0x7F80, v0;
	v0 =	vld.idx.msk [tilespmem:v34+s3+$0x0], $0xffff;
	v34 =	vor.u32 v17, v44  }
0xd9: {  	v25 =	vshll.u32 v25, $0x6;
	v45 =	vand.u32 $0x7F80, v45;
	[tilespmem:v52+s14+$0x0] =	vst.idx.msk $0xffff, v46;
	v52 =	vor.u32 v18, v47  }
0xda: {  	v46 =	vand.u32 $0x7F80, v25;
	[tilespmem:v22+s14+$0x0] =	vst.idx.msk $0xffff, v50;
	v22 =	vor.u32 v17, v45  }
0xdb: {  	v25 =	vor.u32 v18, v46;
	[tilespmem:v28+s14+$0x0] =	vst.idx.msk $0xffff, v51;
	v28 =	vadd.s32 v8, v9  }
0xdc: {  	[tilespmem:v31+s14+$0x0] =	vst.idx.msk $0xffff, v49;
	v31 =	vor.u32 v26, v28  }
0xdd: {  	v49 =	vor.u32 v11, v28;
	[tilespmem:v34+s14+$0x0] =	vst.idx.msk $0xffff, v48  }
0xde: {  	v35 =	vmov v7;
	v7 =	vld [tilespmem:$0x1FDA0];
	v50 =	vor.u32 v12, v28;
	[tilespmem:v52+s14+$0x0] =	vst.idx.msk $0xffff, v0  }
0xdf: {  	v37 =	vor.u32 v32, v28;
	[tilespmem:v22+s14+$0x0] =	vst.idx.msk $0xffff, v1  }
0xe0: {  	v0 =	vor.u32 v4, v28;
	[tilespmem:v25+s14+$0x0] =	vst.idx.msk $0xffff, v19  }
0xe1: {  	v1 =	vor.u32 v27, v28;
	v52 =	vld.idx.msk [tilespmem:v31+s3+$0x0], $0xffff  }
0xe2: {  	v22 =	vor.u32 v53, v28;
	v31 =	vld.idx.msk [tilespmem:v49+s3+$0x0], $0xffff  }
0xe3: {  	v48 =	vor.u32 v13, v36;
	v25 =	vor.u32 v7, v28;
	v34 =	vld.idx.msk [tilespmem:v50+s3+$0x0], $0xffff  }
0xe4: {  	v49 =	vor.u32 v35, v39;
	v37 =	vld.idx.msk [tilespmem:v37+s3+$0x0], $0xffff  }
0xe5: {  	v50 =	vor.u32 v13, v38;
	v19 =	vld.idx.msk [tilespmem:v0+s3+$0x0], $0xffff  }
0xe6: {  	v51 =	vor.u32 v35, v5;
	v1 =	vld.idx.msk [tilespmem:v1+s3+$0x0], $0xffff  }
0xe7: {  	v0 =	vor.u32 v13, v54;
	v22 =	vld.idx.msk [tilespmem:v22+s3+$0x0], $0xffff  }
0xe8: {  	v25 =	vld.idx.msk [tilespmem:v25+s3+$0x0], $0xffff;
	[tilespmem:v48+s14+$0x0] =	vst.idx.msk $0xffff, v34;
	v34 =	vor.u32 v35, v55  }
0xe9: {  	[tilespmem:v49+s14+$0x0] =	vst.idx.msk $0xffff, v31;
	v31 =	vor.u32 v13, v33  }
0xea: {  	v48 =	vor.u32 v35, v2;
	[tilespmem:v50+s14+$0x0] =	vst.idx.msk $0xffff, v52  }
0xeb: {  	v52 =	vor.u32 v56, v28;
	[tilespmem:v51+s14+$0x0] =	vst.idx.msk $0xffff, v19  }
0xec: {  	v19 =	vor.u32 v57, v28;
	[tilespmem:v0+s14+$0x0] =	vst.idx.msk $0xffff, v1  }
0xed: {  	v0 =	vor.u32 v60, v28;
	[tilespmem:v34+s14+$0x0] =	vst.idx.msk $0xffff, v22  }
0xee: {  	v1 =	vor.u32 v58, v28;
	[tilespmem:v31+s14+$0x0] =	vst.idx.msk $0xffff, v25  }
0xef: {  	v8 =	vld [tilespmem:$0x1FFB0];
	v22 =	vor.u32 v59, v28;
	[tilespmem:v48+s14+$0x0] =	vst.idx.msk $0xffff, v37  }
0xf0: {  	v31 =	vor.u32 v63, v28;
	v25 =	vld.idx.msk [tilespmem:v52+s3+$0x0], $0xffff  }
0xf1: {  	v19 =	vld.idx.msk [tilespmem:v19+s3+$0x0], $0xffff;
	v52 =	vor.u32 v61, v28  }
0xf2: {  	v37 =	vor.u32 v13, v40;
	v28 =	vor.u32 v62, v28;
	v0 =	vld.idx.msk [tilespmem:v0+s3+$0x0], $0xffff  }
0xf3: {  	v48 =	vor.u32 v35, v41;
	v1 =	vld.idx.msk [tilespmem:v1+s3+$0x0], $0xffff  }
0xf4: {  	v49 =	vor.u32 v13, v42;
	v22 =	vld.idx.msk [tilespmem:v22+s3+$0x0], $0xffff  }
0xf5: {  	v50 =	vor.u32 v35, v43;
	v31 =	vld.idx.msk [tilespmem:v31+s3+$0x0], $0xffff  }
0xf6: {  	v51 =	vor.u32 v13, v44;
	v34 =	vld.idx.msk [tilespmem:v52+s3+$0x0], $0xffff  }
0xf7: {  	v28 =	vld.idx.msk [tilespmem:v28+s3+$0x0], $0xffff;
	[tilespmem:v37+s14+$0x0] =	vst.idx.msk $0xffff, v0;
	v0 =	vor.u32 v35, v47  }
0xf8: {  	[tilespmem:v48+s14+$0x0] =	vst.idx.msk $0xffff, v19;
	v19 =	vor.u32 v13, v45  }
0xf9: {  	v37 =	vadd.s32 v8, v9;
	[tilespmem:v49+s14+$0x0] =	vst.idx.msk $0xffff, v25;
	v25 =	vor.u32 v35, v46  }
0xfa: {  	[tilespmem:v50+s14+$0x0] =	vst.idx.msk $0xffff, v1;
	v1 =	vor.u32 v26, v37  }
0xfb: {  	v8 =	vmov v13;
	v13 =	vmov v9;
	v9 =	vor.u32 v11, v37;
	[tilespmem:v51+s14+$0x0] =	vst.idx.msk $0xffff, v22  }
0xfc: {  	[tilespmem:v0+s14+$0x0] =	vst.idx.msk $0xffff, v31;
	v0 =	vor.u32 v12, v37  }
0xfd: {  	v22 =	vor.u32 v4, v37;
	[tilespmem:v19+s14+$0x0] =	vst.idx.msk $0xffff, v28  }
0xfe: {  	v19 =	vor.u32 v27, v37;
	[tilespmem:v25+s14+$0x0] =	vst.idx.msk $0xffff, v34  }
0xff: {  	v28 =	vor.u32 v32, v37;
	v1 =	vld.idx.msk [tilespmem:v1+s3+$0x0], $0xffff  }
0x100: {  	v25 =	vor.u32 v53, v37;
	v31 =	vld.idx.msk [tilespmem:v9+s3+$0x0], $0xffff  }
0x101: {  	v48 =	vor.u32 v3, v36;
	v34 =	vor.u32 v7, v37;
	v0 =	vld.idx.msk [tilespmem:v0+s3+$0x0], $0xffff  }
0x102: {  	v49 =	vor.u32 v10, v39;
	v22 =	vld.idx.msk [tilespmem:v22+s3+$0x0], $0xffff  }
0x103: {  	v50 =	vor.u32 v3, v38;
	v19 =	vld.idx.msk [tilespmem:v19+s3+$0x0], $0xffff  }
0x104: {  	v51 =	vor.u32 v10, v5;
	v28 =	vld.idx.msk [tilespmem:v28+s3+$0x0], $0xffff  }
0x105: {  	v52 =	vor.u32 v3, v54;
	v25 =	vld.idx.msk [tilespmem:v25+s3+$0x0], $0xffff  }
0x106: {  	v34 =	vld.idx.msk [tilespmem:v34+s3+$0x0], $0xffff;
	[tilespmem:v48+s14+$0x0] =	vst.idx.msk $0xffff, v0;
	v0 =	vor.u32 v10, v55  }
0x107: {  	[tilespmem:v49+s14+$0x0] =	vst.idx.msk $0xffff, v31;
	v31 =	vor.u32 v3, v33  }
0x108: {  	[tilespmem:v50+s14+$0x0] =	vst.idx.msk $0xffff, v1;
	v1 =	vor.u32 v10, v2  }
0x109: {  	v48 =	vor.u32 v56, v37;
	[tilespmem:v51+s14+$0x0] =	vst.idx.msk $0xffff, v22  }
0x10a: {  	v22 =	vor.u32 v57, v37;
	[tilespmem:v52+s14+$0x0] =	vst.idx.msk $0xffff, v19  }
0x10b: {  	v19 =	vor.u32 v60, v37;
	[tilespmem:v0+s14+$0x0] =	vst.idx.msk $0xffff, v25  }
0x10c: {  	v52 =	vor.u32 v61, v37;
	[tilespmem:v31+s14+$0x0] =	vst.idx.msk $0xffff, v34  }
0x10d: {  	v9 =	vmov v7;
	v7 =	vmov v5;
	v5 =	vld [tilespmem:$0x1FFD0];
	v0 =	vor.u32 v58, v37;
	[tilespmem:v1+s14+$0x0] =	vst.idx.msk $0xffff, v28  }
0x10e: {  	v25 =	vor.u32 v59, v37;
	v28 =	vld.idx.msk [tilespmem:v48+s3+$0x0], $0xffff  }
0x10f: {  	v31 =	vor.u32 v62, v37;
	v22 =	vld.idx.msk [tilespmem:v22+s3+$0x0], $0xffff  }
0x110: {  	v1 =	vor.u32 v63, v37;
	v37 =	vor.u32 v3, v40;
	v19 =	vld.idx.msk [tilespmem:v19+s3+$0x0], $0xffff  }
0x111: {  	v48 =	vor.u32 v10, v41;
	v34 =	vld.idx.msk [tilespmem:v52+s3+$0x0], $0xffff  }
0x112: {  	v49 =	vor.u32 v3, v42;
	v0 =	vld.idx.msk [tilespmem:v0+s3+$0x0], $0xffff  }
0x113: {  	v50 =	vor.u32 v10, v43;
	v25 =	vld.idx.msk [tilespmem:v25+s3+$0x0], $0xffff  }
0x114: {  	v51 =	vor.u32 v3, v44;
	v31 =	vld.idx.msk [tilespmem:v31+s3+$0x0], $0xffff  }
0x115: {  	v1 =	vld.idx.msk [tilespmem:v1+s3+$0x0], $0xffff;
	[tilespmem:v37+s14+$0x0] =	vst.idx.msk $0xffff, v19;
	v19 =	vor.u32 v10, v47  }
0x116: {  	[tilespmem:v48+s14+$0x0] =	vst.idx.msk $0xffff, v22;
	v22 =	vor.u32 v3, v45  }
0x117: {  	[tilespmem:v49+s14+$0x0] =	vst.idx.msk $0xffff, v28;
	v28 =	vor.u32 v10, v46  }
0x118: {  	[tilespmem:v50+s14+$0x0] =	vst.idx.msk $0xffff, v0  }
0x119: {  	v37 =	vadd.s32 v5, v13;
	[tilespmem:v51+s14+$0x0] =	vst.idx.msk $0xffff, v25  }
0x11a: {  	v0 =	vor.u32 v9, v37;
	[tilespmem:v19+s14+$0x0] =	vst.idx.msk $0xffff, v1  }
0x11b: {  	v11 =	vor.u32 v11, v37;
	[tilespmem:v22+s14+$0x0] =	vst.idx.msk $0xffff, v31  }
0x11c: {  	v19 =	vor.u32 v12, v37;
	[tilespmem:v28+s14+$0x0] =	vst.idx.msk $0xffff, v34;
	v28 =	vor.u32 v53, v37;
	v53 =	vld [tilespmem:$0x1FE30]  }
0x11d: {  	v9 =	vor.u32 v32, v37  }
0x11e: {  	v1 =	vor.u32 v26, v37  }
0x11f: {  	v31 =	vor.u32 v4, v37;
	v25 =	vld.idx.msk [tilespmem:v0+s3+$0x0], $0xffff  }
0x120: {  	v22 =	vor.u32 v27, v37;
	v0 =	vld.idx.msk [tilespmem:v11+s3+$0x0], $0xffff  }
0x121: {  	v19 =	vld.idx.msk [tilespmem:v19+s3+$0x0], $0xffff;
	v11 =	vor.u32 v53, v36  }
0x122: {  	v48 =	vld.idx.msk [tilespmem:v9+s3+$0x0], $0xffff;
	v36 =	vor.u32 v6, v39  }
0x123: {  	v1 =	vld.idx.msk [tilespmem:v1+s3+$0x0], $0xffff;
	v38 =	vor.u32 v53, v38  }
0x124: {  	v31 =	vld.idx.msk [tilespmem:v31+s3+$0x0], $0xffff;
	v39 =	vor.u32 v6, v7  }
0x125: {  	v22 =	vld.idx.msk [tilespmem:v22+s3+$0x0], $0xffff;
	v54 =	vor.u32 v53, v54  }
0x126: {  	v28 =	vld.idx.msk [tilespmem:v28+s3+$0x0], $0xffff;
	[tilespmem:v11+s14+$0x0] =	vst.idx.msk $0xffff, v19;
	v19 =	vor.u32 v6, v55  }
0x127: {  	v60 =	vor.u32 v60, v37;
	v57 =	vor.u32 v57, v37;
	[tilespmem:v36+s14+$0x0] =	vst.idx.msk $0xffff, v0  }
0x128: {  	v50 =	vor.u32 v63, v37;
	v34 =	vor.u32 v53, v33;
	[tilespmem:v38+s14+$0x0] =	vst.idx.msk $0xffff, v1  }
0x129: {  	v0 =	vor.u32 v6, v2;
	v36 =	vmov v3;
	v1 =	vor.u32 v61, v37;
	[tilespmem:v39+s14+$0x0] =	vst.idx.msk $0xffff, v31  }
0x12a: {  	v38 =	vmov v10;
	v31 =	vor.u32 v58, v37;
	[tilespmem:v54+s14+$0x0] =	vst.idx.msk $0xffff, v22;
	v22 =	vor.u32 v59, v37  }
0x12b: {  	s23 =	simm.s32 $0x10;
	v39 =	vmov v8;
	[tilespmem:v19+s14+$0x0] =	vst.idx.msk $0xffff, v28;
	v19 =	vor.u32 v62, v37;
	v28 =	vor.u32 v56, v37  }
.LBB2_4:
0x12c: {  	_ =	sdelay $0x3  }
0x12d: {  	[tilespmem:v34+s14+$0x0] =	vst.idx.msk $0xffff, v25  }
0x12e: {  	v2 =	vld [tilespmem:$0x1FDB0];
	[tilespmem:v0+s14+$0x0] =	vst.idx.msk $0xffff, v48  }
0x12f: {  	v0 =	vld.idx.msk [tilespmem:v28+s3+$0x0], $0xffff  }
0x130: {  	v25 =	vld.idx.msk [tilespmem:v57+s3+$0x0], $0xffff  }
0x131: {  	v28 =	vld.idx.msk [tilespmem:v60+s3+$0x0], $0xffff  }
0x132: {  	v59 =	vor.u32 v53, v40;
	v31 =	vld.idx.msk [tilespmem:v31+s3+$0x0], $0xffff  }
0x133: {  	v37 =	vor.u32 v6, v41;
	v40 =	vor.u32 v53, v42;
	v42 =	vor.u32 v6, v43;
	v22 =	vld.idx.msk [tilespmem:v22+s3+$0x0], $0xffff  }
0x134: {  	s24 =	smov.u32 s23;
	v43 =	vor.u32 v6, v46;
	v44 =	vor.u32 v53, v44;
	v46 =	vor.u32 v6, v47;
	v41 =	vld.idx.msk [tilespmem:v50+s3+$0x0], $0xffff  }
0x135: {  	v61 =	vor.u32 s24, v29;
	v51 =	vor.u32 s24, v15;
	v54 =	vor.u32 s24, v2;
	v2 =	vld [tilespmem:$0x1FDC0]  }
0x136: {  	v45 =	vor.u32 v53, v45;
	v19 =	vld.idx.msk [tilespmem:v19+s3+$0x0], $0xffff;
	v48 =	vand.u32 $0x7F, v61;
	v57 =	vand.u32 $0x7F, v51  }
0x137: {  	v1 =	vld.idx.msk [tilespmem:v1+s3+$0x0], $0xffff;
	v9 =	vor.u32 s24, v20;
	v11 =	vor.u32 s24, v23;
	[tilespmem:v59+s14+$0x0] =	vst.idx.msk $0xffff, v28;
	v28 =	vmov s24  }
0x138: {  	v50 =	vand.u32 $0x7F, v9;
	v9 =	vshll.u32 v9, $0x6;
	[tilespmem:v37+s14+$0x0] =	vst.idx.msk $0xffff, v25;
	v25 =	vshll.u32 v28, $0x3  }
0x139: {  	v63 =	vand.u32 $0x7F, v54;
	v59 =	vand.u32 $0x7F, v11;
	v60 =	vand.u32 $0xC00, v25  }
0x13a: {  	v28 =	vor.u32 s24, v24;
	[tilespmem:v40+s14+$0x0] =	vst.idx.msk $0xffff, v0;
	v55 =	vor.u32 s24, v2;
	v2 =	vadd.s32 v14, v60  }
0x13b: {  	v0 =	vor.u32 s24, v21;
	v53 =	vand.u32 $0x7F, v28;
	[tilespmem:v42+s14+$0x0] =	vst.idx.msk $0xffff, v31;
	v25 =	vor.u32 v59, v2  }
0x13c: {  	v10 =	vld [tilespmem:$0x1FE00];
	v28 =	vshll.u32 v28, $0x6;
	v58 =	vand.u32 $0x7F, v0;
	[tilespmem:v44+s14+$0x0] =	vst.idx.msk $0xffff, v22;
	v31 =	vor.u32 v53, v2  }
0x13d: {  	v3 =	vld [tilespmem:$0x1FE10];
	v49 =	vand.u32 $0x7F80, v28;
	v0 =	vshll.u32 v0, $0x6;
	v22 =	vor.u32 v58, v2;
	[tilespmem:v46+s14+$0x0] =	vst.idx.msk $0xffff, v41  }
0x13e: {  	v4 =	vld [tilespmem:$0x1FE20];
	v28 =	vshll.u32 v51, $0x6;
	v56 =	vand.u32 $0x7F, v55;
	v40 =	vor.u32 v48, v2;
	[tilespmem:v45+s14+$0x0] =	vst.idx.msk $0xffff, v19  }
0x13f: {  	v52 =	vand.u32 $0x7F80, v28;
	v28 =	vshll.u32 v55, $0x6;
	v55 =	vand.u32 $0x7F80, v9;
	v9 =	vld [tilespmem:$0x1FDD0];
	[tilespmem:v43+s14+$0x0] =	vst.idx.msk $0xffff, v1  }
0x140: {  	v46 =	vor.u32 v57, v2;
	v51 =	vand.u32 $0x7F80, v28;
	v1 =	vor.u32 v50, v2;
	v42 =	vld.idx.msk [tilespmem:v25+s3+$0x0], $0xffff  }
0x141: {  	v28 =	vshll.u32 v54, $0x6;
	v19 =	vor.u32 v56, v2;
	v25 =	vshll.u32 v61, $0x6;
	v41 =	vld.idx.msk [tilespmem:v31+s3+$0x0], $0xffff  }
0x142: {  	v22 =	vld.idx.msk [tilespmem:v22+s3+$0x0], $0xffff;
	v61 =	vand.u32 $0x7F80, v0;
	v0 =	vshll.u32 v11, $0x6;
	v54 =	vand.u32 $0x7F80, v25  }
0x143: {  	v25 =	vor.u32 v63, v2;
	v11 =	vor.u32 v17, v61;
	v62 =	vand.u32 $0x7F80, v0;
	v0 =	vld [tilespmem:$0x1FDF0]  }
0x144: {  	v45 =	vor.u32 s24, v3;
	v3 =	vor.u32 s24, v4;
	v4 =	vld.idx.msk [tilespmem:v40+s3+$0x0], $0xffff;
	v43 =	vor.u32 v18, v62  }
0x145: {  	v32 =	vor.u32 v17, v55;
	v31 =	vld.idx.msk [tilespmem:v1+s3+$0x0], $0xffff  }
0x146: {  	v33 =	vor.u32 v18, v49;
	v37 =	vld.idx.msk [tilespmem:v46+s3+$0x0], $0xffff  }
0x147: {  	v5 =	vor.u32 s24, v16;
	v12 =	vor.u32 s24, v10;
	v7 =	vor.u32 v17, v52;
	v46 =	vld.idx.msk [tilespmem:v19+s3+$0x0], $0xffff  }
0x148: {  	v10 =	vor.u32 s24, v30;
	v44 =	vor.u32 s24, v0;
	v6 =	vld.idx.msk [tilespmem:v25+s3+$0x0], $0xffff;
	v0 =	vand.u32 $0x7F80, v28;
	[tilespmem:v11+s14+$0x0] =	vst.idx.msk $0xffff, v22  }
0x149: {  	v40 =	vshll.u32 v10, $0x6;
	v19 =	vand.u32 $0x7F, v3;
	v8 =	vor.u32 v18, v0;
	[tilespmem:v43+s14+$0x0] =	vst.idx.msk $0xffff, v42;
	v43 =	vld [tilespmem:$0x1FDE0]  }
0x14a: {  	v47 =	vor.u32 v18, v54;
	v11 =	vor.u32 s24, v9;
	v42 =	vor.u32 v17, v51;
	[tilespmem:v32+s14+$0x0] =	vst.idx.msk $0xffff, v31  }
0x14b: {  	v1 =	vand.u32 $0x7F, v45;
	v25 =	vand.u32 $0x7F, v5;
	v34 =	vand.u32 $0x7F, v11;
	[tilespmem:v33+s14+$0x0] =	vst.idx.msk $0xffff, v41  }
0x14c: {  	v22 =	vand.u32 $0x7F, v12;
	v31 =	vand.u32 $0x7F, v44;
	[tilespmem:v7+s14+$0x0] =	vst.idx.msk $0xffff, v37;
	v7 =	vor.u32 v34, v2  }
0x14d: {  	v5 =	vshll.u32 v5, $0x6;
	v14 =	vor.u32 v25, v2;
	v32 =	vor.u32 v31, v2  }
0x14e: {  	v37 =	vand.u32 $0x7F, v10;
	v43 =	vor.u32 s24, v43;
	[tilespmem:v8+s14+$0x0] =	vst.idx.msk $0xffff, v6;
	v8 =	vshll.u32 v11, $0x6  }
0x14f: {  	v6 =	vor.u32 v37, v2;
	v28 =	vand.u32 $0x7F, v43;
	[tilespmem:v42+s14+$0x0] =	vst.idx.msk $0xffff, v46;
	v41 =	vand.u32 $0x7F80, v8  }
0x150: {  	v8 =	vshll.u32 v43, $0x6;
	v46 =	vand.u32 $0x7F80, v5;
	v13 =	vor.u32 v28, v2;
	[tilespmem:v47+s14+$0x0] =	vst.idx.msk $0xffff, v4  }
0x151: {  	v4 =	vor.u32 v22, v2;
	v42 =	vand.u32 $0x7F80, v8;
	v8 =	vshll.u32 v44, $0x6;
	v7 =	vld.idx.msk [tilespmem:v7+s3+$0x0], $0xffff  }
0x152: {  	v43 =	vand.u32 $0x7F80, v8;
	v8 =	vshll.u32 v12, $0x6;
	v12 =	vor.u32 v19, v2;
	v5 =	vld.idx.msk [tilespmem:v32+s3+$0x0], $0xffff  }
0x153: {  	v40 =	vand.u32 $0x7F80, v40;
	v2 =	vor.u32 v1, v2;
	v32 =	vld.idx.msk [tilespmem:v14+s3+$0x0], $0xffff  }
0x154: {  	v44 =	vand.u32 $0x7F80, v8;
	v8 =	vor.u32 v17, v40;
	v6 =	vld.idx.msk [tilespmem:v6+s3+$0x0], $0xffff  }
0x155: {  	v3 =	vshll.u32 v3, $0x6;
	v13 =	vld.idx.msk [tilespmem:v13+s3+$0x0], $0xffff  }
0x156: {  	v33 =	vshll.u32 v45, $0x6;
	v45 =	vand.u32 $0x7F80, v3;
	v3 =	vld.idx.msk [tilespmem:v4+s3+$0x0], $0xffff  }
0x157: {  	v12 =	vld.idx.msk [tilespmem:v12+s3+$0x0], $0xffff  }
0x158: {  	v4 =	vor.u32 v18, v41;
	v2 =	vld.idx.msk [tilespmem:v2+s3+$0x0], $0xffff  }
0x159: {  	v14 =	vor.u32 v17, v42;
	[tilespmem:v8+s14+$0x0] =	vst.idx.msk $0xffff, v6;
	v8 =	vld [tilespmem:$0x1FED0]  }
0x15a: {  	v27 =	vmov v15;
	v15 =	vor.u32 v18, v43  }
0x15b: {  	v26 =	vmov v16;
	v47 =	vand.u32 $0x7F80, v33;
	v16 =	vor.u32 v17, v44  }
0x15c: {  	v6 =	vor.u32 v18, v47  }
0x15d: {  	[tilespmem:v4+s14+$0x0] =	vst.idx.msk $0xffff, v7;
	v4 =	vor.u32 v17, v45  }
0x15e: {  	v7 =	vor.u32 v18, v46;
	[tilespmem:v14+s14+$0x0] =	vst.idx.msk $0xffff, v13;
	v8 =	vadd.s32 v8, v60  }
0x15f: {  	[tilespmem:v15+s14+$0x0] =	vst.idx.msk $0xffff, v5;
	v13 =	vor.u32 v50, v8  }
0x160: {  	[tilespmem:v16+s14+$0x0] =	vst.idx.msk $0xffff, v3;
	v5 =	vor.u32 v59, v8  }
0x161: {  	v3 =	vor.u32 v58, v8;
	[tilespmem:v6+s14+$0x0] =	vst.idx.msk $0xffff, v2  }
0x162: {  	v14 =	vor.u32 v53, v8;
	[tilespmem:v4+s14+$0x0] =	vst.idx.msk $0xffff, v12  }
0x163: {  	v15 =	vor.u32 v63, v8;
	[tilespmem:v7+s14+$0x0] =	vst.idx.msk $0xffff, v32  }
0x164: {  	v33 =	vor.u32 v56, v8;
	v13 =	vld.idx.msk [tilespmem:v13+s3+$0x0], $0xffff  }
0x165: {  	v7 =	vor.u32 v57, v8;
	v5 =	vld.idx.msk [tilespmem:v5+s3+$0x0], $0xffff  }
0x166: {  	v17 =	vor.u32 v39, v61;
	v16 =	vor.u32 v48, v8;
	v3 =	vld.idx.msk [tilespmem:v3+s3+$0x0], $0xffff  }
0x167: {  	v18 =	vor.u32 v35, v62;
	v14 =	vld.idx.msk [tilespmem:v14+s3+$0x0], $0xffff  }
0x168: {  	v32 =	vor.u32 v39, v55;
	v15 =	vld.idx.msk [tilespmem:v15+s3+$0x0], $0xffff  }
0x169: {  	v11 =	vld.idx.msk [tilespmem:v33+s3+$0x0], $0xffff;
	v33 =	vor.u32 v35, v49  }
0x16a: {  	v20 =	vor.u32 v39, v52;
	v7 =	vld.idx.msk [tilespmem:v7+s3+$0x0], $0xffff  }
0x16b: {  	v16 =	vld.idx.msk [tilespmem:v16+s3+$0x0], $0xffff;
	[tilespmem:v17+s14+$0x0] =	vst.idx.msk $0xffff, v3;
	v3 =	vor.u32 v35, v0  }
0x16c: {  	[tilespmem:v18+s14+$0x0] =	vst.idx.msk $0xffff, v5;
	v5 =	vor.u32 v39, v51  }
0x16d: {  	[tilespmem:v32+s14+$0x0] =	vst.idx.msk $0xffff, v13;
	v32 =	vor.u32 v35, v54  }
0x16e: {  	v6 =	vor.u32 v28, v8;
	[tilespmem:v33+s14+$0x0] =	vst.idx.msk $0xffff, v14  }
0x16f: {  	v2 =	vor.u32 v34, v8;
	[tilespmem:v20+s14+$0x0] =	vst.idx.msk $0xffff, v7  }
0x170: {  	v4 =	vor.u32 v37, v8;
	[tilespmem:v3+s14+$0x0] =	vst.idx.msk $0xffff, v15  }
0x171: {  	v12 =	vor.u32 v31, v8;
	[tilespmem:v5+s14+$0x0] =	vst.idx.msk $0xffff, v11  }
0x172: {  	v7 =	vor.u32 v25, v8;
	[tilespmem:v32+s14+$0x0] =	vst.idx.msk $0xffff, v16  }
0x173: {  	v3 =	vor.u32 v22, v8;
	v5 =	vld.idx.msk [tilespmem:v6+s3+$0x0], $0xffff  }
0x174: {  	v6 =	vor.u32 v1, v8;
	v2 =	vld.idx.msk [tilespmem:v2+s3+$0x0], $0xffff  }
0x175: {  	v4 =	vld.idx.msk [tilespmem:v4+s3+$0x0], $0xffff;
	v8 =	vor.u32 v19, v8  }
0x176: {  	v33 =	vor.u32 v39, v40;
	v9 =	vld.idx.msk [tilespmem:v12+s3+$0x0], $0xffff  }
0x177: {  	v7 =	vld.idx.msk [tilespmem:v7+s3+$0x0], $0xffff  }
0x178: {  	v3 =	vld.idx.msk [tilespmem:v3+s3+$0x0], $0xffff  }
0x179: {  	v6 =	vld.idx.msk [tilespmem:v6+s3+$0x0], $0xffff  }
0x17a: {  	v32 =	vor.u32 v35, v41;
	v8 =	vld.idx.msk [tilespmem:v8+s3+$0x0], $0xffff  }
0x17b: {  	v12 =	vor.u32 v39, v42;
	[tilespmem:v33+s14+$0x0] =	vst.idx.msk $0xffff, v4;
	v33 =	vld [tilespmem:$0x1FFB0]  }
0x17c: {  	v13 =	vor.u32 v35, v43  }
0x17d: {  	v14 =	vor.u32 v39, v44  }
0x17e: {  	v4 =	vor.u32 v35, v47  }
0x17f: {  	[tilespmem:v32+s14+$0x0] =	vst.idx.msk $0xffff, v2;
	v2 =	vor.u32 v39, v45  }
0x180: {  	[tilespmem:v12+s14+$0x0] =	vst.idx.msk $0xffff, v5;
	v5 =	vor.u32 v35, v46;
	v10 =	vadd.s32 v33, v60  }
0x181: {  	[tilespmem:v13+s14+$0x0] =	vst.idx.msk $0xffff, v9;
	v33 =	vor.u32 v50, v10  }
0x182: {  	[tilespmem:v14+s14+$0x0] =	vst.idx.msk $0xffff, v3;
	v32 =	vor.u32 v59, v10  }
0x183: {  	[tilespmem:v4+s14+$0x0] =	vst.idx.msk $0xffff, v6;
	v4 =	vor.u32 v58, v10  }
0x184: {  	v3 =	vor.u32 v53, v10;
	[tilespmem:v2+s14+$0x0] =	vst.idx.msk $0xffff, v8  }
0x185: {  	v12 =	vor.u32 v57, v10;
	[tilespmem:v5+s14+$0x0] =	vst.idx.msk $0xffff, v7  }
0x186: {  	v13 =	vor.u32 v63, v10;
	v11 =	vld.idx.msk [tilespmem:v33+s3+$0x0], $0xffff  }
0x187: {  	v14 =	vor.u32 v48, v10;
	v9 =	vld.idx.msk [tilespmem:v32+s3+$0x0], $0xffff  }
0x188: {  	v18 =	vor.u32 v36, v61;
	v16 =	vor.u32 v56, v10;
	v4 =	vld.idx.msk [tilespmem:v4+s3+$0x0], $0xffff  }
0x189: {  	v20 =	vor.u32 v38, v62;
	v3 =	vld.idx.msk [tilespmem:v3+s3+$0x0], $0xffff  }
0x18a: {  	v21 =	vor.u32 v36, v55;
	v12 =	vld.idx.msk [tilespmem:v12+s3+$0x0], $0xffff  }
0x18b: {  	v23 =	vor.u32 v38, v49;
	v13 =	vld.idx.msk [tilespmem:v13+s3+$0x0], $0xffff  }
0x18c: {  	v24 =	vor.u32 v36, v52;
	v14 =	vld.idx.msk [tilespmem:v14+s3+$0x0], $0xffff  }
0x18d: {  	v16 =	vld.idx.msk [tilespmem:v16+s3+$0x0], $0xffff;
	[tilespmem:v18+s14+$0x0] =	vst.idx.msk $0xffff, v4;
	v4 =	vor.u32 v38, v0  }
0x18e: {  	v32 =	vor.u32 v36, v51;
	[tilespmem:v20+s14+$0x0] =	vst.idx.msk $0xffff, v9  }
0x18f: {  	v33 =	vor.u32 v38, v54;
	[tilespmem:v21+s14+$0x0] =	vst.idx.msk $0xffff, v11  }
0x190: {  	v6 =	vor.u32 v28, v10;
	[tilespmem:v23+s14+$0x0] =	vst.idx.msk $0xffff, v3  }
0x191: {  	v8 =	vor.u32 v34, v10;
	[tilespmem:v24+s14+$0x0] =	vst.idx.msk $0xffff, v12  }
0x192: {  	v2 =	vor.u32 v37, v10;
	[tilespmem:v4+s14+$0x0] =	vst.idx.msk $0xffff, v13  }
0x193: {  	v5 =	vor.u32 v31, v10;
	[tilespmem:v32+s14+$0x0] =	vst.idx.msk $0xffff, v16  }
0x194: {  	v7 =	vor.u32 v22, v10;
	[tilespmem:v33+s14+$0x0] =	vst.idx.msk $0xffff, v14  }
0x195: {  	v15 =	vor.u32 v1, v10;
	v3 =	vld.idx.msk [tilespmem:v6+s3+$0x0], $0xffff  }
0x196: {  	v17 =	vor.u32 v19, v10;
	v4 =	vld.idx.msk [tilespmem:v8+s3+$0x0], $0xffff  }
0x197: {  	v10 =	vor.u32 v25, v10;
	v2 =	vld.idx.msk [tilespmem:v2+s3+$0x0], $0xffff  }
0x198: {  	v5 =	vld.idx.msk [tilespmem:v5+s3+$0x0], $0xffff;
	v6 =	vor.u32 v36, v40  }
0x199: {  	v7 =	vld.idx.msk [tilespmem:v7+s3+$0x0], $0xffff  }
0x19a: {  	v9 =	vld.idx.msk [tilespmem:v15+s3+$0x0], $0xffff  }
0x19b: {  	v12 =	vld.idx.msk [tilespmem:v17+s3+$0x0], $0xffff  }
0x19c: {  	v8 =	vor.u32 v38, v41;
	v10 =	vld.idx.msk [tilespmem:v10+s3+$0x0], $0xffff  }
0x19d: {  	v32 =	vor.u32 v36, v42;
	[tilespmem:v6+s14+$0x0] =	vst.idx.msk $0xffff, v2;
	v6 =	vld [tilespmem:$0x1FFD0]  }
0x19e: {  	v13 =	vor.u32 v38, v43  }
0x19f: {  	v14 =	vor.u32 v36, v44  }
0x1a0: {  	v2 =	vor.u32 v38, v47  }
0x1a1: {  	[tilespmem:v8+s14+$0x0] =	vst.idx.msk $0xffff, v4;
	v4 =	vor.u32 v36, v45  }
0x1a2: {  	[tilespmem:v32+s14+$0x0] =	vst.idx.msk $0xffff, v3;
	v3 =	vor.u32 v38, v46;
	v6 =	vadd.s32 v6, v60  }
0x1a3: {  	[tilespmem:v13+s14+$0x0] =	vst.idx.msk $0xffff, v5;
	v8 =	vor.u32 v56, v6  }
0x1a4: {  	[tilespmem:v14+s14+$0x0] =	vst.idx.msk $0xffff, v7  }
0x1a5: {  	[tilespmem:v2+s14+$0x0] =	vst.idx.msk $0xffff, v9  }
0x1a6: {  	v5 =	vor.u32 v59, v6;
	[tilespmem:v4+s14+$0x0] =	vst.idx.msk $0xffff, v12  }
0x1a7: {  	v33 =	vor.u32 v50, v6;
	[tilespmem:v3+s14+$0x0] =	vst.idx.msk $0xffff, v10  }
0x1a8: {  	v7 =	vor.u32 v58, v6;
	v50 =	vor.u32 v1, v6;
	v1 =	vor.u32 v25, v6;
	v25 =	vld.idx.msk [tilespmem:v8+s3+$0x0], $0xffff  }
0x1a9: {  	v8 =	vor.u32 v53, v6;
	v53 =	vld [tilespmem:$0x1FE30]  }
0x1aa: {  	v2 =	vor.u32 v57, v6;
	v60 =	vor.u32 v37, v6;
	v57 =	vor.u32 v34, v6  }
0x1ab: {  	v19 =	vor.u32 v19, v6;
	v4 =	vor.u32 v48, v6;
	v31 =	vor.u32 v31, v6;
	v5 =	vld.idx.msk [tilespmem:v5+s3+$0x0], $0xffff  }
0x1ac: {  	v28 =	vor.u32 v28, v6;
	v22 =	vor.u32 v22, v6;
	v3 =	vor.u32 v63, v6;
	v6 =	vld.idx.msk [tilespmem:v33+s3+$0x0], $0xffff  }
0x1ad: {  	v7 =	vld.idx.msk [tilespmem:v7+s3+$0x0], $0xffff  }
0x1ae: {  	v59 =	vor.u32 v53, v61;
	v61 =	vld [tilespmem:$0x1FEC0]  }
0x1af: {  	v2 =	vld.idx.msk [tilespmem:v2+s3+$0x0], $0xffff  }
0x1b0: {  	v48 =	vld.idx.msk [tilespmem:v4+s3+$0x0], $0xffff  }
0x1b1: {  	v4 =	vld [tilespmem:$0x1FEC0]  }
0x1b2: {  	v3 =	vld.idx.msk [tilespmem:v3+s3+$0x0], $0xffff  }
0x1b3: {  	v8 =	vld.idx.msk [tilespmem:v8+s3+$0x0], $0xffff;
	v10 =	vor.u32 v61, v62  }
0x1b4: {  	v63 =	vor.u32 v53, v55;
	[tilespmem:v59+s14+$0x0] =	vst.idx.msk $0xffff, v7;
	v7 =	vld [tilespmem:$0x1FEC0];
	_ =	sdelay $0x2  }
0x1b5: {  	v4 =	vor.u32 v4, v49  }
0x1b6: {  	v18 =	vld [tilespmem:$0x1FEB0];
	v12 =	vor.u32 v53, v52;
	[tilespmem:v10+s14+$0x0] =	vst.idx.msk $0xffff, v5  }
0x1b7: {  	p0 =	sne.s32 s23, $0x170;
	v7 =	vor.u32 v7, v0;
	[tilespmem:v63+s14+$0x0] =	vst.idx.msk $0xffff, v6;
	v6 =	vld [tilespmem:$0x1FEC0]  }
.Ltmp5:
0x1b8: {  	v20 =	vld [tilespmem:$0x1FE80];
	(pc) =	sbr.rel @p0 .LBB2_4-.Ltmp5, $4  }
0x1b9: {  	v23 =	vld [tilespmem:$0x1FE70]  }
0x1ba: {  	v24 =	vld [tilespmem:$0x1FE90];
	[tilespmem:v4+s14+$0x0] =	vst.idx.msk $0xffff, v8  }
0x1bb: {  	v16 =	vmov v26;
	v17 =	vld [tilespmem:$0x1FEA0];
	[tilespmem:v12+s14+$0x0] =	vst.idx.msk $0xffff, v2  }
0x1bc: {  	s23 =	sadd.s32 $0x10, s23;
	v21 =	vlaneseq.u32;
	v15 =	vmovc v27;
	v14 =	vld [tilespmem:$0x1FE60];
	v34 =	vor.u32 v53, v51;
	[tilespmem:v7+s14+$0x0] =	vst.idx.msk $0xffff, v3;
	v0 =	vor.u32 v6, v54  }
0x1bd: {  	_ =	sdelay $0x2  }
0x1be: {  	v6 =	vld [tilespmem:$0x1FEC0]  }
0x1bf: {  	[tilespmem:v34+s14+$0x0] =	vst.idx.msk $0xffff, v25;
	v10 =	vld [tilespmem:$0x1FEC0]  }
0x1c0: {  	v13 =	vld [tilespmem:$0x1FEC0];
	[tilespmem:v0+s14+$0x0] =	vst.idx.msk $0xffff, v48  }
0x1c1: {  	v0 =	vld.idx.msk [tilespmem:v28+s3+$0x0], $0xffff  }
0x1c2: {  	v2 =	vld.idx.msk [tilespmem:v57+s3+$0x0], $0xffff  }
0x1c3: {  	v4 =	vor.u32 v53, v40;
	v3 =	vld.idx.msk [tilespmem:v60+s3+$0x0], $0xffff  }
0x1c4: {  	v5 =	vld.idx.msk [tilespmem:v31+s3+$0x0], $0xffff;
	v6 =	vor.u32 v6, v41  }
0x1c5: {  	v7 =	vld.idx.msk [tilespmem:v22+s3+$0x0], $0xffff  }
0x1c6: {  	v9 =	vld.idx.msk [tilespmem:v50+s3+$0x0], $0xffff  }
0x1c7: {  	v11 =	vld.idx.msk [tilespmem:v19+s3+$0x0], $0xffff  }
0x1c8: {  	v1 =	vld.idx.msk [tilespmem:v1+s3+$0x0], $0xffff;
	[tilespmem:v4+s14+$0x0] =	vst.idx.msk $0xffff, v3  }
0x1c9: {  	v8 =	vor.u32 v53, v42;
	[tilespmem:v6+s14+$0x0] =	vst.idx.msk $0xffff, v2;
	v6 =	vld [tilespmem:$0x1FEC0]  }
0x1ca: {  	v10 =	vor.u32 v10, v43  }
0x1cb: {  	v12 =	vor.u32 v53, v44;
	v33 =	vld [tilespmem:$0x1FF40]  }
0x1cc: {  	v32 =	vld [tilespmem:$0x1FF50];
	v13 =	vor.u32 v13, v47  }
0x1cd: {  	v26 =	vld [tilespmem:$0x1FF70];
	v3 =	vor.u32 v53, v45  }
0x1ce: {  	v27 =	vld [tilespmem:$0x1FF80];
	[tilespmem:v8+s14+$0x0] =	vst.idx.msk $0xffff, v0;
	v2 =	vor.u32 v6, v46  }
0x1cf: {  	v4 =	vld [tilespmem:$0x1FF60];
	[tilespmem:v10+s14+$0x0] =	vst.idx.msk $0xffff, v5  }
0x1d0: {  	[tilespmem:v12+s14+$0x0] =	vst.idx.msk $0xffff, v7;
	v7 =	vmov v35;
	v35 =	vld [tilespmem:$0x1FF00]  }
0x1d1: {  	s22 =	smul.u32 $0xC00, s22;
	[tilespmem:v13+s14+$0x0] =	vst.idx.msk $0xffff, v9;
	v9 =	vld [tilespmem:$0x1FEF0]  }
0x1d2: {  	v13 =	vmov v39;
	v39 =	vld [tilespmem:$0x1FF20];
	[tilespmem:v3+s14+$0x0] =	vst.idx.msk $0xffff, v11  }
0x1d3: {  	s22 =	sadd.s32 s5, s22;
	v11 =	vld [tilespmem:$0x1FF30];
	[tilespmem:v2+s14+$0x0] =	vst.idx.msk $0xffff, v1  }
0x1d4: {  	v10 =	vmov v38;
	v3 =	vmov v36;
	v2 =	vld [tilespmem:$0x1FED0];
	[hbm4b:s22+s3] =	stream.linear.scatter [tilespmem:s14], [sflag:$0x3], $0x6000, $0x38  }
.LBB2_6:
0x1d5: {  	s22 =	sor.u32 $0x1, s21  }
0x1d6: {  	p0 =	sge.u32 s22, s6  }
.Ltmp6:
0x1d7: {  	_ = 	snop;
	(pc) =	sbr.rel @p0 .LBB2_10-.Ltmp6, $1  }
0x1d8: {  	_ =	sdelay $0x3  }
0x1d9: {  	p0 =	sge.u32 s21, s9;
	s21 =	sadd.s32 s4, s22  }
0x1da: {  	s22 =	smul.u32 @!p0 $0xC00, s21;
	_ =	sdelay $0x1  }
0x1db: {  	s22 =	sshrl.u32 @!p0 s22, $0x3  }
0x1dc: {  	s31 =	simm.s32 $0x0;
	s24 =	simm.s32 @!p0 $0xC00;
	s23 =	sadd.s32 @!p0 s1, s22  }
0x1dd: {  	s25 =	simm.s32 @!p0 $0x7A1400;
	s26 =	simm.s32 @!p0 $0x0;
	s23 =	sadd.s32 @!p0 $0x180, s23  }
0x1de: {  	[tilespmem:s26], [sflag:$0x1] =	stream.strided.gather @!p0 [hbm4b:s23+s24], $0x6000, s25, s24, $0x38;
	[tilespmem:$0x18000] =	vst v63  }
0x1df: {  	v0 =	vmov s31;
	_ =	swait.ge [sflag:s15], $0x6000  }
0x1e0: {  	v2 =	vor.u32 s31, v23;
	v0 =	vshll.u32 v0, $0x3;
	p0 =	seq.s32 s20, $0x0;
	[sflag:s15] =	ssyncset.done $0x0  }
0x1e1: {  	v3 =	vor.u32 s31, v24;
	v5 =	vor.u32 s31, v21;
	v19 =	vand.u32 $0xC00, v0;
	s23 =	simm.s32 @!p0 $0x4;
	[sflag:s15] =	ssyncadd.s32 $0xFFFFA000  }
0x1e2: {  	v36 =	vmovc v4;
	v7 =	vor.u32 s31, v20;
	v1 =	vand.u32 $0x7F, v2;
	v4 =	vadd.s32 v9, v19;
	_ =	swait.ge @!p0 [sflag:s23], $0x6000  }
0x1e3: {  	v37 =	vor.u32 s31, v15;
	v0 =	vand.u32 $0x7F, v3;
	v6 =	vor.u32 v1, v4;
	v42 =	vld [tilespmem:$0x1FDC0]  }
0x1e4: {  	v13 =	vor.u32 s31, v29;
	v22 =	vand.u32 $0x7F, v5;
	v8 =	vor.u32 v0, v4;
	v15 =	vld [tilespmem:$0x1FDB0]  }
0x1e5: {  	v25 =	vand.u32 $0x7F, v7;
	v28 =	vand.u32 $0x7F, v37;
	v10 =	vor.u32 v22, v4  }
0x1e6: {  	v31 =	vand.u32 $0x7F, v13;
	v5 =	vshll.u32 v5, $0x6;
	v12 =	vor.u32 v25, v4;
	[sflag:s23] =	ssyncset.done @!p0 $0x0  }
0x1e7: {  	v2 =	vshll.u32 v2, $0x6;
	v43 =	vshll.u32 v7, $0x6;
	v14 =	vor.u32 v28, v4;
	[sflag:s23] =	ssyncadd.s32 @!p0 $0xFFFFA000  }
0x1e8: {  	v38 =	vmovc v11;
	v48 =	vand.u32 $0x7F80, v5;
	v17 =	vor.u32 v31, v4;
	v6 =	vld.idx.msk [tilespmem:v6+s3+$0x0], $0xffff;
	v11 =	vor.u32 s31, v42  }
0x1e9: {  	v50 =	vand.u32 $0x7F80, v2;
	v8 =	vld.idx.msk [tilespmem:v8+s3+$0x0], $0xffff;
	v15 =	vor.u32 s31, v15;
	v51 =	vand.u32 $0x7F, v11  }
0x1ea: {  	v40 =	vmovc v16;
	v2 =	vshll.u32 v3, $0x6;
	v10 =	vld.idx.msk [tilespmem:v10+s3+$0x0], $0xffff;
	v53 =	vand.u32 $0x7F, v15;
	v16 =	vor.u32 v51, v4  }
0x1eb: {  	v49 =	vand.u32 $0x7F80, v43;
	v45 =	vadd.s32 v39, v50;
	v44 =	vld.idx.msk [tilespmem:v12+s3+$0x0], $0xffff;
	v18 =	vor.u32 v53, v4  }
0x1ec: {  	v52 =	vand.u32 $0x7F80, v2;
	v2 =	vshll.u32 v37, $0x6;
	v12 =	vadd.s32 v35, v48;
	v3 =	vld.idx.msk [tilespmem:v14+s3+$0x0], $0xffff  }
0x1ed: {  	v54 =	vand.u32 $0x7F80, v2;
	v2 =	vshll.u32 v15, $0x6;
	v15 =	vld.idx.msk [tilespmem:v17+s3+$0x0], $0xffff;
	v11 =	vshll.u32 v11, $0x6  }
0x1ee: {  	v14 =	vadd.s32 v35, v49;
	v34 =	vand.u32 $0x7F80, v11;
	v11 =	vld [tilespmem:$0x1FDE0]  }
0x1ef: {  	v46 =	vld.idx.msk [tilespmem:v16+s3+$0x0], $0xffff;
	v16 =	vadd.s32 v39, v52  }
0x1f0: {  	v55 =	vand.u32 $0x7F80, v2;
	v17 =	vld.idx.msk [tilespmem:v18+s3+$0x0], $0xffff;
	v18 =	vadd.s32 v35, v54  }
0x1f1: {  	v2 =	vshll.u32 v13, $0x6;
	v13 =	vld [tilespmem:$0x1FE00];
	v47 =	vadd.s32 v39, v55;
	[tilespmem:v12+s14+$0x0] =	vst.idx.msk $0xffff, v10  }
0x1f2: {  	v41 =	vld [tilespmem:$0x1FDD0];
	v37 =	vand.u32 $0x7F80, v2;
	v2 =	vadd.s32 v35, v34;
	[tilespmem:v45+s14+$0x0] =	vst.idx.msk $0xffff, v6  }
0x1f3: {  	v42 =	vadd.s32 v39, v37;
	[tilespmem:v14+s14+$0x0] =	vst.idx.msk $0xffff, v44  }
0x1f4: {  	[tilespmem:v16+s14+$0x0] =	vst.idx.msk $0xffff, v8  }
0x1f5: {  	v43 =	vor.u32 s31, v30;
	[tilespmem:v18+s14+$0x0] =	vst.idx.msk $0xffff, v3  }
0x1f6: {  	v60 =	vand.u32 $0x7F, v43;
	v5 =	vor.u32 s31, v11;
	v12 =	vld [tilespmem:$0x1FDF0];
	v13 =	vor.u32 s31, v13;
	[tilespmem:v47+s14+$0x0] =	vst.idx.msk $0xffff, v17  }
0x1f7: {  	v6 =	vor.u32 s31, v41;
	v56 =	vand.u32 $0x7F, v5;
	v45 =	vor.u32 v60, v4;
	[tilespmem:v2+s14+$0x0] =	vst.idx.msk $0xffff, v46;
	v46 =	vld [tilespmem:$0x1FE20]  }
0x1f8: {  	v59 =	vand.u32 $0x7F, v13;
	v44 =	vor.u32 v56, v4;
	v14 =	vor.u32 s31, v40;
	[tilespmem:v42+s14+$0x0] =	vst.idx.msk $0xffff, v15;
	v15 =	vld [tilespmem:$0x1FE10]  }
0x1f9: {  	v57 =	vand.u32 $0x7F, v6;
	v6 =	vshll.u32 v6, $0x6;
	v61 =	vand.u32 $0x7F, v14  }
0x1fa: {  	v5 =	vshll.u32 v5, $0x6;
	v41 =	vand.u32 $0x7F80, v6;
	v16 =	vor.u32 v61, v4  }
0x1fb: {  	v12 =	vor.u32 s31, v12;
	v8 =	vshll.u32 v43, $0x6;
	v3 =	vor.u32 v57, v4  }
0x1fc: {  	v58 =	vand.u32 $0x7F, v12;
	v47 =	vor.u32 v59, v4;
	v9 =	vor.u32 s31, v46  }
0x1fd: {  	v2 =	vor.u32 v58, v4;
	v11 =	vld.idx.msk [tilespmem:v44+s3+$0x0], $0xffff;
	v15 =	vor.u32 s31, v15;
	v62 =	vand.u32 $0x7F, v9  }
0x1fe: {  	v40 =	vand.u32 $0x7F80, v8;
	v8 =	vld.idx.msk [tilespmem:v45+s3+$0x0], $0xffff;
	v63 =	vand.u32 $0x7F, v15;
	v17 =	vor.u32 v62, v4  }
0x1ff: {  	v6 =	vadd.s32 v35, v40;
	v45 =	vshll.u32 v12, $0x6;
	v12 =	vld.idx.msk [tilespmem:v16+s3+$0x0], $0xffff;
	v4 =	vor.u32 v63, v4  }
0x200: {  	v10 =	vadd.s32 v39, v41;
	v42 =	vand.u32 $0x7F80, v5;
	v3 =	vld.idx.msk [tilespmem:v3+s3+$0x0], $0xffff  }
0x201: {  	v43 =	vand.u32 $0x7F80, v45;
	v7 =	vld.idx.msk [tilespmem:v47+s3+$0x0], $0xffff;
	v46 =	vshll.u32 v13, $0x6;
	v13 =	vadd.s32 v35, v42  }
0x202: {  	v16 =	vadd.s32 v39, v43;
	v2 =	vld.idx.msk [tilespmem:v2+s3+$0x0], $0xffff;
	v44 =	vand.u32 $0x7F80, v46;
	v47 =	vshll.u32 v15, $0x6  }
0x203: {  	v9 =	vshll.u32 v9, $0x6;
	v5 =	vadd.s32 v35, v44;
	v47 =	vand.u32 $0x7F80, v47;
	v15 =	vld.idx.msk [tilespmem:v17+s3+$0x0], $0xffff  }
0x204: {  	v14 =	vshll.u32 v14, $0x6;
	v45 =	vand.u32 $0x7F80, v9;
	v4 =	vld.idx.msk [tilespmem:v4+s3+$0x0], $0xffff;
	[tilespmem:v6+s14+$0x0] =	vst.idx.msk $0xffff, v8;
	v6 =	vadd.s32 v39, v47  }
0x205: {  	v46 =	vand.u32 $0x7F80, v14;
	[tilespmem:v10+s14+$0x0] =	vst.idx.msk $0xffff, v3;
	v3 =	vadd.s32 v35, v45  }
0x206: {  	v9 =	vadd.s32 v38, v19;
	v8 =	vadd.s32 v39, v46;
	[tilespmem:v13+s14+$0x0] =	vst.idx.msk $0xffff, v11  }
0x207: {  	v10 =	vor.u32 v1, v9;
	[tilespmem:v16+s14+$0x0] =	vst.idx.msk $0xffff, v2  }
0x208: {  	v38 =	vor.u32 v0, v9;
	[tilespmem:v5+s14+$0x0] =	vst.idx.msk $0xffff, v7  }
0x209: {  	v5 =	vor.u32 v22, v9;
	[tilespmem:v6+s14+$0x0] =	vst.idx.msk $0xffff, v4  }
0x20a: {  	v2 =	vor.u32 v25, v9;
	[tilespmem:v3+s14+$0x0] =	vst.idx.msk $0xffff, v15  }
0x20b: {  	v7 =	vor.u32 v51, v9;
	[tilespmem:v8+s14+$0x0] =	vst.idx.msk $0xffff, v12  }
0x20c: {  	v6 =	vor.u32 v53, v9;
	v8 =	vld.idx.msk [tilespmem:v10+s3+$0x0], $0xffff  }
0x20d: {  	v3 =	vor.u32 v28, v9;
	v4 =	vld.idx.msk [tilespmem:v38+s3+$0x0], $0xffff  }
0x20e: {  	v10 =	vor.u32 v31, v9;
	v38 =	vadd.s32 v33, v48;
	v5 =	vld.idx.msk [tilespmem:v5+s3+$0x0], $0xffff  }
0x20f: {  	v12 =	vadd.s32 v32, v50;
	v2 =	vld.idx.msk [tilespmem:v2+s3+$0x0], $0xffff  }
0x210: {  	v13 =	vadd.s32 v33, v49;
	v7 =	vld.idx.msk [tilespmem:v7+s3+$0x0], $0xffff  }
0x211: {  	v14 =	vadd.s32 v32, v52;
	v6 =	vld.idx.msk [tilespmem:v6+s3+$0x0], $0xffff  }
0x212: {  	v15 =	vadd.s32 v33, v54;
	v3 =	vld.idx.msk [tilespmem:v3+s3+$0x0], $0xffff  }
0x213: {  	v10 =	vld.idx.msk [tilespmem:v10+s3+$0x0], $0xffff;
	[tilespmem:v38+s14+$0x0] =	vst.idx.msk $0xffff, v5;
	v38 =	vadd.s32 v32, v55  }
0x214: {  	[tilespmem:v12+s14+$0x0] =	vst.idx.msk $0xffff, v8;
	v8 =	vadd.s32 v33, v34  }
0x215: {  	[tilespmem:v13+s14+$0x0] =	vst.idx.msk $0xffff, v2;
	v2 =	vadd.s32 v32, v37  }
0x216: {  	v11 =	vor.u32 v56, v9;
	[tilespmem:v14+s14+$0x0] =	vst.idx.msk $0xffff, v4  }
0x217: {  	v4 =	vor.u32 v57, v9;
	[tilespmem:v15+s14+$0x0] =	vst.idx.msk $0xffff, v3  }
0x218: {  	v3 =	vor.u32 v60, v9;
	[tilespmem:v38+s14+$0x0] =	vst.idx.msk $0xffff, v6  }
0x219: {  	v38 =	vor.u32 v58, v9;
	[tilespmem:v8+s14+$0x0] =	vst.idx.msk $0xffff, v7  }
0x21a: {  	v7 =	vor.u32 v63, v9;
	[tilespmem:v2+s14+$0x0] =	vst.idx.msk $0xffff, v10  }
0x21b: {  	v8 =	vor.u32 v61, v9;
	v6 =	vld.idx.msk [tilespmem:v11+s3+$0x0], $0xffff  }
0x21c: {  	v2 =	vor.u32 v59, v9;
	v4 =	vld.idx.msk [tilespmem:v4+s3+$0x0], $0xffff  }
0x21d: {  	v9 =	vor.u32 v62, v9;
	v10 =	vadd.s32 v33, v40;
	v3 =	vld.idx.msk [tilespmem:v3+s3+$0x0], $0xffff  }
0x21e: {  	v5 =	vld.idx.msk [tilespmem:v38+s3+$0x0], $0xffff;
	v38 =	vadd.s32 v32, v41  }
0x21f: {  	v12 =	vadd.s32 v33, v42;
	v7 =	vld.idx.msk [tilespmem:v7+s3+$0x0], $0xffff  }
0x220: {  	v13 =	vadd.s32 v32, v43;
	v8 =	vld.idx.msk [tilespmem:v8+s3+$0x0], $0xffff  }
0x221: {  	v14 =	vadd.s32 v33, v44;
	v2 =	vld.idx.msk [tilespmem:v2+s3+$0x0], $0xffff  }
0x222: {  	v9 =	vld.idx.msk [tilespmem:v9+s3+$0x0], $0xffff;
	[tilespmem:v10+s14+$0x0] =	vst.idx.msk $0xffff, v3;
	v3 =	vadd.s32 v32, v47  }
0x223: {  	[tilespmem:v38+s14+$0x0] =	vst.idx.msk $0xffff, v4;
	v4 =	vadd.s32 v33, v45  }
0x224: {  	v10 =	vadd.s32 v36, v19;
	[tilespmem:v12+s14+$0x0] =	vst.idx.msk $0xffff, v6;
	v6 =	vadd.s32 v32, v46  }
0x225: {  	[tilespmem:v13+s14+$0x0] =	vst.idx.msk $0xffff, v5;
	v5 =	vor.u32 v25, v10  }
0x226: {  	v38 =	vmov v36;
	v36 =	vor.u32 v1, v10;
	[tilespmem:v14+s14+$0x0] =	vst.idx.msk $0xffff, v2  }
0x227: {  	v2 =	vor.u32 v22, v10;
	[tilespmem:v3+s14+$0x0] =	vst.idx.msk $0xffff, v7  }
0x228: {  	v3 =	vor.u32 v0, v10;
	[tilespmem:v4+s14+$0x0] =	vst.idx.msk $0xffff, v9  }
0x229: {  	v7 =	vor.u32 v31, v10;
	[tilespmem:v6+s14+$0x0] =	vst.idx.msk $0xffff, v8  }
0x22a: {  	v4 =	vor.u32 v28, v10;
	v5 =	vld.idx.msk [tilespmem:v5+s3+$0x0], $0xffff  }
0x22b: {  	v9 =	vor.u32 v51, v10;
	v8 =	vld.idx.msk [tilespmem:v36+s3+$0x0], $0xffff  }
0x22c: {  	v6 =	vor.u32 v53, v10;
	v36 =	vadd.s32 v26, v48;
	v2 =	vld.idx.msk [tilespmem:v2+s3+$0x0], $0xffff  }
0x22d: {  	v12 =	vadd.s32 v27, v50;
	v3 =	vld.idx.msk [tilespmem:v3+s3+$0x0], $0xffff  }
0x22e: {  	v13 =	vadd.s32 v26, v49;
	v7 =	vld.idx.msk [tilespmem:v7+s3+$0x0], $0xffff  }
0x22f: {  	v14 =	vadd.s32 v27, v52;
	v4 =	vld.idx.msk [tilespmem:v4+s3+$0x0], $0xffff  }
0x230: {  	v15 =	vadd.s32 v26, v54;
	v9 =	vld.idx.msk [tilespmem:v9+s3+$0x0], $0xffff  }
0x231: {  	v6 =	vld.idx.msk [tilespmem:v6+s3+$0x0], $0xffff;
	[tilespmem:v36+s14+$0x0] =	vst.idx.msk $0xffff, v2;
	v2 =	vadd.s32 v27, v55  }
0x232: {  	v36 =	vadd.s32 v26, v34;
	[tilespmem:v12+s14+$0x0] =	vst.idx.msk $0xffff, v8  }
0x233: {  	[tilespmem:v13+s14+$0x0] =	vst.idx.msk $0xffff, v5;
	v5 =	vadd.s32 v27, v37  }
0x234: {  	v11 =	vor.u32 v56, v10;
	[tilespmem:v14+s14+$0x0] =	vst.idx.msk $0xffff, v3  }
0x235: {  	v3 =	vor.u32 v57, v10;
	[tilespmem:v15+s14+$0x0] =	vst.idx.msk $0xffff, v4  }
0x236: {  	v8 =	vor.u32 v62, v10;
	[tilespmem:v2+s14+$0x0] =	vst.idx.msk $0xffff, v6  }
0x237: {  	v4 =	vor.u32 v60, v10;
	[tilespmem:v36+s14+$0x0] =	vst.idx.msk $0xffff, v9  }
0x238: {  	v2 =	vor.u32 v58, v10;
	[tilespmem:v5+s14+$0x0] =	vst.idx.msk $0xffff, v7  }
0x239: {  	v36 =	vor.u32 v59, v10;
	v7 =	vld.idx.msk [tilespmem:v11+s3+$0x0], $0xffff  }
0x23a: {  	v9 =	vor.u32 v61, v10;
	v3 =	vld.idx.msk [tilespmem:v3+s3+$0x0], $0xffff  }
0x23b: {  	v5 =	vor.u32 v63, v10;
	v8 =	vld.idx.msk [tilespmem:v8+s3+$0x0], $0xffff  }
0x23c: {  	v10 =	vadd.s32 v26, v40;
	v4 =	vld.idx.msk [tilespmem:v4+s3+$0x0], $0xffff  }
0x23d: {  	v2 =	vld.idx.msk [tilespmem:v2+s3+$0x0], $0xffff  }
0x23e: {  	v6 =	vld.idx.msk [tilespmem:v36+s3+$0x0], $0xffff  }
0x23f: {  	v36 =	vadd.s32 v27, v41;
	v9 =	vld.idx.msk [tilespmem:v9+s3+$0x0], $0xffff  }
0x240: {  	v12 =	vadd.s32 v26, v42;
	v5 =	vld.idx.msk [tilespmem:v5+s3+$0x0], $0xffff  }
0x241: {  	v13 =	vadd.s32 v27, v43;
	[tilespmem:v10+s14+$0x0] =	vst.idx.msk $0xffff, v4;
	v10 =	vld [tilespmem:$0x1FF90]  }
0x242: {  	v14 =	vadd.s32 v26, v44  }
0x243: {  	v4 =	vadd.s32 v27, v47  }
0x244: {  	[tilespmem:v36+s14+$0x0] =	vst.idx.msk $0xffff, v3;
	v3 =	vadd.s32 v26, v45  }
0x245: {  	[tilespmem:v12+s14+$0x0] =	vst.idx.msk $0xffff, v7  }
0x246: {  	v7 =	vadd.s32 v27, v46;
	[tilespmem:v13+s14+$0x0] =	vst.idx.msk $0xffff, v2;
	v36 =	vmov v10;
	v10 =	vadd.s32 v10, v19  }
0x247: {  	[tilespmem:v14+s14+$0x0] =	vst.idx.msk $0xffff, v6;
	v2 =	vor.u32 v51, v10  }
0x248: {  	v1 =	vor.u32 v1, v10;
	[tilespmem:v4+s14+$0x0] =	vst.idx.msk $0xffff, v5  }
0x249: {  	v14 =	vld [tilespmem:$0x1FE40];
	[tilespmem:v3+s14+$0x0] =	vst.idx.msk $0xffff, v8;
	v3 =	vor.u32 v22, v10  }
0x24a: {  	v15 =	vld [tilespmem:$0x1FE50];
	v4 =	vor.u32 v25, v10  }
0x24b: {  	v11 =	vor.u32 v28, v10;
	[tilespmem:v7+s14+$0x0] =	vst.idx.msk $0xffff, v9  }
0x24c: {  	v0 =	vor.u32 v0, v10;
	v25 =	vld.idx.msk [tilespmem:v2+s3+$0x0], $0xffff  }
0x24d: {  	v1 =	vld.idx.msk [tilespmem:v1+s3+$0x0], $0xffff;
	v2 =	vor.u32 v31, v10  }
0x24e: {  	v51 =	vor.u32 v53, v10;
	v7 =	vadd.s32 v14, v48;
	v3 =	vld.idx.msk [tilespmem:v3+s3+$0x0], $0xffff  }
0x24f: {  	v8 =	vadd.s32 v15, v50;
	v4 =	vld.idx.msk [tilespmem:v4+s3+$0x0], $0xffff  }
0x250: {  	v9 =	vadd.s32 v14, v49;
	v5 =	vld.idx.msk [tilespmem:v11+s3+$0x0], $0xffff  }
0x251: {  	v53 =	vadd.s32 v15, v52;
	v0 =	vld.idx.msk [tilespmem:v0+s3+$0x0], $0xffff  }
0x252: {  	v48 =	vld.idx.msk [tilespmem:v2+s3+$0x0], $0xffff;
	v2 =	vadd.s32 v14, v54  }
0x253: {  	v6 =	vld.idx.msk [tilespmem:v51+s3+$0x0], $0xffff;
	[tilespmem:v7+s14+$0x0] =	vst.idx.msk $0xffff, v3;
	v3 =	vadd.s32 v15, v55  }
0x254: {  	v60 =	vor.u32 v60, v10;
	v57 =	vor.u32 v57, v10;
	[tilespmem:v8+s14+$0x0] =	vst.idx.msk $0xffff, v1  }
0x255: {  	v19 =	vor.u32 v62, v10;
	v28 =	vor.u32 v56, v10;
	[tilespmem:v9+s14+$0x0] =	vst.idx.msk $0xffff, v4  }
0x256: {  	v50 =	vor.u32 v63, v10;
	v22 =	vor.u32 v59, v10;
	[tilespmem:v53+s14+$0x0] =	vst.idx.msk $0xffff, v0  }
0x257: {  	v34 =	vadd.s32 v14, v34;
	v31 =	vor.u32 v58, v10;
	[tilespmem:v2+s14+$0x0] =	vst.idx.msk $0xffff, v5  }
0x258: {  	s22 =	simm.s32 $0x10;
	v1 =	vor.u32 v61, v10;
	v0 =	vadd.s32 v15, v37;
	[tilespmem:v3+s14+$0x0] =	vst.idx.msk $0xffff, v6  }
.LBB2_8:
0x259: {  	_ =	sdelay $0x3  }
0x25a: {  	[tilespmem:v34+s14+$0x0] =	vst.idx.msk $0xffff, v25  }
0x25b: {  	[tilespmem:v0+s14+$0x0] =	vst.idx.msk $0xffff, v48  }
0x25c: {  	v0 =	vld.idx.msk [tilespmem:v28+s3+$0x0], $0xffff  }
0x25d: {  	v2 =	vld.idx.msk [tilespmem:v57+s3+$0x0], $0xffff  }
0x25e: {  	v4 =	vadd.s32 v14, v40;
	v3 =	vld.idx.msk [tilespmem:v60+s3+$0x0], $0xffff  }
0x25f: {  	v6 =	vadd.s32 v15, v41;
	v5 =	vld.idx.msk [tilespmem:v31+s3+$0x0], $0xffff  }
0x260: {  	v7 =	vld.idx.msk [tilespmem:v22+s3+$0x0], $0xffff  }
0x261: {  	v8 =	vadd.s32 v14, v42;
	v9 =	vld.idx.msk [tilespmem:v50+s3+$0x0], $0xffff  }
0x262: {  	s23 =	smov.u32 s22;
	v12 =	vld.idx.msk [tilespmem:v19+s3+$0x0], $0xffff  }
0x263: {  	v10 =	vadd.s32 v15, v43;
	v11 =	vadd.s32 v15, v46;
	v1 =	vld.idx.msk [tilespmem:v1+s3+$0x0], $0xffff;
	[tilespmem:v4+s14+$0x0] =	vst.idx.msk $0xffff, v3;
	v3 =	vmov s23  }
0x264: {  	v13 =	vadd.s32 v14, v44;
	v14 =	vadd.s32 v15, v47;
	v15 =	vld [tilespmem:$0x1FE40];
	[tilespmem:v6+s14+$0x0] =	vst.idx.msk $0xffff, v2;
	v2 =	vshll.u32 v3, $0x3  }
0x265: {  	v60 =	vand.u32 $0xC00, v2;
	v2 =	vld [tilespmem:$0x1FEF0]  }
0x266: {  	[tilespmem:v8+s14+$0x0] =	vst.idx.msk $0xffff, v0;
	v0 =	vor.u32 s23, v21  }
0x267: {  	v19 =	vld [tilespmem:$0x1FFE0];
	v42 =	vor.u32 s23, v23;
	v58 =	vand.u32 $0x7F, v0;
	v0 =	vshll.u32 v0, $0x6  }
0x268: {  	v16 =	vor.u32 s23, v20;
	v20 =	vld [tilespmem:$0x1FDC0];
	v61 =	vand.u32 $0x7F80, v0;
	v0 =	vshll.u32 v42, $0x6  }
0x269: {  	v18 =	vor.u32 s23, v29;
	v15 =	vadd.s32 v15, v45;
	v62 =	vand.u32 $0x7F80, v0;
	v0 =	vld [tilespmem:$0x1FDF0]  }
0x26a: {  	v59 =	vand.u32 $0x7F, v42;
	v3 =	vor.u32 s23, v24;
	v2 =	vadd.s32 v2, v60  }
0x26b: {  	v48 =	vand.u32 $0x7F, v18;
	v53 =	vand.u32 $0x7F, v3;
	[tilespmem:v10+s14+$0x0] =	vst.idx.msk $0xffff, v5;
	v44 =	vor.u32 v59, v2  }
0x26c: {  	v50 =	vand.u32 $0x7F, v16;
	v19 =	vor.u32 s23, v19;
	[tilespmem:v13+s14+$0x0] =	vst.idx.msk $0xffff, v7;
	v45 =	vor.u32 v53, v2  }
0x26d: {  	v17 =	vld [tilespmem:$0x1FDB0];
	v57 =	vand.u32 $0x7F, v19;
	v20 =	vor.u32 s23, v20;
	[tilespmem:v14+s14+$0x0] =	vst.idx.msk $0xffff, v9;
	v43 =	vor.u32 v58, v2  }
0x26e: {  	v3 =	vshll.u32 v3, $0x6;
	v56 =	vand.u32 $0x7F, v20;
	[tilespmem:v15+s14+$0x0] =	vst.idx.msk $0xffff, v12;
	v14 =	vor.u32 s23, v0;
	v0 =	vld [tilespmem:$0x1FE10]  }
0x26f: {  	v49 =	vand.u32 $0x7F80, v3;
	v3 =	vshll.u32 v19, $0x6;
	[tilespmem:v11+s14+$0x0] =	vst.idx.msk $0xffff, v1;
	v1 =	vor.u32 v50, v2  }
0x270: {  	v52 =	vand.u32 $0x7F80, v3;
	v3 =	vshll.u32 v20, $0x6;
	v46 =	vor.u32 v57, v2;
	v6 =	vld.idx.msk [tilespmem:v44+s3+$0x0], $0xffff  }
0x271: {  	v51 =	vand.u32 $0x7F80, v3;
	v3 =	vshll.u32 v18, $0x6;
	v47 =	vor.u32 v56, v2;
	v7 =	vld.idx.msk [tilespmem:v45+s3+$0x0], $0xffff  }
0x272: {  	v17 =	vor.u32 s23, v17;
	v54 =	vand.u32 $0x7F80, v3;
	v34 =	vor.u32 v48, v2;
	v3 =	vld.idx.msk [tilespmem:v43+s3+$0x0], $0xffff  }
0x273: {  	v63 =	vand.u32 $0x7F, v17;
	v15 =	vor.u32 s23, v0;
	v0 =	vld [tilespmem:$0x1FE20]  }
0x274: {  	v12 =	vadd.s32 v35, v61;
	v41 =	vor.u32 v63, v2;
	v42 =	vld.idx.msk [tilespmem:v1+s3+$0x0], $0xffff  }
0x275: {  	v13 =	vadd.s32 v39, v62;
	v8 =	vld.idx.msk [tilespmem:v46+s3+$0x0], $0xffff  }
0x276: {  	v9 =	vld.idx.msk [tilespmem:v47+s3+$0x0], $0xffff  }
0x277: {  	v10 =	vld.idx.msk [tilespmem:v34+s3+$0x0], $0xffff  }
0x278: {  	v40 =	vshll.u32 v17, $0x6;
	v17 =	vor.u32 s23, v0;
	v0 =	vld [tilespmem:$0x1FFF0]  }
0x279: {  	v37 =	vshll.u32 v16, $0x6;
	v5 =	vld.idx.msk [tilespmem:v41+s3+$0x0], $0xffff;
	[tilespmem:v12+s14+$0x0] =	vst.idx.msk $0xffff, v3  }
0x27a: {  	v55 =	vand.u32 $0x7F80, v37;
	[tilespmem:v13+s14+$0x0] =	vst.idx.msk $0xffff, v6;
	v13 =	vld [tilespmem:$0x1FDE0]  }
0x27b: {  	v16 =	vadd.s32 v35, v55  }
0x27c: {  	v18 =	vadd.s32 v39, v49  }
0x27d: {  	v21 =	vadd.s32 v35, v52;
	v43 =	vld [tilespmem:$0x1FDD0];
	v20 =	vor.u32 s23, v0;
	v0 =	vand.u32 $0x7F80, v40  }
0x27e: {  	v12 =	vld [tilespmem:$0x1FE00];
	v3 =	vadd.s32 v39, v0  }
0x27f: {  	v44 =	vadd.s32 v35, v51;
	v13 =	vor.u32 s23, v13  }
0x280: {  	v45 =	vadd.s32 v39, v54;
	v46 =	vor.u32 s23, v30;
	[tilespmem:v16+s14+$0x0] =	vst.idx.msk $0xffff, v42;
	v28 =	vand.u32 $0x7F, v13  }
0x281: {  	v31 =	vand.u32 $0x7F, v14;
	v37 =	vand.u32 $0x7F, v46;
	[tilespmem:v18+s14+$0x0] =	vst.idx.msk $0xffff, v7;
	v16 =	vor.u32 v28, v2  }
0x282: {  	v1 =	vand.u32 $0x7F, v15;
	v11 =	vor.u32 s23, v43;
	v6 =	vor.u32 v31, v2;
	[tilespmem:v21+s14+$0x0] =	vst.idx.msk $0xffff, v8  }
0x283: {  	v34 =	vand.u32 $0x7F, v11;
	v12 =	vor.u32 s23, v12;
	[tilespmem:v3+s14+$0x0] =	vst.idx.msk $0xffff, v5;
	v3 =	vor.u32 v37, v2  }
0x284: {  	v43 =	vshll.u32 v11, $0x6;
	v47 =	vor.u32 v34, v2;
	v22 =	vand.u32 $0x7F, v12;
	[tilespmem:v44+s14+$0x0] =	vst.idx.msk $0xffff, v9  }
0x285: {  	v7 =	vshll.u32 v46, $0x6;
	v4 =	vor.u32 v22, v2;
	v25 =	vand.u32 $0x7F, v20;
	[tilespmem:v45+s14+$0x0] =	vst.idx.msk $0xffff, v10  }
0x286: {  	v19 =	vand.u32 $0x7F, v17;
	v40 =	vand.u32 $0x7F80, v7;
	v9 =	vor.u32 v25, v2;
	v7 =	vld.idx.msk [tilespmem:v16+s3+$0x0], $0xffff  }
0x287: {  	v41 =	vand.u32 $0x7F80, v43;
	v11 =	vshll.u32 v17, $0x6;
	v10 =	vor.u32 v19, v2;
	v5 =	vld.idx.msk [tilespmem:v6+s3+$0x0], $0xffff  }
0x288: {  	v45 =	vshll.u32 v14, $0x6;
	v2 =	vor.u32 v1, v2;
	v6 =	vadd.s32 v35, v40;
	v3 =	vld.idx.msk [tilespmem:v3+s3+$0x0], $0xffff  }
0x289: {  	v43 =	vand.u32 $0x7F80, v45;
	v8 =	vld.idx.msk [tilespmem:v47+s3+$0x0], $0xffff;
	v45 =	vand.u32 $0x7F80, v11;
	v11 =	vadd.s32 v39, v41  }
0x28a: {  	v4 =	vld.idx.msk [tilespmem:v4+s3+$0x0], $0xffff  }
0x28b: {  	v9 =	vld.idx.msk [tilespmem:v9+s3+$0x0], $0xffff  }
0x28c: {  	v46 =	vshll.u32 v12, $0x6;
	v12 =	vshll.u32 v15, $0x6;
	v44 =	vshll.u32 v13, $0x6;
	v10 =	vld.idx.msk [tilespmem:v10+s3+$0x0], $0xffff  }
0x28d: {  	v42 =	vand.u32 $0x7F80, v44;
	v44 =	vand.u32 $0x7F80, v46;
	v47 =	vshll.u32 v20, $0x6;
	v2 =	vld.idx.msk [tilespmem:v2+s3+$0x0], $0xffff;
	[tilespmem:v6+s14+$0x0] =	vst.idx.msk $0xffff, v3  }
0x28e: {  	v46 =	vand.u32 $0x7F80, v47;
	v47 =	vand.u32 $0x7F80, v12;
	v12 =	vadd.s32 v35, v42;
	[tilespmem:v11+s14+$0x0] =	vst.idx.msk $0xffff, v8;
	v8 =	vld [tilespmem:$0x1FF30]  }
0x28f: {  	v13 =	vadd.s32 v39, v43  }
0x290: {  	v14 =	vadd.s32 v35, v44  }
0x291: {  	v3 =	vadd.s32 v39, v47  }
0x292: {  	v6 =	vadd.s32 v35, v45  }
0x293: {  	[tilespmem:v12+s14+$0x0] =	vst.idx.msk $0xffff, v7;
	v7 =	vadd.s32 v39, v46;
	v8 =	vadd.s32 v8, v60  }
0x294: {  	[tilespmem:v13+s14+$0x0] =	vst.idx.msk $0xffff, v5;
	v11 =	vor.u32 v50, v8  }
0x295: {  	[tilespmem:v14+s14+$0x0] =	vst.idx.msk $0xffff, v4;
	v5 =	vor.u32 v59, v8  }
0x296: {  	[tilespmem:v3+s14+$0x0] =	vst.idx.msk $0xffff, v2;
	v4 =	vor.u32 v58, v8  }
0x297: {  	[tilespmem:v6+s14+$0x0] =	vst.idx.msk $0xffff, v10;
	v12 =	vor.u32 v53, v8  }
0x298: {  	[tilespmem:v7+s14+$0x0] =	vst.idx.msk $0xffff, v9;
	v7 =	vor.u32 v57, v8  }
0x299: {  	v13 =	vor.u32 v63, v8;
	v11 =	vld.idx.msk [tilespmem:v11+s3+$0x0], $0xffff  }
0x29a: {  	v9 =	vor.u32 v56, v8;
	v5 =	vld.idx.msk [tilespmem:v5+s3+$0x0], $0xffff  }
0x29b: {  	v15 =	vadd.s32 v33, v61;
	v14 =	vor.u32 v48, v8;
	v4 =	vld.idx.msk [tilespmem:v4+s3+$0x0], $0xffff  }
0x29c: {  	v16 =	vadd.s32 v32, v62;
	v12 =	vld.idx.msk [tilespmem:v12+s3+$0x0], $0xffff  }
0x29d: {  	v17 =	vadd.s32 v33, v55;
	v7 =	vld.idx.msk [tilespmem:v7+s3+$0x0], $0xffff  }
0x29e: {  	v18 =	vadd.s32 v32, v49;
	v13 =	vld.idx.msk [tilespmem:v13+s3+$0x0], $0xffff  }
0x29f: {  	v20 =	vadd.s32 v33, v52;
	v9 =	vld.idx.msk [tilespmem:v9+s3+$0x0], $0xffff  }
0x2a0: {  	v14 =	vld.idx.msk [tilespmem:v14+s3+$0x0], $0xffff;
	[tilespmem:v15+s14+$0x0] =	vst.idx.msk $0xffff, v4;
	v4 =	vadd.s32 v32, v0  }
0x2a1: {  	[tilespmem:v16+s14+$0x0] =	vst.idx.msk $0xffff, v5;
	v5 =	vadd.s32 v33, v51  }
0x2a2: {  	[tilespmem:v17+s14+$0x0] =	vst.idx.msk $0xffff, v11;
	v11 =	vadd.s32 v32, v54  }
0x2a3: {  	v3 =	vor.u32 v28, v8;
	[tilespmem:v18+s14+$0x0] =	vst.idx.msk $0xffff, v12  }
0x2a4: {  	v6 =	vor.u32 v37, v8;
	[tilespmem:v20+s14+$0x0] =	vst.idx.msk $0xffff, v7  }
0x2a5: {  	v10 =	vor.u32 v31, v8;
	[tilespmem:v4+s14+$0x0] =	vst.idx.msk $0xffff, v13  }
0x2a6: {  	v2 =	vor.u32 v34, v8;
	[tilespmem:v5+s14+$0x0] =	vst.idx.msk $0xffff, v9  }
0x2a7: {  	v7 =	vor.u32 v25, v8;
	[tilespmem:v11+s14+$0x0] =	vst.idx.msk $0xffff, v14  }
0x2a8: {  	v4 =	vor.u32 v22, v8;
	v3 =	vld.idx.msk [tilespmem:v3+s3+$0x0], $0xffff  }
0x2a9: {  	v5 =	vor.u32 v1, v8;
	v6 =	vld.idx.msk [tilespmem:v6+s3+$0x0], $0xffff  }
0x2aa: {  	v8 =	vor.u32 v19, v8;
	v9 =	vld.idx.msk [tilespmem:v10+s3+$0x0], $0xffff;
	v10 =	vadd.s32 v33, v40  }
0x2ab: {  	v11 =	vadd.s32 v32, v41;
	v2 =	vld.idx.msk [tilespmem:v2+s3+$0x0], $0xffff  }
0x2ac: {  	v12 =	vadd.s32 v33, v42;
	v7 =	vld.idx.msk [tilespmem:v7+s3+$0x0], $0xffff  }
0x2ad: {  	v13 =	vadd.s32 v32, v43;
	v4 =	vld.idx.msk [tilespmem:v4+s3+$0x0], $0xffff  }
0x2ae: {  	v14 =	vadd.s32 v33, v44;
	v5 =	vld.idx.msk [tilespmem:v5+s3+$0x0], $0xffff  }
0x2af: {  	v8 =	vld.idx.msk [tilespmem:v8+s3+$0x0], $0xffff;
	[tilespmem:v10+s14+$0x0] =	vst.idx.msk $0xffff, v6;
	v6 =	vadd.s32 v32, v47  }
0x2b0: {  	[tilespmem:v11+s14+$0x0] =	vst.idx.msk $0xffff, v2;
	v2 =	vadd.s32 v33, v45  }
0x2b1: {  	v10 =	vadd.s32 v38, v60;
	[tilespmem:v12+s14+$0x0] =	vst.idx.msk $0xffff, v3;
	v3 =	vadd.s32 v32, v46  }
0x2b2: {  	v11 =	vor.u32 v50, v10;
	[tilespmem:v13+s14+$0x0] =	vst.idx.msk $0xffff, v9  }
0x2b3: {  	v9 =	vor.u32 v59, v10;
	[tilespmem:v14+s14+$0x0] =	vst.idx.msk $0xffff, v4  }
0x2b4: {  	[tilespmem:v6+s14+$0x0] =	vst.idx.msk $0xffff, v5;
	v5 =	vor.u32 v58, v10  }
0x2b5: {  	v12 =	vor.u32 v57, v10;
	[tilespmem:v2+s14+$0x0] =	vst.idx.msk $0xffff, v8  }
0x2b6: {  	v13 =	vor.u32 v63, v10;
	[tilespmem:v3+s14+$0x0] =	vst.idx.msk $0xffff, v7  }
0x2b7: {  	v4 =	vor.u32 v53, v10;
	v11 =	vld.idx.msk [tilespmem:v11+s3+$0x0], $0xffff  }
0x2b8: {  	v16 =	vor.u32 v56, v10;
	v9 =	vld.idx.msk [tilespmem:v9+s3+$0x0], $0xffff  }
0x2b9: {  	v18 =	vadd.s32 v26, v61;
	v14 =	vor.u32 v48, v10;
	v5 =	vld.idx.msk [tilespmem:v5+s3+$0x0], $0xffff  }
0x2ba: {  	v20 =	vadd.s32 v27, v62;
	v12 =	vld.idx.msk [tilespmem:v12+s3+$0x0], $0xffff  }
0x2bb: {  	v21 =	vadd.s32 v26, v55;
	v13 =	vld.idx.msk [tilespmem:v13+s3+$0x0], $0xffff  }
0x2bc: {  	v23 =	vadd.s32 v27, v49;
	v4 =	vld.idx.msk [tilespmem:v4+s3+$0x0], $0xffff  }
0x2bd: {  	v24 =	vadd.s32 v26, v52;
	v16 =	vld.idx.msk [tilespmem:v16+s3+$0x0], $0xffff  }
0x2be: {  	v14 =	vld.idx.msk [tilespmem:v14+s3+$0x0], $0xffff;
	[tilespmem:v18+s14+$0x0] =	vst.idx.msk $0xffff, v5;
	v5 =	vadd.s32 v27, v0  }
0x2bf: {  	[tilespmem:v20+s14+$0x0] =	vst.idx.msk $0xffff, v9;
	v9 =	vadd.s32 v26, v51  }
0x2c0: {  	[tilespmem:v21+s14+$0x0] =	vst.idx.msk $0xffff, v11;
	v11 =	vadd.s32 v27, v54  }
0x2c1: {  	v6 =	vor.u32 v28, v10;
	[tilespmem:v23+s14+$0x0] =	vst.idx.msk $0xffff, v4  }
0x2c2: {  	v8 =	vor.u32 v34, v10;
	[tilespmem:v24+s14+$0x0] =	vst.idx.msk $0xffff, v12  }
0x2c3: {  	v2 =	vor.u32 v37, v10;
	[tilespmem:v5+s14+$0x0] =	vst.idx.msk $0xffff, v13  }
0x2c4: {  	v3 =	vor.u32 v31, v10;
	[tilespmem:v9+s14+$0x0] =	vst.idx.msk $0xffff, v16  }
0x2c5: {  	v7 =	vor.u32 v22, v10;
	[tilespmem:v11+s14+$0x0] =	vst.idx.msk $0xffff, v14  }
0x2c6: {  	v15 =	vor.u32 v1, v10;
	v4 =	vld.idx.msk [tilespmem:v6+s3+$0x0], $0xffff  }
0x2c7: {  	v17 =	vor.u32 v19, v10;
	v5 =	vld.idx.msk [tilespmem:v8+s3+$0x0], $0xffff  }
0x2c8: {  	v10 =	vor.u32 v25, v10;
	v2 =	vld.idx.msk [tilespmem:v2+s3+$0x0], $0xffff;
	v6 =	vadd.s32 v26, v40  }
0x2c9: {  	v3 =	vld.idx.msk [tilespmem:v3+s3+$0x0], $0xffff;
	v8 =	vadd.s32 v27, v41  }
0x2ca: {  	v11 =	vadd.s32 v26, v42;
	v7 =	vld.idx.msk [tilespmem:v7+s3+$0x0], $0xffff  }
0x2cb: {  	v13 =	vadd.s32 v27, v43;
	v9 =	vld.idx.msk [tilespmem:v15+s3+$0x0], $0xffff  }
0x2cc: {  	v14 =	vadd.s32 v26, v44;
	v12 =	vld.idx.msk [tilespmem:v17+s3+$0x0], $0xffff  }
0x2cd: {  	v10 =	vld.idx.msk [tilespmem:v10+s3+$0x0], $0xffff;
	[tilespmem:v6+s14+$0x0] =	vst.idx.msk $0xffff, v2;
	v2 =	vadd.s32 v27, v47  }
0x2ce: {  	[tilespmem:v8+s14+$0x0] =	vst.idx.msk $0xffff, v5;
	v5 =	vadd.s32 v26, v45  }
0x2cf: {  	v6 =	vadd.s32 v36, v60;
	[tilespmem:v11+s14+$0x0] =	vst.idx.msk $0xffff, v4;
	v4 =	vadd.s32 v27, v46  }
0x2d0: {  	v8 =	vor.u32 v56, v6;
	[tilespmem:v13+s14+$0x0] =	vst.idx.msk $0xffff, v3  }
0x2d1: {  	v3 =	vor.u32 v59, v6;
	[tilespmem:v14+s14+$0x0] =	vst.idx.msk $0xffff, v7  }
0x2d2: {  	v14 =	vld [tilespmem:$0x1FE40];
	v7 =	vor.u32 v58, v6;
	[tilespmem:v2+s14+$0x0] =	vst.idx.msk $0xffff, v9  }
0x2d3: {  	v15 =	vld [tilespmem:$0x1FE50];
	v11 =	vor.u32 v50, v6;
	[tilespmem:v5+s14+$0x0] =	vst.idx.msk $0xffff, v12  }
0x2d4: {  	v60 =	vor.u32 v37, v6;
	v37 =	vor.u32 v63, v6;
	[tilespmem:v4+s14+$0x0] =	vst.idx.msk $0xffff, v10  }
0x2d5: {  	v53 =	vor.u32 v53, v6;
	v50 =	vor.u32 v1, v6;
	v1 =	vor.u32 v25, v6;
	v25 =	vld.idx.msk [tilespmem:v8+s3+$0x0], $0xffff  }
0x2d6: {  	v2 =	vor.u32 v57, v6;
	v3 =	vld.idx.msk [tilespmem:v3+s3+$0x0], $0xffff  }
0x2d7: {  	v48 =	vor.u32 v48, v6;
	v7 =	vld.idx.msk [tilespmem:v7+s3+$0x0], $0xffff;
	v58 =	vadd.s32 v14, v61  }
0x2d8: {  	v59 =	vadd.s32 v15, v62;
	v56 =	vld.idx.msk [tilespmem:v11+s3+$0x0], $0xffff  }
0x2d9: {  	v4 =	vld.idx.msk [tilespmem:v37+s3+$0x0], $0xffff;
	v61 =	vadd.s32 v14, v55  }
0x2da: {  	v62 =	vadd.s32 v15, v49;
	v8 =	vld.idx.msk [tilespmem:v53+s3+$0x0], $0xffff  }
0x2db: {  	v12 =	vadd.s32 v14, v52;
	v2 =	vld.idx.msk [tilespmem:v2+s3+$0x0], $0xffff  }
0x2dc: {  	p0 =	sne.s32 s22, $0x170;
	v63 =	vadd.s32 v15, v0;
	v48 =	vld.idx.msk [tilespmem:v48+s3+$0x0], $0xffff;
	[tilespmem:v58+s14+$0x0] =	vst.idx.msk $0xffff, v7  }
.Ltmp7:
0x2dd: {  	[tilespmem:v59+s14+$0x0] =	vst.idx.msk $0xffff, v3;
	(pc) =	sbr.rel @p0 .LBB2_8-.Ltmp7, $4  }
0x2de: {  	v19 =	vor.u32 v19, v6;
	[tilespmem:v61+s14+$0x0] =	vst.idx.msk $0xffff, v56  }
0x2df: {  	v20 =	vld [tilespmem:$0x1FE80];
	v31 =	vor.u32 v31, v6;
	v28 =	vor.u32 v28, v6;
	[tilespmem:v62+s14+$0x0] =	vst.idx.msk $0xffff, v8  }
0x2e0: {  	v23 =	vld [tilespmem:$0x1FE70];
	v22 =	vor.u32 v22, v6;
	v0 =	vadd.s32 v15, v54;
	[tilespmem:v12+s14+$0x0] =	vst.idx.msk $0xffff, v2  }
0x2e1: {  	s22 =	sadd.s32 $0x10, s22;
	v21 =	vlaneseq.u32;
	v24 =	vld [tilespmem:$0x1FE90];
	v57 =	vor.u32 v34, v6;
	v34 =	vadd.s32 v14, v51;
	[tilespmem:v63+s14+$0x0] =	vst.idx.msk $0xffff, v4  }
0x2e2: {  	_ =	sdelay $0x2  }
0x2e3: {  	v17 =	vld [tilespmem:$0x1FEA0]  }
0x2e4: {  	[tilespmem:v34+s14+$0x0] =	vst.idx.msk $0xffff, v25;
	v18 =	vld [tilespmem:$0x1FEB0]  }
0x2e5: {  	v16 =	vld [tilespmem:$0x1FFF0];
	[tilespmem:v0+s14+$0x0] =	vst.idx.msk $0xffff, v48  }
0x2e6: {  	v0 =	vld.idx.msk [tilespmem:v28+s3+$0x0], $0xffff  }
0x2e7: {  	v2 =	vld.idx.msk [tilespmem:v57+s3+$0x0], $0xffff  }
0x2e8: {  	v3 =	vld.idx.msk [tilespmem:v60+s3+$0x0], $0xffff  }
0x2e9: {  	v4 =	vadd.s32 v14, v40;
	v5 =	vld.idx.msk [tilespmem:v31+s3+$0x0], $0xffff  }
0x2ea: {  	v6 =	vadd.s32 v15, v41;
	v7 =	vld.idx.msk [tilespmem:v22+s3+$0x0], $0xffff  }
0x2eb: {  	v8 =	vadd.s32 v14, v42;
	v9 =	vld.idx.msk [tilespmem:v50+s3+$0x0], $0xffff  }
0x2ec: {  	v10 =	vadd.s32 v15, v43;
	v11 =	vld.idx.msk [tilespmem:v19+s3+$0x0], $0xffff  }
0x2ed: {  	v12 =	vadd.s32 v14, v44;
	v1 =	vld.idx.msk [tilespmem:v1+s3+$0x0], $0xffff  }
0x2ee: {  	v13 =	vadd.s32 v15, v47;
	[tilespmem:v4+s14+$0x0] =	vst.idx.msk $0xffff, v3;
	v3 =	vadd.s32 v14, v45;
	v14 =	vld [tilespmem:$0x1FE60]  }
0x2ef: {  	[tilespmem:v6+s14+$0x0] =	vst.idx.msk $0xffff, v2;
	v2 =	vadd.s32 v15, v46;
	v15 =	vld [tilespmem:$0x1FFE0]  }
0x2f0: {  	v6 =	vld [tilespmem:$0x1FEC0];
	[tilespmem:v8+s14+$0x0] =	vst.idx.msk $0xffff, v0  }
0x2f1: {  	[tilespmem:v10+s14+$0x0] =	vst.idx.msk $0xffff, v5;
	v10 =	vld [tilespmem:$0x1FFC0]  }
0x2f2: {  	[tilespmem:v12+s14+$0x0] =	vst.idx.msk $0xffff, v7;
	v7 =	vld [tilespmem:$0x1FFA0]  }
.Ltmp8:
0x2f3: {  	[tilespmem:v13+s14+$0x0] =	vst.idx.msk $0xffff, v9;
	v13 =	vld [tilespmem:$0x1FEE0];
	(pc) =	sbr.rel .LBB2_10-.Ltmp8, $4  }
0x2f4: {  	s21 =	smul.u32 $0xC00, s21;
	v9 =	vld [tilespmem:$0x1FEF0]  }
0x2f5: {  	[tilespmem:v3+s14+$0x0] =	vst.idx.msk $0xffff, v11;
	v3 =	vld [tilespmem:$0x1FF10]  }
0x2f6: {  	s21 =	sadd.s32 s5, s21;
	v11 =	vld [tilespmem:$0x1FF30];
	[tilespmem:v2+s14+$0x0] =	vst.idx.msk $0xffff, v1  }
0x2f7: {  	v4 =	vmov v38;
	v2 =	vld [tilespmem:$0x1FED0];
	[hbm4b:s21+s3] =	stream.linear.scatter [tilespmem:s16], [sflag:$0x4], $0x6000, $0x38  }
.LBB2_12:
0x2f8: {  	_ =	sfence.sel $0x180000  }
0x2f9: {  	[bflag:$0x0] =	sbarrier.arrive $0xFFFF  }
0x2fa: {  	p0 =	sne.s32 s0, $0x0;
	_ =	strace $0x90000047  }
0x2fb: {  	s0 =	sadd.s32 @!p0 $0x100000, s2;
	[bflag:$0x2] =	sbarrier.arrive $0xFFFF  }
0x2fc: {  	[sflag:s0] =	ssyncadd.tile.s32 @!p0 $0x1;
	_ =	shalt  }
.Lfunc_end2:
_tile_overlayer_lowered:
.L_overlay_start_2:
0x2fd: {  	(tag) =	ssettag $0x2  }
0x2fe: {  	s0 =	rddreg [dreg:$0x0];
	s2 =	stileid.u32  }
0x2ff: {  	s1 =	rddreg [dreg:$0x1];
	p0 =	sne.s32 s2, $0x0  }
0x300: {  	s3 =	rddreg [dreg:$0x2];
	[bflag:$0x3] =	sbarrier.arrive $0xFFFF;
	s2 =	simm.s32 @!p0 $0x1C05  }
0x301: {  	[timem:s3], [sflag:s2] =	dma.local @!p0 [hbm:s0], s1  }
0x302: {  	s0 =	simm.s32 @!p0 $0x5  }
0x303: {  	_ =	swait.ge @!p0 [sflag:s0], s1  }
0x304: {  	s1 =	ssub.s32 @!p0 $0x0, s1;
	[sflag:s0] =	ssyncset.done @!p0 $0x0  }
0x305: {  	[sflag:s0] =	ssyncadd.s32 @!p0 s1  }
0x306: {  	[bflag:$0x3] =	sbarrier.arrive $0xFFFF  }
0x307: {  	_ =	shalt  }

// kernel: kernel.8.cloned.1.call-start
scs
__scs_entry_jumppad:
0x0: {  	(pc) =	sbr.rel $0x88, $3  }
0x1: {  	(tag) =	ssettag $0x0;
	lr =	simm.s32 $0x1  }
0x2: {  	[smem:$0x3F9B] =	sst lr;
	_ =	strace $0xD0000000  }
0x3: {  	_ = 	snop  }
0x4: {  	_ = 	snop  }
0x5: {  	_ = 	snop  }
0x6: {  	_ = 	snop  }
0x7: {  	_ = 	snop  }
__scs_overlays_trampoline_lowered:
0x8: {  	[smem:$0x3FAA] =	sst s0  }
0x9: {  	[smem:$0x3FAB] =	sst s1  }
0xa: {  	[smem:$0x3FAC] =	sst s2  }
0xb: {  	[smem:$0x3FAD] =	sst s3  }
0xc: {  	[smem:$0x3FAE] =	sst s4  }
0xd: {  	[smem:$0x3FAF] =	sst s5  }
0xe: {  	[smem:$0x3FB0] =	sst s6  }
0xf: {  	[smem:$0x3FB1] =	sst s7  }
0x10: {  	[smem:$0x3FB2] =	sst s8  }
0x11: {  	[smem:$0x3FB3] =	sst s9;
	s0 =	simm.s32 @!p0 $0x0  }
0x12: {  	s1 =	sld [smem:$0x3F99];
	s0 =	simm.s32 @p0 $0x1  }
0x13: {  	[smem:$0x3FB4] =	sst s0;
	s0 =	simm.s32 @!p1 $0x0  }
0x14: {  	s2 =	sld [smem:$0x3F98];
	s0 =	simm.s32 @p1 $0x1  }
0x15: {  	[smem:$0x3FB5] =	sst s0;
	s0 =	simm.s32 @!p2 $0x0  }
0x16: {  	s3 =	sld [smem:$0x3FDB];
	s0 =	simm.s32 @p2 $0x1  }
0x17: {  	s4 =	simm.s32 $0x1BF5;
	[smem:$0x3FB7] =	sst s0  }
0x18: {  	s0 =	sld [smem:$0x3F9A];
	_ =	swait.ge [sflag:s4], $0x0  }
0x19: {  	s7 =	sld [smem:$0x3F9B]  }
0x1a: {  	s8 =	sadd.s32 $0xFFFFE003, lr  }
0x1b: {  	s9 =	sadd.s32 $0xFFFFFEF7, lr;
	s5 =	simm.s32 $0xFFFFFFFF;
	p2 =	slt.u32 s8, $0xFFFFF086  }
0x1c: {  	p1 =	slt.u32 s9, $0xF7A;
	s5 =	simm.s32 @!p2 $0x0  }
0x1d: {  	s5 =	simm.s32 @p1 $0x1;
	p0 =	seq.s32 s7, s2  }
0x1e: {  	s7 =	smul.u32 @!p0 $0xF7A, s2;
	p2 =	seq.s32 @!p0 s5, $0x0  }
0x1f: {  	s9 =	smul.u32 $0xF7A, s1;
	s8 =	simm.s32 @!p0 $0x1BF5;
	p2 =	por !p2, p0  }
0x20: {  	[sflag:s8] =	ssyncset.s32 @!p0 $0xFFFFF086;
	s6 =	sadd.s32 @!p0 s3, s7;
	s7 =	simm.s32 @!p0 $0x108  }
0x21: {  	s3 =	sadd.s32 s3, s9;
	s6 =	sadd.s32 @!p0 $0x88, s6;
	s7 =	simm.s32 @p2 $0x1082  }
0x22: {  	[simem:s7], [sflag:s8] =	dma.local @!p0 [hbm:s6], $0xF7A  }
0x23: {  	s9 =	sor.u32 $0xD0000000, s2;
	s6 =	simm.s32 $0x108;
	_ =	swait.ge @!p0 [sflag:s8], $0x0  }
0x24: {  	s3 =	sadd.s32 $0x88, s3;
	s6 =	simm.s32 @!p1 $0x1082;
	[sflag:s4] =	ssyncset.s32 $0xFFFFF086  }
0x25: {  	[simem:s6], [sflag:s4] =	dma.local [hbm:s3], $0xF7A  }
0x26: {  	[smem:$0x3F9B] =	sst s1;
	(tag) =	ssettag s2;
	_ =	strace s9  }
0x27: {  	s1 =	sld [smem:$0x3FAB]  }
0x28: {  	s2 =	sld [smem:$0x3FAC]  }
0x29: {  	s4 =	sld [smem:$0x3FAE]  }
0x2a: {  	p0 =	seq.s32 s5, $0x0;
	s5 =	sld [smem:$0x3FAF]  }
0x2b: {  	s6 =	sld [smem:$0x3FB0]  }
0x2c: {  	s7 =	sld [smem:$0x3FB1]  }
0x2d: {  	s3 =	simm.s32 $0x108;
	s8 =	sld [smem:$0x3FB2]  }
0x2e: {  	s3 =	simm.s32 @!p0 $0x1082;
	s9 =	sld [smem:$0x3FB3]  }
0x2f: {  	lr =	sadd.s32 s0, s3;
	s0 =	sld [smem:$0x3FAA]  }
0x30: {  	s3 =	sld [smem:$0x3FAD]  }
0x31: {  	[smem:$0x3FB6] =	sst s10  }
0x32: {  	s10 =	sld [smem:$0x3FB4];
	_ =	sdelay $0x3  }
0x33: {  	p0 =	seq.s32 s10, $0x1;
	s10 =	sld [smem:$0x3FB6];
	_ =	sdelay $0x3  }
0x34: {  	[smem:$0x3FB6] =	sst s10  }
0x35: {  	s10 =	sld [smem:$0x3FB5];
	_ =	sdelay $0x3  }
0x36: {  	p1 =	seq.s32 s10, $0x1;
	s10 =	sld [smem:$0x3FB6];
	_ =	sdelay $0x3  }
0x37: {  	[smem:$0x3FB6] =	sst s10  }
0x38: {  	s10 =	sld [smem:$0x3FB7]  }
0x39: {  	_ = 	snop;
	(pc) =	sbr.ind lr, $3  }
0x3a: {  	_ = 	snop  }
0x3b: {  	_ = 	snop  }
0x3c: {  	p2 =	seq.s32 s10, $0x1;
	s10 =	sld [smem:$0x3FB6]  }
0x3d: {  	_ =	shalt  }
0x3e: {  	_ =	shalt  }
0x3f: {  	_ =	shalt  }
0x40: {  	_ =	shalt  }
0x41: {  	_ =	shalt  }
0x42: {  	_ =	shalt  }
0x43: {  	_ =	shalt  }
0x44: {  	_ =	shalt  }
0x45: {  	_ =	shalt  }
0x46: {  	_ =	shalt  }
0x47: {  	_ =	shalt  }
0x48: {  	_ =	shalt  }
0x49: {  	_ =	shalt  }
0x4a: {  	_ =	shalt  }
0x4b: {  	_ =	shalt  }
0x4c: {  	_ =	shalt  }
0x4d: {  	_ =	shalt  }
0x4e: {  	_ =	shalt  }
0x4f: {  	_ =	shalt  }
0x50: {  	_ =	shalt  }
0x51: {  	_ =	shalt  }
0x52: {  	_ =	shalt  }
0x53: {  	_ =	shalt  }
0x54: {  	_ =	shalt  }
0x55: {  	_ =	shalt  }
0x56: {  	_ =	shalt  }
0x57: {  	_ =	shalt  }
0x58: {  	_ =	shalt  }
0x59: {  	_ =	shalt  }
0x5a: {  	_ =	shalt  }
0x5b: {  	_ =	shalt  }
0x5c: {  	_ =	shalt  }
0x5d: {  	_ =	shalt  }
0x5e: {  	_ =	shalt  }
0x5f: {  	_ =	shalt  }
0x60: {  	_ =	shalt  }
0x61: {  	_ =	shalt  }
0x62: {  	_ =	shalt  }
0x63: {  	_ =	shalt  }
0x64: {  	_ =	shalt  }
0x65: {  	_ =	shalt  }
0x66: {  	_ =	shalt  }
0x67: {  	_ =	shalt  }
0x68: {  	_ =	shalt  }
0x69: {  	_ =	shalt  }
0x6a: {  	_ =	shalt  }
0x6b: {  	_ =	shalt  }
0x6c: {  	_ =	shalt  }
0x6d: {  	_ =	shalt  }
0x6e: {  	_ =	shalt  }
0x6f: {  	_ =	shalt  }
0x70: {  	_ =	shalt  }
0x71: {  	_ =	shalt  }
0x72: {  	_ =	shalt  }
0x73: {  	_ =	shalt  }
0x74: {  	_ =	shalt  }
0x75: {  	_ =	shalt  }
0x76: {  	_ =	shalt  }
0x77: {  	_ =	shalt  }
0x78: {  	_ =	shalt  }
0x79: {  	_ =	shalt  }
0x7a: {  	_ =	shalt  }
0x7b: {  	_ =	shalt  }
0x7c: {  	_ =	shalt  }
0x7d: {  	_ =	shalt  }
0x7e: {  	_ =	shalt  }
0x7f: {  	_ =	shalt  }
0x80: {  	_ =	shalt  }
0x81: {  	_ =	shalt  }
0x82: {  	_ =	shalt  }
0x83: {  	_ =	shalt  }
0x84: {  	_ =	shalt  }
0x85: {  	_ =	shalt  }
0x86: {  	_ =	shalt  }
0x87: {  	_ =	shalt  }
.Lfunc_end0:
.L_simem_size_0:
called_computation.1_lowered:
.L_overlay_start_0:
0x88: {  	s2 =	sld [smem:$0x3FD9]  }
0x89: {  	s3 =	sld [smem:$0x3FFE];
	_ =	sdelay $0x1  }
0x8a: {  	s1 =	srdreg.scid  }
0x8b: {  	s0 =	sand.u32 $0x1, s1  }
0x8c: {  	s16 =	sshll.u32 s0, $0xA;
	s2 =	sadd.s32 s3, s2  }
0x8d: {  	s2 =	sadd.s32 s2, s16  }
0x8e: {  	[smem:$0x3FC2] =	sst s2  }
0x8f: {  	_ = 	snop  }
0x90: {  	(tm) =	ssettm $0x1  }
0x91: {  	s17 =	sld [smem:$0x3FFB];
	_ =	sdelay $0x3  }
0x92: {  	_ =	strace s17  }
0x93: {  	s2 =	sld [smem:$0x3FFC];
	_ =	sdelay $0x3  }
0x94: {  	_ =	strace s2  }
0x95: {  	s2 =	sld [smem:$0x3FFD];
	_ =	sdelay $0x3  }
0x96: {  	_ =	strace s2  }
0x97: {  	_ =	strace $0x8FFFFFFF  }
0x98: {  	s18 =	sld [smem:$0x3FDB];
	_ =	sdelay $0x1  }
0x99: {  	s19 =	simm.s32 $_scs_section_size  }
0x9a: {  	s4 =	simm.s32 $_size__tile_overlayer_lowered;
	s5 =	simm.s32 $_tile_overlayer_lowered  }
0x9b: {  	s22 =	simm.s32 $0x1BFF;
	s21 =	sshll.u32 s5, $0x1;
	s2 =	sadd.s32 s19, s18  }
0x9c: {  	s6 =	simm.s32 $0x0;
	s20 =	sshll.u32 s4, $0x1;
	s4 =	sadd.s32 s21, s2  }
0x9d: {  	[timem:s6], [sflag:s22] =	dma.local [hbm:s4], s20  }
0x9e: {  	_ =	swait.ge [sflag:s22], s20  }
0x9f: {  	s3 =	ssub.s32 $0x0, s20;
	[sflag:s22] =	ssyncset.done $0x0  }
0xa0: {  	[sflag:s22] =	ssyncadd.s32 s3;
	_ =	sdelay $0x1  }
0xa1: {  	s23 =	simm.s32 $0x1B8B  }
0xa2: {  	_ =	swait.ge [sflag:s23], $0x1  }
0xa3: {  	[sflag:s23] =	ssyncset.done $0x0  }
0xa4: {  	s25 =	simm.s32 $0x1B8E;
	s24 =	sld [smem:$0x3FFE];
	[sflag:s23] =	ssyncadd.s32 $0xFFFFFFFF  }
0xa5: {  	s26 =	simm.s32 $execute0_lowered;
	[smem:$0x3FD2] =	sst s25  }
0xa6: {  	s4 =	sshll.u32 s26, $0x1;
	_ =	strace $0x80000049;
	[dreg:$0x1] =	wrdreg $0xFFFFFFFF  }
0xa7: {  	s28 =	simm.s32 $_size_execute0_lowered;
	s2 =	sadd.s32 s2, s4;
	[dreg:$0x0] =	wrdreg $0x0  }
0xa8: {  	s4 =	sshll.u32 s28, $0x1;
	[dreg:$0x2] =	wrdreg s2  }
0xa9: {  	[dreg:$0x3] =	wrdreg s4  }
0xaa: {  	[dreg:$0x4] =	wrdreg $0xC0  }
0xab: {  	_ =	task [dreg:s6], $0x5FFFF  }
0xac: {  	[dreg:$0x1] =	wrdreg $0xFFFFFFFF  }
0xad: {  	[dreg:$0x0] =	wrdreg $0x60  }
0xae: {  	[dreg:$0x2] =	wrdreg s24  }
0xaf: {  	[dreg:$0x3] =	wrdreg $0x9  }
0xb0: {  	_ =	task.clear_ibuf [dreg:s6], $0x4FFFF;
	_ =	strace $0x90000049  }
0xb1: {  	s29 =	simm.s32 $0x9;
	_ =	strace $0x8000004B  }
0xb2: {  	_ =	swait.ge [sflag:s29], $0x1  }
0xb3: {  	[sflag:s29] =	ssyncadd.s32 $0xFFFFFFFF  }
0xb4: {  	_ =	strace $0x9000004B  }
0xb5: {  	_ =	sfence  }
0xb6: {  	s30 =	sld [smem:$0x0];
	_ =	sdelay $0x2  }
0xb7: {  	s31 =	sshll.u32 s1, $0xD;
	s1 =	sshrl.u32 s1, $0x2  }
0xb8: {  	s3 =	sand.u32 $0x4000, s31;
	s1 =	sadd.s32 s1, s30  }
0xb9: {  	s0 =	sor.u32 s3, s0;
	s1 =	sshll.u32 s1, $0x11  }
0xba: {  	s0 =	sor.u32 s1, s0  }
0xbb: {  	s0 =	sadd.s32 $0x8F2B, s0  }
0xbc: {  	[sflag:s0] =	ssyncadd.remote.s32 $0x1  }
0xbd: {  	_ =	sfence.sel $0xFFFF  }
0xbe: {  	[dreg:$0x0] =	wrdreg $0xFFFFFFFF;
	(pc) =	sbr.abs _section_cstart, $3  }
0xbf: {  	[dreg:$0x1] =	wrdreg $0xFFFFFFFF  }
0xc0: {  	_ =	task.clear_ibuf [dreg:s6], $0x2FFFF;
	_ =	strace $0x9FFFFFFF  }
0xc1: {  	(tm) =	ssettm $0x7FFFFFFF  }
tec
execute0_lowered:
.L_overlay_start_1:
0x0: {  	(tag) =	ssettag $0x1  }
0x1: {  	s1 =	srdreg.scid;
	s0 =	stileid.u32  }
0x2: {  	s4 =	rddreg [dreg:$0x0];
	s2 =	simm.s32 $0x0;
	s8 =	simm.s32 $0x64  }
0x3: {  	s9 =	simm.s32 $0x6800;
	s10 =	simm.s32 $0x68;
	s11 =	simm.s32 $0x8100  }
0x4: {  	s12 =	simm.s32 $0x9A00;
	s13 =	simm.s32 $0xB300;
	s14 =	simm.s32 $0x1  }
0x5: {  	s15 =	simm.s32 $0x2;
	s16 =	simm.s32 $0xCC00;
	s17 =	simm.s32 $0x0  }
0x6: {  	s3 =	sand.u32 $0x1, s1;
	s5 =	sshll.u32 s0, $0x1;
	[smem:$0x7FF] =	sst s2  }
0x7: {  	s1 =	rddreg [dreg:$0x1];
	s5 =	sor.u32 s3, s5;
	_ =	strace $0x8000004A  }
0x8: {  	s7 =	ssub.s32 $0x2, s3;
	s6 =	smul.u32 $0xD00, s5;
	s5 =	sshll.u32 s5, $0xA  }
0x9: {  	s3 =	sadd.s32 $0xE00, s4;
	s31 =	sshrl.u32 s7, $0x1;
	s5 =	sadd.s32 s5, s4  }
0xa: {  	s7 =	ssub.s32 s7, s31;
	s6 =	sadd.s32 s6, s4;
	s5 =	sadd.s32 $0x7BC000, s5  }
0xb: {  	s4 =	sadd.s32 $0x7A2000, s6;
	s6 =	smax.u32 s7, $0x1;
	s7 =	simm.s32 $0x3  }
.LBB2_1:
0xc: {  	[tilespmem:s2], [sflag:$0x3] =	stream.linear.gather [hbm4b:s4+s2], $0x6800, $0x38;
	[tilespmem:$0xEC00] =	vst v63  }
0xd: {  	_ =	swait.ge [sflag:s7], $0x6800  }
0xe: {  	[sflag:s7] =	ssyncset.done $0x0  }
0xf: {  	[sflag:s7] =	ssyncadd.s32 $0xFFFF9800  }
0x10: {  	[tilespmem:s9], [sflag:$0x1] =	stream.indirect.gather [hbm4b:s3+s8], $0x40, s2, s8, $0xb8;
	[tilespmem:$0xEC00] =	vst v63  }
0x11: {  	s18 =	simm.s32 $0x0  }
0x12: {  	[tilespmem:s11], [sflag:$0x1] =	stream.indirect.gather [hbm4b:s3+s8], $0x40, s10, s8, $0xb8;
	[tilespmem:$0xEC00] =	vst v63  }
.LBB2_2:
0x13: {  	s19 =	sshllo.u32 s18, $0x1  }
0x14: {  	s20 =	smul.u32 $0x340, s19;
	_ =	sdelay $0x1  }
0x15: {  	s20 =	sshra.s32 s20, $0x2  }
0x16: {  	[tilespmem:s12], [sflag:$0x2] =	stream.indirect.gather [hbm4b:s3+s8], $0x40, s20, s8, $0xb8;
	[tilespmem:$0xEC00] =	vst v63  }
0x17: {  	s20 =	sadd.s32 $0x68, s20  }
0x18: {  	[tilespmem:s13], [sflag:$0x2] =	stream.indirect.gather [hbm4b:s3+s8], $0x40, s20, s8, $0xb8;
	[tilespmem:$0xEC00] =	vst v63  }
0x19: {  	_ =	swait.ge [sflag:s14], $0x1900  }
0x1a: {  	[sflag:s14] =	ssyncset.done $0x0  }
0x1b: {  	[sflag:s14] =	ssyncadd.s32 $0xFFFFE700  }
0x1c: {  	_ =	swait.ge [sflag:s14], $0x1900  }
0x1d: {  	[sflag:s14] =	ssyncset.done $0x0  }
0x1e: {  	s20 =	simm.s32 $0x0;
	[sflag:s14] =	ssyncadd.s32 $0xFFFFE700  }
0x1f: {  	v0 =	vld [tilespmem:s20+$0x68C0]  }
0x20: {  	v1 =	vld [tilespmem:s20+$0x68D0]  }
0x21: {  	v2 =	vld [tilespmem:s20+$0x6880]  }
0x22: {  	v3 =	vld [tilespmem:s20+$0x6890]  }
0x23: {  	v4 =	vld [tilespmem:s20+$0x6840]  }
0x24: {  	v5 =	vld [tilespmem:s20+$0x6850]  }
0x25: {  	v10 =	vld [tilespmem:s20+$0x6800]  }
0x26: {  	v6 =	vimm.f32 $0.0e+00;
	v12 =	vld [tilespmem:s20+$0x6810]  }
0x27: {  	s21 =	simm.s32 $0x400;
	v9 =	vimm.f32 $0.0e+00;
	v8 =	vimm.f32 $0.0e+00;
	v7 =	vimm.f32 $0.0e+00;
	v11 =	vld [tilespmem:s20+$0x6820]  }
.LBB2_3:
0x28: {  	p0 =	sne.s32 s21, $0xC400;
	v13 =	vld [tilespmem:s20+$0x6830]  }
0x29: {  	v14 =	vld [tilespmem:s20+$0x6860]  }
0x2a: {  	v15 =	vld [tilespmem:s20+$0x6870]  }
0x2b: {  	v16 =	vld [tilespmem:s20+$0x68A0]  }
0x2c: {  	v6 =	vadd.f32 v10, v6;
	v9 =	vadd.f32 v12, v9;
	v10 =	vld [tilespmem:s20+$0x68B0]  }
0x2d: {  	v8 =	vadd.f32 v11, v8;
	v7 =	vadd.f32 v13, v7;
	v11 =	vld [tilespmem:s20+$0x68E0]  }
0x2e: {  	v4 =	vadd.f32 v4, v6;
	v5 =	vadd.f32 v5, v9;
	v12 =	vld [tilespmem:s20+$0x68F0];
	s20 =	sshra.s32 s21, $0x2  }
0x2f: {  	v6 =	vadd.f32 v14, v8;
	v13 =	vld [tilespmem:s20+$0x68C0];
	v7 =	vadd.f32 v15, v7  }
0x30: {  	v4 =	vadd.f32 v2, v4;
	v5 =	vadd.f32 v3, v5;
	v14 =	vld [tilespmem:s20+$0x68D0]  }
0x31: {  	v8 =	vadd.f32 v16, v6;
	v2 =	vld [tilespmem:s20+$0x6880];
	v7 =	vadd.f32 v10, v7  }
0x32: {  	v6 =	vadd.f32 v0, v4;
	v9 =	vadd.f32 v1, v5;
	v3 =	vld [tilespmem:s20+$0x6890]  }
.Ltmp0:
0x33: {  	v8 =	vadd.f32 v11, v8;
	v4 =	vld [tilespmem:s20+$0x6840];
	v7 =	vadd.f32 v12, v7;
	(pc) =	sbr.rel @p0 .LBB2_3-.Ltmp0, $4  }
0x34: {  	v5 =	vld [tilespmem:s20+$0x6850];
	v0 =	vmov v13  }
0x35: {  	v10 =	vld [tilespmem:s20+$0x6800];
	v1 =	vmov v14  }
0x36: {  	v12 =	vld [tilespmem:s20+$0x6810]  }
0x37: {  	s21 =	sadd.s32 $0x400, s21;
	v11 =	vld [tilespmem:s20+$0x6820]  }
0x38: {  	v13 =	vld [tilespmem:s20+$0x6830]  }
0x39: {  	v14 =	vld [tilespmem:s20+$0x6860]  }
0x3a: {  	v15 =	vld [tilespmem:s20+$0x6870];
	v6 =	vadd.f32 v10, v6  }
0x3b: {  	v10 =	vld [tilespmem:s20+$0x68A0];
	v9 =	vadd.f32 v12, v9  }
0x3c: {  	v12 =	vld [tilespmem:s20+$0x68B0];
	v8 =	vadd.f32 v11, v8;
	v4 =	vadd.f32 v4, v6  }
0x3d: {  	v6 =	vadd.f32 v13, v7;
	v7 =	vld [tilespmem:s20+$0x68E0];
	v5 =	vadd.f32 v5, v9  }
0x3e: {  	v9 =	vld [tilespmem:s20+$0x68F0];
	v8 =	vadd.f32 v14, v8;
	v2 =	vadd.f32 v2, v4  }
0x3f: {  	v4 =	vadd.f32 v15, v6;
	v3 =	vadd.f32 v3, v5  }
0x40: {  	v5 =	vadd.f32 v10, v8;
	v0 =	vadd.f32 v0, v2  }
0x41: {  	v2 =	vadd.f32 v12, v4;
	v1 =	vadd.f32 v1, v3  }
0x42: {  	s31 =	sshll.u32 s18, $0x7;
	v3 =	vadd.f32 v7, v5;
	v0 =	vmul.f32 $4.999999890e-03, v0  }
0x43: {  	p0 =	seq.s32 s18, $0x3F;
	s20 =	sand.u32 $0x3FFFFF80, s31;
	v2 =	vadd.f32 v9, v2;
	v1 =	vmul.f32 $4.999999890e-03, v1  }
0x44: {  	s21 =	smul.u32 @!p0 $0x680, s18;
	[tilespmem:s20+$0xCC00] =	vst v0;
	v0 =	vmul.f32 $4.999999890e-03, v3  }
0x45: {  	[tilespmem:s20+$0xCC10] =	vst v1;
	v1 =	vmul.f32 $4.999999890e-03, v2  }
0x46: {  	s21 =	sshra.s32 @!p0 s21, $0x2;
	[tilespmem:s20+$0xCC20] =	vst v0  }
0x47: {  	s22 =	simm.s32 @!p0 $0x64;
	s23 =	simm.s32 @!p0 $0x6800;
	[tilespmem:s20+$0xCC30] =	vst v1;
	s20 =	sadd.s32 @!p0 $0x1A0, s21  }
0x48: {  	[tilespmem:s23], [sflag:$0x1] =	stream.indirect.gather @!p0 [hbm4b:s3+s22], $0x40, s20, s22, $0xb8;
	[tilespmem:$0xEC00] =	vst v63  }
0x49: {  	s20 =	sadd.s32 @!p0 $0x208, s21;
	s21 =	simm.s32 @!p0 $0x8100  }
0x4a: {  	[tilespmem:s21], [sflag:$0x1] =	stream.indirect.gather @!p0 [hbm4b:s3+s22], $0x40, s20, s22, $0xb8;
	[tilespmem:$0xEC00] =	vst v63  }
0x4b: {  	_ =	swait.ge [sflag:s15], $0x1900  }
0x4c: {  	[sflag:s15] =	ssyncset.done $0x0  }
0x4d: {  	[sflag:s15] =	ssyncadd.s32 $0xFFFFE700  }
0x4e: {  	_ =	swait.ge [sflag:s15], $0x1900  }
0x4f: {  	[sflag:s15] =	ssyncset.done $0x0  }
0x50: {  	s20 =	simm.s32 $0x0;
	[sflag:s15] =	ssyncadd.s32 $0xFFFFE700  }
0x51: {  	v0 =	vld [tilespmem:s20+$0x9AC0]  }
0x52: {  	v1 =	vld [tilespmem:s20+$0x9AD0]  }
0x53: {  	v2 =	vld [tilespmem:s20+$0x9A80]  }
0x54: {  	v3 =	vld [tilespmem:s20+$0x9A90]  }
0x55: {  	v4 =	vld [tilespmem:s20+$0x9A40]  }
0x56: {  	v5 =	vld [tilespmem:s20+$0x9A50]  }
0x57: {  	v10 =	vld [tilespmem:s20+$0x9A00]  }
0x58: {  	v6 =	vimm.f32 $0.0e+00;
	v12 =	vld [tilespmem:s20+$0x9A10]  }
0x59: {  	v8 =	vimm.f32 $0.0e+00;
	v7 =	vimm.f32 $0.0e+00;
	v9 =	vimm.f32 $0.0e+00;
	s21 =	simm.s32 $0x400;
	v11 =	vld [tilespmem:s20+$0x9A20]  }
.LBB2_5:
0x5a: {  	p0 =	sne.s32 s21, $0xC400;
	v13 =	vld [tilespmem:s20+$0x9A30]  }
0x5b: {  	v14 =	vld [tilespmem:s20+$0x9A60]  }
0x5c: {  	v15 =	vld [tilespmem:s20+$0x9A70]  }
0x5d: {  	v16 =	vld [tilespmem:s20+$0x9AA0]  }
0x5e: {  	v6 =	vadd.f32 v10, v6;
	v9 =	vadd.f32 v12, v9;
	v10 =	vld [tilespmem:s20+$0x9AB0]  }
0x5f: {  	v8 =	vadd.f32 v11, v8;
	v7 =	vadd.f32 v13, v7;
	v11 =	vld [tilespmem:s20+$0x9AE0]  }
0x60: {  	v4 =	vadd.f32 v4, v6;
	v5 =	vadd.f32 v5, v9;
	v12 =	vld [tilespmem:s20+$0x9AF0];
	s20 =	sshra.s32 s21, $0x2  }
0x61: {  	v6 =	vadd.f32 v14, v8;
	v13 =	vld [tilespmem:s20+$0x9AC0];
	v7 =	vadd.f32 v15, v7  }
0x62: {  	v4 =	vadd.f32 v2, v4;
	v5 =	vadd.f32 v3, v5;
	v14 =	vld [tilespmem:s20+$0x9AD0]  }
0x63: {  	v8 =	vadd.f32 v16, v6;
	v2 =	vld [tilespmem:s20+$0x9A80];
	v7 =	vadd.f32 v10, v7  }
0x64: {  	v6 =	vadd.f32 v0, v4;
	v9 =	vadd.f32 v1, v5;
	v3 =	vld [tilespmem:s20+$0x9A90]  }
.Ltmp1:
0x65: {  	v8 =	vadd.f32 v11, v8;
	v4 =	vld [tilespmem:s20+$0x9A40];
	v7 =	vadd.f32 v12, v7;
	(pc) =	sbr.rel @p0 .LBB2_5-.Ltmp1, $4  }
0x66: {  	v5 =	vld [tilespmem:s20+$0x9A50];
	v0 =	vmov v13  }
0x67: {  	v10 =	vld [tilespmem:s20+$0x9A00];
	v1 =	vmov v14  }
0x68: {  	v12 =	vld [tilespmem:s20+$0x9A10]  }
0x69: {  	s21 =	sadd.s32 $0x400, s21;
	v11 =	vld [tilespmem:s20+$0x9A20]  }
0x6a: {  	v13 =	vld [tilespmem:s20+$0x9A30]  }
0x6b: {  	v14 =	vld [tilespmem:s20+$0x9A60]  }
0x6c: {  	v15 =	vld [tilespmem:s20+$0x9A70];
	v6 =	vadd.f32 v10, v6  }
0x6d: {  	v53 =	vld [tilespmem:s20+$0x9AA0];
	v9 =	vadd.f32 v12, v9  }
0x6e: {  	v54 =	vld [tilespmem:s20+$0x9AB0];
	v8 =	vadd.f32 v11, v8;
	v4 =	vadd.f32 v4, v6  }
0x6f: {  	v56 =	vld [tilespmem:s20+$0x9AE0];
	v55 =	vadd.f32 v13, v7;
	v5 =	vadd.f32 v5, v9  }
0x70: {  	v57 =	vld [tilespmem:s20+$0x9AF0];
	v8 =	vadd.f32 v14, v8;
	v2 =	vadd.f32 v2, v4  }
0x71: {  	v58 =	vadd.f32 v15, v55;
	v3 =	vadd.f32 v3, v5  }
0x72: {  	v59 =	vadd.f32 v53, v8;
	v0 =	vadd.f32 v0, v2  }
0x73: {  	s18 =	sadd.s32 $0x1, s18;
	v60 =	vadd.f32 v54, v58;
	v1 =	vadd.f32 v1, v3  }
0x74: {  	s19 =	sshll.u32 s19, $0x6;
	p0 =	sne.s32 s18, $0x40;
	v61 =	vadd.f32 v56, v59;
	v0 =	vmul.f32 $4.999999890e-03, v0  }
.Ltmp2:
0x75: {  	s19 =	sand.u32 $0x3FFFFFC0, s19;
	v2 =	vadd.f32 v57, v60;
	v1 =	vmul.f32 $4.999999890e-03, v1;
	(pc) =	sbr.rel @p0 .LBB2_2-.Ltmp2, $4  }
0x76: {  	[tilespmem:s19+$0xCC00] =	vst v0;
	v62 =	vmul.f32 $4.999999890e-03, v61  }
0x77: {  	[tilespmem:s19+$0xCC10] =	vst v1;
	v63 =	vmul.f32 $4.999999890e-03, v2  }
0x78: {  	[tilespmem:s19+$0xCC20] =	vst v62  }
0x79: {  	[tilespmem:s19+$0xCC30] =	vst v63  }
0x7a: {  	s17 =	sadd.s32 $0x1, s17  }
0x7b: {  	p0 =	sne.s32 s17, s6  }
.Ltmp3:
0x7c: {  	_ = 	snop;
	(pc) =	sbr.rel @p0 .LBB2_1-.Ltmp3, $4  }
0x7d: {  	[hbm4b:s5+s2] =	stream.linear.scatter [tilespmem:s16], [sflag:$0x3], $0x2000, $0x38;
	[tilespmem:$0xEC00] =	vst v63  }
0x7e: {  	_ =	swait.ge [sflag:s7], $0x2000  }
0x7f: {  	[sflag:s7] =	ssyncset.done $0x0  }
0x80: {  	[sflag:s7] =	ssyncadd.s32 $0xFFFFE000  }
0x81: {  	_ =	sfence.sel $0x180000  }
0x82: {  	[bflag:$0x0] =	sbarrier.arrive $0xFFFF  }
0x83: {  	p0 =	sne.s32 s0, $0x0;
	_ =	strace $0x9000004A  }
0x84: {  	s0 =	sadd.s32 @!p0 $0x100000, s1;
	[bflag:$0x2] =	sbarrier.arrive $0xFFFF  }
0x85: {  	[sflag:s0] =	ssyncadd.tile.s32 @!p0 $0x1;
	_ =	shalt  }
.Lfunc_end2:
_tile_overlayer_lowered:
.L_overlay_start_2:
0x86: {  	(tag) =	ssettag $0x2  }
0x87: {  	s0 =	rddreg [dreg:$0x0];
	s2 =	stileid.u32  }
0x88: {  	s1 =	rddreg [dreg:$0x1];
	p0 =	sne.s32 s2, $0x0  }
0x89: {  	s3 =	rddreg [dreg:$0x2];
	[bflag:$0x3] =	sbarrier.arrive $0xFFFF;
	s2 =	simm.s32 @!p0 $0x1C03  }
0x8a: {  	[timem:s3], [sflag:s2] =	dma.local @!p0 [hbm:s0], s1  }
0x8b: {  	s0 =	simm.s32 @!p0 $0x3  }
0x8c: {  	_ =	swait.ge @!p0 [sflag:s0], s1  }
0x8d: {  	s1 =	ssub.s32 @!p0 $0x0, s1;
	[sflag:s0] =	ssyncset.done @!p0 $0x0  }
0x8e: {  	[sflag:s0] =	ssyncadd.s32 @!p0 s1  }
0x8f: {  	[bflag:$0x3] =	sbarrier.arrive $0xFFFF  }
0x90: {  	_ =	shalt  }

</sc_bundles>
